<compile_context>
chip_gen: v7x
topology: tpu7x:2x2x1
jax: 0.10.2.dev20260603
libtpu: 0.0.44.dev20260713+nightly
codegen_flags: <defaults>
</compile_context>

<pallas_src>
import functools

import jax
import jax.numpy as jnp
from jax import lax
from jax.experimental import pallas as pl
from jax.experimental.pallas import tpu as pltpu
from jax.experimental.pallas import tpu_sc as plsc

NN = 10000
NE = 5000
NI = 320000
D = 128
DH = 64

NC = 2
NS = 16
CH = 64

NNP = 10112
NEP = 5120
NIP = 323584
NCH16 = NIP // (NS * CH)
CHD = 128
NCHD = NIP // (NS * CHD)
DEGW = 8
NBUF = 7

_mesh = functools.partial(
    plsc.VectorSubcoreMesh, core_axis_name="c", subcore_axis_name="s",
    num_cores=NC, num_subcores=NS)
_sc_params = pltpu.CompilerParams(use_tc_tiling_on_sc=False)


def _degree_kernel(nd_hbm, he_hbm, ones_hbm, zeros_hbm, degv_out, dege_out,
                   degv_acc, dege_acc, idx_v, ones_v, ssem):
    c = lax.axis_index("c")
    s = lax.axis_index("s")

    pltpu.sync_copy(ones_hbm, ones_v)

    @pl.when(c == 0)
    def _():
        pltpu.sync_copy(zeros_hbm, degv_acc.at[pl.ds(s * 632, 632)])
        pltpu.sync_copy(nd_hbm.at[s], idx_v)

    @pl.when(c == 1)
    def _():
        pltpu.sync_copy(zeros_hbm.at[pl.ds(0, 320)],
                        dege_acc.at[pl.ds(s * 320, 320)])
        pltpu.sync_copy(he_hbm.at[s], idx_v)

    plsc.subcore_barrier()

    def scatter_all(acc):
        def chunk(j, carry):
            pltpu.sync_copy(ones_v, acc.at[idx_v.at[j]], add=True)
            return carry
        lax.fori_loop(0, NCHD, chunk, 0)

    @pl.when(c == 0)
    def _():
        scatter_all(degv_acc)

    @pl.when(c == 1)
    def _():
        scatter_all(dege_acc)

    plsc.subcore_barrier()

    @pl.when(c == 0)
    def _():
        pltpu.sync_copy(degv_acc.at[pl.ds(s * 632, 632)],
                        degv_out.at[pl.ds(s * 632, 632)])

    @pl.when(c == 1)
    def _():
        pltpu.sync_copy(dege_acc.at[pl.ds(s * 320, 320)],
                        dege_out.at[pl.ds(s * 320, 320)])


def _degrees(nd3, he3):
    return pl.kernel(
        _degree_kernel,
        out_type=[jax.ShapeDtypeStruct((NNP, DEGW), jnp.float32),
                  jax.ShapeDtypeStruct((NEP, DEGW), jnp.float32)],
        mesh=_mesh(),
        compiler_params=_sc_params,
        scratch_types=[
            pltpu.VMEM_SHARED((NNP, DEGW), jnp.float32),
            pltpu.VMEM_SHARED((NEP, DEGW), jnp.float32),
            pltpu.VMEM((NCHD, CHD), jnp.int32),
            pltpu.VMEM((CHD, DEGW), jnp.float32),
            pltpu.SemaphoreType.DMA((4,)),
        ],
    )(nd3, he3, jnp.ones((CHD, DEGW), jnp.float32),
      jnp.zeros((632, DEGW), jnp.float32))


def _mul_rows(dst, src, nrows):
    def row(i, carry):
        for k in range(DH // 16):
            sl = pl.ds(k * 16, 16)
            dst[i, sl] = dst[i, sl] * src[i, sl]
        return carry
    lax.fori_loop(0, nrows, row, 0)


def _make_spmm(n_seg, rows_per_tile, n_tbl, tbl_rows_per_tile, nbuf=NBUF,
               norm=False):
    def body(*refs):
        if norm:
            (t0_hbm, t1_hbm, dexp_hbm, gidx_hbm, sidx_hbm, zeros_hbm, o0, o1,
             acc, tbl, g_v, s_v, rowbuf, gsem, ssem) = refs
        else:
            (t0_hbm, t1_hbm, gidx_hbm, sidx_hbm, zeros_hbm, o0, o1,
             acc, tbl, g_v, s_v, rowbuf, gsem, ssem) = refs
        c = lax.axis_index("c")
        s = lax.axis_index("s")

        startup = [
            pltpu.async_copy(zeros_hbm.at[pl.ds(0, rows_per_tile)],
                             acc.at[pl.ds(s * rows_per_tile, rows_per_tile)],
                             gsem.at[0]),
            pltpu.async_copy(gidx_hbm.at[s], g_v, gsem.at[1]),
            pltpu.async_copy(sidx_hbm.at[s], s_v, gsem.at[2]),
        ]

        if not norm:
            tsl = pl.ds(s * tbl_rows_per_tile, tbl_rows_per_tile)

            @pl.when(c == 0)
            def _():
                pltpu.async_copy(t0_hbm.at[tsl], tbl.at[tsl], ssem.at[0])

            @pl.when(c == 1)
            def _():
                pltpu.async_copy(t1_hbm.at[tsl], tbl.at[tsl], ssem.at[0])

            startup.append(pltpu.make_async_copy(
                t0_hbm.at[tsl], tbl.at[tsl], ssem.at[0]))
        else:
            off = 0
            while off < tbl_rows_per_tile:
                n = min(CH, tbl_rows_per_tile - off)
                rsl = pl.ds(s * tbl_rows_per_tile + off, n)
                bsl = pl.ds(0, n)

                @pl.when(c == 0)
                def _():
                    pltpu.sync_copy(t0_hbm.at[rsl], rowbuf.at[0].at[bsl])

                @pl.when(c == 1)
                def _():
                    pltpu.sync_copy(t1_hbm.at[rsl], rowbuf.at[0].at[bsl])

                pltpu.sync_copy(dexp_hbm.at[rsl], rowbuf.at[1].at[bsl])
                _mul_rows(rowbuf.at[0], rowbuf.at[1], n)
                pltpu.sync_copy(rowbuf.at[0].at[bsl], tbl.at[rsl])
                off += n

        for d in startup:
            d.wait()
        plsc.subcore_barrier()

        def do_phase(t_ref):
            for g in range(nbuf - 1):
                pltpu.async_copy(t_ref.at[g_v.at[g]], rowbuf.at[g], gsem.at[g])

            def chunk(j, carry):
                p = lax.rem(j, nbuf)
                pq = lax.rem(j + nbuf - 1, nbuf)

                @pl.when(j >= 1)
                def _():
                    pltpu.make_async_copy(
                        rowbuf.at[pq], acc.at[s_v.at[j]], ssem.at[pq]).wait()

                @pl.when(j + nbuf - 1 < NCH16)
                def _():
                    pltpu.async_copy(t_ref.at[g_v.at[j + nbuf - 1]],
                                     rowbuf.at[pq], gsem.at[pq])

                pltpu.make_async_copy(
                    t_ref.at[g_v.at[j]], rowbuf.at[p], gsem.at[p]).wait()
                pltpu.async_copy(
                    rowbuf.at[p], acc.at[s_v.at[j]], ssem.at[p], add=True)
                return carry
            lax.fori_loop(0, NCH16, chunk, 0)
            lastp = (NCH16 - 1) % nbuf
            pltpu.make_async_copy(
                rowbuf.at[lastp], acc.at[s_v.at[NCH16 - 1]],
                ssem.at[lastp]).wait()

        do_phase(tbl)

        plsc.subcore_barrier()

        @pl.when(c == 0)
        def _():
            pltpu.sync_copy(acc.at[pl.ds(s * rows_per_tile, rows_per_tile)],
                            o0.at[pl.ds(s * rows_per_tile, rows_per_tile)])

        @pl.when(c == 1)
        def _():
            pltpu.sync_copy(acc.at[pl.ds(s * rows_per_tile, rows_per_tile)],
                            o1.at[pl.ds(s * rows_per_tile, rows_per_tile)])

    return pl.kernel(
        body,
        out_type=[jax.ShapeDtypeStruct((n_seg, DH), jnp.float32),
                  jax.ShapeDtypeStruct((n_seg, DH), jnp.float32)],
        mesh=_mesh(),
        compiler_params=_sc_params,
        scratch_types=[
            pltpu.VMEM_SHARED((n_seg, DH), jnp.float32),
            pltpu.VMEM_SHARED((n_tbl, DH), jnp.float32),
            pltpu.VMEM((NCH16, CH), jnp.int32),
            pltpu.VMEM((NCH16, CH), jnp.int32),
            pltpu.VMEM((nbuf, CH, DH), jnp.float32),
            pltpu.SemaphoreType.DMA((nbuf,)),
            pltpu.SemaphoreType.DMA((nbuf,)),
        ],
    )


def _xnorm_tc(x_ref, dv_ref, de_ref, o0, o1, dexp):
    d = dv_ref[pl.ds(0, NN), 0:1]
    inv = jnp.where(d > 0, 1.0 / d, 0.0)
    zpad = jnp.zeros((NNP - NN, DH), jnp.float32)
    o0[pl.ds(0, NN), :] = x_ref[:, :DH] * inv
    o0[pl.ds(NN, NNP - NN), :] = zpad
    o1[pl.ds(0, NN), :] = x_ref[:, DH:] * inv
    o1[pl.ds(NN, NNP - NN), :] = zpad
    de = de_ref[:, 0:1]
    inve = jnp.where(de > 0, 1.0 / de, 0.0)
    dexp[...] = jnp.broadcast_to(inve, (NEP, DH))


def kernel(X, Y, node_idx, hyperedge_idx):
    del Y
    pad = NIP - NI
    nd_flat = jnp.concatenate([node_idx, jnp.full((pad,), NN, jnp.int32)])
    he_flat = jnp.concatenate([hyperedge_idx, jnp.full((pad,), NE, jnp.int32)])
    nd = nd_flat.reshape(NS, NCH16, CH)
    he = he_flat.reshape(NS, NCH16, CH)
    degv, dege = _degrees(nd_flat.reshape(NS, NCHD, CHD),
                          he_flat.reshape(NS, NCHD, CHD))

    xn0, xn1, dexp = pl.pallas_call(
        _xnorm_tc,
        out_shape=[jax.ShapeDtypeStruct((NNP, DH), jnp.float32),
                   jax.ShapeDtypeStruct((NNP, DH), jnp.float32),
                   jax.ShapeDtypeStruct((NEP, DH), jnp.float32)],
    )(X, degv, dege)

    e0, e1 = _make_spmm(NEP, 320, NNP, 632, nbuf=7)(xn0, xn1, nd, he, jnp.zeros((632, DH), jnp.float32))

    n0, n1 = _make_spmm(NNP, 632, NEP, 320, nbuf=7, norm=True)(
        e0, e1, dexp, he, nd, jnp.zeros((632, DH), jnp.float32))

    node_feat = jnp.concatenate([n0[:NN], n1[:NN]], axis=1)
    edge_feat = jnp.concatenate([e0[:NE], e1[:NE]], axis=1)
    return node_feat, edge_feat

# --- scband reference (transcript-rebuilt; emitter-appended) ---
"""Pipeline reference for scband-hyper-diffusion-22393959481939 (READ-ONLY COPY).

The authoritative reference and input builder live on the scoring server;
editing this copy changes nothing except your own understanding.
"""

import jax, jax.numpy as jnp
import numpy as np

N_NODES = 10000
N_HYPEREDGES = 5000
N_INCIDENCES = 320000
D_FEAT = 128


def setup_inputs(seed: int = 0) -> dict:
    key = jax.random.key(seed)
    k1, k2, k3, k4 = jax.random.split(key, 4)
    X = jax.random.normal(k1, (N_NODES, D_FEAT), dtype=jnp.float32)
    Y = jax.random.normal(k2, (N_HYPEREDGES, D_FEAT), dtype=jnp.float32)
    node_idx = jax.random.randint(k3, (N_INCIDENCES,), 0, N_NODES, dtype=jnp.int32)
    hyperedge_idx = jax.random.randint(k4, (N_INCIDENCES,), 0, N_HYPEREDGES, dtype=jnp.int32)
    return {"X": X, "Y": Y, "node_idx": node_idx, "hyperedge_idx": hyperedge_idx}


def reference(X, Y, node_idx, hyperedge_idx):
    # HyperDiffusion forward with fixed_weights=True, trainable_laziness=False.
    # Hypergraph incidence structure is given as (node_idx, hyperedge_idx) pairs.
    # D_v_neg_1: inverse node degree (nan_to_num -> 0 for isolated nodes)
    deg_v = jnp.bincount(node_idx, length=N_NODES).astype(X.dtype)
    inv_deg_v = jnp.where(deg_v > 0, 1.0 / deg_v, 0.0)
    # X_norm = einsum('ij,i->ij', X, inv_deg_v)
    X_norm = X * inv_deg_v[:, None]
    # v2e with aggr='sum': gather node features per incidence, scatter-add into hyperedges
    gathered_v = jnp.take(X_norm, node_idx, axis=0)
    edge_feat = jax.ops.segment_sum(gathered_v, hyperedge_idx, num_segments=N_HYPEREDGES)
    # D_e_neg_1: inverse hyperedge degree
    deg_e = jnp.bincount(hyperedge_idx, length=N_HYPEREDGES).astype(X.dtype)
    inv_deg_e = jnp.where(deg_e > 0, 1.0 / deg_e, 0.0)
    edge_feat_norm = edge_feat * inv_deg_e[:, None]
    # e2v with aggr='sum': gather hyperedge features per incidence, scatter-add into nodes
    gathered_e = jnp.take(edge_feat_norm, hyperedge_idx, axis=0)
    node_feat = jax.ops.segment_sum(gathered_e, node_idx, num_segments=N_NODES)
    # Y is unused when fixed_weights=True and trainable_laziness=False (matches torch module)
    return (node_feat, edge_feat)

if __name__ == "__main__":
    import jax
    _d = setup_inputs()
    print(jax.jit(kernel)(*tuple(_d.values())))

</pallas_src>

<mosaic_0001>
#map = affine_map<(d0, d1) -> (0, 0)>
#map1 = affine_map<(d0, d1) -> (0, 0, 0)>
module attributes {stable_mosaic.version = 14 : i64} {
  func.func @body(%arg0: i32, %arg1: i32, %arg2: memref<10112x64xf32, #tpu.memory_space<hbm>>, %arg3: memref<10112x64xf32, #tpu.memory_space<hbm>>, %arg4: memref<16x316x64xi32, #tpu.memory_space<hbm>>, %arg5: memref<16x316x64xi32, #tpu.memory_space<hbm>>, %arg6: memref<632x64xf32, #tpu.memory_space<hbm>>, %arg7: memref<5120x64xf32, #tpu.memory_space<hbm>>, %arg8: memref<5120x64xf32, #tpu.memory_space<hbm>>, %arg9: memref<5120x64xf32, #tpu.memory_space<vmem_shared>>, %arg10: memref<10112x64xf32, #tpu.memory_space<vmem_shared>>, %arg11: memref<316x64xi32, #tpu.memory_space<vmem>>, %arg12: memref<316x64xi32, #tpu.memory_space<vmem>>, %arg13: memref<7x64x64xf32, #tpu.memory_space<vmem>>, %arg14: memref<7x!tpu.dma_semaphore, #tpu.memory_space<semaphore_mem>>, %arg15: memref<7x!tpu.dma_semaphore, #tpu.memory_space<semaphore_mem>>) attributes {dimension_semantics = [#tpu.dimension_semantics<core_parallel>, #tpu.dimension_semantics<subcore_parallel>], iteration_bounds = array<i64: 2, 16>, scalar_prefetch = 0 : i64, scratch_operands = 7 : i64, tpu.core_type = #tpu.core_type<sc_vector_subcore>, window_params = [{transform_indices = #map}, {transform_indices = #map}, {transform_indices = #map1}, {transform_indices = #map1}, {transform_indices = #map}, {transform_indices = #map}, {transform_indices = #map}]} {
    %mul3A = arith.constant 320 : i32
    %mul3A_0 = arith.muli %arg1, %mul3A : i32
    %dma_start3A = arith.constant 0 : i32
    %dma_start3A_1 = tpu.memref_slice %arg14[%dma_start3A] : memref<7x!tpu.dma_semaphore, #tpu.memory_space<semaphore_mem>> -> memref<1x!tpu.dma_semaphore, #tpu.memory_space<semaphore_mem>>
    %dma_start3A_2 = tpu.memref_squeeze %dma_start3A_1 : memref<1x!tpu.dma_semaphore, #tpu.memory_space<semaphore_mem>> -> memref<!tpu.dma_semaphore, #tpu.memory_space<semaphore_mem>>
    %dma_start3A_3 = arith.constant 0 : i32
    %dma_start3A_4 = tpu.memref_slice %arg9[%mul3A_0, %dma_start3A_3] : memref<5120x64xf32, #tpu.memory_space<vmem_shared>> -> memref<320x64xf32, #tpu.memory_space<vmem_shared>>
    %dma_start3A_5 = arith.constant 0 : i32
    %dma_start3A_6 = arith.constant 0 : i32
    %dma_start3A_7 = tpu.memref_slice %arg6[%dma_start3A_5, %dma_start3A_6] : memref<632x64xf32, #tpu.memory_space<hbm>> -> memref<320x64xf32, #tpu.memory_space<hbm>>
    tpu.enqueue_dma source(%dma_start3A_7 : memref<320x64xf32, #tpu.memory_space<hbm>>) target(%dma_start3A_4 : memref<320x64xf32, #tpu.memory_space<vmem_shared>>) target_semaphore(%dma_start3A_2 : memref<!tpu.dma_semaphore, #tpu.memory_space<semaphore_mem>>)
    %dma_start3A_8 = arith.constant 1 : i32
    %dma_start3A_9 = arith.constant 0 : i32
    %dma_start3A_10 = arith.constant 0 : i32
    %dma_start3A_11 = tpu.memref_slice %arg4[%arg1, %dma_start3A_9, %dma_start3A_10] : memref<16x316x64xi32, #tpu.memory_space<hbm>> -> memref<1x316x64xi32, #tpu.memory_space<hbm>>
    %dma_start3A_12 = tpu.memref_squeeze %dma_start3A_11 : memref<1x316x64xi32, #tpu.memory_space<hbm>> -> memref<316x64xi32, #tpu.memory_space<hbm>>
    %dma_start3A_13 = tpu.memref_slice %arg14[%dma_start3A_8] : memref<7x!tpu.dma_semaphore, #tpu.memory_space<semaphore_mem>> -> memref<1x!tpu.dma_semaphore, #tpu.memory_space<semaphore_mem>>
    %dma_start3A_14 = tpu.memref_squeeze %dma_start3A_13 : memref<1x!tpu.dma_semaphore, #tpu.memory_space<semaphore_mem>> -> memref<!tpu.dma_semaphore, #tpu.memory_space<semaphore_mem>>
    %dma_start3A_15 = arith.constant 0 : i32
    %dma_start3A_16 = arith.constant 0 : i32
    %dma_start3A_17 = tpu.memref_slice %arg4[%arg1, %dma_start3A_15, %dma_start3A_16] : memref<16x316x64xi32, #tpu.memory_space<hbm>> -> memref<1x316x64xi32, #tpu.memory_space<hbm>>
    %dma_start3A_18 = tpu.memref_squeeze %dma_start3A_17 : memref<1x316x64xi32, #tpu.memory_space<hbm>> -> memref<316x64xi32, #tpu.memory_space<hbm>>
    tpu.enqueue_dma source(%dma_start3A_18 : memref<316x64xi32, #tpu.memory_space<hbm>>) target(%arg11 : memref<316x64xi32, #tpu.memory_space<vmem>>) target_semaphore(%dma_start3A_14 : memref<!tpu.dma_semaphore, #tpu.memory_space<semaphore_mem>>)
    %dma_start3A_19 = arith.constant 2 : i32
    %dma_start3A_20 = arith.constant 0 : i32
    %dma_start3A_21 = arith.constant 0 : i32
    %dma_start3A_22 = tpu.memref_slice %arg5[%arg1, %dma_start3A_20, %dma_start3A_21] : memref<16x316x64xi32, #tpu.memory_space<hbm>> -> memref<1x316x64xi32, #tpu.memory_space<hbm>>
    %dma_start3A_23 = tpu.memref_squeeze %dma_start3A_22 : memref<1x316x64xi32, #tpu.memory_space<hbm>> -> memref<316x64xi32, #tpu.memory_space<hbm>>
    %dma_start3A_24 = tpu.memref_slice %arg14[%dma_start3A_19] : memref<7x!tpu.dma_semaphore, #tpu.memory_space<semaphore_mem>> -> memref<1x!tpu.dma_semaphore, #tpu.memory_space<semaphore_mem>>
    %dma_start3A_25 = tpu.memref_squeeze %dma_start3A_24 : memref<1x!tpu.dma_semaphore, #tpu.memory_space<semaphore_mem>> -> memref<!tpu.dma_semaphore, #tpu.memory_space<semaphore_mem>>
    %dma_start3A_26 = arith.constant 0 : i32
    %dma_start3A_27 = arith.constant 0 : i32
    %dma_start3A_28 = tpu.memref_slice %arg5[%arg1, %dma_start3A_26, %dma_start3A_27] : memref<16x316x64xi32, #tpu.memory_space<hbm>> -> memref<1x316x64xi32, #tpu.memory_space<hbm>>
    %dma_start3A_29 = tpu.memref_squeeze %dma_start3A_28 : memref<1x316x64xi32, #tpu.memory_space<hbm>> -> memref<316x64xi32, #tpu.memory_space<hbm>>
    tpu.enqueue_dma source(%dma_start3A_29 : memref<316x64xi32, #tpu.memory_space<hbm>>) target(%arg12 : memref<316x64xi32, #tpu.memory_space<vmem>>) target_semaphore(%dma_start3A_25 : memref<!tpu.dma_semaphore, #tpu.memory_space<semaphore_mem>>)
    %mul3A_30 = arith.constant 632 : i32
    %mul3A_31 = arith.muli %arg1, %mul3A_30 : i32
    %eq3A = arith.constant 0 : i32
    %eq3A_32 = arith.cmpi eq, %arg0, %eq3A : i32
    %convert_element_type3A = arith.extui %eq3A_32 : i1 to i32
    %cond3A = arith.constant 0 : i32
    %cond3A_33 = arith.cmpi ne, %convert_element_type3A, %cond3A : i32
    scf.if %cond3A_33 {
      %dma_start3A_196 = arith.constant 0 : i32
      %dma_start3A_197 = tpu.memref_slice %arg15[%dma_start3A_196] : memref<7x!tpu.dma_semaphore, #tpu.memory_space<semaphore_mem>> -> memref<1x!tpu.dma_semaphore, #tpu.memory_space<semaphore_mem>>
      %dma_start3A_198 = tpu.memref_squeeze %dma_start3A_197 : memref<1x!tpu.dma_semaphore, #tpu.memory_space<semaphore_mem>> -> memref<!tpu.dma_semaphore, #tpu.memory_space<semaphore_mem>>
      %dma_start3A_199 = arith.constant 0 : i32
      %dma_start3A_200 = tpu.memref_slice %arg10[%mul3A_31, %dma_start3A_199] : memref<10112x64xf32, #tpu.memory_space<vmem_shared>> -> memref<632x64xf32, #tpu.memory_space<vmem_shared>>
      %dma_start3A_201 = arith.constant 0 : i32
      %dma_start3A_202 = tpu.memref_slice %arg2[%mul3A_31, %dma_start3A_201] : memref<10112x64xf32, #tpu.memory_space<hbm>> -> memref<632x64xf32, #tpu.memory_space<hbm>>
      tpu.enqueue_dma source(%dma_start3A_202 : memref<632x64xf32, #tpu.memory_space<hbm>>) target(%dma_start3A_200 : memref<632x64xf32, #tpu.memory_space<vmem_shared>>) target_semaphore(%dma_start3A_198 : memref<!tpu.dma_semaphore, #tpu.memory_space<semaphore_mem>>)
    } else {
    }
    %eq3A_34 = arith.constant 1 : i32
    %eq3A_35 = arith.cmpi eq, %arg0, %eq3A_34 : i32
    %convert_element_type3A_36 = arith.extui %eq3A_35 : i1 to i32
    %cond3A_37 = arith.constant 0 : i32
    %cond3A_38 = arith.cmpi ne, %convert_element_type3A_36, %cond3A_37 : i32
    scf.if %cond3A_38 {
      %dma_start3A_196 = arith.constant 0 : i32
      %dma_start3A_197 = tpu.memref_slice %arg15[%dma_start3A_196] : memref<7x!tpu.dma_semaphore, #tpu.memory_space<semaphore_mem>> -> memref<1x!tpu.dma_semaphore, #tpu.memory_space<semaphore_mem>>
      %dma_start3A_198 = tpu.memref_squeeze %dma_start3A_197 : memref<1x!tpu.dma_semaphore, #tpu.memory_space<semaphore_mem>> -> memref<!tpu.dma_semaphore, #tpu.memory_space<semaphore_mem>>
      %dma_start3A_199 = arith.constant 0 : i32
      %dma_start3A_200 = tpu.memref_slice %arg10[%mul3A_31, %dma_start3A_199] : memref<10112x64xf32, #tpu.memory_space<vmem_shared>> -> memref<632x64xf32, #tpu.memory_space<vmem_shared>>
      %dma_start3A_201 = arith.constant 0 : i32
      %dma_start3A_202 = tpu.memref_slice %arg3[%mul3A_31, %dma_start3A_201] : memref<10112x64xf32, #tpu.memory_space<hbm>> -> memref<632x64xf32, #tpu.memory_space<hbm>>
      tpu.enqueue_dma source(%dma_start3A_202 : memref<632x64xf32, #tpu.memory_space<hbm>>) target(%dma_start3A_200 : memref<632x64xf32, #tpu.memory_space<vmem_shared>>) target_semaphore(%dma_start3A_198 : memref<!tpu.dma_semaphore, #tpu.memory_space<semaphore_mem>>)
    } else {
    }
    %dma_wait3A = arith.constant 0 : i32
    %dma_wait3A_39 = tpu.memref_slice %arg14[%dma_wait3A] : memref<7x!tpu.dma_semaphore, #tpu.memory_space<semaphore_mem>> -> memref<1x!tpu.dma_semaphore, #tpu.memory_space<semaphore_mem>>
    %dma_wait3A_40 = tpu.memref_squeeze %dma_wait3A_39 : memref<1x!tpu.dma_semaphore, #tpu.memory_space<semaphore_mem>> -> memref<!tpu.dma_semaphore, #tpu.memory_space<semaphore_mem>>
    %dma_wait3A_41 = arith.constant 0 : i32
    %dma_wait3A_42 = tpu.memref_slice %arg9[%mul3A_0, %dma_wait3A_41] : memref<5120x64xf32, #tpu.memory_space<vmem_shared>> -> memref<320x64xf32, #tpu.memory_space<vmem_shared>>
    %dma_wait3A_43 = arith.constant 0 : i32
    %dma_wait3A_44 = arith.constant 0 : i32
    %dma_wait3A_45 = tpu.memref_slice %arg6[%dma_wait3A_43, %dma_wait3A_44] : memref<632x64xf32, #tpu.memory_space<hbm>> -> memref<320x64xf32, #tpu.memory_space<hbm>>
    tpu.wait_dma2 semaphore(%dma_wait3A_40 : memref<!tpu.dma_semaphore, #tpu.memory_space<semaphore_mem>>) src(%dma_wait3A_45 : memref<320x64xf32, #tpu.memory_space<hbm>>) dst(%dma_wait3A_42 : memref<320x64xf32, #tpu.memory_space<vmem_shared>>)
    %dma_wait3A_46 = arith.constant 1 : i32
    %dma_wait3A_47 = arith.constant 0 : i32
    %dma_wait3A_48 = arith.constant 0 : i32
    %dma_wait3A_49 = tpu.memref_slice %arg4[%arg1, %dma_wait3A_47, %dma_wait3A_48] : memref<16x316x64xi32, #tpu.memory_space<hbm>> -> memref<1x316x64xi32, #tpu.memory_space<hbm>>
    %dma_wait3A_50 = tpu.memref_squeeze %dma_wait3A_49 : memref<1x316x64xi32, #tpu.memory_space<hbm>> -> memref<316x64xi32, #tpu.memory_space<hbm>>
    %dma_wait3A_51 = tpu.memref_slice %arg14[%dma_wait3A_46] : memref<7x!tpu.dma_semaphore, #tpu.memory_space<semaphore_mem>> -> memref<1x!tpu.dma_semaphore, #tpu.memory_space<semaphore_mem>>
    %dma_wait3A_52 = tpu.memref_squeeze %dma_wait3A_51 : memref<1x!tpu.dma_semaphore, #tpu.memory_space<semaphore_mem>> -> memref<!tpu.dma_semaphore, #tpu.memory_space<semaphore_mem>>
    %dma_wait3A_53 = arith.constant 0 : i32
    %dma_wait3A_54 = arith.constant 0 : i32
    %dma_wait3A_55 = tpu.memref_slice %arg4[%arg1, %dma_wait3A_53, %dma_wait3A_54] : memref<16x316x64xi32, #tpu.memory_space<hbm>> -> memref<1x316x64xi32, #tpu.memory_space<hbm>>
    %dma_wait3A_56 = tpu.memref_squeeze %dma_wait3A_55 : memref<1x316x64xi32, #tpu.memory_space<hbm>> -> memref<316x64xi32, #tpu.memory_space<hbm>>
    tpu.wait_dma2 semaphore(%dma_wait3A_52 : memref<!tpu.dma_semaphore, #tpu.memory_space<semaphore_mem>>) src(%dma_wait3A_56 : memref<316x64xi32, #tpu.memory_space<hbm>>) dst(%arg11 : memref<316x64xi32, #tpu.memory_space<vmem>>)
    %dma_wait3A_57 = arith.constant 2 : i32
    %dma_wait3A_58 = arith.constant 0 : i32
    %dma_wait3A_59 = arith.constant 0 : i32
    %dma_wait3A_60 = tpu.memref_slice %arg5[%arg1, %dma_wait3A_58, %dma_wait3A_59] : memref<16x316x64xi32, #tpu.memory_space<hbm>> -> memref<1x316x64xi32, #tpu.memory_space<hbm>>
    %dma_wait3A_61 = tpu.memref_squeeze %dma_wait3A_60 : memref<1x316x64xi32, #tpu.memory_space<hbm>> -> memref<316x64xi32, #tpu.memory_space<hbm>>
    %dma_wait3A_62 = tpu.memref_slice %arg14[%dma_wait3A_57] : memref<7x!tpu.dma_semaphore, #tpu.memory_space<semaphore_mem>> -> memref<1x!tpu.dma_semaphore, #tpu.memory_space<semaphore_mem>>
    %dma_wait3A_63 = tpu.memref_squeeze %dma_wait3A_62 : memref<1x!tpu.dma_semaphore, #tpu.memory_space<semaphore_mem>> -> memref<!tpu.dma_semaphore, #tpu.memory_space<semaphore_mem>>
    %dma_wait3A_64 = arith.constant 0 : i32
    %dma_wait3A_65 = arith.constant 0 : i32
    %dma_wait3A_66 = tpu.memref_slice %arg5[%arg1, %dma_wait3A_64, %dma_wait3A_65] : memref<16x316x64xi32, #tpu.memory_space<hbm>> -> memref<1x316x64xi32, #tpu.memory_space<hbm>>
    %dma_wait3A_67 = tpu.memref_squeeze %dma_wait3A_66 : memref<1x316x64xi32, #tpu.memory_space<hbm>> -> memref<316x64xi32, #tpu.memory_space<hbm>>
    tpu.wait_dma2 semaphore(%dma_wait3A_63 : memref<!tpu.dma_semaphore, #tpu.memory_space<semaphore_mem>>) src(%dma_wait3A_67 : memref<316x64xi32, #tpu.memory_space<hbm>>) dst(%arg12 : memref<316x64xi32, #tpu.memory_space<vmem>>)
    %dma_wait3A_68 = arith.constant 0 : i32
    %dma_wait3A_69 = tpu.memref_slice %arg15[%dma_wait3A_68] : memref<7x!tpu.dma_semaphore, #tpu.memory_space<semaphore_mem>> -> memref<1x!tpu.dma_semaphore, #tpu.memory_space<semaphore_mem>>
    %dma_wait3A_70 = tpu.memref_squeeze %dma_wait3A_69 : memref<1x!tpu.dma_semaphore, #tpu.memory_space<semaphore_mem>> -> memref<!tpu.dma_semaphore, #tpu.memory_space<semaphore_mem>>
    %dma_wait3A_71 = arith.constant 0 : i32
    %dma_wait3A_72 = tpu.memref_slice %arg10[%mul3A_31, %dma_wait3A_71] : memref<10112x64xf32, #tpu.memory_space<vmem_shared>> -> memref<632x64xf32, #tpu.memory_space<vmem_shared>>
    %dma_wait3A_73 = arith.constant 0 : i32
    %dma_wait3A_74 = tpu.memref_slice %arg2[%mul3A_31, %dma_wait3A_73] : memref<10112x64xf32, #tpu.memory_space<hbm>> -> memref<632x64xf32, #tpu.memory_space<hbm>>
    tpu.wait_dma2 semaphore(%dma_wait3A_70 : memref<!tpu.dma_semaphore, #tpu.memory_space<semaphore_mem>>) src(%dma_wait3A_74 : memref<632x64xf32, #tpu.memory_space<hbm>>) dst(%dma_wait3A_72 : memref<632x64xf32, #tpu.memory_space<vmem_shared>>)
    %barrier3A = arith.constant 0 : index
    tpu.barrier barrier_id(%barrier3A)
    %dma_start3A_75 = arith.constant 0 : i32
    %dma_start3A_76 = arith.constant 0 : i32
    %dma_start3A_77 = arith.constant 0 : i32
    %dma_start3A_78 = arith.constant 0 : i32
    %dma_start3A_79 = arith.constant 0 : i32
    %dma_start3A_80 = tpu.memref_slice %arg13[%dma_start3A_76, %dma_start3A_78, %dma_start3A_79] : memref<7x64x64xf32, #tpu.memory_space<vmem>> -> memref<1x64x64xf32, #tpu.memory_space<vmem>>
    %dma_start3A_81 = tpu.memref_squeeze %dma_start3A_80 : memref<1x64x64xf32, #tpu.memory_space<vmem>> -> memref<64x64xf32, #tpu.memory_space<vmem>>
    %dma_start3A_82 = arith.constant 0 : i32
    %dma_start3A_83 = tpu.memref_slice %arg11[%dma_start3A_75, %dma_start3A_82] : memref<316x64xi32, #tpu.memory_space<vmem>> -> memref<1x64xi32, #tpu.memory_space<vmem>>
    %dma_start3A_84 = tpu.memref_squeeze %dma_start3A_83 : memref<1x64xi32, #tpu.memory_space<vmem>> -> memref<64xi32, #tpu.memory_space<vmem>>
    %dma_start3A_85 = arith.constant 0 : i32
    %dma_start3A_86 = arith.constant 0 : i32
    %dma_start3A_87 = tpu.memref_slice %arg10[%dma_start3A_85, %dma_start3A_86] : memref<10112x64xf32, #tpu.memory_space<vmem_shared>> -> memref<10112x64xf32, #tpu.memory_space<vmem_shared>>
    %dma_start3A_88 = tpu.memref_slice %arg14[%dma_start3A_77] : memref<7x!tpu.dma_semaphore, #tpu.memory_space<semaphore_mem>> -> memref<1x!tpu.dma_semaphore, #tpu.memory_space<semaphore_mem>>
    %dma_start3A_89 = tpu.memref_squeeze %dma_start3A_88 : memref<1x!tpu.dma_semaphore, #tpu.memory_space<semaphore_mem>> -> memref<!tpu.dma_semaphore, #tpu.memory_space<semaphore_mem>>
    tpu.enqueue_indirect_dma source(%dma_start3A_87 : memref<10112x64xf32, #tpu.memory_space<vmem_shared>>) target(%dma_start3A_81 : memref<64x64xf32, #tpu.memory_space<vmem>>) offsets(%dma_start3A_84 : memref<64xi32, #tpu.memory_space<vmem>>) semaphore(%dma_start3A_89 : memref<!tpu.dma_semaphore, #tpu.memory_space<semaphore_mem>>)
    %dma_start3A_90 = arith.constant 1 : i32
    %dma_start3A_91 = arith.constant 1 : i32
    %dma_start3A_92 = arith.constant 1 : i32
    %dma_start3A_93 = arith.constant 0 : i32
    %dma_start3A_94 = arith.constant 0 : i32
    %dma_start3A_95 = tpu.memref_slice %arg13[%dma_start3A_91, %dma_start3A_93, %dma_start3A_94] : memref<7x64x64xf32, #tpu.memory_space<vmem>> -> memref<1x64x64xf32, #tpu.memory_space<vmem>>
    %dma_start3A_96 = tpu.memref_squeeze %dma_start3A_95 : memref<1x64x64xf32, #tpu.memory_space<vmem>> -> memref<64x64xf32, #tpu.memory_space<vmem>>
    %dma_start3A_97 = arith.constant 0 : i32
    %dma_start3A_98 = tpu.memref_slice %arg11[%dma_start3A_90, %dma_start3A_97] : memref<316x64xi32, #tpu.memory_space<vmem>> -> memref<1x64xi32, #tpu.memory_space<vmem>>
    %dma_start3A_99 = tpu.memref_squeeze %dma_start3A_98 : memref<1x64xi32, #tpu.memory_space<vmem>> -> memref<64xi32, #tpu.memory_space<vmem>>
    %dma_start3A_100 = arith.constant 0 : i32
    %dma_start3A_101 = arith.constant 0 : i32
    %dma_start3A_102 = tpu.memref_slice %arg10[%dma_start3A_100, %dma_start3A_101] : memref<10112x64xf32, #tpu.memory_space<vmem_shared>> -> memref<10112x64xf32, #tpu.memory_space<vmem_shared>>
    %dma_start3A_103 = tpu.memref_slice %arg14[%dma_start3A_92] : memref<7x!tpu.dma_semaphore, #tpu.memory_space<semaphore_mem>> -> memref<1x!tpu.dma_semaphore, #tpu.memory_space<semaphore_mem>>
    %dma_start3A_104 = tpu.memref_squeeze %dma_start3A_103 : memref<1x!tpu.dma_semaphore, #tpu.memory_space<semaphore_mem>> -> memref<!tpu.dma_semaphore, #tpu.memory_space<semaphore_mem>>
    tpu.enqueue_indirect_dma source(%dma_start3A_102 : memref<10112x64xf32, #tpu.memory_space<vmem_shared>>) target(%dma_start3A_96 : memref<64x64xf32, #tpu.memory_space<vmem>>) offsets(%dma_start3A_99 : memref<64xi32, #tpu.memory_space<vmem>>) semaphore(%dma_start3A_104 : memref<!tpu.dma_semaphore, #tpu.memory_space<semaphore_mem>>)
    %dma_start3A_105 = arith.constant 2 : i32
    %dma_start3A_106 = arith.constant 2 : i32
    %dma_start3A_107 = arith.constant 2 : i32
    %dma_start3A_108 = arith.constant 0 : i32
    %dma_start3A_109 = arith.constant 0 : i32
    %dma_start3A_110 = tpu.memref_slice %arg13[%dma_start3A_106, %dma_start3A_108, %dma_start3A_109] : memref<7x64x64xf32, #tpu.memory_space<vmem>> -> memref<1x64x64xf32, #tpu.memory_space<vmem>>
    %dma_start3A_111 = tpu.memref_squeeze %dma_start3A_110 : memref<1x64x64xf32, #tpu.memory_space<vmem>> -> memref<64x64xf32, #tpu.memory_space<vmem>>
    %dma_start3A_112 = arith.constant 0 : i32
    %dma_start3A_113 = tpu.memref_slice %arg11[%dma_start3A_105, %dma_start3A_112] : memref<316x64xi32, #tpu.memory_space<vmem>> -> memref<1x64xi32, #tpu.memory_space<vmem>>
    %dma_start3A_114 = tpu.memref_squeeze %dma_start3A_113 : memref<1x64xi32, #tpu.memory_space<vmem>> -> memref<64xi32, #tpu.memory_space<vmem>>
    %dma_start3A_115 = arith.constant 0 : i32
    %dma_start3A_116 = arith.constant 0 : i32
    %dma_start3A_117 = tpu.memref_slice %arg10[%dma_start3A_115, %dma_start3A_116] : memref<10112x64xf32, #tpu.memory_space<vmem_shared>> -> memref<10112x64xf32, #tpu.memory_space<vmem_shared>>
    %dma_start3A_118 = tpu.memref_slice %arg14[%dma_start3A_107] : memref<7x!tpu.dma_semaphore, #tpu.memory_space<semaphore_mem>> -> memref<1x!tpu.dma_semaphore, #tpu.memory_space<semaphore_mem>>
    %dma_start3A_119 = tpu.memref_squeeze %dma_start3A_118 : memref<1x!tpu.dma_semaphore, #tpu.memory_space<semaphore_mem>> -> memref<!tpu.dma_semaphore, #tpu.memory_space<semaphore_mem>>
    tpu.enqueue_indirect_dma source(%dma_start3A_117 : memref<10112x64xf32, #tpu.memory_space<vmem_shared>>) target(%dma_start3A_111 : memref<64x64xf32, #tpu.memory_space<vmem>>) offsets(%dma_start3A_114 : memref<64xi32, #tpu.memory_space<vmem>>) semaphore(%dma_start3A_119 : memref<!tpu.dma_semaphore, #tpu.memory_space<semaphore_mem>>)
    %dma_start3A_120 = arith.constant 3 : i32
    %dma_start3A_121 = arith.constant 3 : i32
    %dma_start3A_122 = arith.constant 3 : i32
    %dma_start3A_123 = arith.constant 0 : i32
    %dma_start3A_124 = arith.constant 0 : i32
    %dma_start3A_125 = tpu.memref_slice %arg13[%dma_start3A_121, %dma_start3A_123, %dma_start3A_124] : memref<7x64x64xf32, #tpu.memory_space<vmem>> -> memref<1x64x64xf32, #tpu.memory_space<vmem>>
    %dma_start3A_126 = tpu.memref_squeeze %dma_start3A_125 : memref<1x64x64xf32, #tpu.memory_space<vmem>> -> memref<64x64xf32, #tpu.memory_space<vmem>>
    %dma_start3A_127 = arith.constant 0 : i32
    %dma_start3A_128 = tpu.memref_slice %arg11[%dma_start3A_120, %dma_start3A_127] : memref<316x64xi32, #tpu.memory_space<vmem>> -> memref<1x64xi32, #tpu.memory_space<vmem>>
    %dma_start3A_129 = tpu.memref_squeeze %dma_start3A_128 : memref<1x64xi32, #tpu.memory_space<vmem>> -> memref<64xi32, #tpu.memory_space<vmem>>
    %dma_start3A_130 = arith.constant 0 : i32
    %dma_start3A_131 = arith.constant 0 : i32
    %dma_start3A_132 = tpu.memref_slice %arg10[%dma_start3A_130, %dma_start3A_131] : memref<10112x64xf32, #tpu.memory_space<vmem_shared>> -> memref<10112x64xf32, #tpu.memory_space<vmem_shared>>
    %dma_start3A_133 = tpu.memref_slice %arg14[%dma_start3A_122] : memref<7x!tpu.dma_semaphore, #tpu.memory_space<semaphore_mem>> -> memref<1x!tpu.dma_semaphore, #tpu.memory_space<semaphore_mem>>
    %dma_start3A_134 = tpu.memref_squeeze %dma_start3A_133 : memref<1x!tpu.dma_semaphore, #tpu.memory_space<semaphore_mem>> -> memref<!tpu.dma_semaphore, #tpu.memory_space<semaphore_mem>>
    tpu.enqueue_indirect_dma source(%dma_start3A_132 : memref<10112x64xf32, #tpu.memory_space<vmem_shared>>) target(%dma_start3A_126 : memref<64x64xf32, #tpu.memory_space<vmem>>) offsets(%dma_start3A_129 : memref<64xi32, #tpu.memory_space<vmem>>) semaphore(%dma_start3A_134 : memref<!tpu.dma_semaphore, #tpu.memory_space<semaphore_mem>>)
    %dma_start3A_135 = arith.constant 4 : i32
    %dma_start3A_136 = arith.constant 4 : i32
    %dma_start3A_137 = arith.constant 4 : i32
    %dma_start3A_138 = arith.constant 0 : i32
    %dma_start3A_139 = arith.constant 0 : i32
    %dma_start3A_140 = tpu.memref_slice %arg13[%dma_start3A_136, %dma_start3A_138, %dma_start3A_139] : memref<7x64x64xf32, #tpu.memory_space<vmem>> -> memref<1x64x64xf32, #tpu.memory_space<vmem>>
    %dma_start3A_141 = tpu.memref_squeeze %dma_start3A_140 : memref<1x64x64xf32, #tpu.memory_space<vmem>> -> memref<64x64xf32, #tpu.memory_space<vmem>>
    %dma_start3A_142 = arith.constant 0 : i32
    %dma_start3A_143 = tpu.memref_slice %arg11[%dma_start3A_135, %dma_start3A_142] : memref<316x64xi32, #tpu.memory_space<vmem>> -> memref<1x64xi32, #tpu.memory_space<vmem>>
    %dma_start3A_144 = tpu.memref_squeeze %dma_start3A_143 : memref<1x64xi32, #tpu.memory_space<vmem>> -> memref<64xi32, #tpu.memory_space<vmem>>
    %dma_start3A_145 = arith.constant 0 : i32
    %dma_start3A_146 = arith.constant 0 : i32
    %dma_start3A_147 = tpu.memref_slice %arg10[%dma_start3A_145, %dma_start3A_146] : memref<10112x64xf32, #tpu.memory_space<vmem_shared>> -> memref<10112x64xf32, #tpu.memory_space<vmem_shared>>
    %dma_start3A_148 = tpu.memref_slice %arg14[%dma_start3A_137] : memref<7x!tpu.dma_semaphore, #tpu.memory_space<semaphore_mem>> -> memref<1x!tpu.dma_semaphore, #tpu.memory_space<semaphore_mem>>
    %dma_start3A_149 = tpu.memref_squeeze %dma_start3A_148 : memref<1x!tpu.dma_semaphore, #tpu.memory_space<semaphore_mem>> -> memref<!tpu.dma_semaphore, #tpu.memory_space<semaphore_mem>>
    tpu.enqueue_indirect_dma source(%dma_start3A_147 : memref<10112x64xf32, #tpu.memory_space<vmem_shared>>) target(%dma_start3A_141 : memref<64x64xf32, #tpu.memory_space<vmem>>) offsets(%dma_start3A_144 : memref<64xi32, #tpu.memory_space<vmem>>) semaphore(%dma_start3A_149 : memref<!tpu.dma_semaphore, #tpu.memory_space<semaphore_mem>>)
    %dma_start3A_150 = arith.constant 5 : i32
    %dma_start3A_151 = arith.constant 5 : i32
    %dma_start3A_152 = arith.constant 5 : i32
    %dma_start3A_153 = arith.constant 0 : i32
    %dma_start3A_154 = arith.constant 0 : i32
    %dma_start3A_155 = tpu.memref_slice %arg13[%dma_start3A_151, %dma_start3A_153, %dma_start3A_154] : memref<7x64x64xf32, #tpu.memory_space<vmem>> -> memref<1x64x64xf32, #tpu.memory_space<vmem>>
    %dma_start3A_156 = tpu.memref_squeeze %dma_start3A_155 : memref<1x64x64xf32, #tpu.memory_space<vmem>> -> memref<64x64xf32, #tpu.memory_space<vmem>>
    %dma_start3A_157 = arith.constant 0 : i32
    %dma_start3A_158 = tpu.memref_slice %arg11[%dma_start3A_150, %dma_start3A_157] : memref<316x64xi32, #tpu.memory_space<vmem>> -> memref<1x64xi32, #tpu.memory_space<vmem>>
    %dma_start3A_159 = tpu.memref_squeeze %dma_start3A_158 : memref<1x64xi32, #tpu.memory_space<vmem>> -> memref<64xi32, #tpu.memory_space<vmem>>
    %dma_start3A_160 = arith.constant 0 : i32
    %dma_start3A_161 = arith.constant 0 : i32
    %dma_start3A_162 = tpu.memref_slice %arg10[%dma_start3A_160, %dma_start3A_161] : memref<10112x64xf32, #tpu.memory_space<vmem_shared>> -> memref<10112x64xf32, #tpu.memory_space<vmem_shared>>
    %dma_start3A_163 = tpu.memref_slice %arg14[%dma_start3A_152] : memref<7x!tpu.dma_semaphore, #tpu.memory_space<semaphore_mem>> -> memref<1x!tpu.dma_semaphore, #tpu.memory_space<semaphore_mem>>
    %dma_start3A_164 = tpu.memref_squeeze %dma_start3A_163 : memref<1x!tpu.dma_semaphore, #tpu.memory_space<semaphore_mem>> -> memref<!tpu.dma_semaphore, #tpu.memory_space<semaphore_mem>>
    tpu.enqueue_indirect_dma source(%dma_start3A_162 : memref<10112x64xf32, #tpu.memory_space<vmem_shared>>) target(%dma_start3A_156 : memref<64x64xf32, #tpu.memory_space<vmem>>) offsets(%dma_start3A_159 : memref<64xi32, #tpu.memory_space<vmem>>) semaphore(%dma_start3A_164 : memref<!tpu.dma_semaphore, #tpu.memory_space<semaphore_mem>>)
    %scan3A = arith.constant 0 : i32
    %scan3A_165 = arith.constant 0 : i32
    %scan3A_166 = arith.constant 316 : i32
    %scan3A_167 = arith.addi %scan3A_165, %scan3A_166 : i32
    %scan3A_168 = arith.constant 1 : i32
    scf.for %scan3A_196 = %scan3A_165 to %scan3A_167 step %scan3A_168  : i32 {
      %rem3A = arith.constant 7 : i32
      %rem3A_197 = arith.remsi %scan3A_196, %rem3A : i32
      %add3A = arith.constant 7 : i32
      %add3A_198 = arith.addi %scan3A_196, %add3A : i32
      %sub3A = arith.constant 1 : i32
      %sub3A_199 = arith.subi %add3A_198, %sub3A : i32
      %rem3A_200 = arith.constant 7 : i32
      %rem3A_201 = arith.remsi %sub3A_199, %rem3A_200 : i32
      %ge3A = arith.constant 1 : i32
      %ge3A_202 = arith.cmpi sge, %scan3A_196, %ge3A : i32
      %convert_element_type3A_203 = arith.extui %ge3A_202 : i1 to i32
      %cond3A_204 = arith.constant 0 : i32
      %cond3A_205 = arith.cmpi ne, %convert_element_type3A_203, %cond3A_204 : i32
      scf.if %cond3A_205 {
        %dma_wait3A_238 = arith.constant 0 : i32
        %dma_wait3A_239 = arith.constant 0 : i32
        %dma_wait3A_240 = tpu.memref_slice %arg13[%rem3A_201, %dma_wait3A_238, %dma_wait3A_239] : memref<7x64x64xf32, #tpu.memory_space<vmem>> -> memref<1x64x64xf32, #tpu.memory_space<vmem>>
        %dma_wait3A_241 = tpu.memref_squeeze %dma_wait3A_240 : memref<1x64x64xf32, #tpu.memory_space<vmem>> -> memref<64x64xf32, #tpu.memory_space<vmem>>
        %dma_wait3A_242 = arith.constant 0 : i32
        %dma_wait3A_243 = tpu.memref_slice %arg12[%scan3A_196, %dma_wait3A_242] : memref<316x64xi32, #tpu.memory_space<vmem>> -> memref<1x64xi32, #tpu.memory_space<vmem>>
        %dma_wait3A_244 = tpu.memref_squeeze %dma_wait3A_243 : memref<1x64xi32, #tpu.memory_space<vmem>> -> memref<64xi32, #tpu.memory_space<vmem>>
        %dma_wait3A_245 = arith.constant 0 : i32
        %dma_wait3A_246 = arith.constant 0 : i32
        %dma_wait3A_247 = tpu.memref_slice %arg9[%dma_wait3A_245, %dma_wait3A_246] : memref<5120x64xf32, #tpu.memory_space<vmem_shared>> -> memref<5120x64xf32, #tpu.memory_space<vmem_shared>>
        %dma_wait3A_248 = tpu.memref_slice %arg15[%rem3A_201] : memref<7x!tpu.dma_semaphore, #tpu.memory_space<semaphore_mem>> -> memref<1x!tpu.dma_semaphore, #tpu.memory_space<semaphore_mem>>
        %dma_wait3A_249 = tpu.memref_squeeze %dma_wait3A_248 : memref<1x!tpu.dma_semaphore, #tpu.memory_space<semaphore_mem>> -> memref<!tpu.dma_semaphore, #tpu.memory_space<semaphore_mem>>
        tpu.wait_indirect_dma semaphore(%dma_wait3A_249 : memref<!tpu.dma_semaphore, #tpu.memory_space<semaphore_mem>>) src(%dma_wait3A_241 : memref<64x64xf32, #tpu.memory_space<vmem>>) dst(%dma_wait3A_247 : memref<5120x64xf32, #tpu.memory_space<vmem_shared>>)
      } else {
      }
      %add3A_206 = arith.constant 7 : i32
      %add3A_207 = arith.addi %scan3A_196, %add3A_206 : i32
      %sub3A_208 = arith.constant 1 : i32
      %sub3A_209 = arith.subi %add3A_207, %sub3A_208 : i32
      %lt3A = arith.constant 316 : i32
      %lt3A_210 = arith.cmpi slt, %sub3A_209, %lt3A : i32
      %convert_element_type3A_211 = arith.extui %lt3A_210 : i1 to i32
      %cond3A_212 = arith.constant 0 : i32
      %cond3A_213 = arith.cmpi ne, %convert_element_type3A_211, %cond3A_212 : i32
      scf.if %cond3A_213 {
        %add3A_238 = arith.constant 7 : i32
        %add3A_239 = arith.addi %scan3A_196, %add3A_238 : i32
        %sub3A_240 = arith.constant 1 : i32
        %sub3A_241 = arith.subi %add3A_239, %sub3A_240 : i32
        %dma_start3A_242 = arith.constant 0 : i32
        %dma_start3A_243 = arith.constant 0 : i32
        %dma_start3A_244 = tpu.memref_slice %arg13[%rem3A_201, %dma_start3A_242, %dma_start3A_243] : memref<7x64x64xf32, #tpu.memory_space<vmem>> -> memref<1x64x64xf32, #tpu.memory_space<vmem>>
        %dma_start3A_245 = tpu.memref_squeeze %dma_start3A_244 : memref<1x64x64xf32, #tpu.memory_space<vmem>> -> memref<64x64xf32, #tpu.memory_space<vmem>>
        %dma_start3A_246 = arith.constant 0 : i32
        %dma_start3A_247 = tpu.memref_slice %arg11[%sub3A_241, %dma_start3A_246] : memref<316x64xi32, #tpu.memory_space<vmem>> -> memref<1x64xi32, #tpu.memory_space<vmem>>
        %dma_start3A_248 = tpu.memref_squeeze %dma_start3A_247 : memref<1x64xi32, #tpu.memory_space<vmem>> -> memref<64xi32, #tpu.memory_space<vmem>>
        %dma_start3A_249 = arith.constant 0 : i32
        %dma_start3A_250 = arith.constant 0 : i32
        %dma_start3A_251 = tpu.memref_slice %arg10[%dma_start3A_249, %dma_start3A_250] : memref<10112x64xf32, #tpu.memory_space<vmem_shared>> -> memref<10112x64xf32, #tpu.memory_space<vmem_shared>>
        %dma_start3A_252 = tpu.memref_slice %arg14[%rem3A_201] : memref<7x!tpu.dma_semaphore, #tpu.memory_space<semaphore_mem>> -> memref<1x!tpu.dma_semaphore, #tpu.memory_space<semaphore_mem>>
        %dma_start3A_253 = tpu.memref_squeeze %dma_start3A_252 : memref<1x!tpu.dma_semaphore, #tpu.memory_space<semaphore_mem>> -> memref<!tpu.dma_semaphore, #tpu.memory_space<semaphore_mem>>
        tpu.enqueue_indirect_dma source(%dma_start3A_251 : memref<10112x64xf32, #tpu.memory_space<vmem_shared>>) target(%dma_start3A_245 : memref<64x64xf32, #tpu.memory_space<vmem>>) offsets(%dma_start3A_248 : memref<64xi32, #tpu.memory_space<vmem>>) semaphore(%dma_start3A_253 : memref<!tpu.dma_semaphore, #tpu.memory_space<semaphore_mem>>)
      } else {
      }
      %dma_wait3A_214 = arith.constant 0 : i32
      %dma_wait3A_215 = arith.constant 0 : i32
      %dma_wait3A_216 = tpu.memref_slice %arg13[%rem3A_197, %dma_wait3A_214, %dma_wait3A_215] : memref<7x64x64xf32, #tpu.memory_space<vmem>> -> memref<1x64x64xf32, #tpu.memory_space<vmem>>
      %dma_wait3A_217 = tpu.memref_squeeze %dma_wait3A_216 : memref<1x64x64xf32, #tpu.memory_space<vmem>> -> memref<64x64xf32, #tpu.memory_space<vmem>>
      %dma_wait3A_218 = arith.constant 0 : i32
      %dma_wait3A_219 = tpu.memref_slice %arg11[%scan3A_196, %dma_wait3A_218] : memref<316x64xi32, #tpu.memory_space<vmem>> -> memref<1x64xi32, #tpu.memory_space<vmem>>
      %dma_wait3A_220 = tpu.memref_squeeze %dma_wait3A_219 : memref<1x64xi32, #tpu.memory_space<vmem>> -> memref<64xi32, #tpu.memory_space<vmem>>
      %dma_wait3A_221 = arith.constant 0 : i32
      %dma_wait3A_222 = arith.constant 0 : i32
      %dma_wait3A_223 = tpu.memref_slice %arg10[%dma_wait3A_221, %dma_wait3A_222] : memref<10112x64xf32, #tpu.memory_space<vmem_shared>> -> memref<10112x64xf32, #tpu.memory_space<vmem_shared>>
      %dma_wait3A_224 = tpu.memref_slice %arg14[%rem3A_197] : memref<7x!tpu.dma_semaphore, #tpu.memory_space<semaphore_mem>> -> memref<1x!tpu.dma_semaphore, #tpu.memory_space<semaphore_mem>>
      %dma_wait3A_225 = tpu.memref_squeeze %dma_wait3A_224 : memref<1x!tpu.dma_semaphore, #tpu.memory_space<semaphore_mem>> -> memref<!tpu.dma_semaphore, #tpu.memory_space<semaphore_mem>>
      tpu.wait_indirect_dma semaphore(%dma_wait3A_225 : memref<!tpu.dma_semaphore, #tpu.memory_space<semaphore_mem>>) src(%dma_wait3A_223 : memref<10112x64xf32, #tpu.memory_space<vmem_shared>>) dst(%dma_wait3A_217 : memref<64x64xf32, #tpu.memory_space<vmem>>)
      %dma_start3A_226 = arith.constant 0 : i32
      %dma_start3A_227 = arith.constant 0 : i32
      %dma_start3A_228 = tpu.memref_slice %arg13[%rem3A_197, %dma_start3A_226, %dma_start3A_227] : memref<7x64x64xf32, #tpu.memory_space<vmem>> -> memref<1x64x64xf32, #tpu.memory_space<vmem>>
      %dma_start3A_229 = tpu.memref_squeeze %dma_start3A_228 : memref<1x64x64xf32, #tpu.memory_space<vmem>> -> memref<64x64xf32, #tpu.memory_space<vmem>>
      %dma_start3A_230 = arith.constant 0 : i32
      %dma_start3A_231 = tpu.memref_slice %arg12[%scan3A_196, %dma_start3A_230] : memref<316x64xi32, #tpu.memory_space<vmem>> -> memref<1x64xi32, #tpu.memory_space<vmem>>
      %dma_start3A_232 = tpu.memref_squeeze %dma_start3A_231 : memref<1x64xi32, #tpu.memory_space<vmem>> -> memref<64xi32, #tpu.memory_space<vmem>>
      %dma_start3A_233 = arith.constant 0 : i32
      %dma_start3A_234 = arith.constant 0 : i32
      %dma_start3A_235 = tpu.memref_slice %arg9[%dma_start3A_233, %dma_start3A_234] : memref<5120x64xf32, #tpu.memory_space<vmem_shared>> -> memref<5120x64xf32, #tpu.memory_space<vmem_shared>>
      %dma_start3A_236 = tpu.memref_slice %arg15[%rem3A_197] : memref<7x!tpu.dma_semaphore, #tpu.memory_space<semaphore_mem>> -> memref<1x!tpu.dma_semaphore, #tpu.memory_space<semaphore_mem>>
      %dma_start3A_237 = tpu.memref_squeeze %dma_start3A_236 : memref<1x!tpu.dma_semaphore, #tpu.memory_space<semaphore_mem>> -> memref<!tpu.dma_semaphore, #tpu.memory_space<semaphore_mem>>
      tpu.enqueue_indirect_dma source(%dma_start3A_229 : memref<64x64xf32, #tpu.memory_space<vmem>>) target(%dma_start3A_235 : memref<5120x64xf32, #tpu.memory_space<vmem_shared>>) offsets(%dma_start3A_232 : memref<64xi32, #tpu.memory_space<vmem>>) semaphore(%dma_start3A_237 : memref<!tpu.dma_semaphore, #tpu.memory_space<semaphore_mem>>) {add = true}
    }
    %scan3A_169 = arith.constant 316 : i32
    %dma_wait3A_170 = arith.constant 0 : i32
    %dma_wait3A_171 = arith.constant 315 : i32
    %dma_wait3A_172 = arith.constant 0 : i32
    %dma_wait3A_173 = arith.constant 0 : i32
    %dma_wait3A_174 = arith.constant 0 : i32
    %dma_wait3A_175 = tpu.memref_slice %arg13[%dma_wait3A_170, %dma_wait3A_173, %dma_wait3A_174] : memref<7x64x64xf32, #tpu.memory_space<vmem>> -> memref<1x64x64xf32, #tpu.memory_space<vmem>>
    %dma_wait3A_176 = tpu.memref_squeeze %dma_wait3A_175 : memref<1x64x64xf32, #tpu.memory_space<vmem>> -> memref<64x64xf32, #tpu.memory_space<vmem>>
    %dma_wait3A_177 = arith.constant 0 : i32
    %dma_wait3A_178 = tpu.memref_slice %arg12[%dma_wait3A_171, %dma_wait3A_177] : memref<316x64xi32, #tpu.memory_space<vmem>> -> memref<1x64xi32, #tpu.memory_space<vmem>>
    %dma_wait3A_179 = tpu.memref_squeeze %dma_wait3A_178 : memref<1x64xi32, #tpu.memory_space<vmem>> -> memref<64xi32, #tpu.memory_space<vmem>>
    %dma_wait3A_180 = arith.constant 0 : i32
    %dma_wait3A_181 = arith.constant 0 : i32
    %dma_wait3A_182 = tpu.memref_slice %arg9[%dma_wait3A_180, %dma_wait3A_181] : memref<5120x64xf32, #tpu.memory_space<vmem_shared>> -> memref<5120x64xf32, #tpu.memory_space<vmem_shared>>
    %dma_wait3A_183 = tpu.memref_slice %arg15[%dma_wait3A_172] : memref<7x!tpu.dma_semaphore, #tpu.memory_space<semaphore_mem>> -> memref<1x!tpu.dma_semaphore, #tpu.memory_space<semaphore_mem>>
    %dma_wait3A_184 = tpu.memref_squeeze %dma_wait3A_183 : memref<1x!tpu.dma_semaphore, #tpu.memory_space<semaphore_mem>> -> memref<!tpu.dma_semaphore, #tpu.memory_space<semaphore_mem>>
    tpu.wait_indirect_dma semaphore(%dma_wait3A_184 : memref<!tpu.dma_semaphore, #tpu.memory_space<semaphore_mem>>) src(%dma_wait3A_176 : memref<64x64xf32, #tpu.memory_space<vmem>>) dst(%dma_wait3A_182 : memref<5120x64xf32, #tpu.memory_space<vmem_shared>>)
    %barrier3A_185 = arith.constant 0 : index
    tpu.barrier barrier_id(%barrier3A_185)
    %eq3A_186 = arith.constant 0 : i32
    %eq3A_187 = arith.cmpi eq, %arg0, %eq3A_186 : i32
    %convert_element_type3A_188 = arith.extui %eq3A_187 : i1 to i32
    %cond3A_189 = arith.constant 0 : i32
    %cond3A_190 = arith.cmpi ne, %convert_element_type3A_188, %cond3A_189 : i32
    scf.if %cond3A_190 {
      %mul3A_196 = arith.constant 320 : i32
      %mul3A_197 = arith.muli %arg1, %mul3A_196 : i32
      %mul3A_198 = arith.constant 320 : i32
      %mul3A_199 = arith.muli %arg1, %mul3A_198 : i32
      "tpu.region"() ({
        %run_scoped3A = tpu.sem_alloc : memref<!tpu.dma_semaphore, #tpu.memory_space<semaphore_mem>>
        %dma_start3A_200 = arith.constant 0 : i32
        %dma_start3A_201 = tpu.memref_slice %arg7[%mul3A_199, %dma_start3A_200] : memref<5120x64xf32, #tpu.memory_space<hbm>> -> memref<320x64xf32, #tpu.memory_space<hbm>>
        %dma_start3A_202 = arith.constant 0 : i32
        %dma_start3A_203 = tpu.memref_slice %arg9[%mul3A_197, %dma_start3A_202] : memref<5120x64xf32, #tpu.memory_space<vmem_shared>> -> memref<320x64xf32, #tpu.memory_space<vmem_shared>>
        tpu.enqueue_dma source(%dma_start3A_203 : memref<320x64xf32, #tpu.memory_space<vmem_shared>>) target(%dma_start3A_201 : memref<320x64xf32, #tpu.memory_space<hbm>>) target_semaphore(%run_scoped3A : memref<!tpu.dma_semaphore, #tpu.memory_space<semaphore_mem>>)
        %dma_wait3A_204 = arith.constant 0 : i32
        %dma_wait3A_205 = tpu.memref_slice %arg7[%mul3A_199, %dma_wait3A_204] : memref<5120x64xf32, #tpu.memory_space<hbm>> -> memref<320x64xf32, #tpu.memory_space<hbm>>
        %dma_wait3A_206 = arith.constant 0 : i32
        %dma_wait3A_207 = tpu.memref_slice %arg9[%mul3A_197, %dma_wait3A_206] : memref<5120x64xf32, #tpu.memory_space<vmem_shared>> -> memref<320x64xf32, #tpu.memory_space<vmem_shared>>
        tpu.wait_dma2 semaphore(%run_scoped3A : memref<!tpu.dma_semaphore, #tpu.memory_space<semaphore_mem>>) src(%dma_wait3A_207 : memref<320x64xf32, #tpu.memory_space<vmem_shared>>) dst(%dma_wait3A_205 : memref<320x64xf32, #tpu.memory_space<hbm>>)
        tpu.yield
      }) : () -> ()
    } else {
    }
    %eq3A_191 = arith.constant 1 : i32
    %eq3A_192 = arith.cmpi eq, %arg0, %eq3A_191 : i32
    %convert_element_type3A_193 = arith.extui %eq3A_192 : i1 to i32
    %cond3A_194 = arith.constant 0 : i32
    %cond3A_195 = arith.cmpi ne, %convert_element_type3A_193, %cond3A_194 : i32
    scf.if %cond3A_195 {
      %mul3A_196 = arith.constant 320 : i32
      %mul3A_197 = arith.muli %arg1, %mul3A_196 : i32
      %mul3A_198 = arith.constant 320 : i32
      %mul3A_199 = arith.muli %arg1, %mul3A_198 : i32
      "tpu.region"() ({
        %run_scoped3A = tpu.sem_alloc : memref<!tpu.dma_semaphore, #tpu.memory_space<semaphore_mem>>
        %dma_start3A_200 = arith.constant 0 : i32
        %dma_start3A_201 = tpu.memref_slice %arg8[%mul3A_199, %dma_start3A_200] : memref<5120x64xf32, #tpu.memory_space<hbm>> -> memref<320x64xf32, #tpu.memory_space<hbm>>
        %dma_start3A_202 = arith.constant 0 : i32
        %dma_start3A_203 = tpu.memref_slice %arg9[%mul3A_197, %dma_start3A_202] : memref<5120x64xf32, #tpu.memory_space<vmem_shared>> -> memref<320x64xf32, #tpu.memory_space<vmem_shared>>
        tpu.enqueue_dma source(%dma_start3A_203 : memref<320x64xf32, #tpu.memory_space<vmem_shared>>) target(%dma_start3A_201 : memref<320x64xf32, #tpu.memory_space<hbm>>) target_semaphore(%run_scoped3A : memref<!tpu.dma_semaphore, #tpu.memory_space<semaphore_mem>>)
        %dma_wait3A_204 = arith.constant 0 : i32
        %dma_wait3A_205 = tpu.memref_slice %arg8[%mul3A_199, %dma_wait3A_204] : memref<5120x64xf32, #tpu.memory_space<hbm>> -> memref<320x64xf32, #tpu.memory_space<hbm>>
        %dma_wait3A_206 = arith.constant 0 : i32
        %dma_wait3A_207 = tpu.memref_slice %arg9[%mul3A_197, %dma_wait3A_206] : memref<5120x64xf32, #tpu.memory_space<vmem_shared>> -> memref<320x64xf32, #tpu.memory_space<vmem_shared>>
        tpu.wait_dma2 semaphore(%run_scoped3A : memref<!tpu.dma_semaphore, #tpu.memory_space<semaphore_mem>>) src(%dma_wait3A_207 : memref<320x64xf32, #tpu.memory_space<vmem_shared>>) dst(%dma_wait3A_205 : memref<320x64xf32, #tpu.memory_space<hbm>>)
        tpu.yield
      }) : () -> ()
    } else {
    }
    return
  }
}

#map = affine_map<(d0, d1) -> (0, 0, 0)>
#map1 = affine_map<(d0, d1) -> (0, 0)>
module attributes {stable_mosaic.version = 14 : i64} {
  func.func @_degree_kernel(%arg0: i32, %arg1: i32, %arg2: memref<16x158x128xi32, #tpu.memory_space<hbm>>, %arg3: memref<16x158x128xi32, #tpu.memory_space<hbm>>, %arg4: memref<128x8xf32, #tpu.memory_space<hbm>>, %arg5: memref<632x8xf32, #tpu.memory_space<hbm>>, %arg6: memref<10112x8xf32, #tpu.memory_space<hbm>>, %arg7: memref<5120x8xf32, #tpu.memory_space<hbm>>, %arg8: memref<10112x8xf32, #tpu.memory_space<vmem_shared>>, %arg9: memref<5120x8xf32, #tpu.memory_space<vmem_shared>>, %arg10: memref<158x128xi32, #tpu.memory_space<vmem>>, %arg11: memref<128x8xf32, #tpu.memory_space<vmem>>, %arg12: memref<4x!tpu.dma_semaphore, #tpu.memory_space<semaphore_mem>>) attributes {dimension_semantics = [#tpu.dimension_semantics<core_parallel>, #tpu.dimension_semantics<subcore_parallel>], iteration_bounds = array<i64: 2, 16>, scalar_prefetch = 0 : i64, scratch_operands = 5 : i64, tpu.core_type = #tpu.core_type<sc_vector_subcore>, window_params = [{transform_indices = #map}, {transform_indices = #map}, {transform_indices = #map1}, {transform_indices = #map1}, {transform_indices = #map1}, {transform_indices = #map1}]} {
    "tpu.region"() ({
      %run_scoped3A = tpu.sem_alloc : memref<!tpu.dma_semaphore, #tpu.memory_space<semaphore_mem>>
      tpu.enqueue_dma source(%arg4 : memref<128x8xf32, #tpu.memory_space<hbm>>) target(%arg11 : memref<128x8xf32, #tpu.memory_space<vmem>>) target_semaphore(%run_scoped3A : memref<!tpu.dma_semaphore, #tpu.memory_space<semaphore_mem>>)
      tpu.wait_dma2 semaphore(%run_scoped3A : memref<!tpu.dma_semaphore, #tpu.memory_space<semaphore_mem>>) src(%arg4 : memref<128x8xf32, #tpu.memory_space<hbm>>) dst(%arg11 : memref<128x8xf32, #tpu.memory_space<vmem>>)
      tpu.yield
    }) : () -> ()
    %eq3A = arith.constant 0 : i32
    %eq3A_0 = arith.cmpi eq, %arg0, %eq3A : i32
    %convert_element_type3A = arith.extui %eq3A_0 : i1 to i32
    %cond3A = arith.constant 0 : i32
    %cond3A_1 = arith.cmpi ne, %convert_element_type3A, %cond3A : i32
    scf.if %cond3A_1 {
      %mul3A = arith.constant 632 : i32
      %mul3A_28 = arith.muli %arg1, %mul3A : i32
      "tpu.region"() ({
        %run_scoped3A = tpu.sem_alloc : memref<!tpu.dma_semaphore, #tpu.memory_space<semaphore_mem>>
        %dma_start3A = arith.constant 0 : i32
        %dma_start3A_29 = tpu.memref_slice %arg8[%mul3A_28, %dma_start3A] : memref<10112x8xf32, #tpu.memory_space<vmem_shared>> -> memref<632x8xf32, #tpu.memory_space<vmem_shared>>
        tpu.enqueue_dma source(%arg5 : memref<632x8xf32, #tpu.memory_space<hbm>>) target(%dma_start3A_29 : memref<632x8xf32, #tpu.memory_space<vmem_shared>>) target_semaphore(%run_scoped3A : memref<!tpu.dma_semaphore, #tpu.memory_space<semaphore_mem>>)
        %dma_wait3A = arith.constant 0 : i32
        %dma_wait3A_30 = tpu.memref_slice %arg8[%mul3A_28, %dma_wait3A] : memref<10112x8xf32, #tpu.memory_space<vmem_shared>> -> memref<632x8xf32, #tpu.memory_space<vmem_shared>>
        tpu.wait_dma2 semaphore(%run_scoped3A : memref<!tpu.dma_semaphore, #tpu.memory_space<semaphore_mem>>) src(%arg5 : memref<632x8xf32, #tpu.memory_space<hbm>>) dst(%dma_wait3A_30 : memref<632x8xf32, #tpu.memory_space<vmem_shared>>)
        tpu.yield
      }) : () -> ()
      "tpu.region"() ({
        %run_scoped3A = tpu.sem_alloc : memref<!tpu.dma_semaphore, #tpu.memory_space<semaphore_mem>>
        %dma_start3A = arith.constant 0 : i32
        %dma_start3A_29 = arith.constant 0 : i32
        %dma_start3A_30 = tpu.memref_slice %arg2[%arg1, %dma_start3A, %dma_start3A_29] : memref<16x158x128xi32, #tpu.memory_space<hbm>> -> memref<1x158x128xi32, #tpu.memory_space<hbm>>
        %dma_start3A_31 = tpu.memref_squeeze %dma_start3A_30 : memref<1x158x128xi32, #tpu.memory_space<hbm>> -> memref<158x128xi32, #tpu.memory_space<hbm>>
        %dma_start3A_32 = arith.constant 0 : i32
        %dma_start3A_33 = arith.constant 0 : i32
        %dma_start3A_34 = tpu.memref_slice %arg2[%arg1, %dma_start3A_32, %dma_start3A_33] : memref<16x158x128xi32, #tpu.memory_space<hbm>> -> memref<1x158x128xi32, #tpu.memory_space<hbm>>
        %dma_start3A_35 = tpu.memref_squeeze %dma_start3A_34 : memref<1x158x128xi32, #tpu.memory_space<hbm>> -> memref<158x128xi32, #tpu.memory_space<hbm>>
        tpu.enqueue_dma source(%dma_start3A_35 : memref<158x128xi32, #tpu.memory_space<hbm>>) target(%arg10 : memref<158x128xi32, #tpu.memory_space<vmem>>) target_semaphore(%run_scoped3A : memref<!tpu.dma_semaphore, #tpu.memory_space<semaphore_mem>>)
        %dma_wait3A = arith.constant 0 : i32
        %dma_wait3A_36 = arith.constant 0 : i32
        %dma_wait3A_37 = tpu.memref_slice %arg2[%arg1, %dma_wait3A, %dma_wait3A_36] : memref<16x158x128xi32, #tpu.memory_space<hbm>> -> memref<1x158x128xi32, #tpu.memory_space<hbm>>
        %dma_wait3A_38 = tpu.memref_squeeze %dma_wait3A_37 : memref<1x158x128xi32, #tpu.memory_space<hbm>> -> memref<158x128xi32, #tpu.memory_space<hbm>>
        %dma_wait3A_39 = arith.constant 0 : i32
        %dma_wait3A_40 = arith.constant 0 : i32
        %dma_wait3A_41 = tpu.memref_slice %arg2[%arg1, %dma_wait3A_39, %dma_wait3A_40] : memref<16x158x128xi32, #tpu.memory_space<hbm>> -> memref<1x158x128xi32, #tpu.memory_space<hbm>>
        %dma_wait3A_42 = tpu.memref_squeeze %dma_wait3A_41 : memref<1x158x128xi32, #tpu.memory_space<hbm>> -> memref<158x128xi32, #tpu.memory_space<hbm>>
        tpu.wait_dma2 semaphore(%run_scoped3A : memref<!tpu.dma_semaphore, #tpu.memory_space<semaphore_mem>>) src(%dma_wait3A_42 : memref<158x128xi32, #tpu.memory_space<hbm>>) dst(%arg10 : memref<158x128xi32, #tpu.memory_space<vmem>>)
        tpu.yield
      }) : () -> ()
    } else {
    }
    %eq3A_2 = arith.constant 1 : i32
    %eq3A_3 = arith.cmpi eq, %arg0, %eq3A_2 : i32
    %convert_element_type3A_4 = arith.extui %eq3A_3 : i1 to i32
    %cond3A_5 = arith.constant 0 : i32
    %cond3A_6 = arith.cmpi ne, %convert_element_type3A_4, %cond3A_5 : i32
    scf.if %cond3A_6 {
      %mul3A = arith.constant 320 : i32
      %mul3A_28 = arith.muli %arg1, %mul3A : i32
      "tpu.region"() ({
        %run_scoped3A = tpu.sem_alloc : memref<!tpu.dma_semaphore, #tpu.memory_space<semaphore_mem>>
        %dma_start3A = arith.constant 0 : i32
        %dma_start3A_29 = tpu.memref_slice %arg9[%mul3A_28, %dma_start3A] : memref<5120x8xf32, #tpu.memory_space<vmem_shared>> -> memref<320x8xf32, #tpu.memory_space<vmem_shared>>
        %dma_start3A_30 = arith.constant 0 : i32
        %dma_start3A_31 = arith.constant 0 : i32
        %dma_start3A_32 = tpu.memref_slice %arg5[%dma_start3A_30, %dma_start3A_31] : memref<632x8xf32, #tpu.memory_space<hbm>> -> memref<320x8xf32, #tpu.memory_space<hbm>>
        tpu.enqueue_dma source(%dma_start3A_32 : memref<320x8xf32, #tpu.memory_space<hbm>>) target(%dma_start3A_29 : memref<320x8xf32, #tpu.memory_space<vmem_shared>>) target_semaphore(%run_scoped3A : memref<!tpu.dma_semaphore, #tpu.memory_space<semaphore_mem>>)
        %dma_wait3A = arith.constant 0 : i32
        %dma_wait3A_33 = tpu.memref_slice %arg9[%mul3A_28, %dma_wait3A] : memref<5120x8xf32, #tpu.memory_space<vmem_shared>> -> memref<320x8xf32, #tpu.memory_space<vmem_shared>>
        %dma_wait3A_34 = arith.constant 0 : i32
        %dma_wait3A_35 = arith.constant 0 : i32
        %dma_wait3A_36 = tpu.memref_slice %arg5[%dma_wait3A_34, %dma_wait3A_35] : memref<632x8xf32, #tpu.memory_space<hbm>> -> memref<320x8xf32, #tpu.memory_space<hbm>>
        tpu.wait_dma2 semaphore(%run_scoped3A : memref<!tpu.dma_semaphore, #tpu.memory_space<semaphore_mem>>) src(%dma_wait3A_36 : memref<320x8xf32, #tpu.memory_space<hbm>>) dst(%dma_wait3A_33 : memref<320x8xf32, #tpu.memory_space<vmem_shared>>)
        tpu.yield
      }) : () -> ()
      "tpu.region"() ({
        %run_scoped3A = tpu.sem_alloc : memref<!tpu.dma_semaphore, #tpu.memory_space<semaphore_mem>>
        %dma_start3A = arith.constant 0 : i32
        %dma_start3A_29 = arith.constant 0 : i32
        %dma_start3A_30 = tpu.memref_slice %arg3[%arg1, %dma_start3A, %dma_start3A_29] : memref<16x158x128xi32, #tpu.memory_space<hbm>> -> memref<1x158x128xi32, #tpu.memory_space<hbm>>
        %dma_start3A_31 = tpu.memref_squeeze %dma_start3A_30 : memref<1x158x128xi32, #tpu.memory_space<hbm>> -> memref<158x128xi32, #tpu.memory_space<hbm>>
        %dma_start3A_32 = arith.constant 0 : i32
        %dma_start3A_33 = arith.constant 0 : i32
        %dma_start3A_34 = tpu.memref_slice %arg3[%arg1, %dma_start3A_32, %dma_start3A_33] : memref<16x158x128xi32, #tpu.memory_space<hbm>> -> memref<1x158x128xi32, #tpu.memory_space<hbm>>
        %dma_start3A_35 = tpu.memref_squeeze %dma_start3A_34 : memref<1x158x128xi32, #tpu.memory_space<hbm>> -> memref<158x128xi32, #tpu.memory_space<hbm>>
        tpu.enqueue_dma source(%dma_start3A_35 : memref<158x128xi32, #tpu.memory_space<hbm>>) target(%arg10 : memref<158x128xi32, #tpu.memory_space<vmem>>) target_semaphore(%run_scoped3A : memref<!tpu.dma_semaphore, #tpu.memory_space<semaphore_mem>>)
        %dma_wait3A = arith.constant 0 : i32
        %dma_wait3A_36 = arith.constant 0 : i32
        %dma_wait3A_37 = tpu.memref_slice %arg3[%arg1, %dma_wait3A, %dma_wait3A_36] : memref<16x158x128xi32, #tpu.memory_space<hbm>> -> memref<1x158x128xi32, #tpu.memory_space<hbm>>
        %dma_wait3A_38 = tpu.memref_squeeze %dma_wait3A_37 : memref<1x158x128xi32, #tpu.memory_space<hbm>> -> memref<158x128xi32, #tpu.memory_space<hbm>>
        %dma_wait3A_39 = arith.constant 0 : i32
        %dma_wait3A_40 = arith.constant 0 : i32
        %dma_wait3A_41 = tpu.memref_slice %arg3[%arg1, %dma_wait3A_39, %dma_wait3A_40] : memref<16x158x128xi32, #tpu.memory_space<hbm>> -> memref<1x158x128xi32, #tpu.memory_space<hbm>>
        %dma_wait3A_42 = tpu.memref_squeeze %dma_wait3A_41 : memref<1x158x128xi32, #tpu.memory_space<hbm>> -> memref<158x128xi32, #tpu.memory_space<hbm>>
        tpu.wait_dma2 semaphore(%run_scoped3A : memref<!tpu.dma_semaphore, #tpu.memory_space<semaphore_mem>>) src(%dma_wait3A_42 : memref<158x128xi32, #tpu.memory_space<hbm>>) dst(%arg10 : memref<158x128xi32, #tpu.memory_space<vmem>>)
        tpu.yield
      }) : () -> ()
    } else {
    }
    %barrier3A = arith.constant 0 : index
    tpu.barrier barrier_id(%barrier3A)
    %eq3A_7 = arith.constant 0 : i32
    %eq3A_8 = arith.cmpi eq, %arg0, %eq3A_7 : i32
    %convert_element_type3A_9 = arith.extui %eq3A_8 : i1 to i32
    %cond3A_10 = arith.constant 0 : i32
    %cond3A_11 = arith.cmpi ne, %convert_element_type3A_9, %cond3A_10 : i32
    scf.if %cond3A_11 {
      %scan3A = arith.constant 0 : i32
      %scan3A_28 = arith.constant 0 : i32
      %scan3A_29 = arith.constant 158 : i32
      %scan3A_30 = arith.addi %scan3A_28, %scan3A_29 : i32
      %scan3A_31 = arith.constant 1 : i32
      scf.for %scan3A_33 = %scan3A_28 to %scan3A_30 step %scan3A_31  : i32 {
        "tpu.region"() ({
          %run_scoped3A = tpu.sem_alloc : memref<!tpu.dma_semaphore, #tpu.memory_space<semaphore_mem>>
          %dma_start3A = arith.constant 0 : i32
          %dma_start3A_34 = tpu.memref_slice %arg10[%scan3A_33, %dma_start3A] : memref<158x128xi32, #tpu.memory_space<vmem>> -> memref<1x128xi32, #tpu.memory_space<vmem>>
          %dma_start3A_35 = tpu.memref_squeeze %dma_start3A_34 : memref<1x128xi32, #tpu.memory_space<vmem>> -> memref<128xi32, #tpu.memory_space<vmem>>
          %dma_start3A_36 = arith.constant 0 : i32
          %dma_start3A_37 = arith.constant 0 : i32
          %dma_start3A_38 = tpu.memref_slice %arg8[%dma_start3A_36, %dma_start3A_37] : memref<10112x8xf32, #tpu.memory_space<vmem_shared>> -> memref<10112x8xf32, #tpu.memory_space<vmem_shared>>
          tpu.enqueue_indirect_dma source(%arg11 : memref<128x8xf32, #tpu.memory_space<vmem>>) target(%dma_start3A_38 : memref<10112x8xf32, #tpu.memory_space<vmem_shared>>) offsets(%dma_start3A_35 : memref<128xi32, #tpu.memory_space<vmem>>) semaphore(%run_scoped3A : memref<!tpu.dma_semaphore, #tpu.memory_space<semaphore_mem>>) {add = true}
          %dma_wait3A = arith.constant 0 : i32
          %dma_wait3A_39 = tpu.memref_slice %arg10[%scan3A_33, %dma_wait3A] : memref<158x128xi32, #tpu.memory_space<vmem>> -> memref<1x128xi32, #tpu.memory_space<vmem>>
          %dma_wait3A_40 = tpu.memref_squeeze %dma_wait3A_39 : memref<1x128xi32, #tpu.memory_space<vmem>> -> memref<128xi32, #tpu.memory_space<vmem>>
          %dma_wait3A_41 = arith.constant 0 : i32
          %dma_wait3A_42 = arith.constant 0 : i32
          %dma_wait3A_43 = tpu.memref_slice %arg8[%dma_wait3A_41, %dma_wait3A_42] : memref<10112x8xf32, #tpu.memory_space<vmem_shared>> -> memref<10112x8xf32, #tpu.memory_space<vmem_shared>>
          tpu.wait_indirect_dma semaphore(%run_scoped3A : memref<!tpu.dma_semaphore, #tpu.memory_space<semaphore_mem>>) src(%arg11 : memref<128x8xf32, #tpu.memory_space<vmem>>) dst(%dma_wait3A_43 : memref<10112x8xf32, #tpu.memory_space<vmem_shared>>)
          tpu.yield
        }) : () -> ()
      }
      %scan3A_32 = arith.constant 158 : i32
    } else {
    }
    %eq3A_12 = arith.constant 1 : i32
    %eq3A_13 = arith.cmpi eq, %arg0, %eq3A_12 : i32
    %convert_element_type3A_14 = arith.extui %eq3A_13 : i1 to i32
    %cond3A_15 = arith.constant 0 : i32
    %cond3A_16 = arith.cmpi ne, %convert_element_type3A_14, %cond3A_15 : i32
    scf.if %cond3A_16 {
      %scan3A = arith.constant 0 : i32
      %scan3A_28 = arith.constant 0 : i32
      %scan3A_29 = arith.constant 158 : i32
      %scan3A_30 = arith.addi %scan3A_28, %scan3A_29 : i32
      %scan3A_31 = arith.constant 1 : i32
      scf.for %scan3A_33 = %scan3A_28 to %scan3A_30 step %scan3A_31  : i32 {
        "tpu.region"() ({
          %run_scoped3A = tpu.sem_alloc : memref<!tpu.dma_semaphore, #tpu.memory_space<semaphore_mem>>
          %dma_start3A = arith.constant 0 : i32
          %dma_start3A_34 = tpu.memref_slice %arg10[%scan3A_33, %dma_start3A] : memref<158x128xi32, #tpu.memory_space<vmem>> -> memref<1x128xi32, #tpu.memory_space<vmem>>
          %dma_start3A_35 = tpu.memref_squeeze %dma_start3A_34 : memref<1x128xi32, #tpu.memory_space<vmem>> -> memref<128xi32, #tpu.memory_space<vmem>>
          %dma_start3A_36 = arith.constant 0 : i32
          %dma_start3A_37 = arith.constant 0 : i32
          %dma_start3A_38 = tpu.memref_slice %arg9[%dma_start3A_36, %dma_start3A_37] : memref<5120x8xf32, #tpu.memory_space<vmem_shared>> -> memref<5120x8xf32, #tpu.memory_space<vmem_shared>>
          tpu.enqueue_indirect_dma source(%arg11 : memref<128x8xf32, #tpu.memory_space<vmem>>) target(%dma_start3A_38 : memref<5120x8xf32, #tpu.memory_space<vmem_shared>>) offsets(%dma_start3A_35 : memref<128xi32, #tpu.memory_space<vmem>>) semaphore(%run_scoped3A : memref<!tpu.dma_semaphore, #tpu.memory_space<semaphore_mem>>) {add = true}
          %dma_wait3A = arith.constant 0 : i32
          %dma_wait3A_39 = tpu.memref_slice %arg10[%scan3A_33, %dma_wait3A] : memref<158x128xi32, #tpu.memory_space<vmem>> -> memref<1x128xi32, #tpu.memory_space<vmem>>
          %dma_wait3A_40 = tpu.memref_squeeze %dma_wait3A_39 : memref<1x128xi32, #tpu.memory_space<vmem>> -> memref<128xi32, #tpu.memory_space<vmem>>
          %dma_wait3A_41 = arith.constant 0 : i32
          %dma_wait3A_42 = arith.constant 0 : i32
          %dma_wait3A_43 = tpu.memref_slice %arg9[%dma_wait3A_41, %dma_wait3A_42] : memref<5120x8xf32, #tpu.memory_space<vmem_shared>> -> memref<5120x8xf32, #tpu.memory_space<vmem_shared>>
          tpu.wait_indirect_dma semaphore(%run_scoped3A : memref<!tpu.dma_semaphore, #tpu.memory_space<semaphore_mem>>) src(%arg11 : memref<128x8xf32, #tpu.memory_space<vmem>>) dst(%dma_wait3A_43 : memref<5120x8xf32, #tpu.memory_space<vmem_shared>>)
          tpu.yield
        }) : () -> ()
      }
      %scan3A_32 = arith.constant 158 : i32
    } else {
    }
    %barrier3A_17 = arith.constant 0 : index
    tpu.barrier barrier_id(%barrier3A_17)
    %eq3A_18 = arith.constant 0 : i32
    %eq3A_19 = arith.cmpi eq, %arg0, %eq3A_18 : i32
    %convert_element_type3A_20 = arith.extui %eq3A_19 : i1 to i32
    %cond3A_21 = arith.constant 0 : i32
    %cond3A_22 = arith.cmpi ne, %convert_element_type3A_20, %cond3A_21 : i32
    scf.if %cond3A_22 {
      %mul3A = arith.constant 632 : i32
      %mul3A_28 = arith.muli %arg1, %mul3A : i32
      %mul3A_29 = arith.constant 632 : i32
      %mul3A_30 = arith.muli %arg1, %mul3A_29 : i32
      "tpu.region"() ({
        %run_scoped3A = tpu.sem_alloc : memref<!tpu.dma_semaphore, #tpu.memory_space<semaphore_mem>>
        %dma_start3A = arith.constant 0 : i32
        %dma_start3A_31 = tpu.memref_slice %arg6[%mul3A_30, %dma_start3A] : memref<10112x8xf32, #tpu.memory_space<hbm>> -> memref<632x8xf32, #tpu.memory_space<hbm>>
        %dma_start3A_32 = arith.constant 0 : i32
        %dma_start3A_33 = tpu.memref_slice %arg8[%mul3A_28, %dma_start3A_32] : memref<10112x8xf32, #tpu.memory_space<vmem_shared>> -> memref<632x8xf32, #tpu.memory_space<vmem_shared>>
        tpu.enqueue_dma source(%dma_start3A_33 : memref<632x8xf32, #tpu.memory_space<vmem_shared>>) target(%dma_start3A_31 : memref<632x8xf32, #tpu.memory_space<hbm>>) target_semaphore(%run_scoped3A : memref<!tpu.dma_semaphore, #tpu.memory_space<semaphore_mem>>)
        %dma_wait3A = arith.constant 0 : i32
        %dma_wait3A_34 = tpu.memref_slice %arg6[%mul3A_30, %dma_wait3A] : memref<10112x8xf32, #tpu.memory_space<hbm>> -> memref<632x8xf32, #tpu.memory_space<hbm>>
        %dma_wait3A_35 = arith.constant 0 : i32
        %dma_wait3A_36 = tpu.memref_slice %arg8[%mul3A_28, %dma_wait3A_35] : memref<10112x8xf32, #tpu.memory_space<vmem_shared>> -> memref<632x8xf32, #tpu.memory_space<vmem_shared>>
        tpu.wait_dma2 semaphore(%run_scoped3A : memref<!tpu.dma_semaphore, #tpu.memory_space<semaphore_mem>>) src(%dma_wait3A_36 : memref<632x8xf32, #tpu.memory_space<vmem_shared>>) dst(%dma_wait3A_34 : memref<632x8xf32, #tpu.memory_space<hbm>>)
        tpu.yield
      }) : () -> ()
    } else {
    }
    %eq3A_23 = arith.constant 1 : i32
    %eq3A_24 = arith.cmpi eq, %arg0, %eq3A_23 : i32
    %convert_element_type3A_25 = arith.extui %eq3A_24 : i1 to i32
    %cond3A_26 = arith.constant 0 : i32
    %cond3A_27 = arith.cmpi ne, %convert_element_type3A_25, %cond3A_26 : i32
    scf.if %cond3A_27 {
      %mul3A = arith.constant 320 : i32
      %mul3A_28 = arith.muli %arg1, %mul3A : i32
      %mul3A_29 = arith.constant 320 : i32
      %mul3A_30 = arith.muli %arg1, %mul3A_29 : i32
      "tpu.region"() ({
        %run_scoped3A = tpu.sem_alloc : memref<!tpu.dma_semaphore, #tpu.memory_space<semaphore_mem>>
        %dma_start3A = arith.constant 0 : i32
        %dma_start3A_31 = tpu.memref_slice %arg7[%mul3A_30, %dma_start3A] : memref<5120x8xf32, #tpu.memory_space<hbm>> -> memref<320x8xf32, #tpu.memory_space<hbm>>
        %dma_start3A_32 = arith.constant 0 : i32
        %dma_start3A_33 = tpu.memref_slice %arg9[%mul3A_28, %dma_start3A_32] : memref<5120x8xf32, #tpu.memory_space<vmem_shared>> -> memref<320x8xf32, #tpu.memory_space<vmem_shared>>
        tpu.enqueue_dma source(%dma_start3A_33 : memref<320x8xf32, #tpu.memory_space<vmem_shared>>) target(%dma_start3A_31 : memref<320x8xf32, #tpu.memory_space<hbm>>) target_semaphore(%run_scoped3A : memref<!tpu.dma_semaphore, #tpu.memory_space<semaphore_mem>>)
        %dma_wait3A = arith.constant 0 : i32
        %dma_wait3A_34 = tpu.memref_slice %arg7[%mul3A_30, %dma_wait3A] : memref<5120x8xf32, #tpu.memory_space<hbm>> -> memref<320x8xf32, #tpu.memory_space<hbm>>
        %dma_wait3A_35 = arith.constant 0 : i32
        %dma_wait3A_36 = tpu.memref_slice %arg9[%mul3A_28, %dma_wait3A_35] : memref<5120x8xf32, #tpu.memory_space<vmem_shared>> -> memref<320x8xf32, #tpu.memory_space<vmem_shared>>
        tpu.wait_dma2 semaphore(%run_scoped3A : memref<!tpu.dma_semaphore, #tpu.memory_space<semaphore_mem>>) src(%dma_wait3A_36 : memref<320x8xf32, #tpu.memory_space<vmem_shared>>) dst(%dma_wait3A_34 : memref<320x8xf32, #tpu.memory_space<hbm>>)
        tpu.yield
      }) : () -> ()
    } else {
    }
    return
  }
}

#map = affine_map<(d0, d1) -> (0, 0)>
#map1 = affine_map<(d0, d1) -> (0, 0, 0)>
module attributes {stable_mosaic.version = 14 : i64} {
  func.func @body(%arg0: i32, %arg1: i32, %arg2: memref<5120x64xf32, #tpu.memory_space<hbm>>, %arg3: memref<5120x64xf32, #tpu.memory_space<hbm>>, %arg4: memref<5120x64xf32, #tpu.memory_space<hbm>>, %arg5: memref<16x316x64xi32, #tpu.memory_space<hbm>>, %arg6: memref<16x316x64xi32, #tpu.memory_space<hbm>>, %arg7: memref<632x64xf32, #tpu.memory_space<hbm>>, %arg8: memref<10112x64xf32, #tpu.memory_space<hbm>>, %arg9: memref<10112x64xf32, #tpu.memory_space<hbm>>, %arg10: memref<10112x64xf32, #tpu.memory_space<vmem_shared>>, %arg11: memref<5120x64xf32, #tpu.memory_space<vmem_shared>>, %arg12: memref<316x64xi32, #tpu.memory_space<vmem>>, %arg13: memref<316x64xi32, #tpu.memory_space<vmem>>, %arg14: memref<7x64x64xf32, #tpu.memory_space<vmem>>, %arg15: memref<7x!tpu.dma_semaphore, #tpu.memory_space<semaphore_mem>>, %arg16: memref<7x!tpu.dma_semaphore, #tpu.memory_space<semaphore_mem>>) attributes {dimension_semantics = [#tpu.dimension_semantics<core_parallel>, #tpu.dimension_semantics<subcore_parallel>], iteration_bounds = array<i64: 2, 16>, scalar_prefetch = 0 : i64, scratch_operands = 7 : i64, tpu.core_type = #tpu.core_type<sc_vector_subcore>, window_params = [{transform_indices = #map}, {transform_indices = #map}, {transform_indices = #map}, {transform_indices = #map1}, {transform_indices = #map1}, {transform_indices = #map}, {transform_indices = #map}, {transform_indices = #map}]} {
    %mul3A = arith.constant 632 : i32
    %mul3A_0 = arith.muli %arg1, %mul3A : i32
    %dma_start3A = arith.constant 0 : i32
    %dma_start3A_1 = tpu.memref_slice %arg15[%dma_start3A] : memref<7x!tpu.dma_semaphore, #tpu.memory_space<semaphore_mem>> -> memref<1x!tpu.dma_semaphore, #tpu.memory_space<semaphore_mem>>
    %dma_start3A_2 = tpu.memref_squeeze %dma_start3A_1 : memref<1x!tpu.dma_semaphore, #tpu.memory_space<semaphore_mem>> -> memref<!tpu.dma_semaphore, #tpu.memory_space<semaphore_mem>>
    %dma_start3A_3 = arith.constant 0 : i32
    %dma_start3A_4 = tpu.memref_slice %arg10[%mul3A_0, %dma_start3A_3] : memref<10112x64xf32, #tpu.memory_space<vmem_shared>> -> memref<632x64xf32, #tpu.memory_space<vmem_shared>>
    %dma_start3A_5 = arith.constant 0 : i32
    %dma_start3A_6 = arith.constant 0 : i32
    %dma_start3A_7 = tpu.memref_slice %arg7[%dma_start3A_5, %dma_start3A_6] : memref<632x64xf32, #tpu.memory_space<hbm>> -> memref<632x64xf32, #tpu.memory_space<hbm>>
    tpu.enqueue_dma source(%dma_start3A_7 : memref<632x64xf32, #tpu.memory_space<hbm>>) target(%dma_start3A_4 : memref<632x64xf32, #tpu.memory_space<vmem_shared>>) target_semaphore(%dma_start3A_2 : memref<!tpu.dma_semaphore, #tpu.memory_space<semaphore_mem>>)
    %dma_start3A_8 = arith.constant 1 : i32
    %dma_start3A_9 = arith.constant 0 : i32
    %dma_start3A_10 = arith.constant 0 : i32
    %dma_start3A_11 = tpu.memref_slice %arg5[%arg1, %dma_start3A_9, %dma_start3A_10] : memref<16x316x64xi32, #tpu.memory_space<hbm>> -> memref<1x316x64xi32, #tpu.memory_space<hbm>>
    %dma_start3A_12 = tpu.memref_squeeze %dma_start3A_11 : memref<1x316x64xi32, #tpu.memory_space<hbm>> -> memref<316x64xi32, #tpu.memory_space<hbm>>
    %dma_start3A_13 = tpu.memref_slice %arg15[%dma_start3A_8] : memref<7x!tpu.dma_semaphore, #tpu.memory_space<semaphore_mem>> -> memref<1x!tpu.dma_semaphore, #tpu.memory_space<semaphore_mem>>
    %dma_start3A_14 = tpu.memref_squeeze %dma_start3A_13 : memref<1x!tpu.dma_semaphore, #tpu.memory_space<semaphore_mem>> -> memref<!tpu.dma_semaphore, #tpu.memory_space<semaphore_mem>>
    %dma_start3A_15 = arith.constant 0 : i32
    %dma_start3A_16 = arith.constant 0 : i32
    %dma_start3A_17 = tpu.memref_slice %arg5[%arg1, %dma_start3A_15, %dma_start3A_16] : memref<16x316x64xi32, #tpu.memory_space<hbm>> -> memref<1x316x64xi32, #tpu.memory_space<hbm>>
    %dma_start3A_18 = tpu.memref_squeeze %dma_start3A_17 : memref<1x316x64xi32, #tpu.memory_space<hbm>> -> memref<316x64xi32, #tpu.memory_space<hbm>>
    tpu.enqueue_dma source(%dma_start3A_18 : memref<316x64xi32, #tpu.memory_space<hbm>>) target(%arg12 : memref<316x64xi32, #tpu.memory_space<vmem>>) target_semaphore(%dma_start3A_14 : memref<!tpu.dma_semaphore, #tpu.memory_space<semaphore_mem>>)
    %dma_start3A_19 = arith.constant 2 : i32
    %dma_start3A_20 = arith.constant 0 : i32
    %dma_start3A_21 = arith.constant 0 : i32
    %dma_start3A_22 = tpu.memref_slice %arg6[%arg1, %dma_start3A_20, %dma_start3A_21] : memref<16x316x64xi32, #tpu.memory_space<hbm>> -> memref<1x316x64xi32, #tpu.memory_space<hbm>>
    %dma_start3A_23 = tpu.memref_squeeze %dma_start3A_22 : memref<1x316x64xi32, #tpu.memory_space<hbm>> -> memref<316x64xi32, #tpu.memory_space<hbm>>
    %dma_start3A_24 = tpu.memref_slice %arg15[%dma_start3A_19] : memref<7x!tpu.dma_semaphore, #tpu.memory_space<semaphore_mem>> -> memref<1x!tpu.dma_semaphore, #tpu.memory_space<semaphore_mem>>
    %dma_start3A_25 = tpu.memref_squeeze %dma_start3A_24 : memref<1x!tpu.dma_semaphore, #tpu.memory_space<semaphore_mem>> -> memref<!tpu.dma_semaphore, #tpu.memory_space<semaphore_mem>>
    %dma_start3A_26 = arith.constant 0 : i32
    %dma_start3A_27 = arith.constant 0 : i32
    %dma_start3A_28 = tpu.memref_slice %arg6[%arg1, %dma_start3A_26, %dma_start3A_27] : memref<16x316x64xi32, #tpu.memory_space<hbm>> -> memref<1x316x64xi32, #tpu.memory_space<hbm>>
    %dma_start3A_29 = tpu.memref_squeeze %dma_start3A_28 : memref<1x316x64xi32, #tpu.memory_space<hbm>> -> memref<316x64xi32, #tpu.memory_space<hbm>>
    tpu.enqueue_dma source(%dma_start3A_29 : memref<316x64xi32, #tpu.memory_space<hbm>>) target(%arg13 : memref<316x64xi32, #tpu.memory_space<vmem>>) target_semaphore(%dma_start3A_25 : memref<!tpu.dma_semaphore, #tpu.memory_space<semaphore_mem>>)
    %mul3A_30 = arith.constant 320 : i32
    %mul3A_31 = arith.muli %arg1, %mul3A_30 : i32
    %add3A = arith.constant 0 : i32
    %add3A_32 = arith.addi %mul3A_31, %add3A : i32
    %eq3A = arith.constant 0 : i32
    %eq3A_33 = arith.cmpi eq, %arg0, %eq3A : i32
    %convert_element_type3A = arith.extui %eq3A_33 : i1 to i32
    %cond3A = arith.constant 0 : i32
    %cond3A_34 = arith.cmpi ne, %convert_element_type3A, %cond3A : i32
    scf.if %cond3A_34 {
      %run_scoped3A_295 = arith.constant 0 : i32
      "tpu.region"() ({
        %run_scoped3A_296 = tpu.sem_alloc : memref<!tpu.dma_semaphore, #tpu.memory_space<semaphore_mem>>
        %dma_start3A_297 = arith.constant 0 : i32
        %dma_start3A_298 = arith.constant 0 : i32
        %dma_start3A_299 = tpu.memref_slice %arg14[%run_scoped3A_295, %dma_start3A_297, %dma_start3A_298] : memref<7x64x64xf32, #tpu.memory_space<vmem>> -> memref<1x64x64xf32, #tpu.memory_space<vmem>>
        %dma_start3A_300 = tpu.memref_squeeze %dma_start3A_299 : memref<1x64x64xf32, #tpu.memory_space<vmem>> -> memref<64x64xf32, #tpu.memory_space<vmem>>
        %dma_start3A_301 = arith.constant 0 : i32
        %dma_start3A_302 = arith.constant 0 : i32
        %dma_start3A_303 = tpu.memref_slice %dma_start3A_300[%dma_start3A_301, %dma_start3A_302] : memref<64x64xf32, #tpu.memory_space<vmem>> -> memref<64x64xf32, #tpu.memory_space<vmem>>
        %dma_start3A_304 = arith.constant 0 : i32
        %dma_start3A_305 = tpu.memref_slice %arg2[%add3A_32, %dma_start3A_304] : memref<5120x64xf32, #tpu.memory_space<hbm>> -> memref<64x64xf32, #tpu.memory_space<hbm>>
        %dma_start3A_306 = arith.constant 0 : i32
        %dma_start3A_307 = arith.constant 0 : i32
        %dma_start3A_308 = tpu.memref_slice %arg14[%run_scoped3A_295, %dma_start3A_306, %dma_start3A_307] : memref<7x64x64xf32, #tpu.memory_space<vmem>> -> memref<1x64x64xf32, #tpu.memory_space<vmem>>
        %dma_start3A_309 = tpu.memref_squeeze %dma_start3A_308 : memref<1x64x64xf32, #tpu.memory_space<vmem>> -> memref<64x64xf32, #tpu.memory_space<vmem>>
        %dma_start3A_310 = arith.constant 0 : i32
        %dma_start3A_311 = arith.constant 0 : i32
        %dma_start3A_312 = tpu.memref_slice %dma_start3A_309[%dma_start3A_310, %dma_start3A_311] : memref<64x64xf32, #tpu.memory_space<vmem>> -> memref<64x64xf32, #tpu.memory_space<vmem>>
        %dma_start3A_313 = arith.constant 0 : i32
        %dma_start3A_314 = tpu.memref_slice %arg2[%add3A_32, %dma_start3A_313] : memref<5120x64xf32, #tpu.memory_space<hbm>> -> memref<64x64xf32, #tpu.memory_space<hbm>>
        tpu.enqueue_dma source(%dma_start3A_314 : memref<64x64xf32, #tpu.memory_space<hbm>>) target(%dma_start3A_312 : memref<64x64xf32, #tpu.memory_space<vmem>>) target_semaphore(%run_scoped3A_296 : memref<!tpu.dma_semaphore, #tpu.memory_space<semaphore_mem>>)
        %dma_wait3A_315 = arith.constant 0 : i32
        %dma_wait3A_316 = arith.constant 0 : i32
        %dma_wait3A_317 = tpu.memref_slice %arg14[%run_scoped3A_295, %dma_wait3A_315, %dma_wait3A_316] : memref<7x64x64xf32, #tpu.memory_space<vmem>> -> memref<1x64x64xf32, #tpu.memory_space<vmem>>
        %dma_wait3A_318 = tpu.memref_squeeze %dma_wait3A_317 : memref<1x64x64xf32, #tpu.memory_space<vmem>> -> memref<64x64xf32, #tpu.memory_space<vmem>>
        %dma_wait3A_319 = arith.constant 0 : i32
        %dma_wait3A_320 = arith.constant 0 : i32
        %dma_wait3A_321 = tpu.memref_slice %dma_wait3A_318[%dma_wait3A_319, %dma_wait3A_320] : memref<64x64xf32, #tpu.memory_space<vmem>> -> memref<64x64xf32, #tpu.memory_space<vmem>>
        %dma_wait3A_322 = arith.constant 0 : i32
        %dma_wait3A_323 = tpu.memref_slice %arg2[%add3A_32, %dma_wait3A_322] : memref<5120x64xf32, #tpu.memory_space<hbm>> -> memref<64x64xf32, #tpu.memory_space<hbm>>
        %dma_wait3A_324 = arith.constant 0 : i32
        %dma_wait3A_325 = arith.constant 0 : i32
        %dma_wait3A_326 = tpu.memref_slice %arg14[%run_scoped3A_295, %dma_wait3A_324, %dma_wait3A_325] : memref<7x64x64xf32, #tpu.memory_space<vmem>> -> memref<1x64x64xf32, #tpu.memory_space<vmem>>
        %dma_wait3A_327 = tpu.memref_squeeze %dma_wait3A_326 : memref<1x64x64xf32, #tpu.memory_space<vmem>> -> memref<64x64xf32, #tpu.memory_space<vmem>>
        %dma_wait3A_328 = arith.constant 0 : i32
        %dma_wait3A_329 = arith.constant 0 : i32
        %dma_wait3A_330 = tpu.memref_slice %dma_wait3A_327[%dma_wait3A_328, %dma_wait3A_329] : memref<64x64xf32, #tpu.memory_space<vmem>> -> memref<64x64xf32, #tpu.memory_space<vmem>>
        %dma_wait3A_331 = arith.constant 0 : i32
        %dma_wait3A_332 = tpu.memref_slice %arg2[%add3A_32, %dma_wait3A_331] : memref<5120x64xf32, #tpu.memory_space<hbm>> -> memref<64x64xf32, #tpu.memory_space<hbm>>
        tpu.wait_dma2 semaphore(%run_scoped3A_296 : memref<!tpu.dma_semaphore, #tpu.memory_space<semaphore_mem>>) src(%dma_wait3A_332 : memref<64x64xf32, #tpu.memory_space<hbm>>) dst(%dma_wait3A_330 : memref<64x64xf32, #tpu.memory_space<vmem>>)
        tpu.yield
      }) : () -> ()
    } else {
    }
    %eq3A_35 = arith.constant 1 : i32
    %eq3A_36 = arith.cmpi eq, %arg0, %eq3A_35 : i32
    %convert_element_type3A_37 = arith.extui %eq3A_36 : i1 to i32
    %cond3A_38 = arith.constant 0 : i32
    %cond3A_39 = arith.cmpi ne, %convert_element_type3A_37, %cond3A_38 : i32
    scf.if %cond3A_39 {
      %run_scoped3A_295 = arith.constant 0 : i32
      "tpu.region"() ({
        %run_scoped3A_296 = tpu.sem_alloc : memref<!tpu.dma_semaphore, #tpu.memory_space<semaphore_mem>>
        %dma_start3A_297 = arith.constant 0 : i32
        %dma_start3A_298 = arith.constant 0 : i32
        %dma_start3A_299 = tpu.memref_slice %arg14[%run_scoped3A_295, %dma_start3A_297, %dma_start3A_298] : memref<7x64x64xf32, #tpu.memory_space<vmem>> -> memref<1x64x64xf32, #tpu.memory_space<vmem>>
        %dma_start3A_300 = tpu.memref_squeeze %dma_start3A_299 : memref<1x64x64xf32, #tpu.memory_space<vmem>> -> memref<64x64xf32, #tpu.memory_space<vmem>>
        %dma_start3A_301 = arith.constant 0 : i32
        %dma_start3A_302 = arith.constant 0 : i32
        %dma_start3A_303 = tpu.memref_slice %dma_start3A_300[%dma_start3A_301, %dma_start3A_302] : memref<64x64xf32, #tpu.memory_space<vmem>> -> memref<64x64xf32, #tpu.memory_space<vmem>>
        %dma_start3A_304 = arith.constant 0 : i32
        %dma_start3A_305 = tpu.memref_slice %arg3[%add3A_32, %dma_start3A_304] : memref<5120x64xf32, #tpu.memory_space<hbm>> -> memref<64x64xf32, #tpu.memory_space<hbm>>
        %dma_start3A_306 = arith.constant 0 : i32
        %dma_start3A_307 = arith.constant 0 : i32
        %dma_start3A_308 = tpu.memref_slice %arg14[%run_scoped3A_295, %dma_start3A_306, %dma_start3A_307] : memref<7x64x64xf32, #tpu.memory_space<vmem>> -> memref<1x64x64xf32, #tpu.memory_space<vmem>>
        %dma_start3A_309 = tpu.memref_squeeze %dma_start3A_308 : memref<1x64x64xf32, #tpu.memory_space<vmem>> -> memref<64x64xf32, #tpu.memory_space<vmem>>
        %dma_start3A_310 = arith.constant 0 : i32
        %dma_start3A_311 = arith.constant 0 : i32
        %dma_start3A_312 = tpu.memref_slice %dma_start3A_309[%dma_start3A_310, %dma_start3A_311] : memref<64x64xf32, #tpu.memory_space<vmem>> -> memref<64x64xf32, #tpu.memory_space<vmem>>
        %dma_start3A_313 = arith.constant 0 : i32
        %dma_start3A_314 = tpu.memref_slice %arg3[%add3A_32, %dma_start3A_313] : memref<5120x64xf32, #tpu.memory_space<hbm>> -> memref<64x64xf32, #tpu.memory_space<hbm>>
        tpu.enqueue_dma source(%dma_start3A_314 : memref<64x64xf32, #tpu.memory_space<hbm>>) target(%dma_start3A_312 : memref<64x64xf32, #tpu.memory_space<vmem>>) target_semaphore(%run_scoped3A_296 : memref<!tpu.dma_semaphore, #tpu.memory_space<semaphore_mem>>)
        %dma_wait3A_315 = arith.constant 0 : i32
        %dma_wait3A_316 = arith.constant 0 : i32
        %dma_wait3A_317 = tpu.memref_slice %arg14[%run_scoped3A_295, %dma_wait3A_315, %dma_wait3A_316] : memref<7x64x64xf32, #tpu.memory_space<vmem>> -> memref<1x64x64xf32, #tpu.memory_space<vmem>>
        %dma_wait3A_318 = tpu.memref_squeeze %dma_wait3A_317 : memref<1x64x64xf32, #tpu.memory_space<vmem>> -> memref<64x64xf32, #tpu.memory_space<vmem>>
        %dma_wait3A_319 = arith.constant 0 : i32
        %dma_wait3A_320 = arith.constant 0 : i32
        %dma_wait3A_321 = tpu.memref_slice %dma_wait3A_318[%dma_wait3A_319, %dma_wait3A_320] : memref<64x64xf32, #tpu.memory_space<vmem>> -> memref<64x64xf32, #tpu.memory_space<vmem>>
        %dma_wait3A_322 = arith.constant 0 : i32
        %dma_wait3A_323 = tpu.memref_slice %arg3[%add3A_32, %dma_wait3A_322] : memref<5120x64xf32, #tpu.memory_space<hbm>> -> memref<64x64xf32, #tpu.memory_space<hbm>>
        %dma_wait3A_324 = arith.constant 0 : i32
        %dma_wait3A_325 = arith.constant 0 : i32
        %dma_wait3A_326 = tpu.memref_slice %arg14[%run_scoped3A_295, %dma_wait3A_324, %dma_wait3A_325] : memref<7x64x64xf32, #tpu.memory_space<vmem>> -> memref<1x64x64xf32, #tpu.memory_space<vmem>>
        %dma_wait3A_327 = tpu.memref_squeeze %dma_wait3A_326 : memref<1x64x64xf32, #tpu.memory_space<vmem>> -> memref<64x64xf32, #tpu.memory_space<vmem>>
        %dma_wait3A_328 = arith.constant 0 : i32
        %dma_wait3A_329 = arith.constant 0 : i32
        %dma_wait3A_330 = tpu.memref_slice %dma_wait3A_327[%dma_wait3A_328, %dma_wait3A_329] : memref<64x64xf32, #tpu.memory_space<vmem>> -> memref<64x64xf32, #tpu.memory_space<vmem>>
        %dma_wait3A_331 = arith.constant 0 : i32
        %dma_wait3A_332 = tpu.memref_slice %arg3[%add3A_32, %dma_wait3A_331] : memref<5120x64xf32, #tpu.memory_space<hbm>> -> memref<64x64xf32, #tpu.memory_space<hbm>>
        tpu.wait_dma2 semaphore(%run_scoped3A_296 : memref<!tpu.dma_semaphore, #tpu.memory_space<semaphore_mem>>) src(%dma_wait3A_332 : memref<64x64xf32, #tpu.memory_space<hbm>>) dst(%dma_wait3A_330 : memref<64x64xf32, #tpu.memory_space<vmem>>)
        tpu.yield
      }) : () -> ()
    } else {
    }
    %run_scoped3A = arith.constant 1 : i32
    "tpu.region"() ({
      %run_scoped3A_295 = tpu.sem_alloc : memref<!tpu.dma_semaphore, #tpu.memory_space<semaphore_mem>>
      %dma_start3A_296 = arith.constant 0 : i32
      %dma_start3A_297 = arith.constant 0 : i32
      %dma_start3A_298 = tpu.memref_slice %arg14[%run_scoped3A, %dma_start3A_296, %dma_start3A_297] : memref<7x64x64xf32, #tpu.memory_space<vmem>> -> memref<1x64x64xf32, #tpu.memory_space<vmem>>
      %dma_start3A_299 = tpu.memref_squeeze %dma_start3A_298 : memref<1x64x64xf32, #tpu.memory_space<vmem>> -> memref<64x64xf32, #tpu.memory_space<vmem>>
      %dma_start3A_300 = arith.constant 0 : i32
      %dma_start3A_301 = arith.constant 0 : i32
      %dma_start3A_302 = tpu.memref_slice %dma_start3A_299[%dma_start3A_300, %dma_start3A_301] : memref<64x64xf32, #tpu.memory_space<vmem>> -> memref<64x64xf32, #tpu.memory_space<vmem>>
      %dma_start3A_303 = arith.constant 0 : i32
      %dma_start3A_304 = tpu.memref_slice %arg4[%add3A_32, %dma_start3A_303] : memref<5120x64xf32, #tpu.memory_space<hbm>> -> memref<64x64xf32, #tpu.memory_space<hbm>>
      %dma_start3A_305 = arith.constant 0 : i32
      %dma_start3A_306 = arith.constant 0 : i32
      %dma_start3A_307 = tpu.memref_slice %arg14[%run_scoped3A, %dma_start3A_305, %dma_start3A_306] : memref<7x64x64xf32, #tpu.memory_space<vmem>> -> memref<1x64x64xf32, #tpu.memory_space<vmem>>
      %dma_start3A_308 = tpu.memref_squeeze %dma_start3A_307 : memref<1x64x64xf32, #tpu.memory_space<vmem>> -> memref<64x64xf32, #tpu.memory_space<vmem>>
      %dma_start3A_309 = arith.constant 0 : i32
      %dma_start3A_310 = arith.constant 0 : i32
      %dma_start3A_311 = tpu.memref_slice %dma_start3A_308[%dma_start3A_309, %dma_start3A_310] : memref<64x64xf32, #tpu.memory_space<vmem>> -> memref<64x64xf32, #tpu.memory_space<vmem>>
      %dma_start3A_312 = arith.constant 0 : i32
      %dma_start3A_313 = tpu.memref_slice %arg4[%add3A_32, %dma_start3A_312] : memref<5120x64xf32, #tpu.memory_space<hbm>> -> memref<64x64xf32, #tpu.memory_space<hbm>>
      tpu.enqueue_dma source(%dma_start3A_313 : memref<64x64xf32, #tpu.memory_space<hbm>>) target(%dma_start3A_311 : memref<64x64xf32, #tpu.memory_space<vmem>>) target_semaphore(%run_scoped3A_295 : memref<!tpu.dma_semaphore, #tpu.memory_space<semaphore_mem>>)
      %dma_wait3A_314 = arith.constant 0 : i32
      %dma_wait3A_315 = arith.constant 0 : i32
      %dma_wait3A_316 = tpu.memref_slice %arg14[%run_scoped3A, %dma_wait3A_314, %dma_wait3A_315] : memref<7x64x64xf32, #tpu.memory_space<vmem>> -> memref<1x64x64xf32, #tpu.memory_space<vmem>>
      %dma_wait3A_317 = tpu.memref_squeeze %dma_wait3A_316 : memref<1x64x64xf32, #tpu.memory_space<vmem>> -> memref<64x64xf32, #tpu.memory_space<vmem>>
      %dma_wait3A_318 = arith.constant 0 : i32
      %dma_wait3A_319 = arith.constant 0 : i32
      %dma_wait3A_320 = tpu.memref_slice %dma_wait3A_317[%dma_wait3A_318, %dma_wait3A_319] : memref<64x64xf32, #tpu.memory_space<vmem>> -> memref<64x64xf32, #tpu.memory_space<vmem>>
      %dma_wait3A_321 = arith.constant 0 : i32
      %dma_wait3A_322 = tpu.memref_slice %arg4[%add3A_32, %dma_wait3A_321] : memref<5120x64xf32, #tpu.memory_space<hbm>> -> memref<64x64xf32, #tpu.memory_space<hbm>>
      %dma_wait3A_323 = arith.constant 0 : i32
      %dma_wait3A_324 = arith.constant 0 : i32
      %dma_wait3A_325 = tpu.memref_slice %arg14[%run_scoped3A, %dma_wait3A_323, %dma_wait3A_324] : memref<7x64x64xf32, #tpu.memory_space<vmem>> -> memref<1x64x64xf32, #tpu.memory_space<vmem>>
      %dma_wait3A_326 = tpu.memref_squeeze %dma_wait3A_325 : memref<1x64x64xf32, #tpu.memory_space<vmem>> -> memref<64x64xf32, #tpu.memory_space<vmem>>
      %dma_wait3A_327 = arith.constant 0 : i32
      %dma_wait3A_328 = arith.constant 0 : i32
      %dma_wait3A_329 = tpu.memref_slice %dma_wait3A_326[%dma_wait3A_327, %dma_wait3A_328] : memref<64x64xf32, #tpu.memory_space<vmem>> -> memref<64x64xf32, #tpu.memory_space<vmem>>
      %dma_wait3A_330 = arith.constant 0 : i32
      %dma_wait3A_331 = tpu.memref_slice %arg4[%add3A_32, %dma_wait3A_330] : memref<5120x64xf32, #tpu.memory_space<hbm>> -> memref<64x64xf32, #tpu.memory_space<hbm>>
      tpu.wait_dma2 semaphore(%run_scoped3A_295 : memref<!tpu.dma_semaphore, #tpu.memory_space<semaphore_mem>>) src(%dma_wait3A_331 : memref<64x64xf32, #tpu.memory_space<hbm>>) dst(%dma_wait3A_329 : memref<64x64xf32, #tpu.memory_space<vmem>>)
      tpu.yield
    }) : () -> ()
    %scan3A = arith.constant 0 : i32
    %scan3A_40 = arith.constant 0 : i32
    %scan3A_41 = arith.constant 1 : i32
    %scan3A_42 = arith.constant 0 : i32
    %scan3A_43 = arith.constant 64 : i32
    %scan3A_44 = arith.addi %scan3A_42, %scan3A_43 : i32
    %scan3A_45 = arith.constant 1 : i32
    scf.for %scan3A_295 = %scan3A_42 to %scan3A_44 step %scan3A_45  : i32 {
      %get3A = arith.constant 0 : i32
      %get3A_296 = arith.constant 0 : i32
      %get3A_297 = tpu.memref_slice %arg14[%scan3A_40, %get3A, %get3A_296] : memref<7x64x64xf32, #tpu.memory_space<vmem>> -> memref<1x64x64xf32, #tpu.memory_space<vmem>>
      %get3A_298 = tpu.memref_squeeze %get3A_297 : memref<1x64x64xf32, #tpu.memory_space<vmem>> -> memref<64x64xf32, #tpu.memory_space<vmem>>
      %get3A_299 = arith.index_cast %scan3A_295 : i32 to index
      %get3A_300 = arith.constant 0 : index
      %get3A_301 = tpu.vector_load %get3A_298[%get3A_299, %get3A_300] {strides = array<i32>} : memref<64x64xf32, #tpu.memory_space<vmem>>, vector<1x16xf32>,
      %get3A_302 = vector.shape_cast %get3A_301 : vector<1x16xf32> to vector<16xf32>
      %get3A_303 = arith.constant 0 : i32
      %get3A_304 = arith.constant 0 : i32
      %get3A_305 = tpu.memref_slice %arg14[%scan3A_41, %get3A_303, %get3A_304] : memref<7x64x64xf32, #tpu.memory_space<vmem>> -> memref<1x64x64xf32, #tpu.memory_space<vmem>>
      %get3A_306 = tpu.memref_squeeze %get3A_305 : memref<1x64x64xf32, #tpu.memory_space<vmem>> -> memref<64x64xf32, #tpu.memory_space<vmem>>
      %get3A_307 = arith.index_cast %scan3A_295 : i32 to index
      %get3A_308 = arith.constant 0 : index
      %get3A_309 = tpu.vector_load %get3A_306[%get3A_307, %get3A_308] {strides = array<i32>} : memref<64x64xf32, #tpu.memory_space<vmem>>, vector<1x16xf32>,
      %get3A_310 = vector.shape_cast %get3A_309 : vector<1x16xf32> to vector<16xf32>
      %mul3A_311 = arith.mulf %get3A_302, %get3A_310 : vector<16xf32>
      %swap3A = arith.constant 0 : i32
      %swap3A_312 = arith.constant 0 : i32
      %swap3A_313 = tpu.memref_slice %arg14[%scan3A_40, %swap3A, %swap3A_312] : memref<7x64x64xf32, #tpu.memory_space<vmem>> -> memref<1x64x64xf32, #tpu.memory_space<vmem>>
      %swap3A_314 = tpu.memref_squeeze %swap3A_313 : memref<1x64x64xf32, #tpu.memory_space<vmem>> -> memref<64x64xf32, #tpu.memory_space<vmem>>
      %swap3A_315 = arith.index_cast %scan3A_295 : i32 to index
      %swap3A_316 = arith.constant 0 : index
      %swap3A_317 = tpu.vector_load %swap3A_314[%swap3A_315, %swap3A_316] {strides = array<i32>} : memref<64x64xf32, #tpu.memory_space<vmem>>, vector<1x16xf32>,
      %swap3A_318 = vector.shape_cast %swap3A_317 : vector<1x16xf32> to vector<16xf32>
      %swap3A_319 = vector.shape_cast %mul3A_311 : vector<16xf32> to vector<1x16xf32>
      tpu.vector_store %swap3A_314[%swap3A_315, %swap3A_316], %swap3A_319 {strides = array<i32>} : memref<64x64xf32, #tpu.memory_space<vmem>>, vector<1x16xf32>,
      %get3A_320 = arith.constant 0 : i32
      %get3A_321 = arith.constant 0 : i32
      %get3A_322 = tpu.memref_slice %arg14[%scan3A_40, %get3A_320, %get3A_321] : memref<7x64x64xf32, #tpu.memory_space<vmem>> -> memref<1x64x64xf32, #tpu.memory_space<vmem>>
      %get3A_323 = tpu.memref_squeeze %get3A_322 : memref<1x64x64xf32, #tpu.memory_space<vmem>> -> memref<64x64xf32, #tpu.memory_space<vmem>>
      %get3A_324 = arith.index_cast %scan3A_295 : i32 to index
      %get3A_325 = arith.constant 16 : index
      %get3A_326 = tpu.vector_load %get3A_323[%get3A_324, %get3A_325] {strides = array<i32>} : memref<64x64xf32, #tpu.memory_space<vmem>>, vector<1x16xf32>,
      %get3A_327 = vector.shape_cast %get3A_326 : vector<1x16xf32> to vector<16xf32>
      %get3A_328 = arith.constant 0 : i32
      %get3A_329 = arith.constant 0 : i32
      %get3A_330 = tpu.memref_slice %arg14[%scan3A_41, %get3A_328, %get3A_329] : memref<7x64x64xf32, #tpu.memory_space<vmem>> -> memref<1x64x64xf32, #tpu.memory_space<vmem>>
      %get3A_331 = tpu.memref_squeeze %get3A_330 : memref<1x64x64xf32, #tpu.memory_space<vmem>> -> memref<64x64xf32, #tpu.memory_space<vmem>>
      %get3A_332 = arith.index_cast %scan3A_295 : i32 to index
      %get3A_333 = arith.constant 16 : index
      %get3A_334 = tpu.vector_load %get3A_331[%get3A_332, %get3A_333] {strides = array<i32>} : memref<64x64xf32, #tpu.memory_space<vmem>>, vector<1x16xf32>,
      %get3A_335 = vector.shape_cast %get3A_334 : vector<1x16xf32> to vector<16xf32>
      %mul3A_336 = arith.mulf %get3A_327, %get3A_335 : vector<16xf32>
      %swap3A_337 = arith.constant 0 : i32
      %swap3A_338 = arith.constant 0 : i32
      %swap3A_339 = tpu.memref_slice %arg14[%scan3A_40, %swap3A_337, %swap3A_338] : memref<7x64x64xf32, #tpu.memory_space<vmem>> -> memref<1x64x64xf32, #tpu.memory_space<vmem>>
      %swap3A_340 = tpu.memref_squeeze %swap3A_339 : memref<1x64x64xf32, #tpu.memory_space<vmem>> -> memref<64x64xf32, #tpu.memory_space<vmem>>
      %swap3A_341 = arith.index_cast %scan3A_295 : i32 to index
      %swap3A_342 = arith.constant 16 : index
      %swap3A_343 = tpu.vector_load %swap3A_340[%swap3A_341, %swap3A_342] {strides = array<i32>} : memref<64x64xf32, #tpu.memory_space<vmem>>, vector<1x16xf32>,
      %swap3A_344 = vector.shape_cast %swap3A_343 : vector<1x16xf32> to vector<16xf32>
      %swap3A_345 = vector.shape_cast %mul3A_336 : vector<16xf32> to vector<1x16xf32>
      tpu.vector_store %swap3A_340[%swap3A_341, %swap3A_342], %swap3A_345 {strides = array<i32>} : memref<64x64xf32, #tpu.memory_space<vmem>>, vector<1x16xf32>,
      %get3A_346 = arith.constant 0 : i32
      %get3A_347 = arith.constant 0 : i32
      %get3A_348 = tpu.memref_slice %arg14[%scan3A_40, %get3A_346, %get3A_347] : memref<7x64x64xf32, #tpu.memory_space<vmem>> -> memref<1x64x64xf32, #tpu.memory_space<vmem>>
      %get3A_349 = tpu.memref_squeeze %get3A_348 : memref<1x64x64xf32, #tpu.memory_space<vmem>> -> memref<64x64xf32, #tpu.memory_space<vmem>>
      %get3A_350 = arith.index_cast %scan3A_295 : i32 to index
      %get3A_351 = arith.constant 32 : index
      %get3A_352 = tpu.vector_load %get3A_349[%get3A_350, %get3A_351] {strides = array<i32>} : memref<64x64xf32, #tpu.memory_space<vmem>>, vector<1x16xf32>,
      %get3A_353 = vector.shape_cast %get3A_352 : vector<1x16xf32> to vector<16xf32>
      %get3A_354 = arith.constant 0 : i32
      %get3A_355 = arith.constant 0 : i32
      %get3A_356 = tpu.memref_slice %arg14[%scan3A_41, %get3A_354, %get3A_355] : memref<7x64x64xf32, #tpu.memory_space<vmem>> -> memref<1x64x64xf32, #tpu.memory_space<vmem>>
      %get3A_357 = tpu.memref_squeeze %get3A_356 : memref<1x64x64xf32, #tpu.memory_space<vmem>> -> memref<64x64xf32, #tpu.memory_space<vmem>>
      %get3A_358 = arith.index_cast %scan3A_295 : i32 to index
      %get3A_359 = arith.constant 32 : index
      %get3A_360 = tpu.vector_load %get3A_357[%get3A_358, %get3A_359] {strides = array<i32>} : memref<64x64xf32, #tpu.memory_space<vmem>>, vector<1x16xf32>,
      %get3A_361 = vector.shape_cast %get3A_360 : vector<1x16xf32> to vector<16xf32>
      %mul3A_362 = arith.mulf %get3A_353, %get3A_361 : vector<16xf32>
      %swap3A_363 = arith.constant 0 : i32
      %swap3A_364 = arith.constant 0 : i32
      %swap3A_365 = tpu.memref_slice %arg14[%scan3A_40, %swap3A_363, %swap3A_364] : memref<7x64x64xf32, #tpu.memory_space<vmem>> -> memref<1x64x64xf32, #tpu.memory_space<vmem>>
      %swap3A_366 = tpu.memref_squeeze %swap3A_365 : memref<1x64x64xf32, #tpu.memory_space<vmem>> -> memref<64x64xf32, #tpu.memory_space<vmem>>
      %swap3A_367 = arith.index_cast %scan3A_295 : i32 to index
      %swap3A_368 = arith.constant 32 : index
      %swap3A_369 = tpu.vector_load %swap3A_366[%swap3A_367, %swap3A_368] {strides = array<i32>} : memref<64x64xf32, #tpu.memory_space<vmem>>, vector<1x16xf32>,
      %swap3A_370 = vector.shape_cast %swap3A_369 : vector<1x16xf32> to vector<16xf32>
      %swap3A_371 = vector.shape_cast %mul3A_362 : vector<16xf32> to vector<1x16xf32>
      tpu.vector_store %swap3A_366[%swap3A_367, %swap3A_368], %swap3A_371 {strides = array<i32>} : memref<64x64xf32, #tpu.memory_space<vmem>>, vector<1x16xf32>,
      %get3A_372 = arith.constant 0 : i32
      %get3A_373 = arith.constant 0 : i32
      %get3A_374 = tpu.memref_slice %arg14[%scan3A_40, %get3A_372, %get3A_373] : memref<7x64x64xf32, #tpu.memory_space<vmem>> -> memref<1x64x64xf32, #tpu.memory_space<vmem>>
      %get3A_375 = tpu.memref_squeeze %get3A_374 : memref<1x64x64xf32, #tpu.memory_space<vmem>> -> memref<64x64xf32, #tpu.memory_space<vmem>>
      %get3A_376 = arith.index_cast %scan3A_295 : i32 to index
      %get3A_377 = arith.constant 48 : index
      %get3A_378 = tpu.vector_load %get3A_375[%get3A_376, %get3A_377] {strides = array<i32>} : memref<64x64xf32, #tpu.memory_space<vmem>>, vector<1x16xf32>,
      %get3A_379 = vector.shape_cast %get3A_378 : vector<1x16xf32> to vector<16xf32>
      %get3A_380 = arith.constant 0 : i32
      %get3A_381 = arith.constant 0 : i32
      %get3A_382 = tpu.memref_slice %arg14[%scan3A_41, %get3A_380, %get3A_381] : memref<7x64x64xf32, #tpu.memory_space<vmem>> -> memref<1x64x64xf32, #tpu.memory_space<vmem>>
      %get3A_383 = tpu.memref_squeeze %get3A_382 : memref<1x64x64xf32, #tpu.memory_space<vmem>> -> memref<64x64xf32, #tpu.memory_space<vmem>>
      %get3A_384 = arith.index_cast %scan3A_295 : i32 to index
      %get3A_385 = arith.constant 48 : index
      %get3A_386 = tpu.vector_load %get3A_383[%get3A_384, %get3A_385] {strides = array<i32>} : memref<64x64xf32, #tpu.memory_space<vmem>>, vector<1x16xf32>,
      %get3A_387 = vector.shape_cast %get3A_386 : vector<1x16xf32> to vector<16xf32>
      %mul3A_388 = arith.mulf %get3A_379, %get3A_387 : vector<16xf32>
      %swap3A_389 = arith.constant 0 : i32
      %swap3A_390 = arith.constant 0 : i32
      %swap3A_391 = tpu.memref_slice %arg14[%scan3A_40, %swap3A_389, %swap3A_390] : memref<7x64x64xf32, #tpu.memory_space<vmem>> -> memref<1x64x64xf32, #tpu.memory_space<vmem>>
      %swap3A_392 = tpu.memref_squeeze %swap3A_391 : memref<1x64x64xf32, #tpu.memory_space<vmem>> -> memref<64x64xf32, #tpu.memory_space<vmem>>
      %swap3A_393 = arith.index_cast %scan3A_295 : i32 to index
      %swap3A_394 = arith.constant 48 : index
      %swap3A_395 = tpu.vector_load %swap3A_392[%swap3A_393, %swap3A_394] {strides = array<i32>} : memref<64x64xf32, #tpu.memory_space<vmem>>, vector<1x16xf32>,
      %swap3A_396 = vector.shape_cast %swap3A_395 : vector<1x16xf32> to vector<16xf32>
      %swap3A_397 = vector.shape_cast %mul3A_388 : vector<16xf32> to vector<1x16xf32>
      tpu.vector_store %swap3A_392[%swap3A_393, %swap3A_394], %swap3A_397 {strides = array<i32>} : memref<64x64xf32, #tpu.memory_space<vmem>>, vector<1x16xf32>,
    }
    %scan3A_46 = arith.constant 64 : i32
    %run_scoped3A_47 = arith.constant 0 : i32
    "tpu.region"() ({
      %run_scoped3A_295 = tpu.sem_alloc : memref<!tpu.dma_semaphore, #tpu.memory_space<semaphore_mem>>
      %dma_start3A_296 = arith.constant 0 : i32
      %dma_start3A_297 = arith.constant 0 : i32
      %dma_start3A_298 = tpu.memref_slice %arg14[%run_scoped3A_47, %dma_start3A_296, %dma_start3A_297] : memref<7x64x64xf32, #tpu.memory_space<vmem>> -> memref<1x64x64xf32, #tpu.memory_space<vmem>>
      %dma_start3A_299 = tpu.memref_squeeze %dma_start3A_298 : memref<1x64x64xf32, #tpu.memory_space<vmem>> -> memref<64x64xf32, #tpu.memory_space<vmem>>
      %dma_start3A_300 = arith.constant 0 : i32
      %dma_start3A_301 = arith.constant 0 : i32
      %dma_start3A_302 = tpu.memref_slice %dma_start3A_299[%dma_start3A_300, %dma_start3A_301] : memref<64x64xf32, #tpu.memory_space<vmem>> -> memref<64x64xf32, #tpu.memory_space<vmem>>
      %dma_start3A_303 = arith.constant 0 : i32
      %dma_start3A_304 = tpu.memref_slice %arg11[%add3A_32, %dma_start3A_303] : memref<5120x64xf32, #tpu.memory_space<vmem_shared>> -> memref<64x64xf32, #tpu.memory_space<vmem_shared>>
      %dma_start3A_305 = arith.constant 0 : i32
      %dma_start3A_306 = tpu.memref_slice %arg11[%add3A_32, %dma_start3A_305] : memref<5120x64xf32, #tpu.memory_space<vmem_shared>> -> memref<64x64xf32, #tpu.memory_space<vmem_shared>>
      %dma_start3A_307 = arith.constant 0 : i32
      %dma_start3A_308 = arith.constant 0 : i32
      %dma_start3A_309 = tpu.memref_slice %arg14[%run_scoped3A_47, %dma_start3A_307, %dma_start3A_308] : memref<7x64x64xf32, #tpu.memory_space<vmem>> -> memref<1x64x64xf32, #tpu.memory_space<vmem>>
      %dma_start3A_310 = tpu.memref_squeeze %dma_start3A_309 : memref<1x64x64xf32, #tpu.memory_space<vmem>> -> memref<64x64xf32, #tpu.memory_space<vmem>>
      %dma_start3A_311 = arith.constant 0 : i32
      %dma_start3A_312 = arith.constant 0 : i32
      %dma_start3A_313 = tpu.memref_slice %dma_start3A_310[%dma_start3A_311, %dma_start3A_312] : memref<64x64xf32, #tpu.memory_space<vmem>> -> memref<64x64xf32, #tpu.memory_space<vmem>>
      tpu.enqueue_dma source(%dma_start3A_313 : memref<64x64xf32, #tpu.memory_space<vmem>>) target(%dma_start3A_306 : memref<64x64xf32, #tpu.memory_space<vmem_shared>>) target_semaphore(%run_scoped3A_295 : memref<!tpu.dma_semaphore, #tpu.memory_space<semaphore_mem>>)
      %dma_wait3A_314 = arith.constant 0 : i32
      %dma_wait3A_315 = arith.constant 0 : i32
      %dma_wait3A_316 = tpu.memref_slice %arg14[%run_scoped3A_47, %dma_wait3A_314, %dma_wait3A_315] : memref<7x64x64xf32, #tpu.memory_space<vmem>> -> memref<1x64x64xf32, #tpu.memory_space<vmem>>
      %dma_wait3A_317 = tpu.memref_squeeze %dma_wait3A_316 : memref<1x64x64xf32, #tpu.memory_space<vmem>> -> memref<64x64xf32, #tpu.memory_space<vmem>>
      %dma_wait3A_318 = arith.constant 0 : i32
      %dma_wait3A_319 = arith.constant 0 : i32
      %dma_wait3A_320 = tpu.memref_slice %dma_wait3A_317[%dma_wait3A_318, %dma_wait3A_319] : memref<64x64xf32, #tpu.memory_space<vmem>> -> memref<64x64xf32, #tpu.memory_space<vmem>>
      %dma_wait3A_321 = arith.constant 0 : i32
      %dma_wait3A_322 = tpu.memref_slice %arg11[%add3A_32, %dma_wait3A_321] : memref<5120x64xf32, #tpu.memory_space<vmem_shared>> -> memref<64x64xf32, #tpu.memory_space<vmem_shared>>
      %dma_wait3A_323 = arith.constant 0 : i32
      %dma_wait3A_324 = tpu.memref_slice %arg11[%add3A_32, %dma_wait3A_323] : memref<5120x64xf32, #tpu.memory_space<vmem_shared>> -> memref<64x64xf32, #tpu.memory_space<vmem_shared>>
      %dma_wait3A_325 = arith.constant 0 : i32
      %dma_wait3A_326 = arith.constant 0 : i32
      %dma_wait3A_327 = tpu.memref_slice %arg14[%run_scoped3A_47, %dma_wait3A_325, %dma_wait3A_326] : memref<7x64x64xf32, #tpu.memory_space<vmem>> -> memref<1x64x64xf32, #tpu.memory_space<vmem>>
      %dma_wait3A_328 = tpu.memref_squeeze %dma_wait3A_327 : memref<1x64x64xf32, #tpu.memory_space<vmem>> -> memref<64x64xf32, #tpu.memory_space<vmem>>
      %dma_wait3A_329 = arith.constant 0 : i32
      %dma_wait3A_330 = arith.constant 0 : i32
      %dma_wait3A_331 = tpu.memref_slice %dma_wait3A_328[%dma_wait3A_329, %dma_wait3A_330] : memref<64x64xf32, #tpu.memory_space<vmem>> -> memref<64x64xf32, #tpu.memory_space<vmem>>
      tpu.wait_dma2 semaphore(%run_scoped3A_295 : memref<!tpu.dma_semaphore, #tpu.memory_space<semaphore_mem>>) src(%dma_wait3A_331 : memref<64x64xf32, #tpu.memory_space<vmem>>) dst(%dma_wait3A_324 : memref<64x64xf32, #tpu.memory_space<vmem_shared>>)
      tpu.yield
    }) : () -> ()
    %mul3A_48 = arith.constant 320 : i32
    %mul3A_49 = arith.muli %arg1, %mul3A_48 : i32
    %add3A_50 = arith.constant 64 : i32
    %add3A_51 = arith.addi %mul3A_49, %add3A_50 : i32
    %eq3A_52 = arith.constant 0 : i32
    %eq3A_53 = arith.cmpi eq, %arg0, %eq3A_52 : i32
    %convert_element_type3A_54 = arith.extui %eq3A_53 : i1 to i32
    %cond3A_55 = arith.constant 0 : i32
    %cond3A_56 = arith.cmpi ne, %convert_element_type3A_54, %cond3A_55 : i32
    scf.if %cond3A_56 {
      %run_scoped3A_295 = arith.constant 0 : i32
      "tpu.region"() ({
        %run_scoped3A_296 = tpu.sem_alloc : memref<!tpu.dma_semaphore, #tpu.memory_space<semaphore_mem>>
        %dma_start3A_297 = arith.constant 0 : i32
        %dma_start3A_298 = arith.constant 0 : i32
        %dma_start3A_299 = tpu.memref_slice %arg14[%run_scoped3A_295, %dma_start3A_297, %dma_start3A_298] : memref<7x64x64xf32, #tpu.memory_space<vmem>> -> memref<1x64x64xf32, #tpu.memory_space<vmem>>
        %dma_start3A_300 = tpu.memref_squeeze %dma_start3A_299 : memref<1x64x64xf32, #tpu.memory_space<vmem>> -> memref<64x64xf32, #tpu.memory_space<vmem>>
        %dma_start3A_301 = arith.constant 0 : i32
        %dma_start3A_302 = arith.constant 0 : i32
        %dma_start3A_303 = tpu.memref_slice %dma_start3A_300[%dma_start3A_301, %dma_start3A_302] : memref<64x64xf32, #tpu.memory_space<vmem>> -> memref<64x64xf32, #tpu.memory_space<vmem>>
        %dma_start3A_304 = arith.constant 0 : i32
        %dma_start3A_305 = tpu.memref_slice %arg2[%add3A_51, %dma_start3A_304] : memref<5120x64xf32, #tpu.memory_space<hbm>> -> memref<64x64xf32, #tpu.memory_space<hbm>>
        %dma_start3A_306 = arith.constant 0 : i32
        %dma_start3A_307 = arith.constant 0 : i32
        %dma_start3A_308 = tpu.memref_slice %arg14[%run_scoped3A_295, %dma_start3A_306, %dma_start3A_307] : memref<7x64x64xf32, #tpu.memory_space<vmem>> -> memref<1x64x64xf32, #tpu.memory_space<vmem>>
        %dma_start3A_309 = tpu.memref_squeeze %dma_start3A_308 : memref<1x64x64xf32, #tpu.memory_space<vmem>> -> memref<64x64xf32, #tpu.memory_space<vmem>>
        %dma_start3A_310 = arith.constant 0 : i32
        %dma_start3A_311 = arith.constant 0 : i32
        %dma_start3A_312 = tpu.memref_slice %dma_start3A_309[%dma_start3A_310, %dma_start3A_311] : memref<64x64xf32, #tpu.memory_space<vmem>> -> memref<64x64xf32, #tpu.memory_space<vmem>>
        %dma_start3A_313 = arith.constant 0 : i32
        %dma_start3A_314 = tpu.memref_slice %arg2[%add3A_51, %dma_start3A_313] : memref<5120x64xf32, #tpu.memory_space<hbm>> -> memref<64x64xf32, #tpu.memory_space<hbm>>
        tpu.enqueue_dma source(%dma_start3A_314 : memref<64x64xf32, #tpu.memory_space<hbm>>) target(%dma_start3A_312 : memref<64x64xf32, #tpu.memory_space<vmem>>) target_semaphore(%run_scoped3A_296 : memref<!tpu.dma_semaphore, #tpu.memory_space<semaphore_mem>>)
        %dma_wait3A_315 = arith.constant 0 : i32
        %dma_wait3A_316 = arith.constant 0 : i32
        %dma_wait3A_317 = tpu.memref_slice %arg14[%run_scoped3A_295, %dma_wait3A_315, %dma_wait3A_316] : memref<7x64x64xf32, #tpu.memory_space<vmem>> -> memref<1x64x64xf32, #tpu.memory_space<vmem>>
        %dma_wait3A_318 = tpu.memref_squeeze %dma_wait3A_317 : memref<1x64x64xf32, #tpu.memory_space<vmem>> -> memref<64x64xf32, #tpu.memory_space<vmem>>
        %dma_wait3A_319 = arith.constant 0 : i32
        %dma_wait3A_320 = arith.constant 0 : i32
        %dma_wait3A_321 = tpu.memref_slice %dma_wait3A_318[%dma_wait3A_319, %dma_wait3A_320] : memref<64x64xf32, #tpu.memory_space<vmem>> -> memref<64x64xf32, #tpu.memory_space<vmem>>
        %dma_wait3A_322 = arith.constant 0 : i32
        %dma_wait3A_323 = tpu.memref_slice %arg2[%add3A_51, %dma_wait3A_322] : memref<5120x64xf32, #tpu.memory_space<hbm>> -> memref<64x64xf32, #tpu.memory_space<hbm>>
        %dma_wait3A_324 = arith.constant 0 : i32
        %dma_wait3A_325 = arith.constant 0 : i32
        %dma_wait3A_326 = tpu.memref_slice %arg14[%run_scoped3A_295, %dma_wait3A_324, %dma_wait3A_325] : memref<7x64x64xf32, #tpu.memory_space<vmem>> -> memref<1x64x64xf32, #tpu.memory_space<vmem>>
        %dma_wait3A_327 = tpu.memref_squeeze %dma_wait3A_326 : memref<1x64x64xf32, #tpu.memory_space<vmem>> -> memref<64x64xf32, #tpu.memory_space<vmem>>
        %dma_wait3A_328 = arith.constant 0 : i32
        %dma_wait3A_329 = arith.constant 0 : i32
        %dma_wait3A_330 = tpu.memref_slice %dma_wait3A_327[%dma_wait3A_328, %dma_wait3A_329] : memref<64x64xf32, #tpu.memory_space<vmem>> -> memref<64x64xf32, #tpu.memory_space<vmem>>
        %dma_wait3A_331 = arith.constant 0 : i32
        %dma_wait3A_332 = tpu.memref_slice %arg2[%add3A_51, %dma_wait3A_331] : memref<5120x64xf32, #tpu.memory_space<hbm>> -> memref<64x64xf32, #tpu.memory_space<hbm>>
        tpu.wait_dma2 semaphore(%run_scoped3A_296 : memref<!tpu.dma_semaphore, #tpu.memory_space<semaphore_mem>>) src(%dma_wait3A_332 : memref<64x64xf32, #tpu.memory_space<hbm>>) dst(%dma_wait3A_330 : memref<64x64xf32, #tpu.memory_space<vmem>>)
        tpu.yield
      }) : () -> ()
    } else {
    }
    %eq3A_57 = arith.constant 1 : i32
    %eq3A_58 = arith.cmpi eq, %arg0, %eq3A_57 : i32
    %convert_element_type3A_59 = arith.extui %eq3A_58 : i1 to i32
    %cond3A_60 = arith.constant 0 : i32
    %cond3A_61 = arith.cmpi ne, %convert_element_type3A_59, %cond3A_60 : i32
    scf.if %cond3A_61 {
      %run_scoped3A_295 = arith.constant 0 : i32
      "tpu.region"() ({
        %run_scoped3A_296 = tpu.sem_alloc : memref<!tpu.dma_semaphore, #tpu.memory_space<semaphore_mem>>
        %dma_start3A_297 = arith.constant 0 : i32
        %dma_start3A_298 = arith.constant 0 : i32
        %dma_start3A_299 = tpu.memref_slice %arg14[%run_scoped3A_295, %dma_start3A_297, %dma_start3A_298] : memref<7x64x64xf32, #tpu.memory_space<vmem>> -> memref<1x64x64xf32, #tpu.memory_space<vmem>>
        %dma_start3A_300 = tpu.memref_squeeze %dma_start3A_299 : memref<1x64x64xf32, #tpu.memory_space<vmem>> -> memref<64x64xf32, #tpu.memory_space<vmem>>
        %dma_start3A_301 = arith.constant 0 : i32
        %dma_start3A_302 = arith.constant 0 : i32
        %dma_start3A_303 = tpu.memref_slice %dma_start3A_300[%dma_start3A_301, %dma_start3A_302] : memref<64x64xf32, #tpu.memory_space<vmem>> -> memref<64x64xf32, #tpu.memory_space<vmem>>
        %dma_start3A_304 = arith.constant 0 : i32
        %dma_start3A_305 = tpu.memref_slice %arg3[%add3A_51, %dma_start3A_304] : memref<5120x64xf32, #tpu.memory_space<hbm>> -> memref<64x64xf32, #tpu.memory_space<hbm>>
        %dma_start3A_306 = arith.constant 0 : i32
        %dma_start3A_307 = arith.constant 0 : i32
        %dma_start3A_308 = tpu.memref_slice %arg14[%run_scoped3A_295, %dma_start3A_306, %dma_start3A_307] : memref<7x64x64xf32, #tpu.memory_space<vmem>> -> memref<1x64x64xf32, #tpu.memory_space<vmem>>
        %dma_start3A_309 = tpu.memref_squeeze %dma_start3A_308 : memref<1x64x64xf32, #tpu.memory_space<vmem>> -> memref<64x64xf32, #tpu.memory_space<vmem>>
        %dma_start3A_310 = arith.constant 0 : i32
        %dma_start3A_311 = arith.constant 0 : i32
        %dma_start3A_312 = tpu.memref_slice %dma_start3A_309[%dma_start3A_310, %dma_start3A_311] : memref<64x64xf32, #tpu.memory_space<vmem>> -> memref<64x64xf32, #tpu.memory_space<vmem>>
        %dma_start3A_313 = arith.constant 0 : i32
        %dma_start3A_314 = tpu.memref_slice %arg3[%add3A_51, %dma_start3A_313] : memref<5120x64xf32, #tpu.memory_space<hbm>> -> memref<64x64xf32, #tpu.memory_space<hbm>>
        tpu.enqueue_dma source(%dma_start3A_314 : memref<64x64xf32, #tpu.memory_space<hbm>>) target(%dma_start3A_312 : memref<64x64xf32, #tpu.memory_space<vmem>>) target_semaphore(%run_scoped3A_296 : memref<!tpu.dma_semaphore, #tpu.memory_space<semaphore_mem>>)
        %dma_wait3A_315 = arith.constant 0 : i32
        %dma_wait3A_316 = arith.constant 0 : i32
        %dma_wait3A_317 = tpu.memref_slice %arg14[%run_scoped3A_295, %dma_wait3A_315, %dma_wait3A_316] : memref<7x64x64xf32, #tpu.memory_space<vmem>> -> memref<1x64x64xf32, #tpu.memory_space<vmem>>
        %dma_wait3A_318 = tpu.memref_squeeze %dma_wait3A_317 : memref<1x64x64xf32, #tpu.memory_space<vmem>> -> memref<64x64xf32, #tpu.memory_space<vmem>>
        %dma_wait3A_319 = arith.constant 0 : i32
        %dma_wait3A_320 = arith.constant 0 : i32
        %dma_wait3A_321 = tpu.memref_slice %dma_wait3A_318[%dma_wait3A_319, %dma_wait3A_320] : memref<64x64xf32, #tpu.memory_space<vmem>> -> memref<64x64xf32, #tpu.memory_space<vmem>>
        %dma_wait3A_322 = arith.constant 0 : i32
        %dma_wait3A_323 = tpu.memref_slice %arg3[%add3A_51, %dma_wait3A_322] : memref<5120x64xf32, #tpu.memory_space<hbm>> -> memref<64x64xf32, #tpu.memory_space<hbm>>
        %dma_wait3A_324 = arith.constant 0 : i32
        %dma_wait3A_325 = arith.constant 0 : i32
        %dma_wait3A_326 = tpu.memref_slice %arg14[%run_scoped3A_295, %dma_wait3A_324, %dma_wait3A_325] : memref<7x64x64xf32, #tpu.memory_space<vmem>> -> memref<1x64x64xf32, #tpu.memory_space<vmem>>
        %dma_wait3A_327 = tpu.memref_squeeze %dma_wait3A_326 : memref<1x64x64xf32, #tpu.memory_space<vmem>> -> memref<64x64xf32, #tpu.memory_space<vmem>>
        %dma_wait3A_328 = arith.constant 0 : i32
        %dma_wait3A_329 = arith.constant 0 : i32
        %dma_wait3A_330 = tpu.memref_slice %dma_wait3A_327[%dma_wait3A_328, %dma_wait3A_329] : memref<64x64xf32, #tpu.memory_space<vmem>> -> memref<64x64xf32, #tpu.memory_space<vmem>>
        %dma_wait3A_331 = arith.constant 0 : i32
        %dma_wait3A_332 = tpu.memref_slice %arg3[%add3A_51, %dma_wait3A_331] : memref<5120x64xf32, #tpu.memory_space<hbm>> -> memref<64x64xf32, #tpu.memory_space<hbm>>
        tpu.wait_dma2 semaphore(%run_scoped3A_296 : memref<!tpu.dma_semaphore, #tpu.memory_space<semaphore_mem>>) src(%dma_wait3A_332 : memref<64x64xf32, #tpu.memory_space<hbm>>) dst(%dma_wait3A_330 : memref<64x64xf32, #tpu.memory_space<vmem>>)
        tpu.yield
      }) : () -> ()
    } else {
    }
    %run_scoped3A_62 = arith.constant 1 : i32
    "tpu.region"() ({
      %run_scoped3A_295 = tpu.sem_alloc : memref<!tpu.dma_semaphore, #tpu.memory_space<semaphore_mem>>
      %dma_start3A_296 = arith.constant 0 : i32
      %dma_start3A_297 = arith.constant 0 : i32
      %dma_start3A_298 = tpu.memref_slice %arg14[%run_scoped3A_62, %dma_start3A_296, %dma_start3A_297] : memref<7x64x64xf32, #tpu.memory_space<vmem>> -> memref<1x64x64xf32, #tpu.memory_space<vmem>>
      %dma_start3A_299 = tpu.memref_squeeze %dma_start3A_298 : memref<1x64x64xf32, #tpu.memory_space<vmem>> -> memref<64x64xf32, #tpu.memory_space<vmem>>
      %dma_start3A_300 = arith.constant 0 : i32
      %dma_start3A_301 = arith.constant 0 : i32
      %dma_start3A_302 = tpu.memref_slice %dma_start3A_299[%dma_start3A_300, %dma_start3A_301] : memref<64x64xf32, #tpu.memory_space<vmem>> -> memref<64x64xf32, #tpu.memory_space<vmem>>
      %dma_start3A_303 = arith.constant 0 : i32
      %dma_start3A_304 = tpu.memref_slice %arg4[%add3A_51, %dma_start3A_303] : memref<5120x64xf32, #tpu.memory_space<hbm>> -> memref<64x64xf32, #tpu.memory_space<hbm>>
      %dma_start3A_305 = arith.constant 0 : i32
      %dma_start3A_306 = arith.constant 0 : i32
      %dma_start3A_307 = tpu.memref_slice %arg14[%run_scoped3A_62, %dma_start3A_305, %dma_start3A_306] : memref<7x64x64xf32, #tpu.memory_space<vmem>> -> memref<1x64x64xf32, #tpu.memory_space<vmem>>
      %dma_start3A_308 = tpu.memref_squeeze %dma_start3A_307 : memref<1x64x64xf32, #tpu.memory_space<vmem>> -> memref<64x64xf32, #tpu.memory_space<vmem>>
      %dma_start3A_309 = arith.constant 0 : i32
      %dma_start3A_310 = arith.constant 0 : i32
      %dma_start3A_311 = tpu.memref_slice %dma_start3A_308[%dma_start3A_309, %dma_start3A_310] : memref<64x64xf32, #tpu.memory_space<vmem>> -> memref<64x64xf32, #tpu.memory_space<vmem>>
      %dma_start3A_312 = arith.constant 0 : i32
      %dma_start3A_313 = tpu.memref_slice %arg4[%add3A_51, %dma_start3A_312] : memref<5120x64xf32, #tpu.memory_space<hbm>> -> memref<64x64xf32, #tpu.memory_space<hbm>>
      tpu.enqueue_dma source(%dma_start3A_313 : memref<64x64xf32, #tpu.memory_space<hbm>>) target(%dma_start3A_311 : memref<64x64xf32, #tpu.memory_space<vmem>>) target_semaphore(%run_scoped3A_295 : memref<!tpu.dma_semaphore, #tpu.memory_space<semaphore_mem>>)
      %dma_wait3A_314 = arith.constant 0 : i32
      %dma_wait3A_315 = arith.constant 0 : i32
      %dma_wait3A_316 = tpu.memref_slice %arg14[%run_scoped3A_62, %dma_wait3A_314, %dma_wait3A_315] : memref<7x64x64xf32, #tpu.memory_space<vmem>> -> memref<1x64x64xf32, #tpu.memory_space<vmem>>
      %dma_wait3A_317 = tpu.memref_squeeze %dma_wait3A_316 : memref<1x64x64xf32, #tpu.memory_space<vmem>> -> memref<64x64xf32, #tpu.memory_space<vmem>>
      %dma_wait3A_318 = arith.constant 0 : i32
      %dma_wait3A_319 = arith.constant 0 : i32
      %dma_wait3A_320 = tpu.memref_slice %dma_wait3A_317[%dma_wait3A_318, %dma_wait3A_319] : memref<64x64xf32, #tpu.memory_space<vmem>> -> memref<64x64xf32, #tpu.memory_space<vmem>>
      %dma_wait3A_321 = arith.constant 0 : i32
      %dma_wait3A_322 = tpu.memref_slice %arg4[%add3A_51, %dma_wait3A_321] : memref<5120x64xf32, #tpu.memory_space<hbm>> -> memref<64x64xf32, #tpu.memory_space<hbm>>
      %dma_wait3A_323 = arith.constant 0 : i32
      %dma_wait3A_324 = arith.constant 0 : i32
      %dma_wait3A_325 = tpu.memref_slice %arg14[%run_scoped3A_62, %dma_wait3A_323, %dma_wait3A_324] : memref<7x64x64xf32, #tpu.memory_space<vmem>> -> memref<1x64x64xf32, #tpu.memory_space<vmem>>
      %dma_wait3A_326 = tpu.memref_squeeze %dma_wait3A_325 : memref<1x64x64xf32, #tpu.memory_space<vmem>> -> memref<64x64xf32, #tpu.memory_space<vmem>>
      %dma_wait3A_327 = arith.constant 0 : i32
      %dma_wait3A_328 = arith.constant 0 : i32
      %dma_wait3A_329 = tpu.memref_slice %dma_wait3A_326[%dma_wait3A_327, %dma_wait3A_328] : memref<64x64xf32, #tpu.memory_space<vmem>> -> memref<64x64xf32, #tpu.memory_space<vmem>>
      %dma_wait3A_330 = arith.constant 0 : i32
      %dma_wait3A_331 = tpu.memref_slice %arg4[%add3A_51, %dma_wait3A_330] : memref<5120x64xf32, #tpu.memory_space<hbm>> -> memref<64x64xf32, #tpu.memory_space<hbm>>
      tpu.wait_dma2 semaphore(%run_scoped3A_295 : memref<!tpu.dma_semaphore, #tpu.memory_space<semaphore_mem>>) src(%dma_wait3A_331 : memref<64x64xf32, #tpu.memory_space<hbm>>) dst(%dma_wait3A_329 : memref<64x64xf32, #tpu.memory_space<vmem>>)
      tpu.yield
    }) : () -> ()
    %scan3A_63 = arith.constant 0 : i32
    %scan3A_64 = arith.constant 0 : i32
    %scan3A_65 = arith.constant 1 : i32
    %scan3A_66 = arith.constant 0 : i32
    %scan3A_67 = arith.constant 64 : i32
    %scan3A_68 = arith.addi %scan3A_66, %scan3A_67 : i32
    %scan3A_69 = arith.constant 1 : i32
    scf.for %scan3A_295 = %scan3A_66 to %scan3A_68 step %scan3A_69  : i32 {
      %get3A = arith.constant 0 : i32
      %get3A_296 = arith.constant 0 : i32
      %get3A_297 = tpu.memref_slice %arg14[%scan3A_64, %get3A, %get3A_296] : memref<7x64x64xf32, #tpu.memory_space<vmem>> -> memref<1x64x64xf32, #tpu.memory_space<vmem>>
      %get3A_298 = tpu.memref_squeeze %get3A_297 : memref<1x64x64xf32, #tpu.memory_space<vmem>> -> memref<64x64xf32, #tpu.memory_space<vmem>>
      %get3A_299 = arith.index_cast %scan3A_295 : i32 to index
      %get3A_300 = arith.constant 0 : index
      %get3A_301 = tpu.vector_load %get3A_298[%get3A_299, %get3A_300] {strides = array<i32>} : memref<64x64xf32, #tpu.memory_space<vmem>>, vector<1x16xf32>,
      %get3A_302 = vector.shape_cast %get3A_301 : vector<1x16xf32> to vector<16xf32>
      %get3A_303 = arith.constant 0 : i32
      %get3A_304 = arith.constant 0 : i32
      %get3A_305 = tpu.memref_slice %arg14[%scan3A_65, %get3A_303, %get3A_304] : memref<7x64x64xf32, #tpu.memory_space<vmem>> -> memref<1x64x64xf32, #tpu.memory_space<vmem>>
      %get3A_306 = tpu.memref_squeeze %get3A_305 : memref<1x64x64xf32, #tpu.memory_space<vmem>> -> memref<64x64xf32, #tpu.memory_space<vmem>>
      %get3A_307 = arith.index_cast %scan3A_295 : i32 to index
      %get3A_308 = arith.constant 0 : index
      %get3A_309 = tpu.vector_load %get3A_306[%get3A_307, %get3A_308] {strides = array<i32>} : memref<64x64xf32, #tpu.memory_space<vmem>>, vector<1x16xf32>,
      %get3A_310 = vector.shape_cast %get3A_309 : vector<1x16xf32> to vector<16xf32>
      %mul3A_311 = arith.mulf %get3A_302, %get3A_310 : vector<16xf32>
      %swap3A = arith.constant 0 : i32
      %swap3A_312 = arith.constant 0 : i32
      %swap3A_313 = tpu.memref_slice %arg14[%scan3A_64, %swap3A, %swap3A_312] : memref<7x64x64xf32, #tpu.memory_space<vmem>> -> memref<1x64x64xf32, #tpu.memory_space<vmem>>
      %swap3A_314 = tpu.memref_squeeze %swap3A_313 : memref<1x64x64xf32, #tpu.memory_space<vmem>> -> memref<64x64xf32, #tpu.memory_space<vmem>>
      %swap3A_315 = arith.index_cast %scan3A_295 : i32 to index
      %swap3A_316 = arith.constant 0 : index
      %swap3A_317 = tpu.vector_load %swap3A_314[%swap3A_315, %swap3A_316] {strides = array<i32>} : memref<64x64xf32, #tpu.memory_space<vmem>>, vector<1x16xf32>,
      %swap3A_318 = vector.shape_cast %swap3A_317 : vector<1x16xf32> to vector<16xf32>
      %swap3A_319 = vector.shape_cast %mul3A_311 : vector<16xf32> to vector<1x16xf32>
      tpu.vector_store %swap3A_314[%swap3A_315, %swap3A_316], %swap3A_319 {strides = array<i32>} : memref<64x64xf32, #tpu.memory_space<vmem>>, vector<1x16xf32>,
      %get3A_320 = arith.constant 0 : i32
      %get3A_321 = arith.constant 0 : i32
      %get3A_322 = tpu.memref_slice %arg14[%scan3A_64, %get3A_320, %get3A_321] : memref<7x64x64xf32, #tpu.memory_space<vmem>> -> memref<1x64x64xf32, #tpu.memory_space<vmem>>
      %get3A_323 = tpu.memref_squeeze %get3A_322 : memref<1x64x64xf32, #tpu.memory_space<vmem>> -> memref<64x64xf32, #tpu.memory_space<vmem>>
      %get3A_324 = arith.index_cast %scan3A_295 : i32 to index
      %get3A_325 = arith.constant 16 : index
      %get3A_326 = tpu.vector_load %get3A_323[%get3A_324, %get3A_325] {strides = array<i32>} : memref<64x64xf32, #tpu.memory_space<vmem>>, vector<1x16xf32>,
      %get3A_327 = vector.shape_cast %get3A_326 : vector<1x16xf32> to vector<16xf32>
      %get3A_328 = arith.constant 0 : i32
      %get3A_329 = arith.constant 0 : i32
      %get3A_330 = tpu.memref_slice %arg14[%scan3A_65, %get3A_328, %get3A_329] : memref<7x64x64xf32, #tpu.memory_space<vmem>> -> memref<1x64x64xf32, #tpu.memory_space<vmem>>
      %get3A_331 = tpu.memref_squeeze %get3A_330 : memref<1x64x64xf32, #tpu.memory_space<vmem>> -> memref<64x64xf32, #tpu.memory_space<vmem>>
      %get3A_332 = arith.index_cast %scan3A_295 : i32 to index
      %get3A_333 = arith.constant 16 : index
      %get3A_334 = tpu.vector_load %get3A_331[%get3A_332, %get3A_333] {strides = array<i32>} : memref<64x64xf32, #tpu.memory_space<vmem>>, vector<1x16xf32>,
      %get3A_335 = vector.shape_cast %get3A_334 : vector<1x16xf32> to vector<16xf32>
      %mul3A_336 = arith.mulf %get3A_327, %get3A_335 : vector<16xf32>
      %swap3A_337 = arith.constant 0 : i32
      %swap3A_338 = arith.constant 0 : i32
      %swap3A_339 = tpu.memref_slice %arg14[%scan3A_64, %swap3A_337, %swap3A_338] : memref<7x64x64xf32, #tpu.memory_space<vmem>> -> memref<1x64x64xf32, #tpu.memory_space<vmem>>
      %swap3A_340 = tpu.memref_squeeze %swap3A_339 : memref<1x64x64xf32, #tpu.memory_space<vmem>> -> memref<64x64xf32, #tpu.memory_space<vmem>>
      %swap3A_341 = arith.index_cast %scan3A_295 : i32 to index
      %swap3A_342 = arith.constant 16 : index
      %swap3A_343 = tpu.vector_load %swap3A_340[%swap3A_341, %swap3A_342] {strides = array<i32>} : memref<64x64xf32, #tpu.memory_space<vmem>>, vector<1x16xf32>,
      %swap3A_344 = vector.shape_cast %swap3A_343 : vector<1x16xf32> to vector<16xf32>
      %swap3A_345 = vector.shape_cast %mul3A_336 : vector<16xf32> to vector<1x16xf32>
      tpu.vector_store %swap3A_340[%swap3A_341, %swap3A_342], %swap3A_345 {strides = array<i32>} : memref<64x64xf32, #tpu.memory_space<vmem>>, vector<1x16xf32>,
      %get3A_346 = arith.constant 0 : i32
      %get3A_347 = arith.constant 0 : i32
      %get3A_348 = tpu.memref_slice %arg14[%scan3A_64, %get3A_346, %get3A_347] : memref<7x64x64xf32, #tpu.memory_space<vmem>> -> memref<1x64x64xf32, #tpu.memory_space<vmem>>
      %get3A_349 = tpu.memref_squeeze %get3A_348 : memref<1x64x64xf32, #tpu.memory_space<vmem>> -> memref<64x64xf32, #tpu.memory_space<vmem>>
      %get3A_350 = arith.index_cast %scan3A_295 : i32 to index
      %get3A_351 = arith.constant 32 : index
      %get3A_352 = tpu.vector_load %get3A_349[%get3A_350, %get3A_351] {strides = array<i32>} : memref<64x64xf32, #tpu.memory_space<vmem>>, vector<1x16xf32>,
      %get3A_353 = vector.shape_cast %get3A_352 : vector<1x16xf32> to vector<16xf32>
      %get3A_354 = arith.constant 0 : i32
      %get3A_355 = arith.constant 0 : i32
      %get3A_356 = tpu.memref_slice %arg14[%scan3A_65, %get3A_354, %get3A_355] : memref<7x64x64xf32, #tpu.memory_space<vmem>> -> memref<1x64x64xf32, #tpu.memory_space<vmem>>
      %get3A_357 = tpu.memref_squeeze %get3A_356 : memref<1x64x64xf32, #tpu.memory_space<vmem>> -> memref<64x64xf32, #tpu.memory_space<vmem>>
      %get3A_358 = arith.index_cast %scan3A_295 : i32 to index
      %get3A_359 = arith.constant 32 : index
      %get3A_360 = tpu.vector_load %get3A_357[%get3A_358, %get3A_359] {strides = array<i32>} : memref<64x64xf32, #tpu.memory_space<vmem>>, vector<1x16xf32>,
      %get3A_361 = vector.shape_cast %get3A_360 : vector<1x16xf32> to vector<16xf32>
      %mul3A_362 = arith.mulf %get3A_353, %get3A_361 : vector<16xf32>
      %swap3A_363 = arith.constant 0 : i32
      %swap3A_364 = arith.constant 0 : i32
      %swap3A_365 = tpu.memref_slice %arg14[%scan3A_64, %swap3A_363, %swap3A_364] : memref<7x64x64xf32, #tpu.memory_space<vmem>> -> memref<1x64x64xf32, #tpu.memory_space<vmem>>
      %swap3A_366 = tpu.memref_squeeze %swap3A_365 : memref<1x64x64xf32, #tpu.memory_space<vmem>> -> memref<64x64xf32, #tpu.memory_space<vmem>>
      %swap3A_367 = arith.index_cast %scan3A_295 : i32 to index
      %swap3A_368 = arith.constant 32 : index
      %swap3A_369 = tpu.vector_load %swap3A_366[%swap3A_367, %swap3A_368] {strides = array<i32>} : memref<64x64xf32, #tpu.memory_space<vmem>>, vector<1x16xf32>,
      %swap3A_370 = vector.shape_cast %swap3A_369 : vector<1x16xf32> to vector<16xf32>
      %swap3A_371 = vector.shape_cast %mul3A_362 : vector<16xf32> to vector<1x16xf32>
      tpu.vector_store %swap3A_366[%swap3A_367, %swap3A_368], %swap3A_371 {strides = array<i32>} : memref<64x64xf32, #tpu.memory_space<vmem>>, vector<1x16xf32>,
      %get3A_372 = arith.constant 0 : i32
      %get3A_373 = arith.constant 0 : i32
      %get3A_374 = tpu.memref_slice %arg14[%scan3A_64, %get3A_372, %get3A_373] : memref<7x64x64xf32, #tpu.memory_space<vmem>> -> memref<1x64x64xf32, #tpu.memory_space<vmem>>
      %get3A_375 = tpu.memref_squeeze %get3A_374 : memref<1x64x64xf32, #tpu.memory_space<vmem>> -> memref<64x64xf32, #tpu.memory_space<vmem>>
      %get3A_376 = arith.index_cast %scan3A_295 : i32 to index
      %get3A_377 = arith.constant 48 : index
      %get3A_378 = tpu.vector_load %get3A_375[%get3A_376, %get3A_377] {strides = array<i32>} : memref<64x64xf32, #tpu.memory_space<vmem>>, vector<1x16xf32>,
      %get3A_379 = vector.shape_cast %get3A_378 : vector<1x16xf32> to vector<16xf32>
      %get3A_380 = arith.constant 0 : i32
      %get3A_381 = arith.constant 0 : i32
      %get3A_382 = tpu.memref_slice %arg14[%scan3A_65, %get3A_380, %get3A_381] : memref<7x64x64xf32, #tpu.memory_space<vmem>> -> memref<1x64x64xf32, #tpu.memory_space<vmem>>
      %get3A_383 = tpu.memref_squeeze %get3A_382 : memref<1x64x64xf32, #tpu.memory_space<vmem>> -> memref<64x64xf32, #tpu.memory_space<vmem>>
      %get3A_384 = arith.index_cast %scan3A_295 : i32 to index
      %get3A_385 = arith.constant 48 : index
      %get3A_386 = tpu.vector_load %get3A_383[%get3A_384, %get3A_385] {strides = array<i32>} : memref<64x64xf32, #tpu.memory_space<vmem>>, vector<1x16xf32>,
      %get3A_387 = vector.shape_cast %get3A_386 : vector<1x16xf32> to vector<16xf32>
      %mul3A_388 = arith.mulf %get3A_379, %get3A_387 : vector<16xf32>
      %swap3A_389 = arith.constant 0 : i32
      %swap3A_390 = arith.constant 0 : i32
      %swap3A_391 = tpu.memref_slice %arg14[%scan3A_64, %swap3A_389, %swap3A_390] : memref<7x64x64xf32, #tpu.memory_space<vmem>> -> memref<1x64x64xf32, #tpu.memory_space<vmem>>
      %swap3A_392 = tpu.memref_squeeze %swap3A_391 : memref<1x64x64xf32, #tpu.memory_space<vmem>> -> memref<64x64xf32, #tpu.memory_space<vmem>>
      %swap3A_393 = arith.index_cast %scan3A_295 : i32 to index
      %swap3A_394 = arith.constant 48 : index
      %swap3A_395 = tpu.vector_load %swap3A_392[%swap3A_393, %swap3A_394] {strides = array<i32>} : memref<64x64xf32, #tpu.memory_space<vmem>>, vector<1x16xf32>,
      %swap3A_396 = vector.shape_cast %swap3A_395 : vector<1x16xf32> to vector<16xf32>
      %swap3A_397 = vector.shape_cast %mul3A_388 : vector<16xf32> to vector<1x16xf32>
      tpu.vector_store %swap3A_392[%swap3A_393, %swap3A_394], %swap3A_397 {strides = array<i32>} : memref<64x64xf32, #tpu.memory_space<vmem>>, vector<1x16xf32>,
    }
    %scan3A_70 = arith.constant 64 : i32
    %run_scoped3A_71 = arith.constant 0 : i32
    "tpu.region"() ({
      %run_scoped3A_295 = tpu.sem_alloc : memref<!tpu.dma_semaphore, #tpu.memory_space<semaphore_mem>>
      %dma_start3A_296 = arith.constant 0 : i32
      %dma_start3A_297 = arith.constant 0 : i32
      %dma_start3A_298 = tpu.memref_slice %arg14[%run_scoped3A_71, %dma_start3A_296, %dma_start3A_297] : memref<7x64x64xf32, #tpu.memory_space<vmem>> -> memref<1x64x64xf32, #tpu.memory_space<vmem>>
      %dma_start3A_299 = tpu.memref_squeeze %dma_start3A_298 : memref<1x64x64xf32, #tpu.memory_space<vmem>> -> memref<64x64xf32, #tpu.memory_space<vmem>>
      %dma_start3A_300 = arith.constant 0 : i32
      %dma_start3A_301 = arith.constant 0 : i32
      %dma_start3A_302 = tpu.memref_slice %dma_start3A_299[%dma_start3A_300, %dma_start3A_301] : memref<64x64xf32, #tpu.memory_space<vmem>> -> memref<64x64xf32, #tpu.memory_space<vmem>>
      %dma_start3A_303 = arith.constant 0 : i32
      %dma_start3A_304 = tpu.memref_slice %arg11[%add3A_51, %dma_start3A_303] : memref<5120x64xf32, #tpu.memory_space<vmem_shared>> -> memref<64x64xf32, #tpu.memory_space<vmem_shared>>
      %dma_start3A_305 = arith.constant 0 : i32
      %dma_start3A_306 = tpu.memref_slice %arg11[%add3A_51, %dma_start3A_305] : memref<5120x64xf32, #tpu.memory_space<vmem_shared>> -> memref<64x64xf32, #tpu.memory_space<vmem_shared>>
      %dma_start3A_307 = arith.constant 0 : i32
      %dma_start3A_308 = arith.constant 0 : i32
      %dma_start3A_309 = tpu.memref_slice %arg14[%run_scoped3A_71, %dma_start3A_307, %dma_start3A_308] : memref<7x64x64xf32, #tpu.memory_space<vmem>> -> memref<1x64x64xf32, #tpu.memory_space<vmem>>
      %dma_start3A_310 = tpu.memref_squeeze %dma_start3A_309 : memref<1x64x64xf32, #tpu.memory_space<vmem>> -> memref<64x64xf32, #tpu.memory_space<vmem>>
      %dma_start3A_311 = arith.constant 0 : i32
      %dma_start3A_312 = arith.constant 0 : i32
      %dma_start3A_313 = tpu.memref_slice %dma_start3A_310[%dma_start3A_311, %dma_start3A_312] : memref<64x64xf32, #tpu.memory_space<vmem>> -> memref<64x64xf32, #tpu.memory_space<vmem>>
      tpu.enqueue_dma source(%dma_start3A_313 : memref<64x64xf32, #tpu.memory_space<vmem>>) target(%dma_start3A_306 : memref<64x64xf32, #tpu.memory_space<vmem_shared>>) target_semaphore(%run_scoped3A_295 : memref<!tpu.dma_semaphore, #tpu.memory_space<semaphore_mem>>)
      %dma_wait3A_314 = arith.constant 0 : i32
      %dma_wait3A_315 = arith.constant 0 : i32
      %dma_wait3A_316 = tpu.memref_slice %arg14[%run_scoped3A_71, %dma_wait3A_314, %dma_wait3A_315] : memref<7x64x64xf32, #tpu.memory_space<vmem>> -> memref<1x64x64xf32, #tpu.memory_space<vmem>>
      %dma_wait3A_317 = tpu.memref_squeeze %dma_wait3A_316 : memref<1x64x64xf32, #tpu.memory_space<vmem>> -> memref<64x64xf32, #tpu.memory_space<vmem>>
      %dma_wait3A_318 = arith.constant 0 : i32
      %dma_wait3A_319 = arith.constant 0 : i32
      %dma_wait3A_320 = tpu.memref_slice %dma_wait3A_317[%dma_wait3A_318, %dma_wait3A_319] : memref<64x64xf32, #tpu.memory_space<vmem>> -> memref<64x64xf32, #tpu.memory_space<vmem>>
      %dma_wait3A_321 = arith.constant 0 : i32
      %dma_wait3A_322 = tpu.memref_slice %arg11[%add3A_51, %dma_wait3A_321] : memref<5120x64xf32, #tpu.memory_space<vmem_shared>> -> memref<64x64xf32, #tpu.memory_space<vmem_shared>>
      %dma_wait3A_323 = arith.constant 0 : i32
      %dma_wait3A_324 = tpu.memref_slice %arg11[%add3A_51, %dma_wait3A_323] : memref<5120x64xf32, #tpu.memory_space<vmem_shared>> -> memref<64x64xf32, #tpu.memory_space<vmem_shared>>
      %dma_wait3A_325 = arith.constant 0 : i32
      %dma_wait3A_326 = arith.constant 0 : i32
      %dma_wait3A_327 = tpu.memref_slice %arg14[%run_scoped3A_71, %dma_wait3A_325, %dma_wait3A_326] : memref<7x64x64xf32, #tpu.memory_space<vmem>> -> memref<1x64x64xf32, #tpu.memory_space<vmem>>
      %dma_wait3A_328 = tpu.memref_squeeze %dma_wait3A_327 : memref<1x64x64xf32, #tpu.memory_space<vmem>> -> memref<64x64xf32, #tpu.memory_space<vmem>>
      %dma_wait3A_329 = arith.constant 0 : i32
      %dma_wait3A_330 = arith.constant 0 : i32
      %dma_wait3A_331 = tpu.memref_slice %dma_wait3A_328[%dma_wait3A_329, %dma_wait3A_330] : memref<64x64xf32, #tpu.memory_space<vmem>> -> memref<64x64xf32, #tpu.memory_space<vmem>>
      tpu.wait_dma2 semaphore(%run_scoped3A_295 : memref<!tpu.dma_semaphore, #tpu.memory_space<semaphore_mem>>) src(%dma_wait3A_331 : memref<64x64xf32, #tpu.memory_space<vmem>>) dst(%dma_wait3A_324 : memref<64x64xf32, #tpu.memory_space<vmem_shared>>)
      tpu.yield
    }) : () -> ()
    %mul3A_72 = arith.constant 320 : i32
    %mul3A_73 = arith.muli %arg1, %mul3A_72 : i32
    %add3A_74 = arith.constant 128 : i32
    %add3A_75 = arith.addi %mul3A_73, %add3A_74 : i32
    %eq3A_76 = arith.constant 0 : i32
    %eq3A_77 = arith.cmpi eq, %arg0, %eq3A_76 : i32
    %convert_element_type3A_78 = arith.extui %eq3A_77 : i1 to i32
    %cond3A_79 = arith.constant 0 : i32
    %cond3A_80 = arith.cmpi ne, %convert_element_type3A_78, %cond3A_79 : i32
    scf.if %cond3A_80 {
      %run_scoped3A_295 = arith.constant 0 : i32
      "tpu.region"() ({
        %run_scoped3A_296 = tpu.sem_alloc : memref<!tpu.dma_semaphore, #tpu.memory_space<semaphore_mem>>
        %dma_start3A_297 = arith.constant 0 : i32
        %dma_start3A_298 = arith.constant 0 : i32
        %dma_start3A_299 = tpu.memref_slice %arg14[%run_scoped3A_295, %dma_start3A_297, %dma_start3A_298] : memref<7x64x64xf32, #tpu.memory_space<vmem>> -> memref<1x64x64xf32, #tpu.memory_space<vmem>>
        %dma_start3A_300 = tpu.memref_squeeze %dma_start3A_299 : memref<1x64x64xf32, #tpu.memory_space<vmem>> -> memref<64x64xf32, #tpu.memory_space<vmem>>
        %dma_start3A_301 = arith.constant 0 : i32
        %dma_start3A_302 = arith.constant 0 : i32
        %dma_start3A_303 = tpu.memref_slice %dma_start3A_300[%dma_start3A_301, %dma_start3A_302] : memref<64x64xf32, #tpu.memory_space<vmem>> -> memref<64x64xf32, #tpu.memory_space<vmem>>
        %dma_start3A_304 = arith.constant 0 : i32
        %dma_start3A_305 = tpu.memref_slice %arg2[%add3A_75, %dma_start3A_304] : memref<5120x64xf32, #tpu.memory_space<hbm>> -> memref<64x64xf32, #tpu.memory_space<hbm>>
        %dma_start3A_306 = arith.constant 0 : i32
        %dma_start3A_307 = arith.constant 0 : i32
        %dma_start3A_308 = tpu.memref_slice %arg14[%run_scoped3A_295, %dma_start3A_306, %dma_start3A_307] : memref<7x64x64xf32, #tpu.memory_space<vmem>> -> memref<1x64x64xf32, #tpu.memory_space<vmem>>
        %dma_start3A_309 = tpu.memref_squeeze %dma_start3A_308 : memref<1x64x64xf32, #tpu.memory_space<vmem>> -> memref<64x64xf32, #tpu.memory_space<vmem>>
        %dma_start3A_310 = arith.constant 0 : i32
        %dma_start3A_311 = arith.constant 0 : i32
        %dma_start3A_312 = tpu.memref_slice %dma_start3A_309[%dma_start3A_310, %dma_start3A_311] : memref<64x64xf32, #tpu.memory_space<vmem>> -> memref<64x64xf32, #tpu.memory_space<vmem>>
        %dma_start3A_313 = arith.constant 0 : i32
        %dma_start3A_314 = tpu.memref_slice %arg2[%add3A_75, %dma_start3A_313] : memref<5120x64xf32, #tpu.memory_space<hbm>> -> memref<64x64xf32, #tpu.memory_space<hbm>>
        tpu.enqueue_dma source(%dma_start3A_314 : memref<64x64xf32, #tpu.memory_space<hbm>>) target(%dma_start3A_312 : memref<64x64xf32, #tpu.memory_space<vmem>>) target_semaphore(%run_scoped3A_296 : memref<!tpu.dma_semaphore, #tpu.memory_space<semaphore_mem>>)
        %dma_wait3A_315 = arith.constant 0 : i32
        %dma_wait3A_316 = arith.constant 0 : i32
        %dma_wait3A_317 = tpu.memref_slice %arg14[%run_scoped3A_295, %dma_wait3A_315, %dma_wait3A_316] : memref<7x64x64xf32, #tpu.memory_space<vmem>> -> memref<1x64x64xf32, #tpu.memory_space<vmem>>
        %dma_wait3A_318 = tpu.memref_squeeze %dma_wait3A_317 : memref<1x64x64xf32, #tpu.memory_space<vmem>> -> memref<64x64xf32, #tpu.memory_space<vmem>>
        %dma_wait3A_319 = arith.constant 0 : i32
        %dma_wait3A_320 = arith.constant 0 : i32
        %dma_wait3A_321 = tpu.memref_slice %dma_wait3A_318[%dma_wait3A_319, %dma_wait3A_320] : memref<64x64xf32, #tpu.memory_space<vmem>> -> memref<64x64xf32, #tpu.memory_space<vmem>>
        %dma_wait3A_322 = arith.constant 0 : i32
        %dma_wait3A_323 = tpu.memref_slice %arg2[%add3A_75, %dma_wait3A_322] : memref<5120x64xf32, #tpu.memory_space<hbm>> -> memref<64x64xf32, #tpu.memory_space<hbm>>
        %dma_wait3A_324 = arith.constant 0 : i32
        %dma_wait3A_325 = arith.constant 0 : i32
        %dma_wait3A_326 = tpu.memref_slice %arg14[%run_scoped3A_295, %dma_wait3A_324, %dma_wait3A_325] : memref<7x64x64xf32, #tpu.memory_space<vmem>> -> memref<1x64x64xf32, #tpu.memory_space<vmem>>
        %dma_wait3A_327 = tpu.memref_squeeze %dma_wait3A_326 : memref<1x64x64xf32, #tpu.memory_space<vmem>> -> memref<64x64xf32, #tpu.memory_space<vmem>>
        %dma_wait3A_328 = arith.constant 0 : i32
        %dma_wait3A_329 = arith.constant 0 : i32
        %dma_wait3A_330 = tpu.memref_slice %dma_wait3A_327[%dma_wait3A_328, %dma_wait3A_329] : memref<64x64xf32, #tpu.memory_space<vmem>> -> memref<64x64xf32, #tpu.memory_space<vmem>>
        %dma_wait3A_331 = arith.constant 0 : i32
        %dma_wait3A_332 = tpu.memref_slice %arg2[%add3A_75, %dma_wait3A_331] : memref<5120x64xf32, #tpu.memory_space<hbm>> -> memref<64x64xf32, #tpu.memory_space<hbm>>
        tpu.wait_dma2 semaphore(%run_scoped3A_296 : memref<!tpu.dma_semaphore, #tpu.memory_space<semaphore_mem>>) src(%dma_wait3A_332 : memref<64x64xf32, #tpu.memory_space<hbm>>) dst(%dma_wait3A_330 : memref<64x64xf32, #tpu.memory_space<vmem>>)
        tpu.yield
      }) : () -> ()
    } else {
    }
    %eq3A_81 = arith.constant 1 : i32
    %eq3A_82 = arith.cmpi eq, %arg0, %eq3A_81 : i32
    %convert_element_type3A_83 = arith.extui %eq3A_82 : i1 to i32
    %cond3A_84 = arith.constant 0 : i32
    %cond3A_85 = arith.cmpi ne, %convert_element_type3A_83, %cond3A_84 : i32
    scf.if %cond3A_85 {
      %run_scoped3A_295 = arith.constant 0 : i32
      "tpu.region"() ({
        %run_scoped3A_296 = tpu.sem_alloc : memref<!tpu.dma_semaphore, #tpu.memory_space<semaphore_mem>>
        %dma_start3A_297 = arith.constant 0 : i32
        %dma_start3A_298 = arith.constant 0 : i32
        %dma_start3A_299 = tpu.memref_slice %arg14[%run_scoped3A_295, %dma_start3A_297, %dma_start3A_298] : memref<7x64x64xf32, #tpu.memory_space<vmem>> -> memref<1x64x64xf32, #tpu.memory_space<vmem>>
        %dma_start3A_300 = tpu.memref_squeeze %dma_start3A_299 : memref<1x64x64xf32, #tpu.memory_space<vmem>> -> memref<64x64xf32, #tpu.memory_space<vmem>>
        %dma_start3A_301 = arith.constant 0 : i32
        %dma_start3A_302 = arith.constant 0 : i32
        %dma_start3A_303 = tpu.memref_slice %dma_start3A_300[%dma_start3A_301, %dma_start3A_302] : memref<64x64xf32, #tpu.memory_space<vmem>> -> memref<64x64xf32, #tpu.memory_space<vmem>>
        %dma_start3A_304 = arith.constant 0 : i32
        %dma_start3A_305 = tpu.memref_slice %arg3[%add3A_75, %dma_start3A_304] : memref<5120x64xf32, #tpu.memory_space<hbm>> -> memref<64x64xf32, #tpu.memory_space<hbm>>
        %dma_start3A_306 = arith.constant 0 : i32
        %dma_start3A_307 = arith.constant 0 : i32
        %dma_start3A_308 = tpu.memref_slice %arg14[%run_scoped3A_295, %dma_start3A_306, %dma_start3A_307] : memref<7x64x64xf32, #tpu.memory_space<vmem>> -> memref<1x64x64xf32, #tpu.memory_space<vmem>>
        %dma_start3A_309 = tpu.memref_squeeze %dma_start3A_308 : memref<1x64x64xf32, #tpu.memory_space<vmem>> -> memref<64x64xf32, #tpu.memory_space<vmem>>
        %dma_start3A_310 = arith.constant 0 : i32
        %dma_start3A_311 = arith.constant 0 : i32
        %dma_start3A_312 = tpu.memref_slice %dma_start3A_309[%dma_start3A_310, %dma_start3A_311] : memref<64x64xf32, #tpu.memory_space<vmem>> -> memref<64x64xf32, #tpu.memory_space<vmem>>
        %dma_start3A_313 = arith.constant 0 : i32
        %dma_start3A_314 = tpu.memref_slice %arg3[%add3A_75, %dma_start3A_313] : memref<5120x64xf32, #tpu.memory_space<hbm>> -> memref<64x64xf32, #tpu.memory_space<hbm>>
        tpu.enqueue_dma source(%dma_start3A_314 : memref<64x64xf32, #tpu.memory_space<hbm>>) target(%dma_start3A_312 : memref<64x64xf32, #tpu.memory_space<vmem>>) target_semaphore(%run_scoped3A_296 : memref<!tpu.dma_semaphore, #tpu.memory_space<semaphore_mem>>)
        %dma_wait3A_315 = arith.constant 0 : i32
        %dma_wait3A_316 = arith.constant 0 : i32
        %dma_wait3A_317 = tpu.memref_slice %arg14[%run_scoped3A_295, %dma_wait3A_315, %dma_wait3A_316] : memref<7x64x64xf32, #tpu.memory_space<vmem>> -> memref<1x64x64xf32, #tpu.memory_space<vmem>>
        %dma_wait3A_318 = tpu.memref_squeeze %dma_wait3A_317 : memref<1x64x64xf32, #tpu.memory_space<vmem>> -> memref<64x64xf32, #tpu.memory_space<vmem>>
        %dma_wait3A_319 = arith.constant 0 : i32
        %dma_wait3A_320 = arith.constant 0 : i32
        %dma_wait3A_321 = tpu.memref_slice %dma_wait3A_318[%dma_wait3A_319, %dma_wait3A_320] : memref<64x64xf32, #tpu.memory_space<vmem>> -> memref<64x64xf32, #tpu.memory_space<vmem>>
        %dma_wait3A_322 = arith.constant 0 : i32
        %dma_wait3A_323 = tpu.memref_slice %arg3[%add3A_75, %dma_wait3A_322] : memref<5120x64xf32, #tpu.memory_space<hbm>> -> memref<64x64xf32, #tpu.memory_space<hbm>>
        %dma_wait3A_324 = arith.constant 0 : i32
        %dma_wait3A_325 = arith.constant 0 : i32
        %dma_wait3A_326 = tpu.memref_slice %arg14[%run_scoped3A_295, %dma_wait3A_324, %dma_wait3A_325] : memref<7x64x64xf32, #tpu.memory_space<vmem>> -> memref<1x64x64xf32, #tpu.memory_space<vmem>>
        %dma_wait3A_327 = tpu.memref_squeeze %dma_wait3A_326 : memref<1x64x64xf32, #tpu.memory_space<vmem>> -> memref<64x64xf32, #tpu.memory_space<vmem>>
        %dma_wait3A_328 = arith.constant 0 : i32
        %dma_wait3A_329 = arith.constant 0 : i32
        %dma_wait3A_330 = tpu.memref_slice %dma_wait3A_327[%dma_wait3A_328, %dma_wait3A_329] : memref<64x64xf32, #tpu.memory_space<vmem>> -> memref<64x64xf32, #tpu.memory_space<vmem>>
        %dma_wait3A_331 = arith.constant 0 : i32
        %dma_wait3A_332 = tpu.memref_slice %arg3[%add3A_75, %dma_wait3A_331] : memref<5120x64xf32, #tpu.memory_space<hbm>> -> memref<64x64xf32, #tpu.memory_space<hbm>>
        tpu.wait_dma2 semaphore(%run_scoped3A_296 : memref<!tpu.dma_semaphore, #tpu.memory_space<semaphore_mem>>) src(%dma_wait3A_332 : memref<64x64xf32, #tpu.memory_space<hbm>>) dst(%dma_wait3A_330 : memref<64x64xf32, #tpu.memory_space<vmem>>)
        tpu.yield
      }) : () -> ()
    } else {
    }
    %run_scoped3A_86 = arith.constant 1 : i32
    "tpu.region"() ({
      %run_scoped3A_295 = tpu.sem_alloc : memref<!tpu.dma_semaphore, #tpu.memory_space<semaphore_mem>>
      %dma_start3A_296 = arith.constant 0 : i32
      %dma_start3A_297 = arith.constant 0 : i32
      %dma_start3A_298 = tpu.memref_slice %arg14[%run_scoped3A_86, %dma_start3A_296, %dma_start3A_297] : memref<7x64x64xf32, #tpu.memory_space<vmem>> -> memref<1x64x64xf32, #tpu.memory_space<vmem>>
      %dma_start3A_299 = tpu.memref_squeeze %dma_start3A_298 : memref<1x64x64xf32, #tpu.memory_space<vmem>> -> memref<64x64xf32, #tpu.memory_space<vmem>>
      %dma_start3A_300 = arith.constant 0 : i32
      %dma_start3A_301 = arith.constant 0 : i32
      %dma_start3A_302 = tpu.memref_slice %dma_start3A_299[%dma_start3A_300, %dma_start3A_301] : memref<64x64xf32, #tpu.memory_space<vmem>> -> memref<64x64xf32, #tpu.memory_space<vmem>>
      %dma_start3A_303 = arith.constant 0 : i32
      %dma_start3A_304 = tpu.memref_slice %arg4[%add3A_75, %dma_start3A_303] : memref<5120x64xf32, #tpu.memory_space<hbm>> -> memref<64x64xf32, #tpu.memory_space<hbm>>
      %dma_start3A_305 = arith.constant 0 : i32
      %dma_start3A_306 = arith.constant 0 : i32
      %dma_start3A_307 = tpu.memref_slice %arg14[%run_scoped3A_86, %dma_start3A_305, %dma_start3A_306] : memref<7x64x64xf32, #tpu.memory_space<vmem>> -> memref<1x64x64xf32, #tpu.memory_space<vmem>>
      %dma_start3A_308 = tpu.memref_squeeze %dma_start3A_307 : memref<1x64x64xf32, #tpu.memory_space<vmem>> -> memref<64x64xf32, #tpu.memory_space<vmem>>
      %dma_start3A_309 = arith.constant 0 : i32
      %dma_start3A_310 = arith.constant 0 : i32
      %dma_start3A_311 = tpu.memref_slice %dma_start3A_308[%dma_start3A_309, %dma_start3A_310] : memref<64x64xf32, #tpu.memory_space<vmem>> -> memref<64x64xf32, #tpu.memory_space<vmem>>
      %dma_start3A_312 = arith.constant 0 : i32
      %dma_start3A_313 = tpu.memref_slice %arg4[%add3A_75, %dma_start3A_312] : memref<5120x64xf32, #tpu.memory_space<hbm>> -> memref<64x64xf32, #tpu.memory_space<hbm>>
      tpu.enqueue_dma source(%dma_start3A_313 : memref<64x64xf32, #tpu.memory_space<hbm>>) target(%dma_start3A_311 : memref<64x64xf32, #tpu.memory_space<vmem>>) target_semaphore(%run_scoped3A_295 : memref<!tpu.dma_semaphore, #tpu.memory_space<semaphore_mem>>)
      %dma_wait3A_314 = arith.constant 0 : i32
      %dma_wait3A_315 = arith.constant 0 : i32
      %dma_wait3A_316 = tpu.memref_slice %arg14[%run_scoped3A_86, %dma_wait3A_314, %dma_wait3A_315] : memref<7x64x64xf32, #tpu.memory_space<vmem>> -> memref<1x64x64xf32, #tpu.memory_space<vmem>>
      %dma_wait3A_317 = tpu.memref_squeeze %dma_wait3A_316 : memref<1x64x64xf32, #tpu.memory_space<vmem>> -> memref<64x64xf32, #tpu.memory_space<vmem>>
      %dma_wait3A_318 = arith.constant 0 : i32
      %dma_wait3A_319 = arith.constant 0 : i32
      %dma_wait3A_320 = tpu.memref_slice %dma_wait3A_317[%dma_wait3A_318, %dma_wait3A_319] : memref<64x64xf32, #tpu.memory_space<vmem>> -> memref<64x64xf32, #tpu.memory_space<vmem>>
      %dma_wait3A_321 = arith.constant 0 : i32
      %dma_wait3A_322 = tpu.memref_slice %arg4[%add3A_75, %dma_wait3A_321] : memref<5120x64xf32, #tpu.memory_space<hbm>> -> memref<64x64xf32, #tpu.memory_space<hbm>>
      %dma_wait3A_323 = arith.constant 0 : i32
      %dma_wait3A_324 = arith.constant 0 : i32
      %dma_wait3A_325 = tpu.memref_slice %arg14[%run_scoped3A_86, %dma_wait3A_323, %dma_wait3A_324] : memref<7x64x64xf32, #tpu.memory_space<vmem>> -> memref<1x64x64xf32, #tpu.memory_space<vmem>>
      %dma_wait3A_326 = tpu.memref_squeeze %dma_wait3A_325 : memref<1x64x64xf32, #tpu.memory_space<vmem>> -> memref<64x64xf32, #tpu.memory_space<vmem>>
      %dma_wait3A_327 = arith.constant 0 : i32
      %dma_wait3A_328 = arith.constant 0 : i32
      %dma_wait3A_329 = tpu.memref_slice %dma_wait3A_326[%dma_wait3A_327, %dma_wait3A_328] : memref<64x64xf32, #tpu.memory_space<vmem>> -> memref<64x64xf32, #tpu.memory_space<vmem>>
      %dma_wait3A_330 = arith.constant 0 : i32
      %dma_wait3A_331 = tpu.memref_slice %arg4[%add3A_75, %dma_wait3A_330] : memref<5120x64xf32, #tpu.memory_space<hbm>> -> memref<64x64xf32, #tpu.memory_space<hbm>>
      tpu.wait_dma2 semaphore(%run_scoped3A_295 : memref<!tpu.dma_semaphore, #tpu.memory_space<semaphore_mem>>) src(%dma_wait3A_331 : memref<64x64xf32, #tpu.memory_space<hbm>>) dst(%dma_wait3A_329 : memref<64x64xf32, #tpu.memory_space<vmem>>)
      tpu.yield
    }) : () -> ()
    %scan3A_87 = arith.constant 0 : i32
    %scan3A_88 = arith.constant 0 : i32
    %scan3A_89 = arith.constant 1 : i32
    %scan3A_90 = arith.constant 0 : i32
    %scan3A_91 = arith.constant 64 : i32
    %scan3A_92 = arith.addi %scan3A_90, %scan3A_91 : i32
    %scan3A_93 = arith.constant 1 : i32
    scf.for %scan3A_295 = %scan3A_90 to %scan3A_92 step %scan3A_93  : i32 {
      %get3A = arith.constant 0 : i32
      %get3A_296 = arith.constant 0 : i32
      %get3A_297 = tpu.memref_slice %arg14[%scan3A_88, %get3A, %get3A_296] : memref<7x64x64xf32, #tpu.memory_space<vmem>> -> memref<1x64x64xf32, #tpu.memory_space<vmem>>
      %get3A_298 = tpu.memref_squeeze %get3A_297 : memref<1x64x64xf32, #tpu.memory_space<vmem>> -> memref<64x64xf32, #tpu.memory_space<vmem>>
      %get3A_299 = arith.index_cast %scan3A_295 : i32 to index
      %get3A_300 = arith.constant 0 : index
      %get3A_301 = tpu.vector_load %get3A_298[%get3A_299, %get3A_300] {strides = array<i32>} : memref<64x64xf32, #tpu.memory_space<vmem>>, vector<1x16xf32>,
      %get3A_302 = vector.shape_cast %get3A_301 : vector<1x16xf32> to vector<16xf32>
      %get3A_303 = arith.constant 0 : i32
      %get3A_304 = arith.constant 0 : i32
      %get3A_305 = tpu.memref_slice %arg14[%scan3A_89, %get3A_303, %get3A_304] : memref<7x64x64xf32, #tpu.memory_space<vmem>> -> memref<1x64x64xf32, #tpu.memory_space<vmem>>
      %get3A_306 = tpu.memref_squeeze %get3A_305 : memref<1x64x64xf32, #tpu.memory_space<vmem>> -> memref<64x64xf32, #tpu.memory_space<vmem>>
      %get3A_307 = arith.index_cast %scan3A_295 : i32 to index
      %get3A_308 = arith.constant 0 : index
      %get3A_309 = tpu.vector_load %get3A_306[%get3A_307, %get3A_308] {strides = array<i32>} : memref<64x64xf32, #tpu.memory_space<vmem>>, vector<1x16xf32>,
      %get3A_310 = vector.shape_cast %get3A_309 : vector<1x16xf32> to vector<16xf32>
      %mul3A_311 = arith.mulf %get3A_302, %get3A_310 : vector<16xf32>
      %swap3A = arith.constant 0 : i32
      %swap3A_312 = arith.constant 0 : i32
      %swap3A_313 = tpu.memref_slice %arg14[%scan3A_88, %swap3A, %swap3A_312] : memref<7x64x64xf32, #tpu.memory_space<vmem>> -> memref<1x64x64xf32, #tpu.memory_space<vmem>>
      %swap3A_314 = tpu.memref_squeeze %swap3A_313 : memref<1x64x64xf32, #tpu.memory_space<vmem>> -> memref<64x64xf32, #tpu.memory_space<vmem>>
      %swap3A_315 = arith.index_cast %scan3A_295 : i32 to index
      %swap3A_316 = arith.constant 0 : index
      %swap3A_317 = tpu.vector_load %swap3A_314[%swap3A_315, %swap3A_316] {strides = array<i32>} : memref<64x64xf32, #tpu.memory_space<vmem>>, vector<1x16xf32>,
      %swap3A_318 = vector.shape_cast %swap3A_317 : vector<1x16xf32> to vector<16xf32>
      %swap3A_319 = vector.shape_cast %mul3A_311 : vector<16xf32> to vector<1x16xf32>
      tpu.vector_store %swap3A_314[%swap3A_315, %swap3A_316], %swap3A_319 {strides = array<i32>} : memref<64x64xf32, #tpu.memory_space<vmem>>, vector<1x16xf32>,
      %get3A_320 = arith.constant 0 : i32
      %get3A_321 = arith.constant 0 : i32
      %get3A_322 = tpu.memref_slice %arg14[%scan3A_88, %get3A_320, %get3A_321] : memref<7x64x64xf32, #tpu.memory_space<vmem>> -> memref<1x64x64xf32, #tpu.memory_space<vmem>>
      %get3A_323 = tpu.memref_squeeze %get3A_322 : memref<1x64x64xf32, #tpu.memory_space<vmem>> -> memref<64x64xf32, #tpu.memory_space<vmem>>
      %get3A_324 = arith.index_cast %scan3A_295 : i32 to index
      %get3A_325 = arith.constant 16 : index
      %get3A_326 = tpu.vector_load %get3A_323[%get3A_324, %get3A_325] {strides = array<i32>} : memref<64x64xf32, #tpu.memory_space<vmem>>, vector<1x16xf32>,
      %get3A_327 = vector.shape_cast %get3A_326 : vector<1x16xf32> to vector<16xf32>
      %get3A_328 = arith.constant 0 : i32
      %get3A_329 = arith.constant 0 : i32
      %get3A_330 = tpu.memref_slice %arg14[%scan3A_89, %get3A_328, %get3A_329] : memref<7x64x64xf32, #tpu.memory_space<vmem>> -> memref<1x64x64xf32, #tpu.memory_space<vmem>>
      %get3A_331 = tpu.memref_squeeze %get3A_330 : memref<1x64x64xf32, #tpu.memory_space<vmem>> -> memref<64x64xf32, #tpu.memory_space<vmem>>
      %get3A_332 = arith.index_cast %scan3A_295 : i32 to index
      %get3A_333 = arith.constant 16 : index
      %get3A_334 = tpu.vector_load %get3A_331[%get3A_332, %get3A_333] {strides = array<i32>} : memref<64x64xf32, #tpu.memory_space<vmem>>, vector<1x16xf32>,
      %get3A_335 = vector.shape_cast %get3A_334 : vector<1x16xf32> to vector<16xf32>
      %mul3A_336 = arith.mulf %get3A_327, %get3A_335 : vector<16xf32>
      %swap3A_337 = arith.constant 0 : i32
      %swap3A_338 = arith.constant 0 : i32
      %swap3A_339 = tpu.memref_slice %arg14[%scan3A_88, %swap3A_337, %swap3A_338] : memref<7x64x64xf32, #tpu.memory_space<vmem>> -> memref<1x64x64xf32, #tpu.memory_space<vmem>>
      %swap3A_340 = tpu.memref_squeeze %swap3A_339 : memref<1x64x64xf32, #tpu.memory_space<vmem>> -> memref<64x64xf32, #tpu.memory_space<vmem>>
      %swap3A_341 = arith.index_cast %scan3A_295 : i32 to index
      %swap3A_342 = arith.constant 16 : index
      %swap3A_343 = tpu.vector_load %swap3A_340[%swap3A_341, %swap3A_342] {strides = array<i32>} : memref<64x64xf32, #tpu.memory_space<vmem>>, vector<1x16xf32>,
      %swap3A_344 = vector.shape_cast %swap3A_343 : vector<1x16xf32> to vector<16xf32>
      %swap3A_345 = vector.shape_cast %mul3A_336 : vector<16xf32> to vector<1x16xf32>
      tpu.vector_store %swap3A_340[%swap3A_341, %swap3A_342], %swap3A_345 {strides = array<i32>} : memref<64x64xf32, #tpu.memory_space<vmem>>, vector<1x16xf32>,
      %get3A_346 = arith.constant 0 : i32
      %get3A_347 = arith.constant 0 : i32
      %get3A_348 = tpu.memref_slice %arg14[%scan3A_88, %get3A_346, %get3A_347] : memref<7x64x64xf32, #tpu.memory_space<vmem>> -> memref<1x64x64xf32, #tpu.memory_space<vmem>>
      %get3A_349 = tpu.memref_squeeze %get3A_348 : memref<1x64x64xf32, #tpu.memory_space<vmem>> -> memref<64x64xf32, #tpu.memory_space<vmem>>
      %get3A_350 = arith.index_cast %scan3A_295 : i32 to index
      %get3A_351 = arith.constant 32 : index
      %get3A_352 = tpu.vector_load %get3A_349[%get3A_350, %get3A_351] {strides = array<i32>} : memref<64x64xf32, #tpu.memory_space<vmem>>, vector<1x16xf32>,
      %get3A_353 = vector.shape_cast %get3A_352 : vector<1x16xf32> to vector<16xf32>
      %get3A_354 = arith.constant 0 : i32
      %get3A_355 = arith.constant 0 : i32
      %get3A_356 = tpu.memref_slice %arg14[%scan3A_89, %get3A_354, %get3A_355] : memref<7x64x64xf32, #tpu.memory_space<vmem>> -> memref<1x64x64xf32, #tpu.memory_space<vmem>>
      %get3A_357 = tpu.memref_squeeze %get3A_356 : memref<1x64x64xf32, #tpu.memory_space<vmem>> -> memref<64x64xf32, #tpu.memory_space<vmem>>
      %get3A_358 = arith.index_cast %scan3A_295 : i32 to index
      %get3A_359 = arith.constant 32 : index
      %get3A_360 = tpu.vector_load %get3A_357[%get3A_358, %get3A_359] {strides = array<i32>} : memref<64x64xf32, #tpu.memory_space<vmem>>, vector<1x16xf32>,
      %get3A_361 = vector.shape_cast %get3A_360 : vector<1x16xf32> to vector<16xf32>
      %mul3A_362 = arith.mulf %get3A_353, %get3A_361 : vector<16xf32>
      %swap3A_363 = arith.constant 0 : i32
      %swap3A_364 = arith.constant 0 : i32
      %swap3A_365 = tpu.memref_slice %arg14[%scan3A_88, %swap3A_363, %swap3A_364] : memref<7x64x64xf32, #tpu.memory_space<vmem>> -> memref<1x64x64xf32, #tpu.memory_space<vmem>>
      %swap3A_366 = tpu.memref_squeeze %swap3A_365 : memref<1x64x64xf32, #tpu.memory_space<vmem>> -> memref<64x64xf32, #tpu.memory_space<vmem>>
      %swap3A_367 = arith.index_cast %scan3A_295 : i32 to index
      %swap3A_368 = arith.constant 32 : index
      %swap3A_369 = tpu.vector_load %swap3A_366[%swap3A_367, %swap3A_368] {strides = array<i32>} : memref<64x64xf32, #tpu.memory_space<vmem>>, vector<1x16xf32>,
      %swap3A_370 = vector.shape_cast %swap3A_369 : vector<1x16xf32> to vector<16xf32>
      %swap3A_371 = vector.shape_cast %mul3A_362 : vector<16xf32> to vector<1x16xf32>
      tpu.vector_store %swap3A_366[%swap3A_367, %swap3A_368], %swap3A_371 {strides = array<i32>} : memref<64x64xf32, #tpu.memory_space<vmem>>, vector<1x16xf32>,
      %get3A_372 = arith.constant 0 : i32
      %get3A_373 = arith.constant 0 : i32
      %get3A_374 = tpu.memref_slice %arg14[%scan3A_88, %get3A_372, %get3A_373] : memref<7x64x64xf32, #tpu.memory_space<vmem>> -> memref<1x64x64xf32, #tpu.memory_space<vmem>>
      %get3A_375 = tpu.memref_squeeze %get3A_374 : memref<1x64x64xf32, #tpu.memory_space<vmem>> -> memref<64x64xf32, #tpu.memory_space<vmem>>
      %get3A_376 = arith.index_cast %scan3A_295 : i32 to index
      %get3A_377 = arith.constant 48 : index
      %get3A_378 = tpu.vector_load %get3A_375[%get3A_376, %get3A_377] {strides = array<i32>} : memref<64x64xf32, #tpu.memory_space<vmem>>, vector<1x16xf32>,
      %get3A_379 = vector.shape_cast %get3A_378 : vector<1x16xf32> to vector<16xf32>
      %get3A_380 = arith.constant 0 : i32
      %get3A_381 = arith.constant 0 : i32
      %get3A_382 = tpu.memref_slice %arg14[%scan3A_89, %get3A_380, %get3A_381] : memref<7x64x64xf32, #tpu.memory_space<vmem>> -> memref<1x64x64xf32, #tpu.memory_space<vmem>>
      %get3A_383 = tpu.memref_squeeze %get3A_382 : memref<1x64x64xf32, #tpu.memory_space<vmem>> -> memref<64x64xf32, #tpu.memory_space<vmem>>
      %get3A_384 = arith.index_cast %scan3A_295 : i32 to index
      %get3A_385 = arith.constant 48 : index
      %get3A_386 = tpu.vector_load %get3A_383[%get3A_384, %get3A_385] {strides = array<i32>} : memref<64x64xf32, #tpu.memory_space<vmem>>, vector<1x16xf32>,
      %get3A_387 = vector.shape_cast %get3A_386 : vector<1x16xf32> to vector<16xf32>
      %mul3A_388 = arith.mulf %get3A_379, %get3A_387 : vector<16xf32>
      %swap3A_389 = arith.constant 0 : i32
      %swap3A_390 = arith.constant 0 : i32
      %swap3A_391 = tpu.memref_slice %arg14[%scan3A_88, %swap3A_389, %swap3A_390] : memref<7x64x64xf32, #tpu.memory_space<vmem>> -> memref<1x64x64xf32, #tpu.memory_space<vmem>>
      %swap3A_392 = tpu.memref_squeeze %swap3A_391 : memref<1x64x64xf32, #tpu.memory_space<vmem>> -> memref<64x64xf32, #tpu.memory_space<vmem>>
      %swap3A_393 = arith.index_cast %scan3A_295 : i32 to index
      %swap3A_394 = arith.constant 48 : index
      %swap3A_395 = tpu.vector_load %swap3A_392[%swap3A_393, %swap3A_394] {strides = array<i32>} : memref<64x64xf32, #tpu.memory_space<vmem>>, vector<1x16xf32>,
      %swap3A_396 = vector.shape_cast %swap3A_395 : vector<1x16xf32> to vector<16xf32>
      %swap3A_397 = vector.shape_cast %mul3A_388 : vector<16xf32> to vector<1x16xf32>
      tpu.vector_store %swap3A_392[%swap3A_393, %swap3A_394], %swap3A_397 {strides = array<i32>} : memref<64x64xf32, #tpu.memory_space<vmem>>, vector<1x16xf32>,
    }
    %scan3A_94 = arith.constant 64 : i32
    %run_scoped3A_95 = arith.constant 0 : i32
    "tpu.region"() ({
      %run_scoped3A_295 = tpu.sem_alloc : memref<!tpu.dma_semaphore, #tpu.memory_space<semaphore_mem>>
      %dma_start3A_296 = arith.constant 0 : i32
      %dma_start3A_297 = arith.constant 0 : i32
      %dma_start3A_298 = tpu.memref_slice %arg14[%run_scoped3A_95, %dma_start3A_296, %dma_start3A_297] : memref<7x64x64xf32, #tpu.memory_space<vmem>> -> memref<1x64x64xf32, #tpu.memory_space<vmem>>
      %dma_start3A_299 = tpu.memref_squeeze %dma_start3A_298 : memref<1x64x64xf32, #tpu.memory_space<vmem>> -> memref<64x64xf32, #tpu.memory_space<vmem>>
      %dma_start3A_300 = arith.constant 0 : i32
      %dma_start3A_301 = arith.constant 0 : i32
      %dma_start3A_302 = tpu.memref_slice %dma_start3A_299[%dma_start3A_300, %dma_start3A_301] : memref<64x64xf32, #tpu.memory_space<vmem>> -> memref<64x64xf32, #tpu.memory_space<vmem>>
      %dma_start3A_303 = arith.constant 0 : i32
      %dma_start3A_304 = tpu.memref_slice %arg11[%add3A_75, %dma_start3A_303] : memref<5120x64xf32, #tpu.memory_space<vmem_shared>> -> memref<64x64xf32, #tpu.memory_space<vmem_shared>>
      %dma_start3A_305 = arith.constant 0 : i32
      %dma_start3A_306 = tpu.memref_slice %arg11[%add3A_75, %dma_start3A_305] : memref<5120x64xf32, #tpu.memory_space<vmem_shared>> -> memref<64x64xf32, #tpu.memory_space<vmem_shared>>
      %dma_start3A_307 = arith.constant 0 : i32
      %dma_start3A_308 = arith.constant 0 : i32
      %dma_start3A_309 = tpu.memref_slice %arg14[%run_scoped3A_95, %dma_start3A_307, %dma_start3A_308] : memref<7x64x64xf32, #tpu.memory_space<vmem>> -> memref<1x64x64xf32, #tpu.memory_space<vmem>>
      %dma_start3A_310 = tpu.memref_squeeze %dma_start3A_309 : memref<1x64x64xf32, #tpu.memory_space<vmem>> -> memref<64x64xf32, #tpu.memory_space<vmem>>
      %dma_start3A_311 = arith.constant 0 : i32
      %dma_start3A_312 = arith.constant 0 : i32
      %dma_start3A_313 = tpu.memref_slice %dma_start3A_310[%dma_start3A_311, %dma_start3A_312] : memref<64x64xf32, #tpu.memory_space<vmem>> -> memref<64x64xf32, #tpu.memory_space<vmem>>
      tpu.enqueue_dma source(%dma_start3A_313 : memref<64x64xf32, #tpu.memory_space<vmem>>) target(%dma_start3A_306 : memref<64x64xf32, #tpu.memory_space<vmem_shared>>) target_semaphore(%run_scoped3A_295 : memref<!tpu.dma_semaphore, #tpu.memory_space<semaphore_mem>>)
      %dma_wait3A_314 = arith.constant 0 : i32
      %dma_wait3A_315 = arith.constant 0 : i32
      %dma_wait3A_316 = tpu.memref_slice %arg14[%run_scoped3A_95, %dma_wait3A_314, %dma_wait3A_315] : memref<7x64x64xf32, #tpu.memory_space<vmem>> -> memref<1x64x64xf32, #tpu.memory_space<vmem>>
      %dma_wait3A_317 = tpu.memref_squeeze %dma_wait3A_316 : memref<1x64x64xf32, #tpu.memory_space<vmem>> -> memref<64x64xf32, #tpu.memory_space<vmem>>
      %dma_wait3A_318 = arith.constant 0 : i32
      %dma_wait3A_319 = arith.constant 0 : i32
      %dma_wait3A_320 = tpu.memref_slice %dma_wait3A_317[%dma_wait3A_318, %dma_wait3A_319] : memref<64x64xf32, #tpu.memory_space<vmem>> -> memref<64x64xf32, #tpu.memory_space<vmem>>
      %dma_wait3A_321 = arith.constant 0 : i32
      %dma_wait3A_322 = tpu.memref_slice %arg11[%add3A_75, %dma_wait3A_321] : memref<5120x64xf32, #tpu.memory_space<vmem_shared>> -> memref<64x64xf32, #tpu.memory_space<vmem_shared>>
      %dma_wait3A_323 = arith.constant 0 : i32
      %dma_wait3A_324 = tpu.memref_slice %arg11[%add3A_75, %dma_wait3A_323] : memref<5120x64xf32, #tpu.memory_space<vmem_shared>> -> memref<64x64xf32, #tpu.memory_space<vmem_shared>>
      %dma_wait3A_325 = arith.constant 0 : i32
      %dma_wait3A_326 = arith.constant 0 : i32
      %dma_wait3A_327 = tpu.memref_slice %arg14[%run_scoped3A_95, %dma_wait3A_325, %dma_wait3A_326] : memref<7x64x64xf32, #tpu.memory_space<vmem>> -> memref<1x64x64xf32, #tpu.memory_space<vmem>>
      %dma_wait3A_328 = tpu.memref_squeeze %dma_wait3A_327 : memref<1x64x64xf32, #tpu.memory_space<vmem>> -> memref<64x64xf32, #tpu.memory_space<vmem>>
      %dma_wait3A_329 = arith.constant 0 : i32
      %dma_wait3A_330 = arith.constant 0 : i32
      %dma_wait3A_331 = tpu.memref_slice %dma_wait3A_328[%dma_wait3A_329, %dma_wait3A_330] : memref<64x64xf32, #tpu.memory_space<vmem>> -> memref<64x64xf32, #tpu.memory_space<vmem>>
      tpu.wait_dma2 semaphore(%run_scoped3A_295 : memref<!tpu.dma_semaphore, #tpu.memory_space<semaphore_mem>>) src(%dma_wait3A_331 : memref<64x64xf32, #tpu.memory_space<vmem>>) dst(%dma_wait3A_324 : memref<64x64xf32, #tpu.memory_space<vmem_shared>>)
      tpu.yield
    }) : () -> ()
    %mul3A_96 = arith.constant 320 : i32
    %mul3A_97 = arith.muli %arg1, %mul3A_96 : i32
    %add3A_98 = arith.constant 192 : i32
    %add3A_99 = arith.addi %mul3A_97, %add3A_98 : i32
    %eq3A_100 = arith.constant 0 : i32
    %eq3A_101 = arith.cmpi eq, %arg0, %eq3A_100 : i32
    %convert_element_type3A_102 = arith.extui %eq3A_101 : i1 to i32
    %cond3A_103 = arith.constant 0 : i32
    %cond3A_104 = arith.cmpi ne, %convert_element_type3A_102, %cond3A_103 : i32
    scf.if %cond3A_104 {
      %run_scoped3A_295 = arith.constant 0 : i32
      "tpu.region"() ({
        %run_scoped3A_296 = tpu.sem_alloc : memref<!tpu.dma_semaphore, #tpu.memory_space<semaphore_mem>>
        %dma_start3A_297 = arith.constant 0 : i32
        %dma_start3A_298 = arith.constant 0 : i32
        %dma_start3A_299 = tpu.memref_slice %arg14[%run_scoped3A_295, %dma_start3A_297, %dma_start3A_298] : memref<7x64x64xf32, #tpu.memory_space<vmem>> -> memref<1x64x64xf32, #tpu.memory_space<vmem>>
        %dma_start3A_300 = tpu.memref_squeeze %dma_start3A_299 : memref<1x64x64xf32, #tpu.memory_space<vmem>> -> memref<64x64xf32, #tpu.memory_space<vmem>>
        %dma_start3A_301 = arith.constant 0 : i32
        %dma_start3A_302 = arith.constant 0 : i32
        %dma_start3A_303 = tpu.memref_slice %dma_start3A_300[%dma_start3A_301, %dma_start3A_302] : memref<64x64xf32, #tpu.memory_space<vmem>> -> memref<64x64xf32, #tpu.memory_space<vmem>>
        %dma_start3A_304 = arith.constant 0 : i32
        %dma_start3A_305 = tpu.memref_slice %arg2[%add3A_99, %dma_start3A_304] : memref<5120x64xf32, #tpu.memory_space<hbm>> -> memref<64x64xf32, #tpu.memory_space<hbm>>
        %dma_start3A_306 = arith.constant 0 : i32
        %dma_start3A_307 = arith.constant 0 : i32
        %dma_start3A_308 = tpu.memref_slice %arg14[%run_scoped3A_295, %dma_start3A_306, %dma_start3A_307] : memref<7x64x64xf32, #tpu.memory_space<vmem>> -> memref<1x64x64xf32, #tpu.memory_space<vmem>>
        %dma_start3A_309 = tpu.memref_squeeze %dma_start3A_308 : memref<1x64x64xf32, #tpu.memory_space<vmem>> -> memref<64x64xf32, #tpu.memory_space<vmem>>
        %dma_start3A_310 = arith.constant 0 : i32
        %dma_start3A_311 = arith.constant 0 : i32
        %dma_start3A_312 = tpu.memref_slice %dma_start3A_309[%dma_start3A_310, %dma_start3A_311] : memref<64x64xf32, #tpu.memory_space<vmem>> -> memref<64x64xf32, #tpu.memory_space<vmem>>
        %dma_start3A_313 = arith.constant 0 : i32
        %dma_start3A_314 = tpu.memref_slice %arg2[%add3A_99, %dma_start3A_313] : memref<5120x64xf32, #tpu.memory_space<hbm>> -> memref<64x64xf32, #tpu.memory_space<hbm>>
        tpu.enqueue_dma source(%dma_start3A_314 : memref<64x64xf32, #tpu.memory_space<hbm>>) target(%dma_start3A_312 : memref<64x64xf32, #tpu.memory_space<vmem>>) target_semaphore(%run_scoped3A_296 : memref<!tpu.dma_semaphore, #tpu.memory_space<semaphore_mem>>)
        %dma_wait3A_315 = arith.constant 0 : i32
        %dma_wait3A_316 = arith.constant 0 : i32
        %dma_wait3A_317 = tpu.memref_slice %arg14[%run_scoped3A_295, %dma_wait3A_315, %dma_wait3A_316] : memref<7x64x64xf32, #tpu.memory_space<vmem>> -> memref<1x64x64xf32, #tpu.memory_space<vmem>>
        %dma_wait3A_318 = tpu.memref_squeeze %dma_wait3A_317 : memref<1x64x64xf32, #tpu.memory_space<vmem>> -> memref<64x64xf32, #tpu.memory_space<vmem>>
        %dma_wait3A_319 = arith.constant 0 : i32
        %dma_wait3A_320 = arith.constant 0 : i32
        %dma_wait3A_321 = tpu.memref_slice %dma_wait3A_318[%dma_wait3A_319, %dma_wait3A_320] : memref<64x64xf32, #tpu.memory_space<vmem>> -> memref<64x64xf32, #tpu.memory_space<vmem>>
        %dma_wait3A_322 = arith.constant 0 : i32
        %dma_wait3A_323 = tpu.memref_slice %arg2[%add3A_99, %dma_wait3A_322] : memref<5120x64xf32, #tpu.memory_space<hbm>> -> memref<64x64xf32, #tpu.memory_space<hbm>>
        %dma_wait3A_324 = arith.constant 0 : i32
        %dma_wait3A_325 = arith.constant 0 : i32
        %dma_wait3A_326 = tpu.memref_slice %arg14[%run_scoped3A_295, %dma_wait3A_324, %dma_wait3A_325] : memref<7x64x64xf32, #tpu.memory_space<vmem>> -> memref<1x64x64xf32, #tpu.memory_space<vmem>>
        %dma_wait3A_327 = tpu.memref_squeeze %dma_wait3A_326 : memref<1x64x64xf32, #tpu.memory_space<vmem>> -> memref<64x64xf32, #tpu.memory_space<vmem>>
        %dma_wait3A_328 = arith.constant 0 : i32
        %dma_wait3A_329 = arith.constant 0 : i32
        %dma_wait3A_330 = tpu.memref_slice %dma_wait3A_327[%dma_wait3A_328, %dma_wait3A_329] : memref<64x64xf32, #tpu.memory_space<vmem>> -> memref<64x64xf32, #tpu.memory_space<vmem>>
        %dma_wait3A_331 = arith.constant 0 : i32
        %dma_wait3A_332 = tpu.memref_slice %arg2[%add3A_99, %dma_wait3A_331] : memref<5120x64xf32, #tpu.memory_space<hbm>> -> memref<64x64xf32, #tpu.memory_space<hbm>>
        tpu.wait_dma2 semaphore(%run_scoped3A_296 : memref<!tpu.dma_semaphore, #tpu.memory_space<semaphore_mem>>) src(%dma_wait3A_332 : memref<64x64xf32, #tpu.memory_space<hbm>>) dst(%dma_wait3A_330 : memref<64x64xf32, #tpu.memory_space<vmem>>)
        tpu.yield
      }) : () -> ()
    } else {
    }
    %eq3A_105 = arith.constant 1 : i32
    %eq3A_106 = arith.cmpi eq, %arg0, %eq3A_105 : i32
    %convert_element_type3A_107 = arith.extui %eq3A_106 : i1 to i32
    %cond3A_108 = arith.constant 0 : i32
    %cond3A_109 = arith.cmpi ne, %convert_element_type3A_107, %cond3A_108 : i32
    scf.if %cond3A_109 {
      %run_scoped3A_295 = arith.constant 0 : i32
      "tpu.region"() ({
        %run_scoped3A_296 = tpu.sem_alloc : memref<!tpu.dma_semaphore, #tpu.memory_space<semaphore_mem>>
        %dma_start3A_297 = arith.constant 0 : i32
        %dma_start3A_298 = arith.constant 0 : i32
        %dma_start3A_299 = tpu.memref_slice %arg14[%run_scoped3A_295, %dma_start3A_297, %dma_start3A_298] : memref<7x64x64xf32, #tpu.memory_space<vmem>> -> memref<1x64x64xf32, #tpu.memory_space<vmem>>
        %dma_start3A_300 = tpu.memref_squeeze %dma_start3A_299 : memref<1x64x64xf32, #tpu.memory_space<vmem>> -> memref<64x64xf32, #tpu.memory_space<vmem>>
        %dma_start3A_301 = arith.constant 0 : i32
        %dma_start3A_302 = arith.constant 0 : i32
        %dma_start3A_303 = tpu.memref_slice %dma_start3A_300[%dma_start3A_301, %dma_start3A_302] : memref<64x64xf32, #tpu.memory_space<vmem>> -> memref<64x64xf32, #tpu.memory_space<vmem>>
        %dma_start3A_304 = arith.constant 0 : i32
        %dma_start3A_305 = tpu.memref_slice %arg3[%add3A_99, %dma_start3A_304] : memref<5120x64xf32, #tpu.memory_space<hbm>> -> memref<64x64xf32, #tpu.memory_space<hbm>>
        %dma_start3A_306 = arith.constant 0 : i32
        %dma_start3A_307 = arith.constant 0 : i32
        %dma_start3A_308 = tpu.memref_slice %arg14[%run_scoped3A_295, %dma_start3A_306, %dma_start3A_307] : memref<7x64x64xf32, #tpu.memory_space<vmem>> -> memref<1x64x64xf32, #tpu.memory_space<vmem>>
        %dma_start3A_309 = tpu.memref_squeeze %dma_start3A_308 : memref<1x64x64xf32, #tpu.memory_space<vmem>> -> memref<64x64xf32, #tpu.memory_space<vmem>>
        %dma_start3A_310 = arith.constant 0 : i32
        %dma_start3A_311 = arith.constant 0 : i32
        %dma_start3A_312 = tpu.memref_slice %dma_start3A_309[%dma_start3A_310, %dma_start3A_311] : memref<64x64xf32, #tpu.memory_space<vmem>> -> memref<64x64xf32, #tpu.memory_space<vmem>>
        %dma_start3A_313 = arith.constant 0 : i32
        %dma_start3A_314 = tpu.memref_slice %arg3[%add3A_99, %dma_start3A_313] : memref<5120x64xf32, #tpu.memory_space<hbm>> -> memref<64x64xf32, #tpu.memory_space<hbm>>
        tpu.enqueue_dma source(%dma_start3A_314 : memref<64x64xf32, #tpu.memory_space<hbm>>) target(%dma_start3A_312 : memref<64x64xf32, #tpu.memory_space<vmem>>) target_semaphore(%run_scoped3A_296 : memref<!tpu.dma_semaphore, #tpu.memory_space<semaphore_mem>>)
        %dma_wait3A_315 = arith.constant 0 : i32
        %dma_wait3A_316 = arith.constant 0 : i32
        %dma_wait3A_317 = tpu.memref_slice %arg14[%run_scoped3A_295, %dma_wait3A_315, %dma_wait3A_316] : memref<7x64x64xf32, #tpu.memory_space<vmem>> -> memref<1x64x64xf32, #tpu.memory_space<vmem>>
        %dma_wait3A_318 = tpu.memref_squeeze %dma_wait3A_317 : memref<1x64x64xf32, #tpu.memory_space<vmem>> -> memref<64x64xf32, #tpu.memory_space<vmem>>
        %dma_wait3A_319 = arith.constant 0 : i32
        %dma_wait3A_320 = arith.constant 0 : i32
        %dma_wait3A_321 = tpu.memref_slice %dma_wait3A_318[%dma_wait3A_319, %dma_wait3A_320] : memref<64x64xf32, #tpu.memory_space<vmem>> -> memref<64x64xf32, #tpu.memory_space<vmem>>
        %dma_wait3A_322 = arith.constant 0 : i32
        %dma_wait3A_323 = tpu.memref_slice %arg3[%add3A_99, %dma_wait3A_322] : memref<5120x64xf32, #tpu.memory_space<hbm>> -> memref<64x64xf32, #tpu.memory_space<hbm>>
        %dma_wait3A_324 = arith.constant 0 : i32
        %dma_wait3A_325 = arith.constant 0 : i32
        %dma_wait3A_326 = tpu.memref_slice %arg14[%run_scoped3A_295, %dma_wait3A_324, %dma_wait3A_325] : memref<7x64x64xf32, #tpu.memory_space<vmem>> -> memref<1x64x64xf32, #tpu.memory_space<vmem>>
        %dma_wait3A_327 = tpu.memref_squeeze %dma_wait3A_326 : memref<1x64x64xf32, #tpu.memory_space<vmem>> -> memref<64x64xf32, #tpu.memory_space<vmem>>
        %dma_wait3A_328 = arith.constant 0 : i32
        %dma_wait3A_329 = arith.constant 0 : i32
        %dma_wait3A_330 = tpu.memref_slice %dma_wait3A_327[%dma_wait3A_328, %dma_wait3A_329] : memref<64x64xf32, #tpu.memory_space<vmem>> -> memref<64x64xf32, #tpu.memory_space<vmem>>
        %dma_wait3A_331 = arith.constant 0 : i32
        %dma_wait3A_332 = tpu.memref_slice %arg3[%add3A_99, %dma_wait3A_331] : memref<5120x64xf32, #tpu.memory_space<hbm>> -> memref<64x64xf32, #tpu.memory_space<hbm>>
        tpu.wait_dma2 semaphore(%run_scoped3A_296 : memref<!tpu.dma_semaphore, #tpu.memory_space<semaphore_mem>>) src(%dma_wait3A_332 : memref<64x64xf32, #tpu.memory_space<hbm>>) dst(%dma_wait3A_330 : memref<64x64xf32, #tpu.memory_space<vmem>>)
        tpu.yield
      }) : () -> ()
    } else {
    }
    %run_scoped3A_110 = arith.constant 1 : i32
    "tpu.region"() ({
      %run_scoped3A_295 = tpu.sem_alloc : memref<!tpu.dma_semaphore, #tpu.memory_space<semaphore_mem>>
      %dma_start3A_296 = arith.constant 0 : i32
      %dma_start3A_297 = arith.constant 0 : i32
      %dma_start3A_298 = tpu.memref_slice %arg14[%run_scoped3A_110, %dma_start3A_296, %dma_start3A_297] : memref<7x64x64xf32, #tpu.memory_space<vmem>> -> memref<1x64x64xf32, #tpu.memory_space<vmem>>
      %dma_start3A_299 = tpu.memref_squeeze %dma_start3A_298 : memref<1x64x64xf32, #tpu.memory_space<vmem>> -> memref<64x64xf32, #tpu.memory_space<vmem>>
      %dma_start3A_300 = arith.constant 0 : i32
      %dma_start3A_301 = arith.constant 0 : i32
      %dma_start3A_302 = tpu.memref_slice %dma_start3A_299[%dma_start3A_300, %dma_start3A_301] : memref<64x64xf32, #tpu.memory_space<vmem>> -> memref<64x64xf32, #tpu.memory_space<vmem>>
      %dma_start3A_303 = arith.constant 0 : i32
      %dma_start3A_304 = tpu.memref_slice %arg4[%add3A_99, %dma_start3A_303] : memref<5120x64xf32, #tpu.memory_space<hbm>> -> memref<64x64xf32, #tpu.memory_space<hbm>>
      %dma_start3A_305 = arith.constant 0 : i32
      %dma_start3A_306 = arith.constant 0 : i32
      %dma_start3A_307 = tpu.memref_slice %arg14[%run_scoped3A_110, %dma_start3A_305, %dma_start3A_306] : memref<7x64x64xf32, #tpu.memory_space<vmem>> -> memref<1x64x64xf32, #tpu.memory_space<vmem>>
      %dma_start3A_308 = tpu.memref_squeeze %dma_start3A_307 : memref<1x64x64xf32, #tpu.memory_space<vmem>> -> memref<64x64xf32, #tpu.memory_space<vmem>>
      %dma_start3A_309 = arith.constant 0 : i32
      %dma_start3A_310 = arith.constant 0 : i32
      %dma_start3A_311 = tpu.memref_slice %dma_start3A_308[%dma_start3A_309, %dma_start3A_310] : memref<64x64xf32, #tpu.memory_space<vmem>> -> memref<64x64xf32, #tpu.memory_space<vmem>>
      %dma_start3A_312 = arith.constant 0 : i32
      %dma_start3A_313 = tpu.memref_slice %arg4[%add3A_99, %dma_start3A_312] : memref<5120x64xf32, #tpu.memory_space<hbm>> -> memref<64x64xf32, #tpu.memory_space<hbm>>
      tpu.enqueue_dma source(%dma_start3A_313 : memref<64x64xf32, #tpu.memory_space<hbm>>) target(%dma_start3A_311 : memref<64x64xf32, #tpu.memory_space<vmem>>) target_semaphore(%run_scoped3A_295 : memref<!tpu.dma_semaphore, #tpu.memory_space<semaphore_mem>>)
      %dma_wait3A_314 = arith.constant 0 : i32
      %dma_wait3A_315 = arith.constant 0 : i32
      %dma_wait3A_316 = tpu.memref_slice %arg14[%run_scoped3A_110, %dma_wait3A_314, %dma_wait3A_315] : memref<7x64x64xf32, #tpu.memory_space<vmem>> -> memref<1x64x64xf32, #tpu.memory_space<vmem>>
      %dma_wait3A_317 = tpu.memref_squeeze %dma_wait3A_316 : memref<1x64x64xf32, #tpu.memory_space<vmem>> -> memref<64x64xf32, #tpu.memory_space<vmem>>
      %dma_wait3A_318 = arith.constant 0 : i32
      %dma_wait3A_319 = arith.constant 0 : i32
      %dma_wait3A_320 = tpu.memref_slice %dma_wait3A_317[%dma_wait3A_318, %dma_wait3A_319] : memref<64x64xf32, #tpu.memory_space<vmem>> -> memref<64x64xf32, #tpu.memory_space<vmem>>
      %dma_wait3A_321 = arith.constant 0 : i32
      %dma_wait3A_322 = tpu.memref_slice %arg4[%add3A_99, %dma_wait3A_321] : memref<5120x64xf32, #tpu.memory_space<hbm>> -> memref<64x64xf32, #tpu.memory_space<hbm>>
      %dma_wait3A_323 = arith.constant 0 : i32
      %dma_wait3A_324 = arith.constant 0 : i32
      %dma_wait3A_325 = tpu.memref_slice %arg14[%run_scoped3A_110, %dma_wait3A_323, %dma_wait3A_324] : memref<7x64x64xf32, #tpu.memory_space<vmem>> -> memref<1x64x64xf32, #tpu.memory_space<vmem>>
      %dma_wait3A_326 = tpu.memref_squeeze %dma_wait3A_325 : memref<1x64x64xf32, #tpu.memory_space<vmem>> -> memref<64x64xf32, #tpu.memory_space<vmem>>
      %dma_wait3A_327 = arith.constant 0 : i32
      %dma_wait3A_328 = arith.constant 0 : i32
      %dma_wait3A_329 = tpu.memref_slice %dma_wait3A_326[%dma_wait3A_327, %dma_wait3A_328] : memref<64x64xf32, #tpu.memory_space<vmem>> -> memref<64x64xf32, #tpu.memory_space<vmem>>
      %dma_wait3A_330 = arith.constant 0 : i32
      %dma_wait3A_331 = tpu.memref_slice %arg4[%add3A_99, %dma_wait3A_330] : memref<5120x64xf32, #tpu.memory_space<hbm>> -> memref<64x64xf32, #tpu.memory_space<hbm>>
      tpu.wait_dma2 semaphore(%run_scoped3A_295 : memref<!tpu.dma_semaphore, #tpu.memory_space<semaphore_mem>>) src(%dma_wait3A_331 : memref<64x64xf32, #tpu.memory_space<hbm>>) dst(%dma_wait3A_329 : memref<64x64xf32, #tpu.memory_space<vmem>>)
      tpu.yield
    }) : () -> ()
    %scan3A_111 = arith.constant 0 : i32
    %scan3A_112 = arith.constant 0 : i32
    %scan3A_113 = arith.constant 1 : i32
    %scan3A_114 = arith.constant 0 : i32
    %scan3A_115 = arith.constant 64 : i32
    %scan3A_116 = arith.addi %scan3A_114, %scan3A_115 : i32
    %scan3A_117 = arith.constant 1 : i32
    scf.for %scan3A_295 = %scan3A_114 to %scan3A_116 step %scan3A_117  : i32 {
      %get3A = arith.constant 0 : i32
      %get3A_296 = arith.constant 0 : i32
      %get3A_297 = tpu.memref_slice %arg14[%scan3A_112, %get3A, %get3A_296] : memref<7x64x64xf32, #tpu.memory_space<vmem>> -> memref<1x64x64xf32, #tpu.memory_space<vmem>>
      %get3A_298 = tpu.memref_squeeze %get3A_297 : memref<1x64x64xf32, #tpu.memory_space<vmem>> -> memref<64x64xf32, #tpu.memory_space<vmem>>
      %get3A_299 = arith.index_cast %scan3A_295 : i32 to index
      %get3A_300 = arith.constant 0 : index
      %get3A_301 = tpu.vector_load %get3A_298[%get3A_299, %get3A_300] {strides = array<i32>} : memref<64x64xf32, #tpu.memory_space<vmem>>, vector<1x16xf32>,
      %get3A_302 = vector.shape_cast %get3A_301 : vector<1x16xf32> to vector<16xf32>
      %get3A_303 = arith.constant 0 : i32
      %get3A_304 = arith.constant 0 : i32
      %get3A_305 = tpu.memref_slice %arg14[%scan3A_113, %get3A_303, %get3A_304] : memref<7x64x64xf32, #tpu.memory_space<vmem>> -> memref<1x64x64xf32, #tpu.memory_space<vmem>>
      %get3A_306 = tpu.memref_squeeze %get3A_305 : memref<1x64x64xf32, #tpu.memory_space<vmem>> -> memref<64x64xf32, #tpu.memory_space<vmem>>
      %get3A_307 = arith.index_cast %scan3A_295 : i32 to index
      %get3A_308 = arith.constant 0 : index
      %get3A_309 = tpu.vector_load %get3A_306[%get3A_307, %get3A_308] {strides = array<i32>} : memref<64x64xf32, #tpu.memory_space<vmem>>, vector<1x16xf32>,
      %get3A_310 = vector.shape_cast %get3A_309 : vector<1x16xf32> to vector<16xf32>
      %mul3A_311 = arith.mulf %get3A_302, %get3A_310 : vector<16xf32>
      %swap3A = arith.constant 0 : i32
      %swap3A_312 = arith.constant 0 : i32
      %swap3A_313 = tpu.memref_slice %arg14[%scan3A_112, %swap3A, %swap3A_312] : memref<7x64x64xf32, #tpu.memory_space<vmem>> -> memref<1x64x64xf32, #tpu.memory_space<vmem>>
      %swap3A_314 = tpu.memref_squeeze %swap3A_313 : memref<1x64x64xf32, #tpu.memory_space<vmem>> -> memref<64x64xf32, #tpu.memory_space<vmem>>
      %swap3A_315 = arith.index_cast %scan3A_295 : i32 to index
      %swap3A_316 = arith.constant 0 : index
      %swap3A_317 = tpu.vector_load %swap3A_314[%swap3A_315, %swap3A_316] {strides = array<i32>} : memref<64x64xf32, #tpu.memory_space<vmem>>, vector<1x16xf32>,
      %swap3A_318 = vector.shape_cast %swap3A_317 : vector<1x16xf32> to vector<16xf32>
      %swap3A_319 = vector.shape_cast %mul3A_311 : vector<16xf32> to vector<1x16xf32>
      tpu.vector_store %swap3A_314[%swap3A_315, %swap3A_316], %swap3A_319 {strides = array<i32>} : memref<64x64xf32, #tpu.memory_space<vmem>>, vector<1x16xf32>,
      %get3A_320 = arith.constant 0 : i32
      %get3A_321 = arith.constant 0 : i32
      %get3A_322 = tpu.memref_slice %arg14[%scan3A_112, %get3A_320, %get3A_321] : memref<7x64x64xf32, #tpu.memory_space<vmem>> -> memref<1x64x64xf32, #tpu.memory_space<vmem>>
      %get3A_323 = tpu.memref_squeeze %get3A_322 : memref<1x64x64xf32, #tpu.memory_space<vmem>> -> memref<64x64xf32, #tpu.memory_space<vmem>>
      %get3A_324 = arith.index_cast %scan3A_295 : i32 to index
      %get3A_325 = arith.constant 16 : index
      %get3A_326 = tpu.vector_load %get3A_323[%get3A_324, %get3A_325] {strides = array<i32>} : memref<64x64xf32, #tpu.memory_space<vmem>>, vector<1x16xf32>,
      %get3A_327 = vector.shape_cast %get3A_326 : vector<1x16xf32> to vector<16xf32>
      %get3A_328 = arith.constant 0 : i32
      %get3A_329 = arith.constant 0 : i32
      %get3A_330 = tpu.memref_slice %arg14[%scan3A_113, %get3A_328, %get3A_329] : memref<7x64x64xf32, #tpu.memory_space<vmem>> -> memref<1x64x64xf32, #tpu.memory_space<vmem>>
      %get3A_331 = tpu.memref_squeeze %get3A_330 : memref<1x64x64xf32, #tpu.memory_space<vmem>> -> memref<64x64xf32, #tpu.memory_space<vmem>>
      %get3A_332 = arith.index_cast %scan3A_295 : i32 to index
      %get3A_333 = arith.constant 16 : index
      %get3A_334 = tpu.vector_load %get3A_331[%get3A_332, %get3A_333] {strides = array<i32>} : memref<64x64xf32, #tpu.memory_space<vmem>>, vector<1x16xf32>,
      %get3A_335 = vector.shape_cast %get3A_334 : vector<1x16xf32> to vector<16xf32>
      %mul3A_336 = arith.mulf %get3A_327, %get3A_335 : vector<16xf32>
      %swap3A_337 = arith.constant 0 : i32
      %swap3A_338 = arith.constant 0 : i32
      %swap3A_339 = tpu.memref_slice %arg14[%scan3A_112, %swap3A_337, %swap3A_338] : memref<7x64x64xf32, #tpu.memory_space<vmem>> -> memref<1x64x64xf32, #tpu.memory_space<vmem>>
      %swap3A_340 = tpu.memref_squeeze %swap3A_339 : memref<1x64x64xf32, #tpu.memory_space<vmem>> -> memref<64x64xf32, #tpu.memory_space<vmem>>
      %swap3A_341 = arith.index_cast %scan3A_295 : i32 to index
      %swap3A_342 = arith.constant 16 : index
      %swap3A_343 = tpu.vector_load %swap3A_340[%swap3A_341, %swap3A_342] {strides = array<i32>} : memref<64x64xf32, #tpu.memory_space<vmem>>, vector<1x16xf32>,
      %swap3A_344 = vector.shape_cast %swap3A_343 : vector<1x16xf32> to vector<16xf32>
      %swap3A_345 = vector.shape_cast %mul3A_336 : vector<16xf32> to vector<1x16xf32>
      tpu.vector_store %swap3A_340[%swap3A_341, %swap3A_342], %swap3A_345 {strides = array<i32>} : memref<64x64xf32, #tpu.memory_space<vmem>>, vector<1x16xf32>,
      %get3A_346 = arith.constant 0 : i32
      %get3A_347 = arith.constant 0 : i32
      %get3A_348 = tpu.memref_slice %arg14[%scan3A_112, %get3A_346, %get3A_347] : memref<7x64x64xf32, #tpu.memory_space<vmem>> -> memref<1x64x64xf32, #tpu.memory_space<vmem>>
      %get3A_349 = tpu.memref_squeeze %get3A_348 : memref<1x64x64xf32, #tpu.memory_space<vmem>> -> memref<64x64xf32, #tpu.memory_space<vmem>>
      %get3A_350 = arith.index_cast %scan3A_295 : i32 to index
      %get3A_351 = arith.constant 32 : index
      %get3A_352 = tpu.vector_load %get3A_349[%get3A_350, %get3A_351] {strides = array<i32>} : memref<64x64xf32, #tpu.memory_space<vmem>>, vector<1x16xf32>,
      %get3A_353 = vector.shape_cast %get3A_352 : vector<1x16xf32> to vector<16xf32>
      %get3A_354 = arith.constant 0 : i32
      %get3A_355 = arith.constant 0 : i32
      %get3A_356 = tpu.memref_slice %arg14[%scan3A_113, %get3A_354, %get3A_355] : memref<7x64x64xf32, #tpu.memory_space<vmem>> -> memref<1x64x64xf32, #tpu.memory_space<vmem>>
      %get3A_357 = tpu.memref_squeeze %get3A_356 : memref<1x64x64xf32, #tpu.memory_space<vmem>> -> memref<64x64xf32, #tpu.memory_space<vmem>>
      %get3A_358 = arith.index_cast %scan3A_295 : i32 to index
      %get3A_359 = arith.constant 32 : index
      %get3A_360 = tpu.vector_load %get3A_357[%get3A_358, %get3A_359] {strides = array<i32>} : memref<64x64xf32, #tpu.memory_space<vmem>>, vector<1x16xf32>,
      %get3A_361 = vector.shape_cast %get3A_360 : vector<1x16xf32> to vector<16xf32>
      %mul3A_362 = arith.mulf %get3A_353, %get3A_361 : vector<16xf32>
      %swap3A_363 = arith.constant 0 : i32
      %swap3A_364 = arith.constant 0 : i32
      %swap3A_365 = tpu.memref_slice %arg14[%scan3A_112, %swap3A_363, %swap3A_364] : memref<7x64x64xf32, #tpu.memory_space<vmem>> -> memref<1x64x64xf32, #tpu.memory_space<vmem>>
      %swap3A_366 = tpu.memref_squeeze %swap3A_365 : memref<1x64x64xf32, #tpu.memory_space<vmem>> -> memref<64x64xf32, #tpu.memory_space<vmem>>
      %swap3A_367 = arith.index_cast %scan3A_295 : i32 to index
      %swap3A_368 = arith.constant 32 : index
      %swap3A_369 = tpu.vector_load %swap3A_366[%swap3A_367, %swap3A_368] {strides = array<i32>} : memref<64x64xf32, #tpu.memory_space<vmem>>, vector<1x16xf32>,
      %swap3A_370 = vector.shape_cast %swap3A_369 : vector<1x16xf32> to vector<16xf32>
      %swap3A_371 = vector.shape_cast %mul3A_362 : vector<16xf32> to vector<1x16xf32>
      tpu.vector_store %swap3A_366[%swap3A_367, %swap3A_368], %swap3A_371 {strides = array<i32>} : memref<64x64xf32, #tpu.memory_space<vmem>>, vector<1x16xf32>,
      %get3A_372 = arith.constant 0 : i32
      %get3A_373 = arith.constant 0 : i32
      %get3A_374 = tpu.memref_slice %arg14[%scan3A_112, %get3A_372, %get3A_373] : memref<7x64x64xf32, #tpu.memory_space<vmem>> -> memref<1x64x64xf32, #tpu.memory_space<vmem>>
      %get3A_375 = tpu.memref_squeeze %get3A_374 : memref<1x64x64xf32, #tpu.memory_space<vmem>> -> memref<64x64xf32, #tpu.memory_space<vmem>>
      %get3A_376 = arith.index_cast %scan3A_295 : i32 to index
      %get3A_377 = arith.constant 48 : index
      %get3A_378 = tpu.vector_load %get3A_375[%get3A_376, %get3A_377] {strides = array<i32>} : memref<64x64xf32, #tpu.memory_space<vmem>>, vector<1x16xf32>,
      %get3A_379 = vector.shape_cast %get3A_378 : vector<1x16xf32> to vector<16xf32>
      %get3A_380 = arith.constant 0 : i32
      %get3A_381 = arith.constant 0 : i32
      %get3A_382 = tpu.memref_slice %arg14[%scan3A_113, %get3A_380, %get3A_381] : memref<7x64x64xf32, #tpu.memory_space<vmem>> -> memref<1x64x64xf32, #tpu.memory_space<vmem>>
      %get3A_383 = tpu.memref_squeeze %get3A_382 : memref<1x64x64xf32, #tpu.memory_space<vmem>> -> memref<64x64xf32, #tpu.memory_space<vmem>>
      %get3A_384 = arith.index_cast %scan3A_295 : i32 to index
      %get3A_385 = arith.constant 48 : index
      %get3A_386 = tpu.vector_load %get3A_383[%get3A_384, %get3A_385] {strides = array<i32>} : memref<64x64xf32, #tpu.memory_space<vmem>>, vector<1x16xf32>,
      %get3A_387 = vector.shape_cast %get3A_386 : vector<1x16xf32> to vector<16xf32>
      %mul3A_388 = arith.mulf %get3A_379, %get3A_387 : vector<16xf32>
      %swap3A_389 = arith.constant 0 : i32
      %swap3A_390 = arith.constant 0 : i32
      %swap3A_391 = tpu.memref_slice %arg14[%scan3A_112, %swap3A_389, %swap3A_390] : memref<7x64x64xf32, #tpu.memory_space<vmem>> -> memref<1x64x64xf32, #tpu.memory_space<vmem>>
      %swap3A_392 = tpu.memref_squeeze %swap3A_391 : memref<1x64x64xf32, #tpu.memory_space<vmem>> -> memref<64x64xf32, #tpu.memory_space<vmem>>
      %swap3A_393 = arith.index_cast %scan3A_295 : i32 to index
      %swap3A_394 = arith.constant 48 : index
      %swap3A_395 = tpu.vector_load %swap3A_392[%swap3A_393, %swap3A_394] {strides = array<i32>} : memref<64x64xf32, #tpu.memory_space<vmem>>, vector<1x16xf32>,
      %swap3A_396 = vector.shape_cast %swap3A_395 : vector<1x16xf32> to vector<16xf32>
      %swap3A_397 = vector.shape_cast %mul3A_388 : vector<16xf32> to vector<1x16xf32>
      tpu.vector_store %swap3A_392[%swap3A_393, %swap3A_394], %swap3A_397 {strides = array<i32>} : memref<64x64xf32, #tpu.memory_space<vmem>>, vector<1x16xf32>,
    }
    %scan3A_118 = arith.constant 64 : i32
    %run_scoped3A_119 = arith.constant 0 : i32
    "tpu.region"() ({
      %run_scoped3A_295 = tpu.sem_alloc : memref<!tpu.dma_semaphore, #tpu.memory_space<semaphore_mem>>
      %dma_start3A_296 = arith.constant 0 : i32
      %dma_start3A_297 = arith.constant 0 : i32
      %dma_start3A_298 = tpu.memref_slice %arg14[%run_scoped3A_119, %dma_start3A_296, %dma_start3A_297] : memref<7x64x64xf32, #tpu.memory_space<vmem>> -> memref<1x64x64xf32, #tpu.memory_space<vmem>>
      %dma_start3A_299 = tpu.memref_squeeze %dma_start3A_298 : memref<1x64x64xf32, #tpu.memory_space<vmem>> -> memref<64x64xf32, #tpu.memory_space<vmem>>
      %dma_start3A_300 = arith.constant 0 : i32
      %dma_start3A_301 = arith.constant 0 : i32
      %dma_start3A_302 = tpu.memref_slice %dma_start3A_299[%dma_start3A_300, %dma_start3A_301] : memref<64x64xf32, #tpu.memory_space<vmem>> -> memref<64x64xf32, #tpu.memory_space<vmem>>
      %dma_start3A_303 = arith.constant 0 : i32
      %dma_start3A_304 = tpu.memref_slice %arg11[%add3A_99, %dma_start3A_303] : memref<5120x64xf32, #tpu.memory_space<vmem_shared>> -> memref<64x64xf32, #tpu.memory_space<vmem_shared>>
      %dma_start3A_305 = arith.constant 0 : i32
      %dma_start3A_306 = tpu.memref_slice %arg11[%add3A_99, %dma_start3A_305] : memref<5120x64xf32, #tpu.memory_space<vmem_shared>> -> memref<64x64xf32, #tpu.memory_space<vmem_shared>>
      %dma_start3A_307 = arith.constant 0 : i32
      %dma_start3A_308 = arith.constant 0 : i32
      %dma_start3A_309 = tpu.memref_slice %arg14[%run_scoped3A_119, %dma_start3A_307, %dma_start3A_308] : memref<7x64x64xf32, #tpu.memory_space<vmem>> -> memref<1x64x64xf32, #tpu.memory_space<vmem>>
      %dma_start3A_310 = tpu.memref_squeeze %dma_start3A_309 : memref<1x64x64xf32, #tpu.memory_space<vmem>> -> memref<64x64xf32, #tpu.memory_space<vmem>>
      %dma_start3A_311 = arith.constant 0 : i32
      %dma_start3A_312 = arith.constant 0 : i32
      %dma_start3A_313 = tpu.memref_slice %dma_start3A_310[%dma_start3A_311, %dma_start3A_312] : memref<64x64xf32, #tpu.memory_space<vmem>> -> memref<64x64xf32, #tpu.memory_space<vmem>>
      tpu.enqueue_dma source(%dma_start3A_313 : memref<64x64xf32, #tpu.memory_space<vmem>>) target(%dma_start3A_306 : memref<64x64xf32, #tpu.memory_space<vmem_shared>>) target_semaphore(%run_scoped3A_295 : memref<!tpu.dma_semaphore, #tpu.memory_space<semaphore_mem>>)
      %dma_wait3A_314 = arith.constant 0 : i32
      %dma_wait3A_315 = arith.constant 0 : i32
      %dma_wait3A_316 = tpu.memref_slice %arg14[%run_scoped3A_119, %dma_wait3A_314, %dma_wait3A_315] : memref<7x64x64xf32, #tpu.memory_space<vmem>> -> memref<1x64x64xf32, #tpu.memory_space<vmem>>
      %dma_wait3A_317 = tpu.memref_squeeze %dma_wait3A_316 : memref<1x64x64xf32, #tpu.memory_space<vmem>> -> memref<64x64xf32, #tpu.memory_space<vmem>>
      %dma_wait3A_318 = arith.constant 0 : i32
      %dma_wait3A_319 = arith.constant 0 : i32
      %dma_wait3A_320 = tpu.memref_slice %dma_wait3A_317[%dma_wait3A_318, %dma_wait3A_319] : memref<64x64xf32, #tpu.memory_space<vmem>> -> memref<64x64xf32, #tpu.memory_space<vmem>>
      %dma_wait3A_321 = arith.constant 0 : i32
      %dma_wait3A_322 = tpu.memref_slice %arg11[%add3A_99, %dma_wait3A_321] : memref<5120x64xf32, #tpu.memory_space<vmem_shared>> -> memref<64x64xf32, #tpu.memory_space<vmem_shared>>
      %dma_wait3A_323 = arith.constant 0 : i32
      %dma_wait3A_324 = tpu.memref_slice %arg11[%add3A_99, %dma_wait3A_323] : memref<5120x64xf32, #tpu.memory_space<vmem_shared>> -> memref<64x64xf32, #tpu.memory_space<vmem_shared>>
      %dma_wait3A_325 = arith.constant 0 : i32
      %dma_wait3A_326 = arith.constant 0 : i32
      %dma_wait3A_327 = tpu.memref_slice %arg14[%run_scoped3A_119, %dma_wait3A_325, %dma_wait3A_326] : memref<7x64x64xf32, #tpu.memory_space<vmem>> -> memref<1x64x64xf32, #tpu.memory_space<vmem>>
      %dma_wait3A_328 = tpu.memref_squeeze %dma_wait3A_327 : memref<1x64x64xf32, #tpu.memory_space<vmem>> -> memref<64x64xf32, #tpu.memory_space<vmem>>
      %dma_wait3A_329 = arith.constant 0 : i32
      %dma_wait3A_330 = arith.constant 0 : i32
      %dma_wait3A_331 = tpu.memref_slice %dma_wait3A_328[%dma_wait3A_329, %dma_wait3A_330] : memref<64x64xf32, #tpu.memory_space<vmem>> -> memref<64x64xf32, #tpu.memory_space<vmem>>
      tpu.wait_dma2 semaphore(%run_scoped3A_295 : memref<!tpu.dma_semaphore, #tpu.memory_space<semaphore_mem>>) src(%dma_wait3A_331 : memref<64x64xf32, #tpu.memory_space<vmem>>) dst(%dma_wait3A_324 : memref<64x64xf32, #tpu.memory_space<vmem_shared>>)
      tpu.yield
    }) : () -> ()
    %mul3A_120 = arith.constant 320 : i32
    %mul3A_121 = arith.muli %arg1, %mul3A_120 : i32
    %add3A_122 = arith.constant 256 : i32
    %add3A_123 = arith.addi %mul3A_121, %add3A_122 : i32
    %eq3A_124 = arith.constant 0 : i32
    %eq3A_125 = arith.cmpi eq, %arg0, %eq3A_124 : i32
    %convert_element_type3A_126 = arith.extui %eq3A_125 : i1 to i32
    %cond3A_127 = arith.constant 0 : i32
    %cond3A_128 = arith.cmpi ne, %convert_element_type3A_126, %cond3A_127 : i32
    scf.if %cond3A_128 {
      %run_scoped3A_295 = arith.constant 0 : i32
      "tpu.region"() ({
        %run_scoped3A_296 = tpu.sem_alloc : memref<!tpu.dma_semaphore, #tpu.memory_space<semaphore_mem>>
        %dma_start3A_297 = arith.constant 0 : i32
        %dma_start3A_298 = arith.constant 0 : i32
        %dma_start3A_299 = tpu.memref_slice %arg14[%run_scoped3A_295, %dma_start3A_297, %dma_start3A_298] : memref<7x64x64xf32, #tpu.memory_space<vmem>> -> memref<1x64x64xf32, #tpu.memory_space<vmem>>
        %dma_start3A_300 = tpu.memref_squeeze %dma_start3A_299 : memref<1x64x64xf32, #tpu.memory_space<vmem>> -> memref<64x64xf32, #tpu.memory_space<vmem>>
        %dma_start3A_301 = arith.constant 0 : i32
        %dma_start3A_302 = arith.constant 0 : i32
        %dma_start3A_303 = tpu.memref_slice %dma_start3A_300[%dma_start3A_301, %dma_start3A_302] : memref<64x64xf32, #tpu.memory_space<vmem>> -> memref<64x64xf32, #tpu.memory_space<vmem>>
        %dma_start3A_304 = arith.constant 0 : i32
        %dma_start3A_305 = tpu.memref_slice %arg2[%add3A_123, %dma_start3A_304] : memref<5120x64xf32, #tpu.memory_space<hbm>> -> memref<64x64xf32, #tpu.memory_space<hbm>>
        %dma_start3A_306 = arith.constant 0 : i32
        %dma_start3A_307 = arith.constant 0 : i32
        %dma_start3A_308 = tpu.memref_slice %arg14[%run_scoped3A_295, %dma_start3A_306, %dma_start3A_307] : memref<7x64x64xf32, #tpu.memory_space<vmem>> -> memref<1x64x64xf32, #tpu.memory_space<vmem>>
        %dma_start3A_309 = tpu.memref_squeeze %dma_start3A_308 : memref<1x64x64xf32, #tpu.memory_space<vmem>> -> memref<64x64xf32, #tpu.memory_space<vmem>>
        %dma_start3A_310 = arith.constant 0 : i32
        %dma_start3A_311 = arith.constant 0 : i32
        %dma_start3A_312 = tpu.memref_slice %dma_start3A_309[%dma_start3A_310, %dma_start3A_311] : memref<64x64xf32, #tpu.memory_space<vmem>> -> memref<64x64xf32, #tpu.memory_space<vmem>>
        %dma_start3A_313 = arith.constant 0 : i32
        %dma_start3A_314 = tpu.memref_slice %arg2[%add3A_123, %dma_start3A_313] : memref<5120x64xf32, #tpu.memory_space<hbm>> -> memref<64x64xf32, #tpu.memory_space<hbm>>
        tpu.enqueue_dma source(%dma_start3A_314 : memref<64x64xf32, #tpu.memory_space<hbm>>) target(%dma_start3A_312 : memref<64x64xf32, #tpu.memory_space<vmem>>) target_semaphore(%run_scoped3A_296 : memref<!tpu.dma_semaphore, #tpu.memory_space<semaphore_mem>>)
        %dma_wait3A_315 = arith.constant 0 : i32
        %dma_wait3A_316 = arith.constant 0 : i32
        %dma_wait3A_317 = tpu.memref_slice %arg14[%run_scoped3A_295, %dma_wait3A_315, %dma_wait3A_316] : memref<7x64x64xf32, #tpu.memory_space<vmem>> -> memref<1x64x64xf32, #tpu.memory_space<vmem>>
        %dma_wait3A_318 = tpu.memref_squeeze %dma_wait3A_317 : memref<1x64x64xf32, #tpu.memory_space<vmem>> -> memref<64x64xf32, #tpu.memory_space<vmem>>
        %dma_wait3A_319 = arith.constant 0 : i32
        %dma_wait3A_320 = arith.constant 0 : i32
        %dma_wait3A_321 = tpu.memref_slice %dma_wait3A_318[%dma_wait3A_319, %dma_wait3A_320] : memref<64x64xf32, #tpu.memory_space<vmem>> -> memref<64x64xf32, #tpu.memory_space<vmem>>
        %dma_wait3A_322 = arith.constant 0 : i32
        %dma_wait3A_323 = tpu.memref_slice %arg2[%add3A_123, %dma_wait3A_322] : memref<5120x64xf32, #tpu.memory_space<hbm>> -> memref<64x64xf32, #tpu.memory_space<hbm>>
        %dma_wait3A_324 = arith.constant 0 : i32
        %dma_wait3A_325 = arith.constant 0 : i32
        %dma_wait3A_326 = tpu.memref_slice %arg14[%run_scoped3A_295, %dma_wait3A_324, %dma_wait3A_325] : memref<7x64x64xf32, #tpu.memory_space<vmem>> -> memref<1x64x64xf32, #tpu.memory_space<vmem>>
        %dma_wait3A_327 = tpu.memref_squeeze %dma_wait3A_326 : memref<1x64x64xf32, #tpu.memory_space<vmem>> -> memref<64x64xf32, #tpu.memory_space<vmem>>
        %dma_wait3A_328 = arith.constant 0 : i32
        %dma_wait3A_329 = arith.constant 0 : i32
        %dma_wait3A_330 = tpu.memref_slice %dma_wait3A_327[%dma_wait3A_328, %dma_wait3A_329] : memref<64x64xf32, #tpu.memory_space<vmem>> -> memref<64x64xf32, #tpu.memory_space<vmem>>
        %dma_wait3A_331 = arith.constant 0 : i32
        %dma_wait3A_332 = tpu.memref_slice %arg2[%add3A_123, %dma_wait3A_331] : memref<5120x64xf32, #tpu.memory_space<hbm>> -> memref<64x64xf32, #tpu.memory_space<hbm>>
        tpu.wait_dma2 semaphore(%run_scoped3A_296 : memref<!tpu.dma_semaphore, #tpu.memory_space<semaphore_mem>>) src(%dma_wait3A_332 : memref<64x64xf32, #tpu.memory_space<hbm>>) dst(%dma_wait3A_330 : memref<64x64xf32, #tpu.memory_space<vmem>>)
        tpu.yield
      }) : () -> ()
    } else {
    }
    %eq3A_129 = arith.constant 1 : i32
    %eq3A_130 = arith.cmpi eq, %arg0, %eq3A_129 : i32
    %convert_element_type3A_131 = arith.extui %eq3A_130 : i1 to i32
    %cond3A_132 = arith.constant 0 : i32
    %cond3A_133 = arith.cmpi ne, %convert_element_type3A_131, %cond3A_132 : i32
    scf.if %cond3A_133 {
      %run_scoped3A_295 = arith.constant 0 : i32
      "tpu.region"() ({
        %run_scoped3A_296 = tpu.sem_alloc : memref<!tpu.dma_semaphore, #tpu.memory_space<semaphore_mem>>
        %dma_start3A_297 = arith.constant 0 : i32
        %dma_start3A_298 = arith.constant 0 : i32
        %dma_start3A_299 = tpu.memref_slice %arg14[%run_scoped3A_295, %dma_start3A_297, %dma_start3A_298] : memref<7x64x64xf32, #tpu.memory_space<vmem>> -> memref<1x64x64xf32, #tpu.memory_space<vmem>>
        %dma_start3A_300 = tpu.memref_squeeze %dma_start3A_299 : memref<1x64x64xf32, #tpu.memory_space<vmem>> -> memref<64x64xf32, #tpu.memory_space<vmem>>
        %dma_start3A_301 = arith.constant 0 : i32
        %dma_start3A_302 = arith.constant 0 : i32
        %dma_start3A_303 = tpu.memref_slice %dma_start3A_300[%dma_start3A_301, %dma_start3A_302] : memref<64x64xf32, #tpu.memory_space<vmem>> -> memref<64x64xf32, #tpu.memory_space<vmem>>
        %dma_start3A_304 = arith.constant 0 : i32
        %dma_start3A_305 = tpu.memref_slice %arg3[%add3A_123, %dma_start3A_304] : memref<5120x64xf32, #tpu.memory_space<hbm>> -> memref<64x64xf32, #tpu.memory_space<hbm>>
        %dma_start3A_306 = arith.constant 0 : i32
        %dma_start3A_307 = arith.constant 0 : i32
        %dma_start3A_308 = tpu.memref_slice %arg14[%run_scoped3A_295, %dma_start3A_306, %dma_start3A_307] : memref<7x64x64xf32, #tpu.memory_space<vmem>> -> memref<1x64x64xf32, #tpu.memory_space<vmem>>
        %dma_start3A_309 = tpu.memref_squeeze %dma_start3A_308 : memref<1x64x64xf32, #tpu.memory_space<vmem>> -> memref<64x64xf32, #tpu.memory_space<vmem>>
        %dma_start3A_310 = arith.constant 0 : i32
        %dma_start3A_311 = arith.constant 0 : i32
        %dma_start3A_312 = tpu.memref_slice %dma_start3A_309[%dma_start3A_310, %dma_start3A_311] : memref<64x64xf32, #tpu.memory_space<vmem>> -> memref<64x64xf32, #tpu.memory_space<vmem>>
        %dma_start3A_313 = arith.constant 0 : i32
        %dma_start3A_314 = tpu.memref_slice %arg3[%add3A_123, %dma_start3A_313] : memref<5120x64xf32, #tpu.memory_space<hbm>> -> memref<64x64xf32, #tpu.memory_space<hbm>>
        tpu.enqueue_dma source(%dma_start3A_314 : memref<64x64xf32, #tpu.memory_space<hbm>>) target(%dma_start3A_312 : memref<64x64xf32, #tpu.memory_space<vmem>>) target_semaphore(%run_scoped3A_296 : memref<!tpu.dma_semaphore, #tpu.memory_space<semaphore_mem>>)
        %dma_wait3A_315 = arith.constant 0 : i32
        %dma_wait3A_316 = arith.constant 0 : i32
        %dma_wait3A_317 = tpu.memref_slice %arg14[%run_scoped3A_295, %dma_wait3A_315, %dma_wait3A_316] : memref<7x64x64xf32, #tpu.memory_space<vmem>> -> memref<1x64x64xf32, #tpu.memory_space<vmem>>
        %dma_wait3A_318 = tpu.memref_squeeze %dma_wait3A_317 : memref<1x64x64xf32, #tpu.memory_space<vmem>> -> memref<64x64xf32, #tpu.memory_space<vmem>>
        %dma_wait3A_319 = arith.constant 0 : i32
        %dma_wait3A_320 = arith.constant 0 : i32
        %dma_wait3A_321 = tpu.memref_slice %dma_wait3A_318[%dma_wait3A_319, %dma_wait3A_320] : memref<64x64xf32, #tpu.memory_space<vmem>> -> memref<64x64xf32, #tpu.memory_space<vmem>>
        %dma_wait3A_322 = arith.constant 0 : i32
        %dma_wait3A_323 = tpu.memref_slice %arg3[%add3A_123, %dma_wait3A_322] : memref<5120x64xf32, #tpu.memory_space<hbm>> -> memref<64x64xf32, #tpu.memory_space<hbm>>
        %dma_wait3A_324 = arith.constant 0 : i32
        %dma_wait3A_325 = arith.constant 0 : i32
        %dma_wait3A_326 = tpu.memref_slice %arg14[%run_scoped3A_295, %dma_wait3A_324, %dma_wait3A_325] : memref<7x64x64xf32, #tpu.memory_space<vmem>> -> memref<1x64x64xf32, #tpu.memory_space<vmem>>
        %dma_wait3A_327 = tpu.memref_squeeze %dma_wait3A_326 : memref<1x64x64xf32, #tpu.memory_space<vmem>> -> memref<64x64xf32, #tpu.memory_space<vmem>>
        %dma_wait3A_328 = arith.constant 0 : i32
        %dma_wait3A_329 = arith.constant 0 : i32
        %dma_wait3A_330 = tpu.memref_slice %dma_wait3A_327[%dma_wait3A_328, %dma_wait3A_329] : memref<64x64xf32, #tpu.memory_space<vmem>> -> memref<64x64xf32, #tpu.memory_space<vmem>>
        %dma_wait3A_331 = arith.constant 0 : i32
        %dma_wait3A_332 = tpu.memref_slice %arg3[%add3A_123, %dma_wait3A_331] : memref<5120x64xf32, #tpu.memory_space<hbm>> -> memref<64x64xf32, #tpu.memory_space<hbm>>
        tpu.wait_dma2 semaphore(%run_scoped3A_296 : memref<!tpu.dma_semaphore, #tpu.memory_space<semaphore_mem>>) src(%dma_wait3A_332 : memref<64x64xf32, #tpu.memory_space<hbm>>) dst(%dma_wait3A_330 : memref<64x64xf32, #tpu.memory_space<vmem>>)
        tpu.yield
      }) : () -> ()
    } else {
    }
    %run_scoped3A_134 = arith.constant 1 : i32
    "tpu.region"() ({
      %run_scoped3A_295 = tpu.sem_alloc : memref<!tpu.dma_semaphore, #tpu.memory_space<semaphore_mem>>
      %dma_start3A_296 = arith.constant 0 : i32
      %dma_start3A_297 = arith.constant 0 : i32
      %dma_start3A_298 = tpu.memref_slice %arg14[%run_scoped3A_134, %dma_start3A_296, %dma_start3A_297] : memref<7x64x64xf32, #tpu.memory_space<vmem>> -> memref<1x64x64xf32, #tpu.memory_space<vmem>>
      %dma_start3A_299 = tpu.memref_squeeze %dma_start3A_298 : memref<1x64x64xf32, #tpu.memory_space<vmem>> -> memref<64x64xf32, #tpu.memory_space<vmem>>
      %dma_start3A_300 = arith.constant 0 : i32
      %dma_start3A_301 = arith.constant 0 : i32
      %dma_start3A_302 = tpu.memref_slice %dma_start3A_299[%dma_start3A_300, %dma_start3A_301] : memref<64x64xf32, #tpu.memory_space<vmem>> -> memref<64x64xf32, #tpu.memory_space<vmem>>
      %dma_start3A_303 = arith.constant 0 : i32
      %dma_start3A_304 = tpu.memref_slice %arg4[%add3A_123, %dma_start3A_303] : memref<5120x64xf32, #tpu.memory_space<hbm>> -> memref<64x64xf32, #tpu.memory_space<hbm>>
      %dma_start3A_305 = arith.constant 0 : i32
      %dma_start3A_306 = arith.constant 0 : i32
      %dma_start3A_307 = tpu.memref_slice %arg14[%run_scoped3A_134, %dma_start3A_305, %dma_start3A_306] : memref<7x64x64xf32, #tpu.memory_space<vmem>> -> memref<1x64x64xf32, #tpu.memory_space<vmem>>
      %dma_start3A_308 = tpu.memref_squeeze %dma_start3A_307 : memref<1x64x64xf32, #tpu.memory_space<vmem>> -> memref<64x64xf32, #tpu.memory_space<vmem>>
      %dma_start3A_309 = arith.constant 0 : i32
      %dma_start3A_310 = arith.constant 0 : i32
      %dma_start3A_311 = tpu.memref_slice %dma_start3A_308[%dma_start3A_309, %dma_start3A_310] : memref<64x64xf32, #tpu.memory_space<vmem>> -> memref<64x64xf32, #tpu.memory_space<vmem>>
      %dma_start3A_312 = arith.constant 0 : i32
      %dma_start3A_313 = tpu.memref_slice %arg4[%add3A_123, %dma_start3A_312] : memref<5120x64xf32, #tpu.memory_space<hbm>> -> memref<64x64xf32, #tpu.memory_space<hbm>>
      tpu.enqueue_dma source(%dma_start3A_313 : memref<64x64xf32, #tpu.memory_space<hbm>>) target(%dma_start3A_311 : memref<64x64xf32, #tpu.memory_space<vmem>>) target_semaphore(%run_scoped3A_295 : memref<!tpu.dma_semaphore, #tpu.memory_space<semaphore_mem>>)
      %dma_wait3A_314 = arith.constant 0 : i32
      %dma_wait3A_315 = arith.constant 0 : i32
      %dma_wait3A_316 = tpu.memref_slice %arg14[%run_scoped3A_134, %dma_wait3A_314, %dma_wait3A_315] : memref<7x64x64xf32, #tpu.memory_space<vmem>> -> memref<1x64x64xf32, #tpu.memory_space<vmem>>
      %dma_wait3A_317 = tpu.memref_squeeze %dma_wait3A_316 : memref<1x64x64xf32, #tpu.memory_space<vmem>> -> memref<64x64xf32, #tpu.memory_space<vmem>>
      %dma_wait3A_318 = arith.constant 0 : i32
      %dma_wait3A_319 = arith.constant 0 : i32
      %dma_wait3A_320 = tpu.memref_slice %dma_wait3A_317[%dma_wait3A_318, %dma_wait3A_319] : memref<64x64xf32, #tpu.memory_space<vmem>> -> memref<64x64xf32, #tpu.memory_space<vmem>>
      %dma_wait3A_321 = arith.constant 0 : i32
      %dma_wait3A_322 = tpu.memref_slice %arg4[%add3A_123, %dma_wait3A_321] : memref<5120x64xf32, #tpu.memory_space<hbm>> -> memref<64x64xf32, #tpu.memory_space<hbm>>
      %dma_wait3A_323 = arith.constant 0 : i32
      %dma_wait3A_324 = arith.constant 0 : i32
      %dma_wait3A_325 = tpu.memref_slice %arg14[%run_scoped3A_134, %dma_wait3A_323, %dma_wait3A_324] : memref<7x64x64xf32, #tpu.memory_space<vmem>> -> memref<1x64x64xf32, #tpu.memory_space<vmem>>
      %dma_wait3A_326 = tpu.memref_squeeze %dma_wait3A_325 : memref<1x64x64xf32, #tpu.memory_space<vmem>> -> memref<64x64xf32, #tpu.memory_space<vmem>>
      %dma_wait3A_327 = arith.constant 0 : i32
      %dma_wait3A_328 = arith.constant 0 : i32
      %dma_wait3A_329 = tpu.memref_slice %dma_wait3A_326[%dma_wait3A_327, %dma_wait3A_328] : memref<64x64xf32, #tpu.memory_space<vmem>> -> memref<64x64xf32, #tpu.memory_space<vmem>>
      %dma_wait3A_330 = arith.constant 0 : i32
      %dma_wait3A_331 = tpu.memref_slice %arg4[%add3A_123, %dma_wait3A_330] : memref<5120x64xf32, #tpu.memory_space<hbm>> -> memref<64x64xf32, #tpu.memory_space<hbm>>
      tpu.wait_dma2 semaphore(%run_scoped3A_295 : memref<!tpu.dma_semaphore, #tpu.memory_space<semaphore_mem>>) src(%dma_wait3A_331 : memref<64x64xf32, #tpu.memory_space<hbm>>) dst(%dma_wait3A_329 : memref<64x64xf32, #tpu.memory_space<vmem>>)
      tpu.yield
    }) : () -> ()
    %scan3A_135 = arith.constant 0 : i32
    %scan3A_136 = arith.constant 0 : i32
    %scan3A_137 = arith.constant 1 : i32
    %scan3A_138 = arith.constant 0 : i32
    %scan3A_139 = arith.constant 64 : i32
    %scan3A_140 = arith.addi %scan3A_138, %scan3A_139 : i32
    %scan3A_141 = arith.constant 1 : i32
    scf.for %scan3A_295 = %scan3A_138 to %scan3A_140 step %scan3A_141  : i32 {
      %get3A = arith.constant 0 : i32
      %get3A_296 = arith.constant 0 : i32
      %get3A_297 = tpu.memref_slice %arg14[%scan3A_136, %get3A, %get3A_296] : memref<7x64x64xf32, #tpu.memory_space<vmem>> -> memref<1x64x64xf32, #tpu.memory_space<vmem>>
      %get3A_298 = tpu.memref_squeeze %get3A_297 : memref<1x64x64xf32, #tpu.memory_space<vmem>> -> memref<64x64xf32, #tpu.memory_space<vmem>>
      %get3A_299 = arith.index_cast %scan3A_295 : i32 to index
      %get3A_300 = arith.constant 0 : index
      %get3A_301 = tpu.vector_load %get3A_298[%get3A_299, %get3A_300] {strides = array<i32>} : memref<64x64xf32, #tpu.memory_space<vmem>>, vector<1x16xf32>,
      %get3A_302 = vector.shape_cast %get3A_301 : vector<1x16xf32> to vector<16xf32>
      %get3A_303 = arith.constant 0 : i32
      %get3A_304 = arith.constant 0 : i32
      %get3A_305 = tpu.memref_slice %arg14[%scan3A_137, %get3A_303, %get3A_304] : memref<7x64x64xf32, #tpu.memory_space<vmem>> -> memref<1x64x64xf32, #tpu.memory_space<vmem>>
      %get3A_306 = tpu.memref_squeeze %get3A_305 : memref<1x64x64xf32, #tpu.memory_space<vmem>> -> memref<64x64xf32, #tpu.memory_space<vmem>>
      %get3A_307 = arith.index_cast %scan3A_295 : i32 to index
      %get3A_308 = arith.constant 0 : index
      %get3A_309 = tpu.vector_load %get3A_306[%get3A_307, %get3A_308] {strides = array<i32>} : memref<64x64xf32, #tpu.memory_space<vmem>>, vector<1x16xf32>,
      %get3A_310 = vector.shape_cast %get3A_309 : vector<1x16xf32> to vector<16xf32>
      %mul3A_311 = arith.mulf %get3A_302, %get3A_310 : vector<16xf32>
      %swap3A = arith.constant 0 : i32
      %swap3A_312 = arith.constant 0 : i32
      %swap3A_313 = tpu.memref_slice %arg14[%scan3A_136, %swap3A, %swap3A_312] : memref<7x64x64xf32, #tpu.memory_space<vmem>> -> memref<1x64x64xf32, #tpu.memory_space<vmem>>
      %swap3A_314 = tpu.memref_squeeze %swap3A_313 : memref<1x64x64xf32, #tpu.memory_space<vmem>> -> memref<64x64xf32, #tpu.memory_space<vmem>>
      %swap3A_315 = arith.index_cast %scan3A_295 : i32 to index
      %swap3A_316 = arith.constant 0 : index
      %swap3A_317 = tpu.vector_load %swap3A_314[%swap3A_315, %swap3A_316] {strides = array<i32>} : memref<64x64xf32, #tpu.memory_space<vmem>>, vector<1x16xf32>,
      %swap3A_318 = vector.shape_cast %swap3A_317 : vector<1x16xf32> to vector<16xf32>
      %swap3A_319 = vector.shape_cast %mul3A_311 : vector<16xf32> to vector<1x16xf32>
      tpu.vector_store %swap3A_314[%swap3A_315, %swap3A_316], %swap3A_319 {strides = array<i32>} : memref<64x64xf32, #tpu.memory_space<vmem>>, vector<1x16xf32>,
      %get3A_320 = arith.constant 0 : i32
      %get3A_321 = arith.constant 0 : i32
      %get3A_322 = tpu.memref_slice %arg14[%scan3A_136, %get3A_320, %get3A_321] : memref<7x64x64xf32, #tpu.memory_space<vmem>> -> memref<1x64x64xf32, #tpu.memory_space<vmem>>
      %get3A_323 = tpu.memref_squeeze %get3A_322 : memref<1x64x64xf32, #tpu.memory_space<vmem>> -> memref<64x64xf32, #tpu.memory_space<vmem>>
      %get3A_324 = arith.index_cast %scan3A_295 : i32 to index
      %get3A_325 = arith.constant 16 : index
      %get3A_326 = tpu.vector_load %get3A_323[%get3A_324, %get3A_325] {strides = array<i32>} : memref<64x64xf32, #tpu.memory_space<vmem>>, vector<1x16xf32>,
      %get3A_327 = vector.shape_cast %get3A_326 : vector<1x16xf32> to vector<16xf32>
      %get3A_328 = arith.constant 0 : i32
      %get3A_329 = arith.constant 0 : i32
      %get3A_330 = tpu.memref_slice %arg14[%scan3A_137, %get3A_328, %get3A_329] : memref<7x64x64xf32, #tpu.memory_space<vmem>> -> memref<1x64x64xf32, #tpu.memory_space<vmem>>
      %get3A_331 = tpu.memref_squeeze %get3A_330 : memref<1x64x64xf32, #tpu.memory_space<vmem>> -> memref<64x64xf32, #tpu.memory_space<vmem>>
      %get3A_332 = arith.index_cast %scan3A_295 : i32 to index
      %get3A_333 = arith.constant 16 : index
      %get3A_334 = tpu.vector_load %get3A_331[%get3A_332, %get3A_333] {strides = array<i32>} : memref<64x64xf32, #tpu.memory_space<vmem>>, vector<1x16xf32>,
      %get3A_335 = vector.shape_cast %get3A_334 : vector<1x16xf32> to vector<16xf32>
      %mul3A_336 = arith.mulf %get3A_327, %get3A_335 : vector<16xf32>
      %swap3A_337 = arith.constant 0 : i32
      %swap3A_338 = arith.constant 0 : i32
      %swap3A_339 = tpu.memref_slice %arg14[%scan3A_136, %swap3A_337, %swap3A_338] : memref<7x64x64xf32, #tpu.memory_space<vmem>> -> memref<1x64x64xf32, #tpu.memory_space<vmem>>
      %swap3A_340 = tpu.memref_squeeze %swap3A_339 : memref<1x64x64xf32, #tpu.memory_space<vmem>> -> memref<64x64xf32, #tpu.memory_space<vmem>>
      %swap3A_341 = arith.index_cast %scan3A_295 : i32 to index
      %swap3A_342 = arith.constant 16 : index
      %swap3A_343 = tpu.vector_load %swap3A_340[%swap3A_341, %swap3A_342] {strides = array<i32>} : memref<64x64xf32, #tpu.memory_space<vmem>>, vector<1x16xf32>,
      %swap3A_344 = vector.shape_cast %swap3A_343 : vector<1x16xf32> to vector<16xf32>
      %swap3A_345 = vector.shape_cast %mul3A_336 : vector<16xf32> to vector<1x16xf32>
      tpu.vector_store %swap3A_340[%swap3A_341, %swap3A_342], %swap3A_345 {strides = array<i32>} : memref<64x64xf32, #tpu.memory_space<vmem>>, vector<1x16xf32>,
      %get3A_346 = arith.constant 0 : i32
      %get3A_347 = arith.constant 0 : i32
      %get3A_348 = tpu.memref_slice %arg14[%scan3A_136, %get3A_346, %get3A_347] : memref<7x64x64xf32, #tpu.memory_space<vmem>> -> memref<1x64x64xf32, #tpu.memory_space<vmem>>
      %get3A_349 = tpu.memref_squeeze %get3A_348 : memref<1x64x64xf32, #tpu.memory_space<vmem>> -> memref<64x64xf32, #tpu.memory_space<vmem>>
      %get3A_350 = arith.index_cast %scan3A_295 : i32 to index
      %get3A_351 = arith.constant 32 : index
      %get3A_352 = tpu.vector_load %get3A_349[%get3A_350, %get3A_351] {strides = array<i32>} : memref<64x64xf32, #tpu.memory_space<vmem>>, vector<1x16xf32>,
      %get3A_353 = vector.shape_cast %get3A_352 : vector<1x16xf32> to vector<16xf32>
      %get3A_354 = arith.constant 0 : i32
      %get3A_355 = arith.constant 0 : i32
      %get3A_356 = tpu.memref_slice %arg14[%scan3A_137, %get3A_354, %get3A_355] : memref<7x64x64xf32, #tpu.memory_space<vmem>> -> memref<1x64x64xf32, #tpu.memory_space<vmem>>
      %get3A_357 = tpu.memref_squeeze %get3A_356 : memref<1x64x64xf32, #tpu.memory_space<vmem>> -> memref<64x64xf32, #tpu.memory_space<vmem>>
      %get3A_358 = arith.index_cast %scan3A_295 : i32 to index
      %get3A_359 = arith.constant 32 : index
      %get3A_360 = tpu.vector_load %get3A_357[%get3A_358, %get3A_359] {strides = array<i32>} : memref<64x64xf32, #tpu.memory_space<vmem>>, vector<1x16xf32>,
      %get3A_361 = vector.shape_cast %get3A_360 : vector<1x16xf32> to vector<16xf32>
      %mul3A_362 = arith.mulf %get3A_353, %get3A_361 : vector<16xf32>
      %swap3A_363 = arith.constant 0 : i32
      %swap3A_364 = arith.constant 0 : i32
      %swap3A_365 = tpu.memref_slice %arg14[%scan3A_136, %swap3A_363, %swap3A_364] : memref<7x64x64xf32, #tpu.memory_space<vmem>> -> memref<1x64x64xf32, #tpu.memory_space<vmem>>
      %swap3A_366 = tpu.memref_squeeze %swap3A_365 : memref<1x64x64xf32, #tpu.memory_space<vmem>> -> memref<64x64xf32, #tpu.memory_space<vmem>>
      %swap3A_367 = arith.index_cast %scan3A_295 : i32 to index
      %swap3A_368 = arith.constant 32 : index
      %swap3A_369 = tpu.vector_load %swap3A_366[%swap3A_367, %swap3A_368] {strides = array<i32>} : memref<64x64xf32, #tpu.memory_space<vmem>>, vector<1x16xf32>,
      %swap3A_370 = vector.shape_cast %swap3A_369 : vector<1x16xf32> to vector<16xf32>
      %swap3A_371 = vector.shape_cast %mul3A_362 : vector<16xf32> to vector<1x16xf32>
      tpu.vector_store %swap3A_366[%swap3A_367, %swap3A_368], %swap3A_371 {strides = array<i32>} : memref<64x64xf32, #tpu.memory_space<vmem>>, vector<1x16xf32>,
      %get3A_372 = arith.constant 0 : i32
      %get3A_373 = arith.constant 0 : i32
      %get3A_374 = tpu.memref_slice %arg14[%scan3A_136, %get3A_372, %get3A_373] : memref<7x64x64xf32, #tpu.memory_space<vmem>> -> memref<1x64x64xf32, #tpu.memory_space<vmem>>
      %get3A_375 = tpu.memref_squeeze %get3A_374 : memref<1x64x64xf32, #tpu.memory_space<vmem>> -> memref<64x64xf32, #tpu.memory_space<vmem>>
      %get3A_376 = arith.index_cast %scan3A_295 : i32 to index
      %get3A_377 = arith.constant 48 : index
      %get3A_378 = tpu.vector_load %get3A_375[%get3A_376, %get3A_377] {strides = array<i32>} : memref<64x64xf32, #tpu.memory_space<vmem>>, vector<1x16xf32>,
      %get3A_379 = vector.shape_cast %get3A_378 : vector<1x16xf32> to vector<16xf32>
      %get3A_380 = arith.constant 0 : i32
      %get3A_381 = arith.constant 0 : i32
      %get3A_382 = tpu.memref_slice %arg14[%scan3A_137, %get3A_380, %get3A_381] : memref<7x64x64xf32, #tpu.memory_space<vmem>> -> memref<1x64x64xf32, #tpu.memory_space<vmem>>
      %get3A_383 = tpu.memref_squeeze %get3A_382 : memref<1x64x64xf32, #tpu.memory_space<vmem>> -> memref<64x64xf32, #tpu.memory_space<vmem>>
      %get3A_384 = arith.index_cast %scan3A_295 : i32 to index
      %get3A_385 = arith.constant 48 : index
      %get3A_386 = tpu.vector_load %get3A_383[%get3A_384, %get3A_385] {strides = array<i32>} : memref<64x64xf32, #tpu.memory_space<vmem>>, vector<1x16xf32>,
      %get3A_387 = vector.shape_cast %get3A_386 : vector<1x16xf32> to vector<16xf32>
      %mul3A_388 = arith.mulf %get3A_379, %get3A_387 : vector<16xf32>
      %swap3A_389 = arith.constant 0 : i32
      %swap3A_390 = arith.constant 0 : i32
      %swap3A_391 = tpu.memref_slice %arg14[%scan3A_136, %swap3A_389, %swap3A_390] : memref<7x64x64xf32, #tpu.memory_space<vmem>> -> memref<1x64x64xf32, #tpu.memory_space<vmem>>
      %swap3A_392 = tpu.memref_squeeze %swap3A_391 : memref<1x64x64xf32, #tpu.memory_space<vmem>> -> memref<64x64xf32, #tpu.memory_space<vmem>>
      %swap3A_393 = arith.index_cast %scan3A_295 : i32 to index
      %swap3A_394 = arith.constant 48 : index
      %swap3A_395 = tpu.vector_load %swap3A_392[%swap3A_393, %swap3A_394] {strides = array<i32>} : memref<64x64xf32, #tpu.memory_space<vmem>>, vector<1x16xf32>,
      %swap3A_396 = vector.shape_cast %swap3A_395 : vector<1x16xf32> to vector<16xf32>
      %swap3A_397 = vector.shape_cast %mul3A_388 : vector<16xf32> to vector<1x16xf32>
      tpu.vector_store %swap3A_392[%swap3A_393, %swap3A_394], %swap3A_397 {strides = array<i32>} : memref<64x64xf32, #tpu.memory_space<vmem>>, vector<1x16xf32>,
    }
    %scan3A_142 = arith.constant 64 : i32
    %run_scoped3A_143 = arith.constant 0 : i32
    "tpu.region"() ({
      %run_scoped3A_295 = tpu.sem_alloc : memref<!tpu.dma_semaphore, #tpu.memory_space<semaphore_mem>>
      %dma_start3A_296 = arith.constant 0 : i32
      %dma_start3A_297 = arith.constant 0 : i32
      %dma_start3A_298 = tpu.memref_slice %arg14[%run_scoped3A_143, %dma_start3A_296, %dma_start3A_297] : memref<7x64x64xf32, #tpu.memory_space<vmem>> -> memref<1x64x64xf32, #tpu.memory_space<vmem>>
      %dma_start3A_299 = tpu.memref_squeeze %dma_start3A_298 : memref<1x64x64xf32, #tpu.memory_space<vmem>> -> memref<64x64xf32, #tpu.memory_space<vmem>>
      %dma_start3A_300 = arith.constant 0 : i32
      %dma_start3A_301 = arith.constant 0 : i32
      %dma_start3A_302 = tpu.memref_slice %dma_start3A_299[%dma_start3A_300, %dma_start3A_301] : memref<64x64xf32, #tpu.memory_space<vmem>> -> memref<64x64xf32, #tpu.memory_space<vmem>>
      %dma_start3A_303 = arith.constant 0 : i32
      %dma_start3A_304 = tpu.memref_slice %arg11[%add3A_123, %dma_start3A_303] : memref<5120x64xf32, #tpu.memory_space<vmem_shared>> -> memref<64x64xf32, #tpu.memory_space<vmem_shared>>
      %dma_start3A_305 = arith.constant 0 : i32
      %dma_start3A_306 = tpu.memref_slice %arg11[%add3A_123, %dma_start3A_305] : memref<5120x64xf32, #tpu.memory_space<vmem_shared>> -> memref<64x64xf32, #tpu.memory_space<vmem_shared>>
      %dma_start3A_307 = arith.constant 0 : i32
      %dma_start3A_308 = arith.constant 0 : i32
      %dma_start3A_309 = tpu.memref_slice %arg14[%run_scoped3A_143, %dma_start3A_307, %dma_start3A_308] : memref<7x64x64xf32, #tpu.memory_space<vmem>> -> memref<1x64x64xf32, #tpu.memory_space<vmem>>
      %dma_start3A_310 = tpu.memref_squeeze %dma_start3A_309 : memref<1x64x64xf32, #tpu.memory_space<vmem>> -> memref<64x64xf32, #tpu.memory_space<vmem>>
      %dma_start3A_311 = arith.constant 0 : i32
      %dma_start3A_312 = arith.constant 0 : i32
      %dma_start3A_313 = tpu.memref_slice %dma_start3A_310[%dma_start3A_311, %dma_start3A_312] : memref<64x64xf32, #tpu.memory_space<vmem>> -> memref<64x64xf32, #tpu.memory_space<vmem>>
      tpu.enqueue_dma source(%dma_start3A_313 : memref<64x64xf32, #tpu.memory_space<vmem>>) target(%dma_start3A_306 : memref<64x64xf32, #tpu.memory_space<vmem_shared>>) target_semaphore(%run_scoped3A_295 : memref<!tpu.dma_semaphore, #tpu.memory_space<semaphore_mem>>)
      %dma_wait3A_314 = arith.constant 0 : i32
      %dma_wait3A_315 = arith.constant 0 : i32
      %dma_wait3A_316 = tpu.memref_slice %arg14[%run_scoped3A_143, %dma_wait3A_314, %dma_wait3A_315] : memref<7x64x64xf32, #tpu.memory_space<vmem>> -> memref<1x64x64xf32, #tpu.memory_space<vmem>>
      %dma_wait3A_317 = tpu.memref_squeeze %dma_wait3A_316 : memref<1x64x64xf32, #tpu.memory_space<vmem>> -> memref<64x64xf32, #tpu.memory_space<vmem>>
      %dma_wait3A_318 = arith.constant 0 : i32
      %dma_wait3A_319 = arith.constant 0 : i32
      %dma_wait3A_320 = tpu.memref_slice %dma_wait3A_317[%dma_wait3A_318, %dma_wait3A_319] : memref<64x64xf32, #tpu.memory_space<vmem>> -> memref<64x64xf32, #tpu.memory_space<vmem>>
      %dma_wait3A_321 = arith.constant 0 : i32
      %dma_wait3A_322 = tpu.memref_slice %arg11[%add3A_123, %dma_wait3A_321] : memref<5120x64xf32, #tpu.memory_space<vmem_shared>> -> memref<64x64xf32, #tpu.memory_space<vmem_shared>>
      %dma_wait3A_323 = arith.constant 0 : i32
      %dma_wait3A_324 = tpu.memref_slice %arg11[%add3A_123, %dma_wait3A_323] : memref<5120x64xf32, #tpu.memory_space<vmem_shared>> -> memref<64x64xf32, #tpu.memory_space<vmem_shared>>
      %dma_wait3A_325 = arith.constant 0 : i32
      %dma_wait3A_326 = arith.constant 0 : i32
      %dma_wait3A_327 = tpu.memref_slice %arg14[%run_scoped3A_143, %dma_wait3A_325, %dma_wait3A_326] : memref<7x64x64xf32, #tpu.memory_space<vmem>> -> memref<1x64x64xf32, #tpu.memory_space<vmem>>
      %dma_wait3A_328 = tpu.memref_squeeze %dma_wait3A_327 : memref<1x64x64xf32, #tpu.memory_space<vmem>> -> memref<64x64xf32, #tpu.memory_space<vmem>>
      %dma_wait3A_329 = arith.constant 0 : i32
      %dma_wait3A_330 = arith.constant 0 : i32
      %dma_wait3A_331 = tpu.memref_slice %dma_wait3A_328[%dma_wait3A_329, %dma_wait3A_330] : memref<64x64xf32, #tpu.memory_space<vmem>> -> memref<64x64xf32, #tpu.memory_space<vmem>>
      tpu.wait_dma2 semaphore(%run_scoped3A_295 : memref<!tpu.dma_semaphore, #tpu.memory_space<semaphore_mem>>) src(%dma_wait3A_331 : memref<64x64xf32, #tpu.memory_space<vmem>>) dst(%dma_wait3A_324 : memref<64x64xf32, #tpu.memory_space<vmem_shared>>)
      tpu.yield
    }) : () -> ()
    %dma_wait3A = arith.constant 0 : i32
    %dma_wait3A_144 = tpu.memref_slice %arg15[%dma_wait3A] : memref<7x!tpu.dma_semaphore, #tpu.memory_space<semaphore_mem>> -> memref<1x!tpu.dma_semaphore, #tpu.memory_space<semaphore_mem>>
    %dma_wait3A_145 = tpu.memref_squeeze %dma_wait3A_144 : memref<1x!tpu.dma_semaphore, #tpu.memory_space<semaphore_mem>> -> memref<!tpu.dma_semaphore, #tpu.memory_space<semaphore_mem>>
    %dma_wait3A_146 = arith.constant 0 : i32
    %dma_wait3A_147 = tpu.memref_slice %arg10[%mul3A_0, %dma_wait3A_146] : memref<10112x64xf32, #tpu.memory_space<vmem_shared>> -> memref<632x64xf32, #tpu.memory_space<vmem_shared>>
    %dma_wait3A_148 = arith.constant 0 : i32
    %dma_wait3A_149 = arith.constant 0 : i32
    %dma_wait3A_150 = tpu.memref_slice %arg7[%dma_wait3A_148, %dma_wait3A_149] : memref<632x64xf32, #tpu.memory_space<hbm>> -> memref<632x64xf32, #tpu.memory_space<hbm>>
    tpu.wait_dma2 semaphore(%dma_wait3A_145 : memref<!tpu.dma_semaphore, #tpu.memory_space<semaphore_mem>>) src(%dma_wait3A_150 : memref<632x64xf32, #tpu.memory_space<hbm>>) dst(%dma_wait3A_147 : memref<632x64xf32, #tpu.memory_space<vmem_shared>>)
    %dma_wait3A_151 = arith.constant 1 : i32
    %dma_wait3A_152 = arith.constant 0 : i32
    %dma_wait3A_153 = arith.constant 0 : i32
    %dma_wait3A_154 = tpu.memref_slice %arg5[%arg1, %dma_wait3A_152, %dma_wait3A_153] : memref<16x316x64xi32, #tpu.memory_space<hbm>> -> memref<1x316x64xi32, #tpu.memory_space<hbm>>
    %dma_wait3A_155 = tpu.memref_squeeze %dma_wait3A_154 : memref<1x316x64xi32, #tpu.memory_space<hbm>> -> memref<316x64xi32, #tpu.memory_space<hbm>>
    %dma_wait3A_156 = tpu.memref_slice %arg15[%dma_wait3A_151] : memref<7x!tpu.dma_semaphore, #tpu.memory_space<semaphore_mem>> -> memref<1x!tpu.dma_semaphore, #tpu.memory_space<semaphore_mem>>
    %dma_wait3A_157 = tpu.memref_squeeze %dma_wait3A_156 : memref<1x!tpu.dma_semaphore, #tpu.memory_space<semaphore_mem>> -> memref<!tpu.dma_semaphore, #tpu.memory_space<semaphore_mem>>
    %dma_wait3A_158 = arith.constant 0 : i32
    %dma_wait3A_159 = arith.constant 0 : i32
    %dma_wait3A_160 = tpu.memref_slice %arg5[%arg1, %dma_wait3A_158, %dma_wait3A_159] : memref<16x316x64xi32, #tpu.memory_space<hbm>> -> memref<1x316x64xi32, #tpu.memory_space<hbm>>
    %dma_wait3A_161 = tpu.memref_squeeze %dma_wait3A_160 : memref<1x316x64xi32, #tpu.memory_space<hbm>> -> memref<316x64xi32, #tpu.memory_space<hbm>>
    tpu.wait_dma2 semaphore(%dma_wait3A_157 : memref<!tpu.dma_semaphore, #tpu.memory_space<semaphore_mem>>) src(%dma_wait3A_161 : memref<316x64xi32, #tpu.memory_space<hbm>>) dst(%arg12 : memref<316x64xi32, #tpu.memory_space<vmem>>)
    %dma_wait3A_162 = arith.constant 2 : i32
    %dma_wait3A_163 = arith.constant 0 : i32
    %dma_wait3A_164 = arith.constant 0 : i32
    %dma_wait3A_165 = tpu.memref_slice %arg6[%arg1, %dma_wait3A_163, %dma_wait3A_164] : memref<16x316x64xi32, #tpu.memory_space<hbm>> -> memref<1x316x64xi32, #tpu.memory_space<hbm>>
    %dma_wait3A_166 = tpu.memref_squeeze %dma_wait3A_165 : memref<1x316x64xi32, #tpu.memory_space<hbm>> -> memref<316x64xi32, #tpu.memory_space<hbm>>
    %dma_wait3A_167 = tpu.memref_slice %arg15[%dma_wait3A_162] : memref<7x!tpu.dma_semaphore, #tpu.memory_space<semaphore_mem>> -> memref<1x!tpu.dma_semaphore, #tpu.memory_space<semaphore_mem>>
    %dma_wait3A_168 = tpu.memref_squeeze %dma_wait3A_167 : memref<1x!tpu.dma_semaphore, #tpu.memory_space<semaphore_mem>> -> memref<!tpu.dma_semaphore, #tpu.memory_space<semaphore_mem>>
    %dma_wait3A_169 = arith.constant 0 : i32
    %dma_wait3A_170 = arith.constant 0 : i32
    %dma_wait3A_171 = tpu.memref_slice %arg6[%arg1, %dma_wait3A_169, %dma_wait3A_170] : memref<16x316x64xi32, #tpu.memory_space<hbm>> -> memref<1x316x64xi32, #tpu.memory_space<hbm>>
    %dma_wait3A_172 = tpu.memref_squeeze %dma_wait3A_171 : memref<1x316x64xi32, #tpu.memory_space<hbm>> -> memref<316x64xi32, #tpu.memory_space<hbm>>
    tpu.wait_dma2 semaphore(%dma_wait3A_168 : memref<!tpu.dma_semaphore, #tpu.memory_space<semaphore_mem>>) src(%dma_wait3A_172 : memref<316x64xi32, #tpu.memory_space<hbm>>) dst(%arg13 : memref<316x64xi32, #tpu.memory_space<vmem>>)
    %barrier3A = arith.constant 0 : index
    tpu.barrier barrier_id(%barrier3A)
    %dma_start3A_173 = arith.constant 0 : i32
    %dma_start3A_174 = arith.constant 0 : i32
    %dma_start3A_175 = arith.constant 0 : i32
    %dma_start3A_176 = arith.constant 0 : i32
    %dma_start3A_177 = arith.constant 0 : i32
    %dma_start3A_178 = tpu.memref_slice %arg14[%dma_start3A_174, %dma_start3A_176, %dma_start3A_177] : memref<7x64x64xf32, #tpu.memory_space<vmem>> -> memref<1x64x64xf32, #tpu.memory_space<vmem>>
    %dma_start3A_179 = tpu.memref_squeeze %dma_start3A_178 : memref<1x64x64xf32, #tpu.memory_space<vmem>> -> memref<64x64xf32, #tpu.memory_space<vmem>>
    %dma_start3A_180 = arith.constant 0 : i32
    %dma_start3A_181 = tpu.memref_slice %arg12[%dma_start3A_173, %dma_start3A_180] : memref<316x64xi32, #tpu.memory_space<vmem>> -> memref<1x64xi32, #tpu.memory_space<vmem>>
    %dma_start3A_182 = tpu.memref_squeeze %dma_start3A_181 : memref<1x64xi32, #tpu.memory_space<vmem>> -> memref<64xi32, #tpu.memory_space<vmem>>
    %dma_start3A_183 = arith.constant 0 : i32
    %dma_start3A_184 = arith.constant 0 : i32
    %dma_start3A_185 = tpu.memref_slice %arg11[%dma_start3A_183, %dma_start3A_184] : memref<5120x64xf32, #tpu.memory_space<vmem_shared>> -> memref<5120x64xf32, #tpu.memory_space<vmem_shared>>
    %dma_start3A_186 = tpu.memref_slice %arg15[%dma_start3A_175] : memref<7x!tpu.dma_semaphore, #tpu.memory_space<semaphore_mem>> -> memref<1x!tpu.dma_semaphore, #tpu.memory_space<semaphore_mem>>
    %dma_start3A_187 = tpu.memref_squeeze %dma_start3A_186 : memref<1x!tpu.dma_semaphore, #tpu.memory_space<semaphore_mem>> -> memref<!tpu.dma_semaphore, #tpu.memory_space<semaphore_mem>>
    tpu.enqueue_indirect_dma source(%dma_start3A_185 : memref<5120x64xf32, #tpu.memory_space<vmem_shared>>) target(%dma_start3A_179 : memref<64x64xf32, #tpu.memory_space<vmem>>) offsets(%dma_start3A_182 : memref<64xi32, #tpu.memory_space<vmem>>) semaphore(%dma_start3A_187 : memref<!tpu.dma_semaphore, #tpu.memory_space<semaphore_mem>>)
    %dma_start3A_188 = arith.constant 1 : i32
    %dma_start3A_189 = arith.constant 1 : i32
    %dma_start3A_190 = arith.constant 1 : i32
    %dma_start3A_191 = arith.constant 0 : i32
    %dma_start3A_192 = arith.constant 0 : i32
    %dma_start3A_193 = tpu.memref_slice %arg14[%dma_start3A_189, %dma_start3A_191, %dma_start3A_192] : memref<7x64x64xf32, #tpu.memory_space<vmem>> -> memref<1x64x64xf32, #tpu.memory_space<vmem>>
    %dma_start3A_194 = tpu.memref_squeeze %dma_start3A_193 : memref<1x64x64xf32, #tpu.memory_space<vmem>> -> memref<64x64xf32, #tpu.memory_space<vmem>>
    %dma_start3A_195 = arith.constant 0 : i32
    %dma_start3A_196 = tpu.memref_slice %arg12[%dma_start3A_188, %dma_start3A_195] : memref<316x64xi32, #tpu.memory_space<vmem>> -> memref<1x64xi32, #tpu.memory_space<vmem>>
    %dma_start3A_197 = tpu.memref_squeeze %dma_start3A_196 : memref<1x64xi32, #tpu.memory_space<vmem>> -> memref<64xi32, #tpu.memory_space<vmem>>
    %dma_start3A_198 = arith.constant 0 : i32
    %dma_start3A_199 = arith.constant 0 : i32
    %dma_start3A_200 = tpu.memref_slice %arg11[%dma_start3A_198, %dma_start3A_199] : memref<5120x64xf32, #tpu.memory_space<vmem_shared>> -> memref<5120x64xf32, #tpu.memory_space<vmem_shared>>
    %dma_start3A_201 = tpu.memref_slice %arg15[%dma_start3A_190] : memref<7x!tpu.dma_semaphore, #tpu.memory_space<semaphore_mem>> -> memref<1x!tpu.dma_semaphore, #tpu.memory_space<semaphore_mem>>
    %dma_start3A_202 = tpu.memref_squeeze %dma_start3A_201 : memref<1x!tpu.dma_semaphore, #tpu.memory_space<semaphore_mem>> -> memref<!tpu.dma_semaphore, #tpu.memory_space<semaphore_mem>>
    tpu.enqueue_indirect_dma source(%dma_start3A_200 : memref<5120x64xf32, #tpu.memory_space<vmem_shared>>) target(%dma_start3A_194 : memref<64x64xf32, #tpu.memory_space<vmem>>) offsets(%dma_start3A_197 : memref<64xi32, #tpu.memory_space<vmem>>) semaphore(%dma_start3A_202 : memref<!tpu.dma_semaphore, #tpu.memory_space<semaphore_mem>>)
    %dma_start3A_203 = arith.constant 2 : i32
    %dma_start3A_204 = arith.constant 2 : i32
    %dma_start3A_205 = arith.constant 2 : i32
    %dma_start3A_206 = arith.constant 0 : i32
    %dma_start3A_207 = arith.constant 0 : i32
    %dma_start3A_208 = tpu.memref_slice %arg14[%dma_start3A_204, %dma_start3A_206, %dma_start3A_207] : memref<7x64x64xf32, #tpu.memory_space<vmem>> -> memref<1x64x64xf32, #tpu.memory_space<vmem>>
    %dma_start3A_209 = tpu.memref_squeeze %dma_start3A_208 : memref<1x64x64xf32, #tpu.memory_space<vmem>> -> memref<64x64xf32, #tpu.memory_space<vmem>>
    %dma_start3A_210 = arith.constant 0 : i32
    %dma_start3A_211 = tpu.memref_slice %arg12[%dma_start3A_203, %dma_start3A_210] : memref<316x64xi32, #tpu.memory_space<vmem>> -> memref<1x64xi32, #tpu.memory_space<vmem>>
    %dma_start3A_212 = tpu.memref_squeeze %dma_start3A_211 : memref<1x64xi32, #tpu.memory_space<vmem>> -> memref<64xi32, #tpu.memory_space<vmem>>
    %dma_start3A_213 = arith.constant 0 : i32
    %dma_start3A_214 = arith.constant 0 : i32
    %dma_start3A_215 = tpu.memref_slice %arg11[%dma_start3A_213, %dma_start3A_214] : memref<5120x64xf32, #tpu.memory_space<vmem_shared>> -> memref<5120x64xf32, #tpu.memory_space<vmem_shared>>
    %dma_start3A_216 = tpu.memref_slice %arg15[%dma_start3A_205] : memref<7x!tpu.dma_semaphore, #tpu.memory_space<semaphore_mem>> -> memref<1x!tpu.dma_semaphore, #tpu.memory_space<semaphore_mem>>
    %dma_start3A_217 = tpu.memref_squeeze %dma_start3A_216 : memref<1x!tpu.dma_semaphore, #tpu.memory_space<semaphore_mem>> -> memref<!tpu.dma_semaphore, #tpu.memory_space<semaphore_mem>>
    tpu.enqueue_indirect_dma source(%dma_start3A_215 : memref<5120x64xf32, #tpu.memory_space<vmem_shared>>) target(%dma_start3A_209 : memref<64x64xf32, #tpu.memory_space<vmem>>) offsets(%dma_start3A_212 : memref<64xi32, #tpu.memory_space<vmem>>) semaphore(%dma_start3A_217 : memref<!tpu.dma_semaphore, #tpu.memory_space<semaphore_mem>>)
    %dma_start3A_218 = arith.constant 3 : i32
    %dma_start3A_219 = arith.constant 3 : i32
    %dma_start3A_220 = arith.constant 3 : i32
    %dma_start3A_221 = arith.constant 0 : i32
    %dma_start3A_222 = arith.constant 0 : i32
    %dma_start3A_223 = tpu.memref_slice %arg14[%dma_start3A_219, %dma_start3A_221, %dma_start3A_222] : memref<7x64x64xf32, #tpu.memory_space<vmem>> -> memref<1x64x64xf32, #tpu.memory_space<vmem>>
    %dma_start3A_224 = tpu.memref_squeeze %dma_start3A_223 : memref<1x64x64xf32, #tpu.memory_space<vmem>> -> memref<64x64xf32, #tpu.memory_space<vmem>>
    %dma_start3A_225 = arith.constant 0 : i32
    %dma_start3A_226 = tpu.memref_slice %arg12[%dma_start3A_218, %dma_start3A_225] : memref<316x64xi32, #tpu.memory_space<vmem>> -> memref<1x64xi32, #tpu.memory_space<vmem>>
    %dma_start3A_227 = tpu.memref_squeeze %dma_start3A_226 : memref<1x64xi32, #tpu.memory_space<vmem>> -> memref<64xi32, #tpu.memory_space<vmem>>
    %dma_start3A_228 = arith.constant 0 : i32
    %dma_start3A_229 = arith.constant 0 : i32
    %dma_start3A_230 = tpu.memref_slice %arg11[%dma_start3A_228, %dma_start3A_229] : memref<5120x64xf32, #tpu.memory_space<vmem_shared>> -> memref<5120x64xf32, #tpu.memory_space<vmem_shared>>
    %dma_start3A_231 = tpu.memref_slice %arg15[%dma_start3A_220] : memref<7x!tpu.dma_semaphore, #tpu.memory_space<semaphore_mem>> -> memref<1x!tpu.dma_semaphore, #tpu.memory_space<semaphore_mem>>
    %dma_start3A_232 = tpu.memref_squeeze %dma_start3A_231 : memref<1x!tpu.dma_semaphore, #tpu.memory_space<semaphore_mem>> -> memref<!tpu.dma_semaphore, #tpu.memory_space<semaphore_mem>>
    tpu.enqueue_indirect_dma source(%dma_start3A_230 : memref<5120x64xf32, #tpu.memory_space<vmem_shared>>) target(%dma_start3A_224 : memref<64x64xf32, #tpu.memory_space<vmem>>) offsets(%dma_start3A_227 : memref<64xi32, #tpu.memory_space<vmem>>) semaphore(%dma_start3A_232 : memref<!tpu.dma_semaphore, #tpu.memory_space<semaphore_mem>>)
    %dma_start3A_233 = arith.constant 4 : i32
    %dma_start3A_234 = arith.constant 4 : i32
    %dma_start3A_235 = arith.constant 4 : i32
    %dma_start3A_236 = arith.constant 0 : i32
    %dma_start3A_237 = arith.constant 0 : i32
    %dma_start3A_238 = tpu.memref_slice %arg14[%dma_start3A_234, %dma_start3A_236, %dma_start3A_237] : memref<7x64x64xf32, #tpu.memory_space<vmem>> -> memref<1x64x64xf32, #tpu.memory_space<vmem>>
    %dma_start3A_239 = tpu.memref_squeeze %dma_start3A_238 : memref<1x64x64xf32, #tpu.memory_space<vmem>> -> memref<64x64xf32, #tpu.memory_space<vmem>>
    %dma_start3A_240 = arith.constant 0 : i32
    %dma_start3A_241 = tpu.memref_slice %arg12[%dma_start3A_233, %dma_start3A_240] : memref<316x64xi32, #tpu.memory_space<vmem>> -> memref<1x64xi32, #tpu.memory_space<vmem>>
    %dma_start3A_242 = tpu.memref_squeeze %dma_start3A_241 : memref<1x64xi32, #tpu.memory_space<vmem>> -> memref<64xi32, #tpu.memory_space<vmem>>
    %dma_start3A_243 = arith.constant 0 : i32
    %dma_start3A_244 = arith.constant 0 : i32
    %dma_start3A_245 = tpu.memref_slice %arg11[%dma_start3A_243, %dma_start3A_244] : memref<5120x64xf32, #tpu.memory_space<vmem_shared>> -> memref<5120x64xf32, #tpu.memory_space<vmem_shared>>
    %dma_start3A_246 = tpu.memref_slice %arg15[%dma_start3A_235] : memref<7x!tpu.dma_semaphore, #tpu.memory_space<semaphore_mem>> -> memref<1x!tpu.dma_semaphore, #tpu.memory_space<semaphore_mem>>
    %dma_start3A_247 = tpu.memref_squeeze %dma_start3A_246 : memref<1x!tpu.dma_semaphore, #tpu.memory_space<semaphore_mem>> -> memref<!tpu.dma_semaphore, #tpu.memory_space<semaphore_mem>>
    tpu.enqueue_indirect_dma source(%dma_start3A_245 : memref<5120x64xf32, #tpu.memory_space<vmem_shared>>) target(%dma_start3A_239 : memref<64x64xf32, #tpu.memory_space<vmem>>) offsets(%dma_start3A_242 : memref<64xi32, #tpu.memory_space<vmem>>) semaphore(%dma_start3A_247 : memref<!tpu.dma_semaphore, #tpu.memory_space<semaphore_mem>>)
    %dma_start3A_248 = arith.constant 5 : i32
    %dma_start3A_249 = arith.constant 5 : i32
    %dma_start3A_250 = arith.constant 5 : i32
    %dma_start3A_251 = arith.constant 0 : i32
    %dma_start3A_252 = arith.constant 0 : i32
    %dma_start3A_253 = tpu.memref_slice %arg14[%dma_start3A_249, %dma_start3A_251, %dma_start3A_252] : memref<7x64x64xf32, #tpu.memory_space<vmem>> -> memref<1x64x64xf32, #tpu.memory_space<vmem>>
    %dma_start3A_254 = tpu.memref_squeeze %dma_start3A_253 : memref<1x64x64xf32, #tpu.memory_space<vmem>> -> memref<64x64xf32, #tpu.memory_space<vmem>>
    %dma_start3A_255 = arith.constant 0 : i32
    %dma_start3A_256 = tpu.memref_slice %arg12[%dma_start3A_248, %dma_start3A_255] : memref<316x64xi32, #tpu.memory_space<vmem>> -> memref<1x64xi32, #tpu.memory_space<vmem>>
    %dma_start3A_257 = tpu.memref_squeeze %dma_start3A_256 : memref<1x64xi32, #tpu.memory_space<vmem>> -> memref<64xi32, #tpu.memory_space<vmem>>
    %dma_start3A_258 = arith.constant 0 : i32
    %dma_start3A_259 = arith.constant 0 : i32
    %dma_start3A_260 = tpu.memref_slice %arg11[%dma_start3A_258, %dma_start3A_259] : memref<5120x64xf32, #tpu.memory_space<vmem_shared>> -> memref<5120x64xf32, #tpu.memory_space<vmem_shared>>
    %dma_start3A_261 = tpu.memref_slice %arg15[%dma_start3A_250] : memref<7x!tpu.dma_semaphore, #tpu.memory_space<semaphore_mem>> -> memref<1x!tpu.dma_semaphore, #tpu.memory_space<semaphore_mem>>
    %dma_start3A_262 = tpu.memref_squeeze %dma_start3A_261 : memref<1x!tpu.dma_semaphore, #tpu.memory_space<semaphore_mem>> -> memref<!tpu.dma_semaphore, #tpu.memory_space<semaphore_mem>>
    tpu.enqueue_indirect_dma source(%dma_start3A_260 : memref<5120x64xf32, #tpu.memory_space<vmem_shared>>) target(%dma_start3A_254 : memref<64x64xf32, #tpu.memory_space<vmem>>) offsets(%dma_start3A_257 : memref<64xi32, #tpu.memory_space<vmem>>) semaphore(%dma_start3A_262 : memref<!tpu.dma_semaphore, #tpu.memory_space<semaphore_mem>>)
    %scan3A_263 = arith.constant 0 : i32
    %scan3A_264 = arith.constant 0 : i32
    %scan3A_265 = arith.constant 316 : i32
    %scan3A_266 = arith.addi %scan3A_264, %scan3A_265 : i32
    %scan3A_267 = arith.constant 1 : i32
    scf.for %scan3A_295 = %scan3A_264 to %scan3A_266 step %scan3A_267  : i32 {
      %rem3A = arith.constant 7 : i32
      %rem3A_296 = arith.remsi %scan3A_295, %rem3A : i32
      %add3A_297 = arith.constant 7 : i32
      %add3A_298 = arith.addi %scan3A_295, %add3A_297 : i32
      %sub3A = arith.constant 1 : i32
      %sub3A_299 = arith.subi %add3A_298, %sub3A : i32
      %rem3A_300 = arith.constant 7 : i32
      %rem3A_301 = arith.remsi %sub3A_299, %rem3A_300 : i32
      %ge3A = arith.constant 1 : i32
      %ge3A_302 = arith.cmpi sge, %scan3A_295, %ge3A : i32
      %convert_element_type3A_303 = arith.extui %ge3A_302 : i1 to i32
      %cond3A_304 = arith.constant 0 : i32
      %cond3A_305 = arith.cmpi ne, %convert_element_type3A_303, %cond3A_304 : i32
      scf.if %cond3A_305 {
        %dma_wait3A_338 = arith.constant 0 : i32
        %dma_wait3A_339 = arith.constant 0 : i32
        %dma_wait3A_340 = tpu.memref_slice %arg14[%rem3A_301, %dma_wait3A_338, %dma_wait3A_339] : memref<7x64x64xf32, #tpu.memory_space<vmem>> -> memref<1x64x64xf32, #tpu.memory_space<vmem>>
        %dma_wait3A_341 = tpu.memref_squeeze %dma_wait3A_340 : memref<1x64x64xf32, #tpu.memory_space<vmem>> -> memref<64x64xf32, #tpu.memory_space<vmem>>
        %dma_wait3A_342 = arith.constant 0 : i32
        %dma_wait3A_343 = tpu.memref_slice %arg13[%scan3A_295, %dma_wait3A_342] : memref<316x64xi32, #tpu.memory_space<vmem>> -> memref<1x64xi32, #tpu.memory_space<vmem>>
        %dma_wait3A_344 = tpu.memref_squeeze %dma_wait3A_343 : memref<1x64xi32, #tpu.memory_space<vmem>> -> memref<64xi32, #tpu.memory_space<vmem>>
        %dma_wait3A_345 = arith.constant 0 : i32
        %dma_wait3A_346 = arith.constant 0 : i32
        %dma_wait3A_347 = tpu.memref_slice %arg10[%dma_wait3A_345, %dma_wait3A_346] : memref<10112x64xf32, #tpu.memory_space<vmem_shared>> -> memref<10112x64xf32, #tpu.memory_space<vmem_shared>>
        %dma_wait3A_348 = tpu.memref_slice %arg16[%rem3A_301] : memref<7x!tpu.dma_semaphore, #tpu.memory_space<semaphore_mem>> -> memref<1x!tpu.dma_semaphore, #tpu.memory_space<semaphore_mem>>
        %dma_wait3A_349 = tpu.memref_squeeze %dma_wait3A_348 : memref<1x!tpu.dma_semaphore, #tpu.memory_space<semaphore_mem>> -> memref<!tpu.dma_semaphore, #tpu.memory_space<semaphore_mem>>
        tpu.wait_indirect_dma semaphore(%dma_wait3A_349 : memref<!tpu.dma_semaphore, #tpu.memory_space<semaphore_mem>>) src(%dma_wait3A_341 : memref<64x64xf32, #tpu.memory_space<vmem>>) dst(%dma_wait3A_347 : memref<10112x64xf32, #tpu.memory_space<vmem_shared>>)
      } else {
      }
      %add3A_306 = arith.constant 7 : i32
      %add3A_307 = arith.addi %scan3A_295, %add3A_306 : i32
      %sub3A_308 = arith.constant 1 : i32
      %sub3A_309 = arith.subi %add3A_307, %sub3A_308 : i32
      %lt3A = arith.constant 316 : i32
      %lt3A_310 = arith.cmpi slt, %sub3A_309, %lt3A : i32
      %convert_element_type3A_311 = arith.extui %lt3A_310 : i1 to i32
      %cond3A_312 = arith.constant 0 : i32
      %cond3A_313 = arith.cmpi ne, %convert_element_type3A_311, %cond3A_312 : i32
      scf.if %cond3A_313 {
        %add3A_338 = arith.constant 7 : i32
        %add3A_339 = arith.addi %scan3A_295, %add3A_338 : i32
        %sub3A_340 = arith.constant 1 : i32
        %sub3A_341 = arith.subi %add3A_339, %sub3A_340 : i32
        %dma_start3A_342 = arith.constant 0 : i32
        %dma_start3A_343 = arith.constant 0 : i32
        %dma_start3A_344 = tpu.memref_slice %arg14[%rem3A_301, %dma_start3A_342, %dma_start3A_343] : memref<7x64x64xf32, #tpu.memory_space<vmem>> -> memref<1x64x64xf32, #tpu.memory_space<vmem>>
        %dma_start3A_345 = tpu.memref_squeeze %dma_start3A_344 : memref<1x64x64xf32, #tpu.memory_space<vmem>> -> memref<64x64xf32, #tpu.memory_space<vmem>>
        %dma_start3A_346 = arith.constant 0 : i32
        %dma_start3A_347 = tpu.memref_slice %arg12[%sub3A_341, %dma_start3A_346] : memref<316x64xi32, #tpu.memory_space<vmem>> -> memref<1x64xi32, #tpu.memory_space<vmem>>
        %dma_start3A_348 = tpu.memref_squeeze %dma_start3A_347 : memref<1x64xi32, #tpu.memory_space<vmem>> -> memref<64xi32, #tpu.memory_space<vmem>>
        %dma_start3A_349 = arith.constant 0 : i32
        %dma_start3A_350 = arith.constant 0 : i32
        %dma_start3A_351 = tpu.memref_slice %arg11[%dma_start3A_349, %dma_start3A_350] : memref<5120x64xf32, #tpu.memory_space<vmem_shared>> -> memref<5120x64xf32, #tpu.memory_space<vmem_shared>>
        %dma_start3A_352 = tpu.memref_slice %arg15[%rem3A_301] : memref<7x!tpu.dma_semaphore, #tpu.memory_space<semaphore_mem>> -> memref<1x!tpu.dma_semaphore, #tpu.memory_space<semaphore_mem>>
        %dma_start3A_353 = tpu.memref_squeeze %dma_start3A_352 : memref<1x!tpu.dma_semaphore, #tpu.memory_space<semaphore_mem>> -> memref<!tpu.dma_semaphore, #tpu.memory_space<semaphore_mem>>
        tpu.enqueue_indirect_dma source(%dma_start3A_351 : memref<5120x64xf32, #tpu.memory_space<vmem_shared>>) target(%dma_start3A_345 : memref<64x64xf32, #tpu.memory_space<vmem>>) offsets(%dma_start3A_348 : memref<64xi32, #tpu.memory_space<vmem>>) semaphore(%dma_start3A_353 : memref<!tpu.dma_semaphore, #tpu.memory_space<semaphore_mem>>)
      } else {
      }
      %dma_wait3A_314 = arith.constant 0 : i32
      %dma_wait3A_315 = arith.constant 0 : i32
      %dma_wait3A_316 = tpu.memref_slice %arg14[%rem3A_296, %dma_wait3A_314, %dma_wait3A_315] : memref<7x64x64xf32, #tpu.memory_space<vmem>> -> memref<1x64x64xf32, #tpu.memory_space<vmem>>
      %dma_wait3A_317 = tpu.memref_squeeze %dma_wait3A_316 : memref<1x64x64xf32, #tpu.memory_space<vmem>> -> memref<64x64xf32, #tpu.memory_space<vmem>>
      %dma_wait3A_318 = arith.constant 0 : i32
      %dma_wait3A_319 = tpu.memref_slice %arg12[%scan3A_295, %dma_wait3A_318] : memref<316x64xi32, #tpu.memory_space<vmem>> -> memref<1x64xi32, #tpu.memory_space<vmem>>
      %dma_wait3A_320 = tpu.memref_squeeze %dma_wait3A_319 : memref<1x64xi32, #tpu.memory_space<vmem>> -> memref<64xi32, #tpu.memory_space<vmem>>
      %dma_wait3A_321 = arith.constant 0 : i32
      %dma_wait3A_322 = arith.constant 0 : i32
      %dma_wait3A_323 = tpu.memref_slice %arg11[%dma_wait3A_321, %dma_wait3A_322] : memref<5120x64xf32, #tpu.memory_space<vmem_shared>> -> memref<5120x64xf32, #tpu.memory_space<vmem_shared>>
      %dma_wait3A_324 = tpu.memref_slice %arg15[%rem3A_296] : memref<7x!tpu.dma_semaphore, #tpu.memory_space<semaphore_mem>> -> memref<1x!tpu.dma_semaphore, #tpu.memory_space<semaphore_mem>>
      %dma_wait3A_325 = tpu.memref_squeeze %dma_wait3A_324 : memref<1x!tpu.dma_semaphore, #tpu.memory_space<semaphore_mem>> -> memref<!tpu.dma_semaphore, #tpu.memory_space<semaphore_mem>>
      tpu.wait_indirect_dma semaphore(%dma_wait3A_325 : memref<!tpu.dma_semaphore, #tpu.memory_space<semaphore_mem>>) src(%dma_wait3A_323 : memref<5120x64xf32, #tpu.memory_space<vmem_shared>>) dst(%dma_wait3A_317 : memref<64x64xf32, #tpu.memory_space<vmem>>)
      %dma_start3A_326 = arith.constant 0 : i32
      %dma_start3A_327 = arith.constant 0 : i32
      %dma_start3A_328 = tpu.memref_slice %arg14[%rem3A_296, %dma_start3A_326, %dma_start3A_327] : memref<7x64x64xf32, #tpu.memory_space<vmem>> -> memref<1x64x64xf32, #tpu.memory_space<vmem>>
      %dma_start3A_329 = tpu.memref_squeeze %dma_start3A_328 : memref<1x64x64xf32, #tpu.memory_space<vmem>> -> memref<64x64xf32, #tpu.memory_space<vmem>>
      %dma_start3A_330 = arith.constant 0 : i32
      %dma_start3A_331 = tpu.memref_slice %arg13[%scan3A_295, %dma_start3A_330] : memref<316x64xi32, #tpu.memory_space<vmem>> -> memref<1x64xi32, #tpu.memory_space<vmem>>
      %dma_start3A_332 = tpu.memref_squeeze %dma_start3A_331 : memref<1x64xi32, #tpu.memory_space<vmem>> -> memref<64xi32, #tpu.memory_space<vmem>>
      %dma_start3A_333 = arith.constant 0 : i32
      %dma_start3A_334 = arith.constant 0 : i32
      %dma_start3A_335 = tpu.memref_slice %arg10[%dma_start3A_333, %dma_start3A_334] : memref<10112x64xf32, #tpu.memory_space<vmem_shared>> -> memref<10112x64xf32, #tpu.memory_space<vmem_shared>>
      %dma_start3A_336 = tpu.memref_slice %arg16[%rem3A_296] : memref<7x!tpu.dma_semaphore, #tpu.memory_space<semaphore_mem>> -> memref<1x!tpu.dma_semaphore, #tpu.memory_space<semaphore_mem>>
      %dma_start3A_337 = tpu.memref_squeeze %dma_start3A_336 : memref<1x!tpu.dma_semaphore, #tpu.memory_space<semaphore_mem>> -> memref<!tpu.dma_semaphore, #tpu.memory_space<semaphore_mem>>
      tpu.enqueue_indirect_dma source(%dma_start3A_329 : memref<64x64xf32, #tpu.memory_space<vmem>>) target(%dma_start3A_335 : memref<10112x64xf32, #tpu.memory_space<vmem_shared>>) offsets(%dma_start3A_332 : memref<64xi32, #tpu.memory_space<vmem>>) semaphore(%dma_start3A_337 : memref<!tpu.dma_semaphore, #tpu.memory_space<semaphore_mem>>) {add = true}
    }
    %scan3A_268 = arith.constant 316 : i32
    %dma_wait3A_269 = arith.constant 0 : i32
    %dma_wait3A_270 = arith.constant 315 : i32
    %dma_wait3A_271 = arith.constant 0 : i32
    %dma_wait3A_272 = arith.constant 0 : i32
    %dma_wait3A_273 = arith.constant 0 : i32
    %dma_wait3A_274 = tpu.memref_slice %arg14[%dma_wait3A_269, %dma_wait3A_272, %dma_wait3A_273] : memref<7x64x64xf32, #tpu.memory_space<vmem>> -> memref<1x64x64xf32, #tpu.memory_space<vmem>>
    %dma_wait3A_275 = tpu.memref_squeeze %dma_wait3A_274 : memref<1x64x64xf32, #tpu.memory_space<vmem>> -> memref<64x64xf32, #tpu.memory_space<vmem>>
    %dma_wait3A_276 = arith.constant 0 : i32
    %dma_wait3A_277 = tpu.memref_slice %arg13[%dma_wait3A_270, %dma_wait3A_276] : memref<316x64xi32, #tpu.memory_space<vmem>> -> memref<1x64xi32, #tpu.memory_space<vmem>>
    %dma_wait3A_278 = tpu.memref_squeeze %dma_wait3A_277 : memref<1x64xi32, #tpu.memory_space<vmem>> -> memref<64xi32, #tpu.memory_space<vmem>>
    %dma_wait3A_279 = arith.constant 0 : i32
    %dma_wait3A_280 = arith.constant 0 : i32
    %dma_wait3A_281 = tpu.memref_slice %arg10[%dma_wait3A_279, %dma_wait3A_280] : memref<10112x64xf32, #tpu.memory_space<vmem_shared>> -> memref<10112x64xf32, #tpu.memory_space<vmem_shared>>
    %dma_wait3A_282 = tpu.memref_slice %arg16[%dma_wait3A_271] : memref<7x!tpu.dma_semaphore, #tpu.memory_space<semaphore_mem>> -> memref<1x!tpu.dma_semaphore, #tpu.memory_space<semaphore_mem>>
    %dma_wait3A_283 = tpu.memref_squeeze %dma_wait3A_282 : memref<1x!tpu.dma_semaphore, #tpu.memory_space<semaphore_mem>> -> memref<!tpu.dma_semaphore, #tpu.memory_space<semaphore_mem>>
    tpu.wait_indirect_dma semaphore(%dma_wait3A_283 : memref<!tpu.dma_semaphore, #tpu.memory_space<semaphore_mem>>) src(%dma_wait3A_275 : memref<64x64xf32, #tpu.memory_space<vmem>>) dst(%dma_wait3A_281 : memref<10112x64xf32, #tpu.memory_space<vmem_shared>>)
    %barrier3A_284 = arith.constant 0 : index
    tpu.barrier barrier_id(%barrier3A_284)
    %eq3A_285 = arith.constant 0 : i32
    %eq3A_286 = arith.cmpi eq, %arg0, %eq3A_285 : i32
    %convert_element_type3A_287 = arith.extui %eq3A_286 : i1 to i32
    %cond3A_288 = arith.constant 0 : i32
    %cond3A_289 = arith.cmpi ne, %convert_element_type3A_287, %cond3A_288 : i32
    scf.if %cond3A_289 {
      %mul3A_295 = arith.constant 632 : i32
      %mul3A_296 = arith.muli %arg1, %mul3A_295 : i32
      %mul3A_297 = arith.constant 632 : i32
      %mul3A_298 = arith.muli %arg1, %mul3A_297 : i32
      "tpu.region"() ({
        %run_scoped3A_299 = tpu.sem_alloc : memref<!tpu.dma_semaphore, #tpu.memory_space<semaphore_mem>>
        %dma_start3A_300 = arith.constant 0 : i32
        %dma_start3A_301 = tpu.memref_slice %arg8[%mul3A_298, %dma_start3A_300] : memref<10112x64xf32, #tpu.memory_space<hbm>> -> memref<632x64xf32, #tpu.memory_space<hbm>>
        %dma_start3A_302 = arith.constant 0 : i32
        %dma_start3A_303 = tpu.memref_slice %arg10[%mul3A_296, %dma_start3A_302] : memref<10112x64xf32, #tpu.memory_space<vmem_shared>> -> memref<632x64xf32, #tpu.memory_space<vmem_shared>>
        tpu.enqueue_dma source(%dma_start3A_303 : memref<632x64xf32, #tpu.memory_space<vmem_shared>>) target(%dma_start3A_301 : memref<632x64xf32, #tpu.memory_space<hbm>>) target_semaphore(%run_scoped3A_299 : memref<!tpu.dma_semaphore, #tpu.memory_space<semaphore_mem>>)
        %dma_wait3A_304 = arith.constant 0 : i32
        %dma_wait3A_305 = tpu.memref_slice %arg8[%mul3A_298, %dma_wait3A_304] : memref<10112x64xf32, #tpu.memory_space<hbm>> -> memref<632x64xf32, #tpu.memory_space<hbm>>
        %dma_wait3A_306 = arith.constant 0 : i32
        %dma_wait3A_307 = tpu.memref_slice %arg10[%mul3A_296, %dma_wait3A_306] : memref<10112x64xf32, #tpu.memory_space<vmem_shared>> -> memref<632x64xf32, #tpu.memory_space<vmem_shared>>
        tpu.wait_dma2 semaphore(%run_scoped3A_299 : memref<!tpu.dma_semaphore, #tpu.memory_space<semaphore_mem>>) src(%dma_wait3A_307 : memref<632x64xf32, #tpu.memory_space<vmem_shared>>) dst(%dma_wait3A_305 : memref<632x64xf32, #tpu.memory_space<hbm>>)
        tpu.yield
      }) : () -> ()
    } else {
    }
    %eq3A_290 = arith.constant 1 : i32
    %eq3A_291 = arith.cmpi eq, %arg0, %eq3A_290 : i32
    %convert_element_type3A_292 = arith.extui %eq3A_291 : i1 to i32
    %cond3A_293 = arith.constant 0 : i32
    %cond3A_294 = arith.cmpi ne, %convert_element_type3A_292, %cond3A_293 : i32
    scf.if %cond3A_294 {
      %mul3A_295 = arith.constant 632 : i32
      %mul3A_296 = arith.muli %arg1, %mul3A_295 : i32
      %mul3A_297 = arith.constant 632 : i32
      %mul3A_298 = arith.muli %arg1, %mul3A_297 : i32
      "tpu.region"() ({
        %run_scoped3A_299 = tpu.sem_alloc : memref<!tpu.dma_semaphore, #tpu.memory_space<semaphore_mem>>
        %dma_start3A_300 = arith.constant 0 : i32
        %dma_start3A_301 = tpu.memref_slice %arg9[%mul3A_298, %dma_start3A_300] : memref<10112x64xf32, #tpu.memory_space<hbm>> -> memref<632x64xf32, #tpu.memory_space<hbm>>
        %dma_start3A_302 = arith.constant 0 : i32
        %dma_start3A_303 = tpu.memref_slice %arg10[%mul3A_296, %dma_start3A_302] : memref<10112x64xf32, #tpu.memory_space<vmem_shared>> -> memref<632x64xf32, #tpu.memory_space<vmem_shared>>
        tpu.enqueue_dma source(%dma_start3A_303 : memref<632x64xf32, #tpu.memory_space<vmem_shared>>) target(%dma_start3A_301 : memref<632x64xf32, #tpu.memory_space<hbm>>) target_semaphore(%run_scoped3A_299 : memref<!tpu.dma_semaphore, #tpu.memory_space<semaphore_mem>>)
        %dma_wait3A_304 = arith.constant 0 : i32
        %dma_wait3A_305 = tpu.memref_slice %arg9[%mul3A_298, %dma_wait3A_304] : memref<10112x64xf32, #tpu.memory_space<hbm>> -> memref<632x64xf32, #tpu.memory_space<hbm>>
        %dma_wait3A_306 = arith.constant 0 : i32
        %dma_wait3A_307 = tpu.memref_slice %arg10[%mul3A_296, %dma_wait3A_306] : memref<10112x64xf32, #tpu.memory_space<vmem_shared>> -> memref<632x64xf32, #tpu.memory_space<vmem_shared>>
        tpu.wait_dma2 semaphore(%run_scoped3A_299 : memref<!tpu.dma_semaphore, #tpu.memory_space<semaphore_mem>>) src(%dma_wait3A_307 : memref<632x64xf32, #tpu.memory_space<vmem_shared>>) dst(%dma_wait3A_305 : memref<632x64xf32, #tpu.memory_space<hbm>>)
        tpu.yield
      }) : () -> ()
    } else {
    }
    return
  }
}

module attributes {stable_mosaic.version = 14 : i64} {
  func.func @_xnorm_tc(%arg0: memref<10000x128xf32, #tpu.memory_space<vmem>>, %arg1: memref<10112x8xf32, #tpu.memory_space<vmem>>, %arg2: memref<5120x8xf32, #tpu.memory_space<vmem>>, %arg3: memref<10112x64xf32, #tpu.memory_space<vmem>>, %arg4: memref<10112x64xf32, #tpu.memory_space<vmem>>, %arg5: memref<5120x64xf32, #tpu.memory_space<vmem>>) attributes {dimension_semantics = [], scalar_prefetch = 0 : i64, scratch_operands = 0 : i64, tpu.core_type = #tpu.core_type<tc>} {
    %get3A = arith.constant 0 : index
    %get3A_0 = arith.constant 0 : index
    %get3A_1 = vector.load %arg1[%get3A, %get3A_0] : memref<10112x8xf32, #tpu.memory_space<vmem>>, vector<10000x1xf32>
    %gt3A = arith.constant 0.000000e+00 : f32
    %gt3A_2 = vector.broadcast %gt3A : f32 to vector<10000x1xf32>
    %gt3A_3 = arith.cmpf ogt, %get3A_1, %gt3A_2 : vector<10000x1xf32>
    %div3A = arith.constant 1.000000e+00 : f32
    %div3A_4 = vector.broadcast %div3A : f32 to vector<10000x1xf32>
    %div3A_5 = arith.divf %div3A_4, %get3A_1 : vector<10000x1xf32>
    %jit3A = arith.constant 0.000000e+00 : f32
    %broadcast_in_dim3A = vector.broadcast %jit3A : f32 to vector<10000x1xf32>
    %select_n3A = arith.select %gt3A_3, %div3A_5, %broadcast_in_dim3A : vector<10000x1xi1>, vector<10000x1xf32>
    %broadcast_in_dim3A_6 = arith.constant 0.000000e+00 : f32
    %broadcast_in_dim3A_7 = vector.broadcast %broadcast_in_dim3A_6 : f32 to vector<112x64xf32>
    %get3A_8 = arith.constant 0 : index
    %get3A_9 = arith.constant 0 : index
    %get3A_10 = vector.load %arg0[%get3A_8, %get3A_9] : memref<10000x128xf32, #tpu.memory_space<vmem>>, vector<10000x64xf32>
    %mul3A = vector.broadcast %select_n3A : vector<10000x1xf32> to vector<10000x64xf32>
    %mul3A_11 = arith.mulf %get3A_10, %mul3A : vector<10000x64xf32>
    %swap3A = arith.constant 0 : index
    %swap3A_12 = arith.constant 0 : index
    %swap3A_13 = vector.load %arg3[%swap3A, %swap3A_12] : memref<10112x64xf32, #tpu.memory_space<vmem>>, vector<10000x64xf32>
    tpu.vector_store %arg3[%swap3A, %swap3A_12], %mul3A_11 {strides = array<i32>} : memref<10112x64xf32, #tpu.memory_space<vmem>>, vector<10000x64xf32>,
    %swap3A_14 = arith.constant 10000 : index
    %swap3A_15 = arith.constant 0 : index
    %swap3A_16 = vector.load %arg3[%swap3A_14, %swap3A_15] : memref<10112x64xf32, #tpu.memory_space<vmem>>, vector<112x64xf32>
    tpu.vector_store %arg3[%swap3A_14, %swap3A_15], %broadcast_in_dim3A_7 {strides = array<i32>} : memref<10112x64xf32, #tpu.memory_space<vmem>>, vector<112x64xf32>,
    %get3A_17 = arith.constant 0 : index
    %get3A_18 = arith.constant 64 : index
    %get3A_19 = vector.load %arg0[%get3A_17, %get3A_18] : memref<10000x128xf32, #tpu.memory_space<vmem>>, vector<10000x64xf32>
    %mul3A_20 = vector.broadcast %select_n3A : vector<10000x1xf32> to vector<10000x64xf32>
    %mul3A_21 = arith.mulf %get3A_19, %mul3A_20 : vector<10000x64xf32>
    %swap3A_22 = arith.constant 0 : index
    %swap3A_23 = arith.constant 0 : index
    %swap3A_24 = vector.load %arg4[%swap3A_22, %swap3A_23] : memref<10112x64xf32, #tpu.memory_space<vmem>>, vector<10000x64xf32>
    tpu.vector_store %arg4[%swap3A_22, %swap3A_23], %mul3A_21 {strides = array<i32>} : memref<10112x64xf32, #tpu.memory_space<vmem>>, vector<10000x64xf32>,
    %swap3A_25 = arith.constant 10000 : index
    %swap3A_26 = arith.constant 0 : index
    %swap3A_27 = vector.load %arg4[%swap3A_25, %swap3A_26] : memref<10112x64xf32, #tpu.memory_space<vmem>>, vector<112x64xf32>
    tpu.vector_store %arg4[%swap3A_25, %swap3A_26], %broadcast_in_dim3A_7 {strides = array<i32>} : memref<10112x64xf32, #tpu.memory_space<vmem>>, vector<112x64xf32>,
    %get3A_28 = arith.constant 0 : index
    %get3A_29 = arith.constant 0 : index
    %get3A_30 = vector.load %arg2[%get3A_28, %get3A_29] : memref<5120x8xf32, #tpu.memory_space<vmem>>, vector<5120x1xf32>
    %gt3A_31 = arith.constant 0.000000e+00 : f32
    %gt3A_32 = vector.broadcast %gt3A_31 : f32 to vector<5120x1xf32>
    %gt3A_33 = arith.cmpf ogt, %get3A_30, %gt3A_32 : vector<5120x1xf32>
    %div3A_34 = arith.constant 1.000000e+00 : f32
    %div3A_35 = vector.broadcast %div3A_34 : f32 to vector<5120x1xf32>
    %div3A_36 = arith.divf %div3A_35, %get3A_30 : vector<5120x1xf32>
    %jit3A_37 = arith.constant 0.000000e+00 : f32
    %broadcast_in_dim3A_38 = vector.broadcast %jit3A_37 : f32 to vector<5120x1xf32>
    %select_n3A_39 = arith.select %gt3A_33, %div3A_36, %broadcast_in_dim3A_38 : vector<5120x1xi1>, vector<5120x1xf32>
    %broadcast_in_dim3A_40 = vector.shape_cast %select_n3A_39 : vector<5120x1xf32> to vector<5120x1xf32>
    %broadcast_in_dim3A_41 = vector.broadcast %broadcast_in_dim3A_40 : vector<5120x1xf32> to vector<5120x64xf32>
    %swap3A_42 = arith.constant 0 : index
    %swap3A_43 = arith.constant 0 : index
    %swap3A_44 = vector.load %arg5[%swap3A_42, %swap3A_43] : memref<5120x64xf32, #tpu.memory_space<vmem>>, vector<5120x64xf32>
    tpu.vector_store %arg5[%swap3A_42, %swap3A_43], %broadcast_in_dim3A_41 {strides = array<i32>} : memref<5120x64xf32, #tpu.memory_space<vmem>>, vector<5120x64xf32>,
    return
  }
}

</mosaic_0001>

<sc_bundles>
// kernel: kernel.12.cloned.1.call-start
scs
__scs_entry_jumppad:
0x0: {  	(pc) =	sbr.rel $0x88, $3  }
0x1: {  	(tag) =	ssettag $0x0;
	lr =	simm.s32 $0x1  }
0x2: {  	[smem:$0x3F9E] =	sst lr;
	_ =	strace $0xD0000000  }
0x3: {  	_ = 	snop  }
0x4: {  	_ = 	snop  }
0x5: {  	_ = 	snop  }
0x6: {  	_ = 	snop  }
0x7: {  	_ = 	snop  }
__scs_overlays_trampoline_lowered:
0x8: {  	[smem:$0x3FAD] =	sst s0  }
0x9: {  	[smem:$0x3FAE] =	sst s1  }
0xa: {  	[smem:$0x3FAF] =	sst s2  }
0xb: {  	[smem:$0x3FB0] =	sst s3  }
0xc: {  	[smem:$0x3FB1] =	sst s4  }
0xd: {  	[smem:$0x3FB2] =	sst s5  }
0xe: {  	[smem:$0x3FB3] =	sst s6  }
0xf: {  	[smem:$0x3FB4] =	sst s7  }
0x10: {  	[smem:$0x3FB5] =	sst s8  }
0x11: {  	[smem:$0x3FB6] =	sst s9;
	s0 =	simm.s32 @!p0 $0x0  }
0x12: {  	s1 =	sld [smem:$0x3F9C];
	s0 =	simm.s32 @p0 $0x1  }
0x13: {  	[smem:$0x3FB7] =	sst s0;
	s0 =	simm.s32 @!p1 $0x0  }
0x14: {  	s2 =	sld [smem:$0x3F9B];
	s0 =	simm.s32 @p1 $0x1  }
0x15: {  	[smem:$0x3FB8] =	sst s0;
	s0 =	simm.s32 @!p2 $0x0  }
0x16: {  	s3 =	sld [smem:$0x3FDB];
	s0 =	simm.s32 @p2 $0x1  }
0x17: {  	s4 =	simm.s32 $0x1BF5;
	[smem:$0x3FBA] =	sst s0  }
0x18: {  	s0 =	sld [smem:$0x3F9D];
	_ =	swait.ge [sflag:s4], $0x0  }
0x19: {  	s7 =	sld [smem:$0x3F9E]  }
0x1a: {  	s8 =	sadd.s32 $0xFFFFE003, lr  }
0x1b: {  	s9 =	sadd.s32 $0xFFFFFEF7, lr;
	s5 =	simm.s32 $0xFFFFFFFF;
	p2 =	slt.u32 s8, $0xFFFFF086  }
0x1c: {  	p1 =	slt.u32 s9, $0xF7A;
	s5 =	simm.s32 @!p2 $0x0  }
0x1d: {  	s5 =	simm.s32 @p1 $0x1;
	p0 =	seq.s32 s7, s2  }
0x1e: {  	s7 =	smul.u32 @!p0 $0xF7A, s2;
	p2 =	seq.s32 @!p0 s5, $0x0  }
0x1f: {  	s9 =	smul.u32 $0xF7A, s1;
	s8 =	simm.s32 @!p0 $0x1BF5;
	p2 =	por !p2, p0  }
0x20: {  	[sflag:s8] =	ssyncset.s32 @!p0 $0xFFFFF086;
	s6 =	sadd.s32 @!p0 s3, s7;
	s7 =	simm.s32 @!p0 $0x108  }
0x21: {  	s3 =	sadd.s32 s3, s9;
	s6 =	sadd.s32 @!p0 $0x88, s6;
	s7 =	simm.s32 @p2 $0x1082  }
0x22: {  	[simem:s7], [sflag:s8] =	dma.local @!p0 [hbm:s6], $0xF7A  }
0x23: {  	s9 =	sor.u32 $0xD0000000, s2;
	s6 =	simm.s32 $0x108;
	_ =	swait.ge @!p0 [sflag:s8], $0x0  }
0x24: {  	s3 =	sadd.s32 $0x88, s3;
	s6 =	simm.s32 @!p1 $0x1082;
	[sflag:s4] =	ssyncset.s32 $0xFFFFF086  }
0x25: {  	[simem:s6], [sflag:s4] =	dma.local [hbm:s3], $0xF7A  }
0x26: {  	[smem:$0x3F9E] =	sst s1;
	(tag) =	ssettag s2;
	_ =	strace s9  }
0x27: {  	s1 =	sld [smem:$0x3FAE]  }
0x28: {  	s2 =	sld [smem:$0x3FAF]  }
0x29: {  	s4 =	sld [smem:$0x3FB1]  }
0x2a: {  	p0 =	seq.s32 s5, $0x0;
	s5 =	sld [smem:$0x3FB2]  }
0x2b: {  	s6 =	sld [smem:$0x3FB3]  }
0x2c: {  	s7 =	sld [smem:$0x3FB4]  }
0x2d: {  	s3 =	simm.s32 $0x108;
	s8 =	sld [smem:$0x3FB5]  }
0x2e: {  	s3 =	simm.s32 @!p0 $0x1082;
	s9 =	sld [smem:$0x3FB6]  }
0x2f: {  	lr =	sadd.s32 s0, s3;
	s0 =	sld [smem:$0x3FAD]  }
0x30: {  	s3 =	sld [smem:$0x3FB0]  }
0x31: {  	[smem:$0x3FB9] =	sst s10  }
0x32: {  	s10 =	sld [smem:$0x3FB7];
	_ =	sdelay $0x3  }
0x33: {  	p0 =	seq.s32 s10, $0x1;
	s10 =	sld [smem:$0x3FB9];
	_ =	sdelay $0x3  }
0x34: {  	[smem:$0x3FB9] =	sst s10  }
0x35: {  	s10 =	sld [smem:$0x3FB8];
	_ =	sdelay $0x3  }
0x36: {  	p1 =	seq.s32 s10, $0x1;
	s10 =	sld [smem:$0x3FB9];
	_ =	sdelay $0x3  }
0x37: {  	[smem:$0x3FB9] =	sst s10  }
0x38: {  	s10 =	sld [smem:$0x3FBA]  }
0x39: {  	_ = 	snop;
	(pc) =	sbr.ind lr, $3  }
0x3a: {  	_ = 	snop  }
0x3b: {  	_ = 	snop  }
0x3c: {  	p2 =	seq.s32 s10, $0x1;
	s10 =	sld [smem:$0x3FB9]  }
0x3d: {  	_ =	shalt  }
0x3e: {  	_ =	shalt  }
0x3f: {  	_ =	shalt  }
0x40: {  	_ =	shalt  }
0x41: {  	_ =	shalt  }
0x42: {  	_ =	shalt  }
0x43: {  	_ =	shalt  }
0x44: {  	_ =	shalt  }
0x45: {  	_ =	shalt  }
0x46: {  	_ =	shalt  }
0x47: {  	_ =	shalt  }
0x48: {  	_ =	shalt  }
0x49: {  	_ =	shalt  }
0x4a: {  	_ =	shalt  }
0x4b: {  	_ =	shalt  }
0x4c: {  	_ =	shalt  }
0x4d: {  	_ =	shalt  }
0x4e: {  	_ =	shalt  }
0x4f: {  	_ =	shalt  }
0x50: {  	_ =	shalt  }
0x51: {  	_ =	shalt  }
0x52: {  	_ =	shalt  }
0x53: {  	_ =	shalt  }
0x54: {  	_ =	shalt  }
0x55: {  	_ =	shalt  }
0x56: {  	_ =	shalt  }
0x57: {  	_ =	shalt  }
0x58: {  	_ =	shalt  }
0x59: {  	_ =	shalt  }
0x5a: {  	_ =	shalt  }
0x5b: {  	_ =	shalt  }
0x5c: {  	_ =	shalt  }
0x5d: {  	_ =	shalt  }
0x5e: {  	_ =	shalt  }
0x5f: {  	_ =	shalt  }
0x60: {  	_ =	shalt  }
0x61: {  	_ =	shalt  }
0x62: {  	_ =	shalt  }
0x63: {  	_ =	shalt  }
0x64: {  	_ =	shalt  }
0x65: {  	_ =	shalt  }
0x66: {  	_ =	shalt  }
0x67: {  	_ =	shalt  }
0x68: {  	_ =	shalt  }
0x69: {  	_ =	shalt  }
0x6a: {  	_ =	shalt  }
0x6b: {  	_ =	shalt  }
0x6c: {  	_ =	shalt  }
0x6d: {  	_ =	shalt  }
0x6e: {  	_ =	shalt  }
0x6f: {  	_ =	shalt  }
0x70: {  	_ =	shalt  }
0x71: {  	_ =	shalt  }
0x72: {  	_ =	shalt  }
0x73: {  	_ =	shalt  }
0x74: {  	_ =	shalt  }
0x75: {  	_ =	shalt  }
0x76: {  	_ =	shalt  }
0x77: {  	_ =	shalt  }
0x78: {  	_ =	shalt  }
0x79: {  	_ =	shalt  }
0x7a: {  	_ =	shalt  }
0x7b: {  	_ =	shalt  }
0x7c: {  	_ =	shalt  }
0x7d: {  	_ =	shalt  }
0x7e: {  	_ =	shalt  }
0x7f: {  	_ =	shalt  }
0x80: {  	_ =	shalt  }
0x81: {  	_ =	shalt  }
0x82: {  	_ =	shalt  }
0x83: {  	_ =	shalt  }
0x84: {  	_ =	shalt  }
0x85: {  	_ =	shalt  }
0x86: {  	_ =	shalt  }
0x87: {  	_ =	shalt  }
.Lfunc_end0:
.L_simem_size_0:
called_computation.2_lowered:
.L_overlay_start_0:
0x88: {  	s2 =	sld [smem:$0x3FD9]  }
0x89: {  	s3 =	sld [smem:$0x3FFE];
	_ =	sdelay $0x1  }
0x8a: {  	s1 =	srdreg.scid  }
0x8b: {  	s0 =	sand.u32 $0x1, s1  }
0x8c: {  	s14 =	sshll.u32 s0, $0xA;
	s2 =	sadd.s32 s3, s2  }
0x8d: {  	s2 =	sadd.s32 s2, s14  }
0x8e: {  	[smem:$0x3FC5] =	sst s2  }
0x8f: {  	_ = 	snop  }
0x90: {  	s2 =	sld [smem:$0x3FD0];
	_ =	sdelay $0x2  }
0x91: {  	s15 =	simm.s32 $0xA;
	s4 =	simm.s32 $0x10  }
0x92: {  	[smem:s4], [sflag:s15] =	dma.local [hbm:s2], $0x1  }
0x93: {  	_ =	swait.eq [sflag:s15], $0x1  }
0x94: {  	[sflag:s15] =	ssyncset.done $0x0  }
0x95: {  	[sflag:s15] =	ssyncadd.s32 $0xFFFFFFFF  }
0x96: {  	s16 =	sld [smem:$0x10];
	(tm) =	ssettm $0x1  }
0x97: {  	s17 =	sld [smem:$0x3FFB];
	_ =	sdelay $0x3  }
0x98: {  	_ =	strace s17  }
0x99: {  	s3 =	sld [smem:$0x3FFC];
	_ =	sdelay $0x3  }
0x9a: {  	_ =	strace s3  }
0x9b: {  	s3 =	sld [smem:$0x3FFD];
	_ =	sdelay $0x3  }
0x9c: {  	_ =	strace s3  }
0x9d: {  	_ =	strace $0x8FFFFFFF  }
0x9e: {  	s18 =	sld [smem:$0x3FDB];
	_ =	sdelay $0x1  }
0x9f: {  	s19 =	simm.s32 $_scs_section_size  }
0xa0: {  	s5 =	simm.s32 $_size__tile_overlayer_lowered;
	s6 =	simm.s32 $_tile_overlayer_lowered  }
0xa1: {  	s22 =	simm.s32 $0x1BFF;
	s21 =	sshll.u32 s6, $0x1;
	s3 =	sadd.s32 s19, s18  }
0xa2: {  	s7 =	simm.s32 $0x0;
	s20 =	sshll.u32 s5, $0x1;
	s5 =	sadd.s32 s21, s3  }
0xa3: {  	[timem:s7], [sflag:s22] =	dma.local [hbm:s5], s20  }
0xa4: {  	_ =	swait.ge [sflag:s22], s20  }
0xa5: {  	s4 =	ssub.s32 $0x0, s20;
	[sflag:s22] =	ssyncset.done $0x0  }
0xa6: {  	[sflag:s22] =	ssyncadd.s32 s4;
	_ =	sdelay $0x1  }
0xa7: {  	s23 =	simm.s32 $0x1B8B  }
0xa8: {  	_ =	swait.ge [sflag:s23], $0x1  }
0xa9: {  	[sflag:s23] =	ssyncset.done $0x0  }
0xaa: {  	s25 =	simm.s32 $0x1B8E;
	s24 =	sld [smem:$0x3FFE];
	[sflag:s23] =	ssyncadd.s32 $0xFFFFFFFF  }
0xab: {  	s26 =	simm.s32 $execute0_lowered;
	[smem:$0x3FD2] =	sst s25  }
0xac: {  	s5 =	sshll.u32 s26, $0x1;
	_ =	strace $0x8000004C;
	[dreg:$0x1] =	wrdreg $0xFFFFFFFF  }
0xad: {  	s28 =	simm.s32 $_size_execute0_lowered;
	s3 =	sadd.s32 s3, s5;
	[dreg:$0x0] =	wrdreg $0x0  }
0xae: {  	s5 =	sshll.u32 s28, $0x1;
	[dreg:$0x2] =	wrdreg s3  }
0xaf: {  	[dreg:$0x3] =	wrdreg s5  }
0xb0: {  	[dreg:$0x4] =	wrdreg $0xC0  }
0xb1: {  	_ =	task [dreg:s7], $0x5FFFF  }
0xb2: {  	[dreg:$0x1] =	wrdreg $0xFFFFFFFF  }
0xb3: {  	[dreg:$0x0] =	wrdreg $0x60  }
0xb4: {  	[dreg:$0x2] =	wrdreg s24  }
0xb5: {  	[dreg:$0x3] =	wrdreg s16  }
0xb6: {  	[dreg:$0x4] =	wrdreg $0x0  }
0xb7: {  	[dreg:$0x5] =	wrdreg $0x9E000  }
0xb8: {  	[dreg:$0x6] =	wrdreg $0x9  }
0xb9: {  	_ =	task.clear_ibuf [dreg:s7], $0x7FFFF;
	_ =	strace $0x9000004C  }
0xba: {  	s29 =	simm.s32 $0x9;
	_ =	strace $0x8000004E  }
0xbb: {  	_ =	swait.ge [sflag:s29], $0x1  }
0xbc: {  	[sflag:s29] =	ssyncadd.s32 $0xFFFFFFFF  }
0xbd: {  	_ =	strace $0x9000004E  }
0xbe: {  	_ =	sfence  }
0xbf: {  	s30 =	sld [smem:$0x0];
	_ =	sdelay $0x2  }
0xc0: {  	s31 =	sshll.u32 s1, $0xD;
	s1 =	sshrl.u32 s1, $0x2  }
0xc1: {  	s3 =	sand.u32 $0x4000, s31;
	s1 =	sadd.s32 s1, s30  }
0xc2: {  	s0 =	sor.u32 s3, s0;
	s1 =	sshll.u32 s1, $0x11  }
0xc3: {  	s0 =	sor.u32 s1, s0  }
0xc4: {  	s0 =	sadd.s32 $0x8F2B, s0  }
0xc5: {  	[sflag:s0] =	ssyncadd.remote.s32 $0x1  }
0xc6: {  	_ =	sfence.sel $0xFFFF  }
0xc7: {  	[dreg:$0x0] =	wrdreg $0xFFFFFFFF;
	(pc) =	sbr.abs _section_cstart, $3  }
0xc8: {  	[dreg:$0x1] =	wrdreg $0xFFFFFFFF  }
0xc9: {  	_ =	task.clear_ibuf [dreg:s7], $0x2FFFF;
	_ =	strace $0x9FFFFFFF  }
0xca: {  	(tm) =	ssettm $0x7FFFFFFF  }
0xcb: {  	_ =	shalt  }
tec
execute0_lowered:
.L_overlay_start_1:
0x0: {  	(tag) =	ssettag $0x1  }
0x1: {  	s0 =	rddreg [dreg:$0x0]  }
0x2: {  	s4 =	rddreg [dreg:$0x1]  }
0x3: {  	s1 =	rddreg [dreg:$0x2]  }
0x4: {  	s2 =	rddreg [dreg:$0x3];
	s3 =	simm.s32 $0x0  }
0x5: {  	s5 =	srdreg.scid;
	s26 =	stileid.u32;
	s29 =	simm.s32 $0xEE00  }
0x6: {  	s31 =	simm.s32 $0x18C00;
	s30 =	simm.s32 $0x1;
	s8 =	smul.u32 $0x9E0, s26  }
0x7: {  	[smem:$0x7FF] =	sst s3;
	s6 =	sadd.s32 $0x2BE00, s0;
	s12 =	smul.u32 $0x140, s26  }
0x8: {  	s5 =	sand.u32 $0x1, s5;
	s7 =	sadd.s32 $0x35E00, s0;
	s13 =	smul.u32 $0x9E00, s26  }
0x9: {  	s10 =	sadd.s32 $0x3FE00, s0;
	s14 =	smul.u32 $0xA00, s26;
	_ =	strace $0x8000004D  }
0xa: {  	s9 =	ssub.s32 $0x2, s5;
	p0 =	seq.s32 s5, $0x0;
	s5 =	simm.s32 $0x2  }
0xb: {  	s11 =	sshrl.u32 s9, $0x1;
	s8 =	sadd.s32 s8, s0;
	s21 =	sadd.s32 $0x40, s12  }
0xc: {  	s7 =	smov.u32 @p0 s6;
	s6 =	sadd.s32 $0x16E00, s0;
	s0 =	sadd.s32 $0x2AA00, s0  }
0xd: {  	s20 =	sadd.s32 s13, s1;
	s9 =	ssub.s32 s9, s11;
	s11 =	smul.u32 $0x5000, s26  }
0xe: {  	s16 =	sshll.u32 s21, $0x3;
	[dreg:$0xf] =	wrdreg s0;
	s6 =	smov.u32 @p0 s4  }
0xf: {  	[dreg:$0x10] =	wrdreg s20;
	s21 =	sshll.u32 s21, $0x6;
	s26 =	sshll.u32 s26, $0x6  }
0x10: {  	s4 =	simm.s32 $0x19C00;
	s22 =	sadd.s32 s10, s16;
	s15 =	sshrl.u32 s11, $0x3  }
0x11: {  	[dreg:$0x6] =	wrdreg s22;
	s22 =	sadd.s32 $0xC0, s12;
	s15 =	sadd.s32 s10, s15  }
0x12: {  	s23 =	sshll.u32 s22, $0x3;
	[dreg:$0x5] =	wrdreg s15;
	s15 =	sadd.s32 $0x80, s12  }
0x13: {  	s12 =	sadd.s32 $0x100, s12;
	s24 =	sadd.s32 s10, s23;
	s17 =	sshll.u32 s15, $0x3  }
0x14: {  	s19 =	sshll.u32 s12, $0x3;
	[dreg:$0x8] =	wrdreg s24;
	s18 =	sadd.s32 s10, s17  }
0x15: {  	s21 =	sadd.s32 s21, s2;
	s25 =	sadd.s32 s10, s19;
	[dreg:$0x7] =	wrdreg s18  }
0x16: {  	s28 =	sor.u32 $0x1C01, s26;
	s10 =	sadd.s32 s7, s14;
	[dreg:$0x9] =	wrdreg s25  }
0x17: {  	s20 =	sadd.s32 s11, s2;
	s14 =	sadd.s32 s7, s16;
	[dreg:$0xa] =	wrdreg s10  }
0x18: {  	s24 =	sshll.u32 s22, $0x6;
	s16 =	sadd.s32 s7, s17;
	[dreg:$0xb] =	wrdreg s14  }
0x19: {  	s17 =	sadd.s32 s7, s23;
	s23 =	sshll.u32 s15, $0x6;
	[dreg:$0xc] =	wrdreg s16  }
0x1a: {  	[dreg:$0xd] =	wrdreg s17;
	s18 =	sadd.s32 s7, s19;
	s19 =	sshrl.u32 s13, $0x3  }
0x1b: {  	s22 =	sadd.s32 s23, s2;
	s23 =	sadd.s32 s24, s2;
	s25 =	sshll.u32 s12, $0x6  }
0x1c: {  	s7 =	simm.s32 $0x40;
	[dreg:$0xe] =	wrdreg s18;
	s0 =	sadd.s32 s6, s19  }
0x1d: {  	s18 =	sadd.s32 $0x3200, s8;
	s19 =	sadd.s32 $0xD000, s8;
	s24 =	sadd.s32 s25, s2  }
0x1e: {  	s25 =	smax.u32 s9, $0x1;
	s6 =	simm.s32 $0x3;
	s8 =	simm.s32 $0x8  }
0x1f: {  	s9 =	simm.s32 $0x0;
	[dreg:$0x11] =	wrdreg s0;
	s0 =	simm.s32 $0xF  }
.LBB2_1:
0x20: {  	s10 =	rddreg [dreg:$0x10]  }
0x21: {  	s11 =	rddreg [dreg:$0xf];
	s10 =	sshrl.u32 s10, $0x3  }
0x22: {  	[spmem:s10], [sflag:s28] =	dma.local [hbm:s11], $0x13C0  }
0x23: {  	[tilespmem:s29], [sflag:$0x2] =	stream.linear.gather [hbm4b:s18+s3], $0x4F00, $0x38;
	[tilespmem:$0x1FC00] =	vst v63  }
0x24: {  	s15 =	simm.s32 $0x13D00  }
0x25: {  	[tilespmem:s15], [sflag:$0x3] =	stream.linear.gather [hbm4b:s19+s3], $0x4F00, $0x38;
	[tilespmem:$0x1FC00] =	vst v63  }
0x26: {  	s16 =	rddreg [dreg:$0xa]  }
0x27: {  	[tilespmem:s31], [sflag:$0xF] =	stream.linear.gather [hbm4b:s16+s3], $0x1000, $0x38;
	[tilespmem:$0x1FC00] =	vst v63  }
0x28: {  	_ =	swait.ge [sflag:s0], $0x1000  }
0x29: {  	[sflag:s0] =	ssyncset.done $0x0  }
0x2a: {  	s17 =	rddreg [dreg:$0x5];
	[sflag:s0] =	ssyncadd.s32 $0xFFFFF000  }
0x2b: {  	[tilespmem:s4], [sflag:$0xF] =	stream.linear.gather [hbm4b:s17+s3], $0x1000, $0x38;
	[tilespmem:$0x1FC00] =	vst v63  }
0x2c: {  	_ =	swait.ge [sflag:s0], $0x1000  }
0x2d: {  	[sflag:s0] =	ssyncset.done $0x0  }
0x2e: {  	s11 =	simm.s32 $0xFFFFF000;
	[sflag:s0] =	ssyncadd.s32 $0xFFFFF000  }
0x2f: {  	v5 =	vld [tilespmem:s11+$0x1AC00]  }
0x30: {  	v6 =	vld [tilespmem:s11+$0x1AC10]  }
0x31: {  	v1 =	vld [tilespmem:s11+$0x1AC20]  }
0x32: {  	v0 =	vld [tilespmem:s11+$0x1AC30]  }
0x33: {  	v2 =	vld [tilespmem:s11+$0x19C00]  }
0x34: {  	v4 =	vld [tilespmem:s11+$0x19C10]  }
0x35: {  	s12 =	simm.s32 $0xFFFFC100;
	v3 =	vld [tilespmem:s11+$0x19C20]  }
.LBB2_2:
0x36: {  	s13 =	sshra.s32 s12, $0x2;
	p0 =	sne.s32 s12, $0xFFFFFF00;
	v7 =	vld [tilespmem:s11+$0x19C30];
	v8 =	vmov v1  }
0x37: {  	v9 =	vld [tilespmem:s13+$0x1AC00];
	v10 =	vmov v0  }
0x38: {  	v11 =	vld [tilespmem:s13+$0x1AC10];
	v2 =	vmul.f32 v5, v2  }
.Ltmp0:
0x39: {  	v1 =	vld [tilespmem:s13+$0x1AC20];
	v4 =	vmul.f32 v6, v4;
	(pc) =	sbr.rel @p0 .LBB2_2-.Ltmp0, $4  }
0x3a: {  	v0 =	vld [tilespmem:s13+$0x1AC30];
	[tilespmem:s11+$0x19C00] =	vst v2;
	v3 =	vmul.f32 v8, v3  }
0x3b: {  	v2 =	vld [tilespmem:s13+$0x19C00];
	[tilespmem:s11+$0x19C10] =	vst v4;
	v7 =	vmul.f32 v10, v7  }
0x3c: {  	v4 =	vld [tilespmem:s13+$0x19C10];
	[tilespmem:s11+$0x19C20] =	vst v3;
	v5 =	vmov v9  }
0x3d: {  	s12 =	sadd.s32 $0x100, s12;
	v3 =	vld [tilespmem:s13+$0x19C20];
	[tilespmem:s11+$0x19C30] =	vst v7;
	v6 =	vmov v11;
	s11 =	smov.u32 s13  }
0x3e: {  	v7 =	vld [tilespmem:s11+$0x19C30];
	_ =	sdelay $0x1  }
0x3f: {  	v2 =	vmul.f32 v5, v2  }
0x40: {  	v4 =	vmul.f32 v6, v4  }
0x41: {  	[tilespmem:s11+$0x19C00] =	vst v2;
	v1 =	vmul.f32 v1, v3  }
0x42: {  	[tilespmem:s11+$0x19C10] =	vst v4;
	v0 =	vmul.f32 v0, v7  }
0x43: {  	[tilespmem:s11+$0x19C20] =	vst v1  }
0x44: {  	[tilespmem:s11+$0x19C30] =	vst v0  }
0x45: {  	[spmem:s20] =	stream.linear.scatter [tilespmem:s31], [sflag:$0xF], $0x1000, $0x38;
	[tilespmem:$0x1FC00] =	vst v63  }
0x46: {  	_ =	swait.ge [sflag:s0], $0x1000  }
0x47: {  	[sflag:s0] =	ssyncset.done $0x0  }
0x48: {  	s16 =	rddreg [dreg:$0xb];
	[sflag:s0] =	ssyncadd.s32 $0xFFFFF000  }
0x49: {  	[tilespmem:s31], [sflag:$0xF] =	stream.linear.gather [hbm4b:s16+s3], $0x1000, $0x38;
	[tilespmem:$0x1FC00] =	vst v63  }
0x4a: {  	_ =	swait.ge [sflag:s0], $0x1000  }
0x4b: {  	[sflag:s0] =	ssyncset.done $0x0  }
0x4c: {  	s17 =	rddreg [dreg:$0x6];
	[sflag:s0] =	ssyncadd.s32 $0xFFFFF000  }
0x4d: {  	[tilespmem:s4], [sflag:$0xF] =	stream.linear.gather [hbm4b:s17+s3], $0x1000, $0x38;
	[tilespmem:$0x1FC00] =	vst v63  }
0x4e: {  	_ =	swait.ge [sflag:s0], $0x1000  }
0x4f: {  	[sflag:s0] =	ssyncset.done $0x0  }
0x50: {  	s11 =	simm.s32 $0xFFFFF000;
	[sflag:s0] =	ssyncadd.s32 $0xFFFFF000  }
0x51: {  	v5 =	vld [tilespmem:s11+$0x1AC00]  }
0x52: {  	v6 =	vld [tilespmem:s11+$0x1AC10]  }
0x53: {  	v1 =	vld [tilespmem:s11+$0x1AC20]  }
0x54: {  	v0 =	vld [tilespmem:s11+$0x1AC30]  }
0x55: {  	v2 =	vld [tilespmem:s11+$0x19C00]  }
0x56: {  	v4 =	vld [tilespmem:s11+$0x19C10]  }
0x57: {  	s12 =	simm.s32 $0xFFFFC100;
	v3 =	vld [tilespmem:s11+$0x19C20]  }
.LBB2_4:
0x58: {  	s13 =	sshra.s32 s12, $0x2;
	p0 =	sne.s32 s12, $0xFFFFFF00;
	v7 =	vld [tilespmem:s11+$0x19C30];
	v8 =	vmov v1  }
0x59: {  	v9 =	vld [tilespmem:s13+$0x1AC00];
	v10 =	vmov v0  }
0x5a: {  	v11 =	vld [tilespmem:s13+$0x1AC10];
	v2 =	vmul.f32 v5, v2  }
.Ltmp1:
0x5b: {  	v1 =	vld [tilespmem:s13+$0x1AC20];
	v4 =	vmul.f32 v6, v4;
	(pc) =	sbr.rel @p0 .LBB2_4-.Ltmp1, $4  }
0x5c: {  	v0 =	vld [tilespmem:s13+$0x1AC30];
	[tilespmem:s11+$0x19C00] =	vst v2;
	v3 =	vmul.f32 v8, v3  }
0x5d: {  	v2 =	vld [tilespmem:s13+$0x19C00];
	[tilespmem:s11+$0x19C10] =	vst v4;
	v7 =	vmul.f32 v10, v7  }
0x5e: {  	v4 =	vld [tilespmem:s13+$0x19C10];
	[tilespmem:s11+$0x19C20] =	vst v3;
	v5 =	vmov v9  }
0x5f: {  	s12 =	sadd.s32 $0x100, s12;
	v3 =	vld [tilespmem:s13+$0x19C20];
	[tilespmem:s11+$0x19C30] =	vst v7;
	v6 =	vmov v11;
	s11 =	smov.u32 s13  }
0x60: {  	v7 =	vld [tilespmem:s11+$0x19C30];
	_ =	sdelay $0x1  }
0x61: {  	v2 =	vmul.f32 v5, v2  }
0x62: {  	v4 =	vmul.f32 v6, v4  }
0x63: {  	[tilespmem:s11+$0x19C00] =	vst v2;
	v1 =	vmul.f32 v1, v3  }
0x64: {  	[tilespmem:s11+$0x19C10] =	vst v4;
	v0 =	vmul.f32 v0, v7  }
0x65: {  	[tilespmem:s11+$0x19C20] =	vst v1  }
0x66: {  	[tilespmem:s11+$0x19C30] =	vst v0  }
0x67: {  	[spmem:s21] =	stream.linear.scatter [tilespmem:s31], [sflag:$0xF], $0x1000, $0x38;
	[tilespmem:$0x1FC00] =	vst v63  }
0x68: {  	_ =	swait.ge [sflag:s0], $0x1000  }
0x69: {  	[sflag:s0] =	ssyncset.done $0x0  }
0x6a: {  	s16 =	rddreg [dreg:$0xc];
	[sflag:s0] =	ssyncadd.s32 $0xFFFFF000  }
0x6b: {  	[tilespmem:s31], [sflag:$0xF] =	stream.linear.gather [hbm4b:s16+s3], $0x1000, $0x38;
	[tilespmem:$0x1FC00] =	vst v63  }
0x6c: {  	_ =	swait.ge [sflag:s0], $0x1000  }
0x6d: {  	[sflag:s0] =	ssyncset.done $0x0  }
0x6e: {  	s17 =	rddreg [dreg:$0x7];
	[sflag:s0] =	ssyncadd.s32 $0xFFFFF000  }
0x6f: {  	[tilespmem:s4], [sflag:$0xF] =	stream.linear.gather [hbm4b:s17+s3], $0x1000, $0x38;
	[tilespmem:$0x1FC00] =	vst v63  }
0x70: {  	_ =	swait.ge [sflag:s0], $0x1000  }
0x71: {  	[sflag:s0] =	ssyncset.done $0x0  }
0x72: {  	s11 =	simm.s32 $0xFFFFF000;
	[sflag:s0] =	ssyncadd.s32 $0xFFFFF000  }
0x73: {  	v5 =	vld [tilespmem:s11+$0x1AC00]  }
0x74: {  	v6 =	vld [tilespmem:s11+$0x1AC10]  }
0x75: {  	v1 =	vld [tilespmem:s11+$0x1AC20]  }
0x76: {  	v0 =	vld [tilespmem:s11+$0x1AC30]  }
0x77: {  	v2 =	vld [tilespmem:s11+$0x19C00]  }
0x78: {  	v4 =	vld [tilespmem:s11+$0x19C10]  }
0x79: {  	s12 =	simm.s32 $0xFFFFC100;
	v3 =	vld [tilespmem:s11+$0x19C20]  }
.LBB2_6:
0x7a: {  	s13 =	sshra.s32 s12, $0x2;
	p0 =	sne.s32 s12, $0xFFFFFF00;
	v7 =	vld [tilespmem:s11+$0x19C30];
	v8 =	vmov v1  }
0x7b: {  	v9 =	vld [tilespmem:s13+$0x1AC00];
	v10 =	vmov v0  }
0x7c: {  	v11 =	vld [tilespmem:s13+$0x1AC10];
	v2 =	vmul.f32 v5, v2  }
.Ltmp2:
0x7d: {  	v1 =	vld [tilespmem:s13+$0x1AC20];
	v4 =	vmul.f32 v6, v4;
	(pc) =	sbr.rel @p0 .LBB2_6-.Ltmp2, $4  }
0x7e: {  	v0 =	vld [tilespmem:s13+$0x1AC30];
	[tilespmem:s11+$0x19C00] =	vst v2;
	v3 =	vmul.f32 v8, v3  }
0x7f: {  	v2 =	vld [tilespmem:s13+$0x19C00];
	[tilespmem:s11+$0x19C10] =	vst v4;
	v7 =	vmul.f32 v10, v7  }
0x80: {  	v4 =	vld [tilespmem:s13+$0x19C10];
	[tilespmem:s11+$0x19C20] =	vst v3;
	v5 =	vmov v9  }
0x81: {  	s12 =	sadd.s32 $0x100, s12;
	v3 =	vld [tilespmem:s13+$0x19C20];
	[tilespmem:s11+$0x19C30] =	vst v7;
	v6 =	vmov v11;
	s11 =	smov.u32 s13  }
0x82: {  	v7 =	vld [tilespmem:s11+$0x19C30];
	_ =	sdelay $0x1  }
0x83: {  	v2 =	vmul.f32 v5, v2  }
0x84: {  	v4 =	vmul.f32 v6, v4  }
0x85: {  	[tilespmem:s11+$0x19C00] =	vst v2;
	v1 =	vmul.f32 v1, v3  }
0x86: {  	[tilespmem:s11+$0x19C10] =	vst v4;
	v0 =	vmul.f32 v0, v7  }
0x87: {  	[tilespmem:s11+$0x19C20] =	vst v1  }
0x88: {  	[tilespmem:s11+$0x19C30] =	vst v0  }
0x89: {  	[spmem:s22] =	stream.linear.scatter [tilespmem:s31], [sflag:$0xF], $0x1000, $0x38;
	[tilespmem:$0x1FC00] =	vst v63  }
0x8a: {  	_ =	swait.ge [sflag:s0], $0x1000  }
0x8b: {  	[sflag:s0] =	ssyncset.done $0x0  }
0x8c: {  	s16 =	rddreg [dreg:$0xd];
	[sflag:s0] =	ssyncadd.s32 $0xFFFFF000  }
0x8d: {  	[tilespmem:s31], [sflag:$0xF] =	stream.linear.gather [hbm4b:s16+s3], $0x1000, $0x38;
	[tilespmem:$0x1FC00] =	vst v63  }
0x8e: {  	_ =	swait.ge [sflag:s0], $0x1000  }
0x8f: {  	[sflag:s0] =	ssyncset.done $0x0  }
0x90: {  	s17 =	rddreg [dreg:$0x8];
	[sflag:s0] =	ssyncadd.s32 $0xFFFFF000  }
0x91: {  	[tilespmem:s4], [sflag:$0xF] =	stream.linear.gather [hbm4b:s17+s3], $0x1000, $0x38;
	[tilespmem:$0x1FC00] =	vst v63  }
0x92: {  	_ =	swait.ge [sflag:s0], $0x1000  }
0x93: {  	[sflag:s0] =	ssyncset.done $0x0  }
0x94: {  	s11 =	simm.s32 $0xFFFFF000;
	[sflag:s0] =	ssyncadd.s32 $0xFFFFF000  }
0x95: {  	v5 =	vld [tilespmem:s11+$0x1AC00]  }
0x96: {  	v6 =	vld [tilespmem:s11+$0x1AC10]  }
0x97: {  	v1 =	vld [tilespmem:s11+$0x1AC20]  }
0x98: {  	v0 =	vld [tilespmem:s11+$0x1AC30]  }
0x99: {  	v2 =	vld [tilespmem:s11+$0x19C00]  }
0x9a: {  	v4 =	vld [tilespmem:s11+$0x19C10]  }
0x9b: {  	s12 =	simm.s32 $0xFFFFC100;
	v3 =	vld [tilespmem:s11+$0x19C20]  }
.LBB2_8:
0x9c: {  	s13 =	sshra.s32 s12, $0x2;
	p0 =	sne.s32 s12, $0xFFFFFF00;
	v7 =	vld [tilespmem:s11+$0x19C30];
	v8 =	vmov v1  }
0x9d: {  	v9 =	vld [tilespmem:s13+$0x1AC00];
	v10 =	vmov v0  }
0x9e: {  	v11 =	vld [tilespmem:s13+$0x1AC10];
	v2 =	vmul.f32 v5, v2  }
.Ltmp3:
0x9f: {  	v1 =	vld [tilespmem:s13+$0x1AC20];
	v4 =	vmul.f32 v6, v4;
	(pc) =	sbr.rel @p0 .LBB2_8-.Ltmp3, $4  }
0xa0: {  	v0 =	vld [tilespmem:s13+$0x1AC30];
	[tilespmem:s11+$0x19C00] =	vst v2;
	v3 =	vmul.f32 v8, v3  }
0xa1: {  	v2 =	vld [tilespmem:s13+$0x19C00];
	[tilespmem:s11+$0x19C10] =	vst v4;
	v7 =	vmul.f32 v10, v7  }
0xa2: {  	v4 =	vld [tilespmem:s13+$0x19C10];
	[tilespmem:s11+$0x19C20] =	vst v3;
	v5 =	vmov v9  }
0xa3: {  	s12 =	sadd.s32 $0x100, s12;
	v3 =	vld [tilespmem:s13+$0x19C20];
	[tilespmem:s11+$0x19C30] =	vst v7;
	v6 =	vmov v11;
	s11 =	smov.u32 s13  }
0xa4: {  	v7 =	vld [tilespmem:s11+$0x19C30];
	_ =	sdelay $0x1  }
0xa5: {  	v2 =	vmul.f32 v5, v2  }
0xa6: {  	v4 =	vmul.f32 v6, v4  }
0xa7: {  	[tilespmem:s11+$0x19C00] =	vst v2;
	v1 =	vmul.f32 v1, v3  }
0xa8: {  	[tilespmem:s11+$0x19C10] =	vst v4;
	v0 =	vmul.f32 v0, v7  }
0xa9: {  	[tilespmem:s11+$0x19C20] =	vst v1  }
0xaa: {  	[tilespmem:s11+$0x19C30] =	vst v0  }
0xab: {  	[spmem:s23] =	stream.linear.scatter [tilespmem:s31], [sflag:$0xF], $0x1000, $0x38;
	[tilespmem:$0x1FC00] =	vst v63  }
0xac: {  	_ =	swait.ge [sflag:s0], $0x1000  }
0xad: {  	[sflag:s0] =	ssyncset.done $0x0  }
0xae: {  	s16 =	rddreg [dreg:$0xe];
	[sflag:s0] =	ssyncadd.s32 $0xFFFFF000  }
0xaf: {  	[tilespmem:s31], [sflag:$0xF] =	stream.linear.gather [hbm4b:s16+s3], $0x1000, $0x38;
	[tilespmem:$0x1FC00] =	vst v63  }
0xb0: {  	_ =	swait.ge [sflag:s0], $0x1000  }
0xb1: {  	[sflag:s0] =	ssyncset.done $0x0  }
0xb2: {  	s17 =	rddreg [dreg:$0x9];
	[sflag:s0] =	ssyncadd.s32 $0xFFFFF000  }
0xb3: {  	[tilespmem:s4], [sflag:$0xF] =	stream.linear.gather [hbm4b:s17+s3], $0x1000, $0x38;
	[tilespmem:$0x1FC00] =	vst v63  }
0xb4: {  	_ =	swait.ge [sflag:s0], $0x1000  }
0xb5: {  	[sflag:s0] =	ssyncset.done $0x0  }
0xb6: {  	s11 =	simm.s32 $0xFFFFF000;
	[sflag:s0] =	ssyncadd.s32 $0xFFFFF000  }
0xb7: {  	v5 =	vld [tilespmem:s11+$0x1AC00]  }
0xb8: {  	v6 =	vld [tilespmem:s11+$0x1AC10]  }
0xb9: {  	v1 =	vld [tilespmem:s11+$0x1AC20]  }
0xba: {  	v0 =	vld [tilespmem:s11+$0x1AC30]  }
0xbb: {  	v2 =	vld [tilespmem:s11+$0x19C00]  }
0xbc: {  	v4 =	vld [tilespmem:s11+$0x19C10]  }
0xbd: {  	s12 =	simm.s32 $0xFFFFC100;
	v3 =	vld [tilespmem:s11+$0x19C20]  }
.LBB2_10:
0xbe: {  	s13 =	sshra.s32 s12, $0x2;
	p0 =	sne.s32 s12, $0xFFFFFF00;
	v7 =	vld [tilespmem:s11+$0x19C30];
	v8 =	vmov v1  }
0xbf: {  	v9 =	vld [tilespmem:s13+$0x1AC00];
	v10 =	vmov v0  }
0xc0: {  	v11 =	vld [tilespmem:s13+$0x1AC10];
	v2 =	vmul.f32 v5, v2  }
.Ltmp4:
0xc1: {  	v1 =	vld [tilespmem:s13+$0x1AC20];
	v4 =	vmul.f32 v6, v4;
	(pc) =	sbr.rel @p0 .LBB2_10-.Ltmp4, $4  }
0xc2: {  	v0 =	vld [tilespmem:s13+$0x1AC30];
	[tilespmem:s11+$0x19C00] =	vst v2;
	v3 =	vmul.f32 v8, v3  }
0xc3: {  	v2 =	vld [tilespmem:s13+$0x19C00];
	[tilespmem:s11+$0x19C10] =	vst v4;
	v7 =	vmul.f32 v10, v7  }
0xc4: {  	v4 =	vld [tilespmem:s13+$0x19C10];
	[tilespmem:s11+$0x19C20] =	vst v3;
	v5 =	vmov v9  }
0xc5: {  	s12 =	sadd.s32 $0x100, s12;
	v3 =	vld [tilespmem:s13+$0x19C20];
	[tilespmem:s11+$0x19C30] =	vst v7;
	v6 =	vmov v11;
	s11 =	smov.u32 s13  }
0xc6: {  	v7 =	vld [tilespmem:s11+$0x19C30];
	_ =	sdelay $0x1  }
0xc7: {  	v2 =	vmul.f32 v5, v2  }
0xc8: {  	v4 =	vmul.f32 v6, v4  }
0xc9: {  	[tilespmem:s11+$0x19C00] =	vst v2;
	v1 =	vmul.f32 v1, v3  }
0xca: {  	[tilespmem:s11+$0x19C10] =	vst v4;
	v0 =	vmul.f32 v0, v7  }
0xcb: {  	[tilespmem:s11+$0x19C20] =	vst v1  }
0xcc: {  	[tilespmem:s11+$0x19C30] =	vst v0  }
0xcd: {  	[spmem:s24] =	stream.linear.scatter [tilespmem:s31], [sflag:$0xF], $0x1000, $0x38;
	[tilespmem:$0x1FC00] =	vst v63  }
0xce: {  	_ =	swait.ge [sflag:s0], $0x1000  }
0xcf: {  	[sflag:s0] =	ssyncset.done $0x0  }
0xd0: {  	[sflag:s0] =	ssyncadd.s32 $0xFFFFF000  }
0xd1: {  	_ =	swait.ge [sflag:s30], $0x13C0  }
0xd2: {  	[sflag:s30] =	ssyncset.done $0x0  }
0xd3: {  	[sflag:s30] =	ssyncadd.s32 $0xFFFFEC40  }
0xd4: {  	_ =	swait.ge [sflag:s5], $0x4F00  }
0xd5: {  	[sflag:s5] =	ssyncset.done $0x0  }
0xd6: {  	[sflag:s5] =	ssyncadd.s32 $0xFFFFB100  }
0xd7: {  	_ =	swait.ge [sflag:s6], $0x4F00  }
0xd8: {  	[sflag:s6] =	ssyncset.done $0x0  }
0xd9: {  	[sflag:s6] =	ssyncadd.s32 $0xFFFFB100  }
0xda: {  	[bflag:$0x0] =	sbarrier.arrive $0xFFFF  }
0xdb: {  	[tilespmem:s31], [sflag:$0x1] =	stream.indirect.gather [spmem:s2], $0x40, s29, s7, $0xb8;
	[tilespmem:$0x1FC00] =	vst v63  }
0xdc: {  	s16 =	simm.s32 $0xEE40  }
0xdd: {  	[tilespmem:s4], [sflag:$0x2] =	stream.indirect.gather [spmem:s2], $0x40, s16, s7, $0xb8;
	[tilespmem:$0x1FC00] =	vst v63  }
0xde: {  	s17 =	simm.s32 $0xEE80;
	s12 =	simm.s32 $0x1AC00  }
0xdf: {  	[tilespmem:s12], [sflag:$0x3] =	stream.indirect.gather [spmem:s2], $0x40, s17, s7, $0xb8;
	[tilespmem:$0x1FC00] =	vst v63  }
0xe0: {  	s13 =	simm.s32 $0x1BC00;
	s14 =	simm.s32 $0xEF00;
	s12 =	simm.s32 $0xEEC0  }
0xe1: {  	[tilespmem:s13], [sflag:$0x4] =	stream.indirect.gather [spmem:s2], $0x40, s12, s7, $0xb8;
	[tilespmem:$0x1FC00] =	vst v63  }
0xe2: {  	s15 =	simm.s32 $0x1CC00;
	s11 =	simm.s32 $0x0;
	s16 =	simm.s32 $0xEF40  }
0xe3: {  	[tilespmem:s15], [sflag:$0x5] =	stream.indirect.gather [spmem:s2], $0x40, s14, s7, $0xb8;
	[tilespmem:$0x1FC00] =	vst v63  }
0xe4: {  	s17 =	simm.s32 $0x1DC00;
	s12 =	simm.s32 $0x13D00;
	s13 =	simm.s32 $0xEF80  }
0xe5: {  	[tilespmem:s17], [sflag:$0x6] =	stream.indirect.gather [spmem:s2], $0x40, s16, s7, $0xb8;
	[tilespmem:$0x1FC00] =	vst v63  }
.LBB2_12:
0xe6: {  	s14 =	smul.u32 $0x2493, s11;
	_ =	sdelay $0x1  }
0xe7: {  	s15 =	sadd.s32 $0xDB72, s14  }
0xe8: {  	s16 =	sadd.s32 $0x6, s11;
	s15 =	sshrl.u32 s15, $0x10  }
0xe9: {  	s17 =	ssub.s32 s16, s15  }
0xea: {  	s17 =	sand.u32 $0xFFFE, s17  }
0xeb: {  	s17 =	sshrl.u32 s17, $0x1  }
0xec: {  	s15 =	sadd.s32 s15, s17  }
0xed: {  	s15 =	sand.u32 $0xFFFC, s15  }
0xee: {  	s15 =	sshrl.u32 s15, $0x2  }
0xef: {  	s15 =	smul.u32 $0x7, s15;
	_ =	sdelay $0x1  }
0xf0: {  	s15 =	ssub.s32 s16, s15  }
0xf1: {  	p0 =	seq.s32 s11, $0x0;
	s15 =	sand.u32 $0xFFFF, s15  }
0xf2: {  	s16 =	sadd.s32 @!p0 $0x8, s15  }
0xf3: {  	p1 =	sgt.u32 @!p0 s11, $0x135;
	_ =	swait.ge @!p0 [sflag:s16], $0x1000  }
0xf4: {  	p1 =	por p0, !p1;
	[sflag:s16] =	ssyncset.done @!p0 $0x0  }
0xf5: {  	[sflag:s16] =	ssyncadd.s32 @!p0 $0xFFFFF000;
	s16 =	sshll.u32 @p1 s15, $0xC  }
0xf6: {  	s14 =	sshrl.u32 s14, $0x10;
	s15 =	sadd.s32 @p1 $0x1, s15;
	s16 =	sadd.s32 @p1 $0x18C00, s16  }
0xf7: {  	[tilespmem:s16], [sflag:s15] =	stream.indirect.gather @p1 [spmem:s2], $0x40, s13, s7, $0xb8;
	[tilespmem:$0x1FC00] =	vst v63  }
0xf8: {  	s16 =	ssub.s32 s11, s14  }
0xf9: {  	s15 =	sand.u32 $0xFFFE, s16  }
0xfa: {  	s15 =	sshrl.u32 s15, $0x1  }
0xfb: {  	s14 =	sadd.s32 s14, s15  }
0xfc: {  	s14 =	sand.u32 $0xFFFC, s14  }
0xfd: {  	s14 =	sshrl.u32 s14, $0x2  }
0xfe: {  	s14 =	smul.u32 $0x7, s14;
	_ =	sdelay $0x1  }
0xff: {  	s14 =	ssub.s32 s11, s14  }
0x100: {  	s11 =	sadd.s32 $0x1, s11;
	s14 =	sand.u32 $0xFFFF, s14  }
0x101: {  	p0 =	sne.s32 s11, $0x13C;
	s15 =	sadd.s32 $0x1, s14  }
.Ltmp5:
0x102: {  	_ =	swait.ge [sflag:s15], $0x1000;
	(pc) =	sbr.rel @p0 .LBB2_12-.Ltmp5, $4  }
0x103: {  	s17 =	sshll.u32 s14, $0xC;
	[sflag:s15] =	ssyncset.done $0x0  }
0x104: {  	s14 =	sadd.s32 $0x8, s14;
	s16 =	sadd.s32 $0x18C00, s17;
	[sflag:s15] =	ssyncadd.s32 $0xFFFFF000  }
0x105: {  	[spmem:s1] =	stream.indirect.scatter.add.f32 [tilespmem:s16], [sflag:s14], $0x40, s12, s7, $0xb8;
	[tilespmem:$0x1FC00] =	vst v63  }
0x106: {  	s13 =	sadd.s32 $0x40, s13;
	s12 =	sadd.s32 $0x40, s12  }
0x107: {  	_ =	swait.ge [sflag:s8], $0x1000  }
0x108: {  	[sflag:s8] =	ssyncset.done $0x0  }
0x109: {  	s9 =	sadd.s32 $0x1, s9;
	[sflag:s8] =	ssyncadd.s32 $0xFFFFF000  }
0x10a: {  	p0 =	sne.s32 s9, s25;
	[bflag:$0x0] =	sbarrier.arrive $0xFFFF  }
.Ltmp6:
0x10b: {  	s11 =	sor.u32 $0x1C0F, s26;
	s12 =	rddreg [dreg:$0x11];
	(pc) =	sbr.rel @p0 .LBB2_1-.Ltmp6, $4  }
0x10c: {  	[hbm:s12], [sflag:s11] =	dma.local [spmem:s10], $0x13C0  }
0x10d: {  	_ =	swait.ge [sflag:s0], $0x13C0  }
0x10e: {  	[sflag:s0] =	ssyncset.done $0x0  }
0x10f: {  	[sflag:s0] =	ssyncadd.s32 $0xFFFFEC40  }
0x110: {  	_ =	sfence.sel $0x180000  }
0x111: {  	[bflag:$0x0] =	sbarrier.arrive $0xFFFF  }
0x112: {  	_ =	strace $0x9000004D  }
0x113: {  	s0 =	stileid.u32;
	[bflag:$0x2] =	sbarrier.arrive $0xFFFF  }
0x114: {  	p0 =	sne.s32 s0, $0x0;
	s0 =	rddreg [dreg:$0x4]  }
0x115: {  	s0 =	sadd.s32 @!p0 $0x100000, s0  }
0x116: {  	[sflag:s0] =	ssyncadd.tile.s32 @!p0 $0x1;
	_ =	shalt  }
.Lfunc_end2:
_tile_overlayer_lowered:
.L_overlay_start_2:
0x117: {  	(tag) =	ssettag $0x2  }
0x118: {  	s0 =	rddreg [dreg:$0x0];
	s2 =	stileid.u32  }
0x119: {  	s1 =	rddreg [dreg:$0x1];
	p0 =	sne.s32 s2, $0x0  }
0x11a: {  	s3 =	rddreg [dreg:$0x2];
	[bflag:$0x3] =	sbarrier.arrive $0xFFFF;
	s2 =	simm.s32 @!p0 $0x1C0F  }
0x11b: {  	[timem:s3], [sflag:s2] =	dma.local @!p0 [hbm:s0], s1  }
0x11c: {  	s0 =	simm.s32 @!p0 $0xF  }
0x11d: {  	_ =	swait.ge @!p0 [sflag:s0], s1  }
0x11e: {  	s1 =	ssub.s32 @!p0 $0x0, s1;
	[sflag:s0] =	ssyncset.done @!p0 $0x0  }
0x11f: {  	[sflag:s0] =	ssyncadd.s32 @!p0 s1  }
0x120: {  	[bflag:$0x3] =	sbarrier.arrive $0xFFFF  }
0x121: {  	_ =	shalt  }

// kernel: kernel.6.cloned.1.call-start
scs
__scs_entry_jumppad:
0x0: {  	(pc) =	sbr.rel $0x88, $3  }
0x1: {  	(tag) =	ssettag $0x0;
	lr =	simm.s32 $0x1  }
0x2: {  	[smem:$0x3F9E] =	sst lr;
	_ =	strace $0xD0000000  }
0x3: {  	_ = 	snop  }
0x4: {  	_ = 	snop  }
0x5: {  	_ = 	snop  }
0x6: {  	_ = 	snop  }
0x7: {  	_ = 	snop  }
__scs_overlays_trampoline_lowered:
0x8: {  	[smem:$0x3FAD] =	sst s0  }
0x9: {  	[smem:$0x3FAE] =	sst s1  }
0xa: {  	[smem:$0x3FAF] =	sst s2  }
0xb: {  	[smem:$0x3FB0] =	sst s3  }
0xc: {  	[smem:$0x3FB1] =	sst s4  }
0xd: {  	[smem:$0x3FB2] =	sst s5  }
0xe: {  	[smem:$0x3FB3] =	sst s6  }
0xf: {  	[smem:$0x3FB4] =	sst s7  }
0x10: {  	[smem:$0x3FB5] =	sst s8  }
0x11: {  	[smem:$0x3FB6] =	sst s9;
	s0 =	simm.s32 @!p0 $0x0  }
0x12: {  	s1 =	sld [smem:$0x3F9C];
	s0 =	simm.s32 @p0 $0x1  }
0x13: {  	[smem:$0x3FB7] =	sst s0;
	s0 =	simm.s32 @!p1 $0x0  }
0x14: {  	s2 =	sld [smem:$0x3F9B];
	s0 =	simm.s32 @p1 $0x1  }
0x15: {  	[smem:$0x3FB8] =	sst s0;
	s0 =	simm.s32 @!p2 $0x0  }
0x16: {  	s3 =	sld [smem:$0x3FDB];
	s0 =	simm.s32 @p2 $0x1  }
0x17: {  	s4 =	simm.s32 $0x1BF5;
	[smem:$0x3FBA] =	sst s0  }
0x18: {  	s0 =	sld [smem:$0x3F9D];
	_ =	swait.ge [sflag:s4], $0x0  }
0x19: {  	s7 =	sld [smem:$0x3F9E]  }
0x1a: {  	s8 =	sadd.s32 $0xFFFFE003, lr  }
0x1b: {  	s9 =	sadd.s32 $0xFFFFFEF7, lr;
	s5 =	simm.s32 $0xFFFFFFFF;
	p2 =	slt.u32 s8, $0xFFFFF086  }
0x1c: {  	p1 =	slt.u32 s9, $0xF7A;
	s5 =	simm.s32 @!p2 $0x0  }
0x1d: {  	s5 =	simm.s32 @p1 $0x1;
	p0 =	seq.s32 s7, s2  }
0x1e: {  	s7 =	smul.u32 @!p0 $0xF7A, s2;
	p2 =	seq.s32 @!p0 s5, $0x0  }
0x1f: {  	s9 =	smul.u32 $0xF7A, s1;
	s8 =	simm.s32 @!p0 $0x1BF5;
	p2 =	por !p2, p0  }
0x20: {  	[sflag:s8] =	ssyncset.s32 @!p0 $0xFFFFF086;
	s6 =	sadd.s32 @!p0 s3, s7;
	s7 =	simm.s32 @!p0 $0x108  }
0x21: {  	s3 =	sadd.s32 s3, s9;
	s6 =	sadd.s32 @!p0 $0x88, s6;
	s7 =	simm.s32 @p2 $0x1082  }
0x22: {  	[simem:s7], [sflag:s8] =	dma.local @!p0 [hbm:s6], $0xF7A  }
0x23: {  	s9 =	sor.u32 $0xD0000000, s2;
	s6 =	simm.s32 $0x108;
	_ =	swait.ge @!p0 [sflag:s8], $0x0  }
0x24: {  	s3 =	sadd.s32 $0x88, s3;
	s6 =	simm.s32 @!p1 $0x1082;
	[sflag:s4] =	ssyncset.s32 $0xFFFFF086  }
0x25: {  	[simem:s6], [sflag:s4] =	dma.local [hbm:s3], $0xF7A  }
0x26: {  	[smem:$0x3F9E] =	sst s1;
	(tag) =	ssettag s2;
	_ =	strace s9  }
0x27: {  	s1 =	sld [smem:$0x3FAE]  }
0x28: {  	s2 =	sld [smem:$0x3FAF]  }
0x29: {  	s4 =	sld [smem:$0x3FB1]  }
0x2a: {  	p0 =	seq.s32 s5, $0x0;
	s5 =	sld [smem:$0x3FB2]  }
0x2b: {  	s6 =	sld [smem:$0x3FB3]  }
0x2c: {  	s7 =	sld [smem:$0x3FB4]  }
0x2d: {  	s3 =	simm.s32 $0x108;
	s8 =	sld [smem:$0x3FB5]  }
0x2e: {  	s3 =	simm.s32 @!p0 $0x1082;
	s9 =	sld [smem:$0x3FB6]  }
0x2f: {  	lr =	sadd.s32 s0, s3;
	s0 =	sld [smem:$0x3FAD]  }
0x30: {  	s3 =	sld [smem:$0x3FB0]  }
0x31: {  	[smem:$0x3FB9] =	sst s10  }
0x32: {  	s10 =	sld [smem:$0x3FB7];
	_ =	sdelay $0x3  }
0x33: {  	p0 =	seq.s32 s10, $0x1;
	s10 =	sld [smem:$0x3FB9];
	_ =	sdelay $0x3  }
0x34: {  	[smem:$0x3FB9] =	sst s10  }
0x35: {  	s10 =	sld [smem:$0x3FB8];
	_ =	sdelay $0x3  }
0x36: {  	p1 =	seq.s32 s10, $0x1;
	s10 =	sld [smem:$0x3FB9];
	_ =	sdelay $0x3  }
0x37: {  	[smem:$0x3FB9] =	sst s10  }
0x38: {  	s10 =	sld [smem:$0x3FBA]  }
0x39: {  	_ = 	snop;
	(pc) =	sbr.ind lr, $3  }
0x3a: {  	_ = 	snop  }
0x3b: {  	_ = 	snop  }
0x3c: {  	p2 =	seq.s32 s10, $0x1;
	s10 =	sld [smem:$0x3FB9]  }
0x3d: {  	_ =	shalt  }
0x3e: {  	_ =	shalt  }
0x3f: {  	_ =	shalt  }
0x40: {  	_ =	shalt  }
0x41: {  	_ =	shalt  }
0x42: {  	_ =	shalt  }
0x43: {  	_ =	shalt  }
0x44: {  	_ =	shalt  }
0x45: {  	_ =	shalt  }
0x46: {  	_ =	shalt  }
0x47: {  	_ =	shalt  }
0x48: {  	_ =	shalt  }
0x49: {  	_ =	shalt  }
0x4a: {  	_ =	shalt  }
0x4b: {  	_ =	shalt  }
0x4c: {  	_ =	shalt  }
0x4d: {  	_ =	shalt  }
0x4e: {  	_ =	shalt  }
0x4f: {  	_ =	shalt  }
0x50: {  	_ =	shalt  }
0x51: {  	_ =	shalt  }
0x52: {  	_ =	shalt  }
0x53: {  	_ =	shalt  }
0x54: {  	_ =	shalt  }
0x55: {  	_ =	shalt  }
0x56: {  	_ =	shalt  }
0x57: {  	_ =	shalt  }
0x58: {  	_ =	shalt  }
0x59: {  	_ =	shalt  }
0x5a: {  	_ =	shalt  }
0x5b: {  	_ =	shalt  }
0x5c: {  	_ =	shalt  }
0x5d: {  	_ =	shalt  }
0x5e: {  	_ =	shalt  }
0x5f: {  	_ =	shalt  }
0x60: {  	_ =	shalt  }
0x61: {  	_ =	shalt  }
0x62: {  	_ =	shalt  }
0x63: {  	_ =	shalt  }
0x64: {  	_ =	shalt  }
0x65: {  	_ =	shalt  }
0x66: {  	_ =	shalt  }
0x67: {  	_ =	shalt  }
0x68: {  	_ =	shalt  }
0x69: {  	_ =	shalt  }
0x6a: {  	_ =	shalt  }
0x6b: {  	_ =	shalt  }
0x6c: {  	_ =	shalt  }
0x6d: {  	_ =	shalt  }
0x6e: {  	_ =	shalt  }
0x6f: {  	_ =	shalt  }
0x70: {  	_ =	shalt  }
0x71: {  	_ =	shalt  }
0x72: {  	_ =	shalt  }
0x73: {  	_ =	shalt  }
0x74: {  	_ =	shalt  }
0x75: {  	_ =	shalt  }
0x76: {  	_ =	shalt  }
0x77: {  	_ =	shalt  }
0x78: {  	_ =	shalt  }
0x79: {  	_ =	shalt  }
0x7a: {  	_ =	shalt  }
0x7b: {  	_ =	shalt  }
0x7c: {  	_ =	shalt  }
0x7d: {  	_ =	shalt  }
0x7e: {  	_ =	shalt  }
0x7f: {  	_ =	shalt  }
0x80: {  	_ =	shalt  }
0x81: {  	_ =	shalt  }
0x82: {  	_ =	shalt  }
0x83: {  	_ =	shalt  }
0x84: {  	_ =	shalt  }
0x85: {  	_ =	shalt  }
0x86: {  	_ =	shalt  }
0x87: {  	_ =	shalt  }
.Lfunc_end0:
.L_simem_size_0:
called_computation_lowered:
.L_overlay_start_0:
0x88: {  	s2 =	sld [smem:$0x3FD9]  }
0x89: {  	s3 =	sld [smem:$0x3FFE];
	_ =	sdelay $0x1  }
0x8a: {  	s1 =	srdreg.scid  }
0x8b: {  	s0 =	sand.u32 $0x1, s1  }
0x8c: {  	s14 =	sshll.u32 s0, $0xA;
	s2 =	sadd.s32 s3, s2  }
0x8d: {  	s2 =	sadd.s32 s2, s14  }
0x8e: {  	[smem:$0x3FC5] =	sst s2  }
0x8f: {  	_ = 	snop  }
0x90: {  	s2 =	sld [smem:$0x3FD0];
	_ =	sdelay $0x2  }
0x91: {  	s15 =	simm.s32 $0xA;
	s4 =	simm.s32 $0x10  }
0x92: {  	[smem:s4], [sflag:s15] =	dma.local [hbm:s2], $0x1  }
0x93: {  	_ =	swait.eq [sflag:s15], $0x1  }
0x94: {  	[sflag:s15] =	ssyncset.done $0x0  }
0x95: {  	s16 =	sld [smem:$0x10];
	[sflag:s15] =	ssyncadd.s32 $0xFFFFFFFF  }
0x96: {  	s17 =	sld [smem:$0x11];
	(tm) =	ssettm $0x1  }
0x97: {  	s18 =	sld [smem:$0x3FFB];
	_ =	sdelay $0x3  }
0x98: {  	_ =	strace s18  }
0x99: {  	s4 =	sld [smem:$0x3FFC];
	_ =	sdelay $0x3  }
0x9a: {  	_ =	strace s4  }
0x9b: {  	s4 =	sld [smem:$0x3FFD];
	_ =	sdelay $0x3  }
0x9c: {  	_ =	strace s4  }
0x9d: {  	_ =	strace $0x8FFFFFFF  }
0x9e: {  	s19 =	sld [smem:$0x3FDB];
	_ =	sdelay $0x1  }
0x9f: {  	s5 =	simm.s32 $_scs_section_size  }
0xa0: {  	s6 =	simm.s32 $_size__tile_overlayer_lowered;
	s7 =	simm.s32 $_tile_overlayer_lowered  }
0xa1: {  	s22 =	simm.s32 $0x1BFF;
	s21 =	sshll.u32 s7, $0x1;
	s4 =	sadd.s32 s5, s19  }
0xa2: {  	s8 =	simm.s32 $0x0;
	s20 =	sshll.u32 s6, $0x1;
	s6 =	sadd.s32 s21, s4  }
0xa3: {  	[timem:s8], [sflag:s22] =	dma.local [hbm:s6], s20  }
0xa4: {  	_ =	swait.ge [sflag:s22], s20  }
0xa5: {  	s5 =	ssub.s32 $0x0, s20;
	[sflag:s22] =	ssyncset.done $0x0  }
0xa6: {  	[sflag:s22] =	ssyncadd.s32 s5;
	_ =	sdelay $0x1  }
0xa7: {  	s23 =	simm.s32 $0x1B8B  }
0xa8: {  	_ =	swait.ge [sflag:s23], $0x1  }
0xa9: {  	[sflag:s23] =	ssyncset.done $0x0  }
0xaa: {  	s25 =	simm.s32 $0x1B8E;
	s24 =	sld [smem:$0x3FFE];
	[sflag:s23] =	ssyncadd.s32 $0xFFFFFFFF  }
0xab: {  	s26 =	simm.s32 $execute0_lowered;
	[smem:$0x3FD2] =	sst s25  }
0xac: {  	s6 =	sshll.u32 s26, $0x1;
	_ =	strace $0x80000046;
	[dreg:$0x1] =	wrdreg $0xFFFFFFFF  }
0xad: {  	s28 =	simm.s32 $_size_execute0_lowered;
	s4 =	sadd.s32 s4, s6;
	[dreg:$0x0] =	wrdreg $0x0  }
0xae: {  	s6 =	sshll.u32 s28, $0x1;
	[dreg:$0x2] =	wrdreg s4  }
0xaf: {  	[dreg:$0x3] =	wrdreg s6  }
0xb0: {  	[dreg:$0x4] =	wrdreg $0xC0  }
0xb1: {  	_ =	task [dreg:s8], $0x5FFFF  }
0xb2: {  	[dreg:$0x1] =	wrdreg $0xFFFFFFFF  }
0xb3: {  	[dreg:$0x0] =	wrdreg $0x60  }
0xb4: {  	[dreg:$0x2] =	wrdreg s24  }
0xb5: {  	[dreg:$0x3] =	wrdreg s17  }
0xb6: {  	[dreg:$0x4] =	wrdreg s16  }
0xb7: {  	[dreg:$0x5] =	wrdreg $0x0  }
0xb8: {  	[dreg:$0x6] =	wrdreg $0x13C00  }
0xb9: {  	[dreg:$0x7] =	wrdreg $0x9  }
0xba: {  	_ =	task.clear_ibuf [dreg:s8], $0x8FFFF;
	_ =	strace $0x90000046  }
0xbb: {  	s29 =	simm.s32 $0x9;
	_ =	strace $0x80000048  }
0xbc: {  	_ =	swait.ge [sflag:s29], $0x1  }
0xbd: {  	[sflag:s29] =	ssyncadd.s32 $0xFFFFFFFF  }
0xbe: {  	_ =	strace $0x90000048  }
0xbf: {  	_ =	sfence  }
0xc0: {  	s30 =	sld [smem:$0x0];
	_ =	sdelay $0x2  }
0xc1: {  	s31 =	sshll.u32 s1, $0xD;
	s1 =	sshrl.u32 s1, $0x2  }
0xc2: {  	s3 =	sand.u32 $0x4000, s31;
	s1 =	sadd.s32 s1, s30  }
0xc3: {  	s0 =	sor.u32 s3, s0;
	s1 =	sshll.u32 s1, $0x11  }
0xc4: {  	s0 =	sor.u32 s1, s0  }
0xc5: {  	s0 =	sadd.s32 $0x8F2B, s0  }
0xc6: {  	[sflag:s0] =	ssyncadd.remote.s32 $0x1  }
0xc7: {  	_ =	sfence.sel $0xFFFF  }
0xc8: {  	[dreg:$0x0] =	wrdreg $0xFFFFFFFF;
	(pc) =	sbr.abs _section_cstart, $3  }
0xc9: {  	[dreg:$0x1] =	wrdreg $0xFFFFFFFF  }
0xca: {  	_ =	task.clear_ibuf [dreg:s8], $0x2FFFF;
	_ =	strace $0x9FFFFFFF  }
0xcb: {  	(tm) =	ssettm $0x7FFFFFFF  }
tec
execute0_lowered:
.L_overlay_start_1:
0x0: {  	(tag) =	ssettag $0x1  }
0x1: {  	s6 =	rddreg [dreg:$0x0]  }
0x2: {  	s10 =	rddreg [dreg:$0x1]  }
0x3: {  	s9 =	rddreg [dreg:$0x2]  }
0x4: {  	s2 =	rddreg [dreg:$0x3];
	s1 =	stileid.u32  }
0x5: {  	s3 =	rddreg [dreg:$0x4];
	s5 =	smul.u32 $0x9E0, s1  }
0x6: {  	s0 =	rddreg [dreg:$0x5];
	s4 =	simm.s32 $0x0;
	s26 =	smul.u32 $0x2800, s1  }
0x7: {  	s7 =	srdreg.scid;
	s17 =	simm.s32 $0x80;
	s14 =	smul.u32 $0x4F00, s1  }
0x8: {  	s21 =	simm.s32 $0x0;
	[smem:$0x7FF] =	sst s4;
	s28 =	smul.u32 $0xA00, s1  }
0x9: {  	s12 =	sand.u32 $0x1, s7;
	s15 =	smul.u32 $0x13C0, s1;
	s31 =	sshll.u32 s1, $0x6  }
0xa: {  	_ =	strace $0x80000047;
	s11 =	ssub.s32 $0x2, s12;
	p0 =	sne.s32 s12, $0x0  }
0xb: {  	s12 =	simm.s32 $0x6CC0;
	s8 =	sadd.s32 s5, s6;
	s5 =	sadd.s32 $0x17200, s6  }
0xc: {  	s6 =	sadd.s32 $0x16E00, s6;
	s13 =	sshrl.u32 s11, $0x1;
	s7 =	sshrl.u32 s26, $0x2  }
0xd: {  	s14 =	sshrl.u32 s14, $0x2;
	s29 =	sshrl.u32 s28, $0x3;
	s20 =	sadd.s32 s28, s3  }
0xe: {  	s30 =	sshrl.u32 s15, $0x3;
	s18 =	sadd.s32 s15, s2;
	s11 =	ssub.s32 s11, s13  }
.Ltmp0:
0xf: {  	s19 =	sadd.s32 s7, s3;
	s7 =	sadd.s32 $0x3200, s8;
	(pc) =	sbr.rel .LBB2_1-.Ltmp0, $4  }
0x10: {  	s16 =	sadd.s32 s14, s2;
	s8 =	sadd.s32 $0xD000, s8;
	s9 =	sadd.s32 s9, s29  }
0x11: {  	s10 =	sadd.s32 s10, s30;
	s13 =	simm.s32 $0x1;
	s14 =	sor.u32 $0x1C01, s31  }
0x12: {  	s18 =	sshrl.u32 s18, $0x3;
	s20 =	sshrl.u32 s20, $0x3;
	s11 =	smax.u32 s11, $0x1  }
0x13: {  	s15 =	sshrl.u32 s16, $0x3;
	s16 =	simm.s32 $0x1DC0;
	s19 =	sshrl.u32 s19, $0x3  }
.LBB2_7:
0x14: {  	[sflag:s13] =	ssyncset.done $0x0  }
0x15: {  	[sflag:s13] =	ssyncadd.s32 $0xFFFFFC00  }
0x16: {  	[bflag:$0x0] =	sbarrier.arrive $0xFFFF  }
0x17: {  	[hbm:s9], [sflag:s14] =	dma.local [spmem:s20], $0x140  }
0x18: {  	_ =	swait.ge [sflag:s13], $0x140  }
0x19: {  	[sflag:s13] =	ssyncset.done $0x0  }
0x1a: {  	[sflag:s13] =	ssyncadd.s32 $0xFFFFFEC0  }
.LBB2_8:
0x1b: {  	s21 =	sadd.s32 $0x1, s21  }
0x1c: {  	p1 =	sne.s32 s21, s11  }
.Ltmp1:
0x1d: {  	_ = 	snop;
	(pc) =	sbr.rel @!p1 .LBB2_9-.Ltmp1, $1  }
0x1e: {  	_ =	sdelay $0x3  }
.LBB2_1:
.Ltmp2:
0x1f: {  	(pc) =	sbr.rel @p0 .LBB2_5-.Ltmp2, $4  }
0x20: {  	[tilespmem:s12], [sflag:$0x1] =	stream.linear.gather [hbm4b:s5+s4], $0x400, $0x38;
	[tilespmem:$0x70C0] =	vst v63  }
0x21: {  	_ =	swait.ge [sflag:s13], $0x400  }
0x22: {  	[sflag:s13] =	ssyncset.done $0x0  }
0x23: {  	[sflag:s13] =	ssyncadd.s32 $0xFFFFFC00  }
0x24: {  	[spmem:s15], [sflag:s14] =	dma.local [hbm:s6], $0x278  }
0x25: {  	_ =	swait.ge [sflag:s13], $0x278  }
0x26: {  	[sflag:s13] =	ssyncset.done $0x0  }
0x27: {  	s22 =	simm.s32 $0x0;
	[sflag:s13] =	ssyncadd.s32 $0xFFFFFD88  }
0x28: {  	[tilespmem:s16], [sflag:$0x1] =	stream.linear.gather [hbm4b:s8+s22], $0x4F00, $0x38;
	[tilespmem:$0x70C0] =	vst v63  }
0x29: {  	_ =	swait.ge [sflag:s13], $0x4F00  }
0x2a: {  	[sflag:s13] =	ssyncset.done $0x0  }
0x2b: {  	[sflag:s13] =	ssyncadd.s32 $0xFFFFB100  }
0x2c: {  	s31 =	simm.s32 $0x1DC0;
	[bflag:$0x0] =	sbarrier.arrive $0xFFFF  }
0x2d: {  	[spmem:s2] =	stream.indirect.scatter.add.f32 [tilespmem:s12], [sflag:$0x1], $0x8, s31, s17, $0xb8;
	[tilespmem:$0x70C0] =	vst v63  }
0x2e: {  	s22 =	simm.s32 $0x200;
	_ =	swait.ge [sflag:s13], $0x400  }
.LBB2_3:
0x2f: {  	s23 =	sshra.s32 s22, $0x2;
	[sflag:s13] =	ssyncset.done $0x0;
	p1 =	seq.s32 s22, $0x13A00  }
.Ltmp3:
0x30: {  	s23 =	sadd.s32 $0x1DC0, s23;
	[sflag:s13] =	ssyncadd.s32 $0xFFFFFC00;
	(pc) =	sbr.rel @!p1 .LBB2_3-.Ltmp3, $3  }
0x31: {  	[spmem:s2] =	stream.indirect.scatter.add.f32 [tilespmem:s12], [sflag:$0x1], $0x8, s23, s17, $0xb8;
	[tilespmem:$0x70C0] =	vst v63  }
0x32: {  	s22 =	sadd.s32 $0x200, s22;
	_ =	sdelay $0x1  }
0x33: {  	_ =	swait.ge [sflag:s13], $0x400  }
0x34: {  	[sflag:s13] =	ssyncset.done $0x0  }
0x35: {  	[sflag:s13] =	ssyncadd.s32 $0xFFFFFC00  }
.Ltmp4:
0x36: {  	[bflag:$0x0] =	sbarrier.arrive $0xFFFF;
	(pc) =	sbr.rel .LBB2_8-.Ltmp4, $4  }
0x37: {  	[hbm:s10], [sflag:s14] =	dma.local [spmem:s18], $0x278  }
0x38: {  	_ =	swait.ge [sflag:s13], $0x278  }
0x39: {  	[sflag:s13] =	ssyncset.done $0x0  }
0x3a: {  	[sflag:s13] =	ssyncadd.s32 $0xFFFFFD88  }
.LBB2_5:
0x3b: {  	[spmem:s19], [sflag:s14] =	dma.local [hbm:s6], $0x140  }
0x3c: {  	_ =	swait.ge [sflag:s13], $0x140  }
0x3d: {  	[sflag:s13] =	ssyncset.done $0x0  }
0x3e: {  	s22 =	simm.s32 $0x0;
	[sflag:s13] =	ssyncadd.s32 $0xFFFFFEC0  }
0x3f: {  	[tilespmem:s16], [sflag:$0x1] =	stream.linear.gather [hbm4b:s7+s22], $0x4F00, $0x38;
	[tilespmem:$0x70C0] =	vst v63  }
0x40: {  	_ =	swait.ge [sflag:s13], $0x4F00  }
0x41: {  	[sflag:s13] =	ssyncset.done $0x0  }
0x42: {  	[sflag:s13] =	ssyncadd.s32 $0xFFFFB100  }
0x43: {  	s31 =	simm.s32 $0x1DC0;
	[bflag:$0x0] =	sbarrier.arrive $0xFFFF  }
0x44: {  	[spmem:s3] =	stream.indirect.scatter.add.f32 [tilespmem:s12], [sflag:$0x1], $0x8, s31, s17, $0xb8;
	[tilespmem:$0x70C0] =	vst v63  }
0x45: {  	s22 =	simm.s32 $0x200;
	_ =	swait.ge [sflag:s13], $0x400  }
.LBB2_6:
0x46: {  	s23 =	sshra.s32 s22, $0x2;
	[sflag:s13] =	ssyncset.done $0x0;
	p1 =	sne.s32 s22, $0x13A00  }
.Ltmp5:
0x47: {  	s23 =	sadd.s32 $0x1DC0, s23;
	[sflag:s13] =	ssyncadd.s32 $0xFFFFFC00;
	(pc) =	sbr.rel @p1 .LBB2_6-.Ltmp5, $3  }
0x48: {  	[spmem:s3] =	stream.indirect.scatter.add.f32 [tilespmem:s12], [sflag:$0x1], $0x8, s23, s17, $0xb8;
	[tilespmem:$0x70C0] =	vst v63  }
0x49: {  	s22 =	sadd.s32 $0x200, s22;
	_ =	sdelay $0x1  }
0x4a: {  	_ =	swait.ge [sflag:s13], $0x400  }
.Ltmp6:
0x4b: {  	_ = 	snop;
	(pc) =	sbr.rel .LBB2_7-.Ltmp6, $1  }
0x4c: {  	_ =	sdelay $0x3  }
.LBB2_9:
0x4d: {  	_ =	sfence.sel $0x180000  }
0x4e: {  	[bflag:$0x0] =	sbarrier.arrive $0xFFFF  }
0x4f: {  	p0 =	sne.s32 s1, $0x0;
	_ =	strace $0x90000047  }
0x50: {  	s0 =	sadd.s32 @!p0 $0x100000, s0;
	[bflag:$0x2] =	sbarrier.arrive $0xFFFF  }
0x51: {  	[sflag:s0] =	ssyncadd.tile.s32 @!p0 $0x1;
	_ =	shalt  }
.Lfunc_end2:
_tile_overlayer_lowered:
.L_overlay_start_2:
0x52: {  	(tag) =	ssettag $0x2  }
0x53: {  	s0 =	rddreg [dreg:$0x0];
	s2 =	stileid.u32  }
0x54: {  	s1 =	rddreg [dreg:$0x1];
	p0 =	sne.s32 s2, $0x0  }
0x55: {  	s3 =	rddreg [dreg:$0x2];
	[bflag:$0x3] =	sbarrier.arrive $0xFFFF;
	s2 =	simm.s32 @!p0 $0x1C01  }
0x56: {  	[timem:s3], [sflag:s2] =	dma.local @!p0 [hbm:s0], s1  }
0x57: {  	s0 =	simm.s32 @!p0 $0x1  }
0x58: {  	_ =	swait.ge @!p0 [sflag:s0], s1  }
0x59: {  	s1 =	ssub.s32 @!p0 $0x0, s1;
	[sflag:s0] =	ssyncset.done @!p0 $0x0  }
0x5a: {  	[sflag:s0] =	ssyncadd.s32 @!p0 s1  }
0x5b: {  	[bflag:$0x3] =	sbarrier.arrive $0xFFFF  }
0x5c: {  	_ =	shalt  }

// kernel: kernel.9.cloned.1.call-start
scs
__scs_entry_jumppad:
0x0: {  	(pc) =	sbr.rel $0x88, $3  }
0x1: {  	(tag) =	ssettag $0x0;
	lr =	simm.s32 $0x1  }
0x2: {  	[smem:$0x3F9E] =	sst lr;
	_ =	strace $0xD0000000  }
0x3: {  	_ = 	snop  }
0x4: {  	_ = 	snop  }
0x5: {  	_ = 	snop  }
0x6: {  	_ = 	snop  }
0x7: {  	_ = 	snop  }
__scs_overlays_trampoline_lowered:
0x8: {  	[smem:$0x3FAD] =	sst s0  }
0x9: {  	[smem:$0x3FAE] =	sst s1  }
0xa: {  	[smem:$0x3FAF] =	sst s2  }
0xb: {  	[smem:$0x3FB0] =	sst s3  }
0xc: {  	[smem:$0x3FB1] =	sst s4  }
0xd: {  	[smem:$0x3FB2] =	sst s5  }
0xe: {  	[smem:$0x3FB3] =	sst s6  }
0xf: {  	[smem:$0x3FB4] =	sst s7  }
0x10: {  	[smem:$0x3FB5] =	sst s8  }
0x11: {  	[smem:$0x3FB6] =	sst s9;
	s0 =	simm.s32 @!p0 $0x0  }
0x12: {  	s1 =	sld [smem:$0x3F9C];
	s0 =	simm.s32 @p0 $0x1  }
0x13: {  	[smem:$0x3FB7] =	sst s0;
	s0 =	simm.s32 @!p1 $0x0  }
0x14: {  	s2 =	sld [smem:$0x3F9B];
	s0 =	simm.s32 @p1 $0x1  }
0x15: {  	[smem:$0x3FB8] =	sst s0;
	s0 =	simm.s32 @!p2 $0x0  }
0x16: {  	s3 =	sld [smem:$0x3FDB];
	s0 =	simm.s32 @p2 $0x1  }
0x17: {  	s4 =	simm.s32 $0x1BF5;
	[smem:$0x3FBA] =	sst s0  }
0x18: {  	s0 =	sld [smem:$0x3F9D];
	_ =	swait.ge [sflag:s4], $0x0  }
0x19: {  	s7 =	sld [smem:$0x3F9E]  }
0x1a: {  	s8 =	sadd.s32 $0xFFFFE003, lr  }
0x1b: {  	s9 =	sadd.s32 $0xFFFFFEF7, lr;
	s5 =	simm.s32 $0xFFFFFFFF;
	p2 =	slt.u32 s8, $0xFFFFF086  }
0x1c: {  	p1 =	slt.u32 s9, $0xF7A;
	s5 =	simm.s32 @!p2 $0x0  }
0x1d: {  	s5 =	simm.s32 @p1 $0x1;
	p0 =	seq.s32 s7, s2  }
0x1e: {  	s7 =	smul.u32 @!p0 $0xF7A, s2;
	p2 =	seq.s32 @!p0 s5, $0x0  }
0x1f: {  	s9 =	smul.u32 $0xF7A, s1;
	s8 =	simm.s32 @!p0 $0x1BF5;
	p2 =	por !p2, p0  }
0x20: {  	[sflag:s8] =	ssyncset.s32 @!p0 $0xFFFFF086;
	s6 =	sadd.s32 @!p0 s3, s7;
	s7 =	simm.s32 @!p0 $0x108  }
0x21: {  	s3 =	sadd.s32 s3, s9;
	s6 =	sadd.s32 @!p0 $0x88, s6;
	s7 =	simm.s32 @p2 $0x1082  }
0x22: {  	[simem:s7], [sflag:s8] =	dma.local @!p0 [hbm:s6], $0xF7A  }
0x23: {  	s9 =	sor.u32 $0xD0000000, s2;
	s6 =	simm.s32 $0x108;
	_ =	swait.ge @!p0 [sflag:s8], $0x0  }
0x24: {  	s3 =	sadd.s32 $0x88, s3;
	s6 =	simm.s32 @!p1 $0x1082;
	[sflag:s4] =	ssyncset.s32 $0xFFFFF086  }
0x25: {  	[simem:s6], [sflag:s4] =	dma.local [hbm:s3], $0xF7A  }
0x26: {  	[smem:$0x3F9E] =	sst s1;
	(tag) =	ssettag s2;
	_ =	strace s9  }
0x27: {  	s1 =	sld [smem:$0x3FAE]  }
0x28: {  	s2 =	sld [smem:$0x3FAF]  }
0x29: {  	s4 =	sld [smem:$0x3FB1]  }
0x2a: {  	p0 =	seq.s32 s5, $0x0;
	s5 =	sld [smem:$0x3FB2]  }
0x2b: {  	s6 =	sld [smem:$0x3FB3]  }
0x2c: {  	s7 =	sld [smem:$0x3FB4]  }
0x2d: {  	s3 =	simm.s32 $0x108;
	s8 =	sld [smem:$0x3FB5]  }
0x2e: {  	s3 =	simm.s32 @!p0 $0x1082;
	s9 =	sld [smem:$0x3FB6]  }
0x2f: {  	lr =	sadd.s32 s0, s3;
	s0 =	sld [smem:$0x3FAD]  }
0x30: {  	s3 =	sld [smem:$0x3FB0]  }
0x31: {  	[smem:$0x3FB9] =	sst s10  }
0x32: {  	s10 =	sld [smem:$0x3FB7];
	_ =	sdelay $0x3  }
0x33: {  	p0 =	seq.s32 s10, $0x1;
	s10 =	sld [smem:$0x3FB9];
	_ =	sdelay $0x3  }
0x34: {  	[smem:$0x3FB9] =	sst s10  }
0x35: {  	s10 =	sld [smem:$0x3FB8];
	_ =	sdelay $0x3  }
0x36: {  	p1 =	seq.s32 s10, $0x1;
	s10 =	sld [smem:$0x3FB9];
	_ =	sdelay $0x3  }
0x37: {  	[smem:$0x3FB9] =	sst s10  }
0x38: {  	s10 =	sld [smem:$0x3FBA]  }
0x39: {  	_ = 	snop;
	(pc) =	sbr.ind lr, $3  }
0x3a: {  	_ = 	snop  }
0x3b: {  	_ = 	snop  }
0x3c: {  	p2 =	seq.s32 s10, $0x1;
	s10 =	sld [smem:$0x3FB9]  }
0x3d: {  	_ =	shalt  }
0x3e: {  	_ =	shalt  }
0x3f: {  	_ =	shalt  }
0x40: {  	_ =	shalt  }
0x41: {  	_ =	shalt  }
0x42: {  	_ =	shalt  }
0x43: {  	_ =	shalt  }
0x44: {  	_ =	shalt  }
0x45: {  	_ =	shalt  }
0x46: {  	_ =	shalt  }
0x47: {  	_ =	shalt  }
0x48: {  	_ =	shalt  }
0x49: {  	_ =	shalt  }
0x4a: {  	_ =	shalt  }
0x4b: {  	_ =	shalt  }
0x4c: {  	_ =	shalt  }
0x4d: {  	_ =	shalt  }
0x4e: {  	_ =	shalt  }
0x4f: {  	_ =	shalt  }
0x50: {  	_ =	shalt  }
0x51: {  	_ =	shalt  }
0x52: {  	_ =	shalt  }
0x53: {  	_ =	shalt  }
0x54: {  	_ =	shalt  }
0x55: {  	_ =	shalt  }
0x56: {  	_ =	shalt  }
0x57: {  	_ =	shalt  }
0x58: {  	_ =	shalt  }
0x59: {  	_ =	shalt  }
0x5a: {  	_ =	shalt  }
0x5b: {  	_ =	shalt  }
0x5c: {  	_ =	shalt  }
0x5d: {  	_ =	shalt  }
0x5e: {  	_ =	shalt  }
0x5f: {  	_ =	shalt  }
0x60: {  	_ =	shalt  }
0x61: {  	_ =	shalt  }
0x62: {  	_ =	shalt  }
0x63: {  	_ =	shalt  }
0x64: {  	_ =	shalt  }
0x65: {  	_ =	shalt  }
0x66: {  	_ =	shalt  }
0x67: {  	_ =	shalt  }
0x68: {  	_ =	shalt  }
0x69: {  	_ =	shalt  }
0x6a: {  	_ =	shalt  }
0x6b: {  	_ =	shalt  }
0x6c: {  	_ =	shalt  }
0x6d: {  	_ =	shalt  }
0x6e: {  	_ =	shalt  }
0x6f: {  	_ =	shalt  }
0x70: {  	_ =	shalt  }
0x71: {  	_ =	shalt  }
0x72: {  	_ =	shalt  }
0x73: {  	_ =	shalt  }
0x74: {  	_ =	shalt  }
0x75: {  	_ =	shalt  }
0x76: {  	_ =	shalt  }
0x77: {  	_ =	shalt  }
0x78: {  	_ =	shalt  }
0x79: {  	_ =	shalt  }
0x7a: {  	_ =	shalt  }
0x7b: {  	_ =	shalt  }
0x7c: {  	_ =	shalt  }
0x7d: {  	_ =	shalt  }
0x7e: {  	_ =	shalt  }
0x7f: {  	_ =	shalt  }
0x80: {  	_ =	shalt  }
0x81: {  	_ =	shalt  }
0x82: {  	_ =	shalt  }
0x83: {  	_ =	shalt  }
0x84: {  	_ =	shalt  }
0x85: {  	_ =	shalt  }
0x86: {  	_ =	shalt  }
0x87: {  	_ =	shalt  }
.Lfunc_end0:
.L_simem_size_0:
called_computation.1_lowered:
.L_overlay_start_0:
0x88: {  	s2 =	sld [smem:$0x3FD9]  }
0x89: {  	s3 =	sld [smem:$0x3FFE];
	_ =	sdelay $0x1  }
0x8a: {  	s1 =	srdreg.scid  }
0x8b: {  	s0 =	sand.u32 $0x1, s1  }
0x8c: {  	s14 =	sshll.u32 s0, $0xA;
	s2 =	sadd.s32 s3, s2  }
0x8d: {  	s2 =	sadd.s32 s2, s14  }
0x8e: {  	[smem:$0x3FC5] =	sst s2  }
0x8f: {  	_ = 	snop  }
0x90: {  	s2 =	sld [smem:$0x3FD0];
	_ =	sdelay $0x2  }
0x91: {  	s15 =	simm.s32 $0xA;
	s4 =	simm.s32 $0x10  }
0x92: {  	[smem:s4], [sflag:s15] =	dma.local [hbm:s2], $0x1  }
0x93: {  	_ =	swait.eq [sflag:s15], $0x1  }
0x94: {  	[sflag:s15] =	ssyncset.done $0x0  }
0x95: {  	[sflag:s15] =	ssyncadd.s32 $0xFFFFFFFF  }
0x96: {  	s16 =	sld [smem:$0x10];
	(tm) =	ssettm $0x1  }
0x97: {  	s17 =	sld [smem:$0x3FFB];
	_ =	sdelay $0x3  }
0x98: {  	_ =	strace s17  }
0x99: {  	s3 =	sld [smem:$0x3FFC];
	_ =	sdelay $0x3  }
0x9a: {  	_ =	strace s3  }
0x9b: {  	s3 =	sld [smem:$0x3FFD];
	_ =	sdelay $0x3  }
0x9c: {  	_ =	strace s3  }
0x9d: {  	_ =	strace $0x8FFFFFFF  }
0x9e: {  	s18 =	sld [smem:$0x3FDB];
	_ =	sdelay $0x1  }
0x9f: {  	s19 =	simm.s32 $_scs_section_size  }
0xa0: {  	s5 =	simm.s32 $_size__tile_overlayer_lowered;
	s6 =	simm.s32 $_tile_overlayer_lowered  }
0xa1: {  	s22 =	simm.s32 $0x1BFF;
	s21 =	sshll.u32 s6, $0x1;
	s3 =	sadd.s32 s19, s18  }
0xa2: {  	s7 =	simm.s32 $0x0;
	s20 =	sshll.u32 s5, $0x1;
	s5 =	sadd.s32 s21, s3  }
0xa3: {  	[timem:s7], [sflag:s22] =	dma.local [hbm:s5], s20  }
0xa4: {  	_ =	swait.ge [sflag:s22], s20  }
0xa5: {  	s4 =	ssub.s32 $0x0, s20;
	[sflag:s22] =	ssyncset.done $0x0  }
0xa6: {  	[sflag:s22] =	ssyncadd.s32 s4;
	_ =	sdelay $0x1  }
0xa7: {  	s23 =	simm.s32 $0x1B8B  }
0xa8: {  	_ =	swait.ge [sflag:s23], $0x1  }
0xa9: {  	[sflag:s23] =	ssyncset.done $0x0  }
0xaa: {  	s25 =	simm.s32 $0x1B8E;
	s24 =	sld [smem:$0x3FFE];
	[sflag:s23] =	ssyncadd.s32 $0xFFFFFFFF  }
0xab: {  	s26 =	simm.s32 $execute0_lowered;
	[smem:$0x3FD2] =	sst s25  }
0xac: {  	s5 =	sshll.u32 s26, $0x1;
	_ =	strace $0x80000049;
	[dreg:$0x1] =	wrdreg $0xFFFFFFFF  }
0xad: {  	s28 =	simm.s32 $_size_execute0_lowered;
	s3 =	sadd.s32 s3, s5;
	[dreg:$0x0] =	wrdreg $0x0  }
0xae: {  	s5 =	sshll.u32 s28, $0x1;
	[dreg:$0x2] =	wrdreg s3  }
0xaf: {  	[dreg:$0x3] =	wrdreg s5  }
0xb0: {  	[dreg:$0x4] =	wrdreg $0xC0  }
0xb1: {  	_ =	task [dreg:s7], $0x5FFFF  }
0xb2: {  	[dreg:$0x1] =	wrdreg $0xFFFFFFFF  }
0xb3: {  	[dreg:$0x0] =	wrdreg $0x60  }
0xb4: {  	[dreg:$0x2] =	wrdreg s16  }
0xb5: {  	[dreg:$0x3] =	wrdreg s24  }
0xb6: {  	[dreg:$0x4] =	wrdreg $0x0  }
0xb7: {  	[dreg:$0x5] =	wrdreg $0x50000  }
0xb8: {  	[dreg:$0x6] =	wrdreg $0x9  }
0xb9: {  	_ =	task.clear_ibuf [dreg:s7], $0x7FFFF;
	_ =	strace $0x90000049  }
0xba: {  	s29 =	simm.s32 $0x9;
	_ =	strace $0x8000004B  }
0xbb: {  	_ =	swait.ge [sflag:s29], $0x1  }
0xbc: {  	[sflag:s29] =	ssyncadd.s32 $0xFFFFFFFF  }
0xbd: {  	_ =	strace $0x9000004B  }
0xbe: {  	_ =	sfence  }
0xbf: {  	s30 =	sld [smem:$0x0];
	_ =	sdelay $0x2  }
0xc0: {  	s31 =	sshll.u32 s1, $0xD;
	s1 =	sshrl.u32 s1, $0x2  }
0xc1: {  	s3 =	sand.u32 $0x4000, s31;
	s1 =	sadd.s32 s1, s30  }
0xc2: {  	s0 =	sor.u32 s3, s0;
	s1 =	sshll.u32 s1, $0x11  }
0xc3: {  	s0 =	sor.u32 s1, s0  }
0xc4: {  	s0 =	sadd.s32 $0x8F2B, s0  }
0xc5: {  	[sflag:s0] =	ssyncadd.remote.s32 $0x1  }
0xc6: {  	_ =	sfence.sel $0xFFFF  }
0xc7: {  	[dreg:$0x0] =	wrdreg $0xFFFFFFFF;
	(pc) =	sbr.abs _section_cstart, $3  }
0xc8: {  	[dreg:$0x1] =	wrdreg $0xFFFFFFFF  }
0xc9: {  	_ =	task.clear_ibuf [dreg:s7], $0x2FFFF;
	_ =	strace $0x9FFFFFFF  }
0xca: {  	(tm) =	ssettm $0x7FFFFFFF  }
0xcb: {  	_ =	shalt  }
tec
execute0_lowered:
.L_overlay_start_1:
0x0: {  	(tag) =	ssettag $0x1  }
0x1: {  	s0 =	rddreg [dreg:$0x0]  }
0x2: {  	s2 =	rddreg [dreg:$0x1]  }
0x3: {  	s1 =	rddreg [dreg:$0x2]  }
0x4: {  	s3 =	rddreg [dreg:$0x3];
	s4 =	simm.s32 $0x0;
	s8 =	stileid.u32  }
0x5: {  	s6 =	srdreg.scid;
	s18 =	simm.s32 $0x2;
	s19 =	simm.s32 $0x3  }
0x6: {  	s20 =	simm.s32 $0x8;
	s21 =	simm.s32 $0x40;
	s22 =	simm.s32 $0xF  }
0x7: {  	s23 =	simm.s32 $0x0;
	[smem:$0x7FF] =	sst s4;
	s5 =	smul.u32 $0x9E0, s8  }
0x8: {  	s11 =	sadd.s32 $0x16E00, s2;
	s10 =	sand.u32 $0x1, s6;
	s13 =	smul.u32 $0x5000, s8  }
0x9: {  	s12 =	sadd.s32 $0x2BE00, s2;
	s16 =	smul.u32 $0x9E00, s8;
	_ =	strace $0x8000004A  }
0xa: {  	s6 =	ssub.s32 $0x2, s10;
	p0 =	seq.s32 s10, $0x0;
	s9 =	sadd.s32 s5, s2  }
0xb: {  	s5 =	sadd.s32 $0x2AA00, s2;
	s7 =	sshrl.u32 s6, $0x1;
	s2 =	sadd.s32 $0x35E00, s2  }
0xc: {  	s15 =	sadd.s32 s13, s1;
	s17 =	sadd.s32 s16, s3;
	s16 =	sshrl.u32 s16, $0x3  }
0xd: {  	s13 =	sshrl.u32 s13, $0x3;
	s11 =	smov.u32 @p0 s0;
	s0 =	simm.s32 $0xEF40  }
0xe: {  	s14 =	ssub.s32 s6, s7;
	s6 =	sshll.u32 s8, $0x6;
	s8 =	sadd.s32 $0xD000, s9  }
0xf: {  	s9 =	sadd.s32 $0x3200, s9;
	s2 =	smov.u32 @p0 s12;
	s11 =	sadd.s32 s11, s16  }
0x10: {  	s16 =	sshrl.u32 s17, $0x3;
	s17 =	simm.s32 $0x1;
	s7 =	sor.u32 $0x1C01, s6  }
0x11: {  	s10 =	smax.u32 s14, $0x1;
	s12 =	sadd.s32 s2, s13;
	s13 =	sshrl.u32 s15, $0x3  }
0x12: {  	s14 =	simm.s32 $0xEE00;
	s15 =	sor.u32 $0x1C08, s6;
	s2 =	simm.s32 $0x1DC00  }
.LBB2_1:
0x13: {  	[spmem:s13], [sflag:s7] =	dma.local [hbm:s5], $0xA00  }
0x14: {  	[tilespmem:s14], [sflag:$0x2] =	stream.linear.gather [hbm4b:s8+s4], $0x4F00, $0x38;
	[tilespmem:$0x1FC00] =	vst v63  }
0x15: {  	s24 =	simm.s32 $0x13D00  }
0x16: {  	[tilespmem:s24], [sflag:$0x3] =	stream.linear.gather [hbm4b:s9+s4], $0x4F00, $0x38;
	[tilespmem:$0x1FC00] =	vst v63  }
0x17: {  	[spmem:s16], [sflag:s15] =	dma.local [hbm:s11], $0x13C0  }
0x18: {  	_ =	swait.ge [sflag:s17], $0xA00  }
0x19: {  	[sflag:s17] =	ssyncset.done $0x0  }
0x1a: {  	[sflag:s17] =	ssyncadd.s32 $0xFFFFF600  }
0x1b: {  	_ =	swait.ge [sflag:s18], $0x4F00  }
0x1c: {  	[sflag:s18] =	ssyncset.done $0x0  }
0x1d: {  	[sflag:s18] =	ssyncadd.s32 $0xFFFFB100  }
0x1e: {  	_ =	swait.ge [sflag:s19], $0x4F00  }
0x1f: {  	[sflag:s19] =	ssyncset.done $0x0  }
0x20: {  	[sflag:s19] =	ssyncadd.s32 $0xFFFFB100  }
0x21: {  	_ =	swait.ge [sflag:s20], $0x13C0  }
0x22: {  	[sflag:s20] =	ssyncset.done $0x0  }
0x23: {  	[sflag:s20] =	ssyncadd.s32 $0xFFFFEC40  }
0x24: {  	s25 =	simm.s32 $0x18C00;
	[bflag:$0x0] =	sbarrier.arrive $0xFFFF  }
0x25: {  	[tilespmem:s25], [sflag:$0x1] =	stream.indirect.gather [spmem:s3], $0x40, s14, s21, $0xb8;
	[tilespmem:$0x1FC00] =	vst v63  }
0x26: {  	s29 =	simm.s32 $0xEE40;
	s26 =	simm.s32 $0x19C00  }
0x27: {  	[tilespmem:s26], [sflag:$0x2] =	stream.indirect.gather [spmem:s3], $0x40, s29, s21, $0xb8;
	[tilespmem:$0x1FC00] =	vst v63  }
0x28: {  	s30 =	simm.s32 $0xEE80;
	s31 =	simm.s32 $0x1AC00  }
0x29: {  	[tilespmem:s31], [sflag:$0x3] =	stream.indirect.gather [spmem:s3], $0x40, s30, s21, $0xb8;
	[tilespmem:$0x1FC00] =	vst v63  }
0x2a: {  	s28 =	simm.s32 $0xEEC0;
	s29 =	simm.s32 $0x1BC00  }
0x2b: {  	[tilespmem:s29], [sflag:$0x4] =	stream.indirect.gather [spmem:s3], $0x40, s28, s21, $0xb8;
	[tilespmem:$0x1FC00] =	vst v63  }
0x2c: {  	s30 =	simm.s32 $0xEF00;
	s31 =	simm.s32 $0x1CC00  }
0x2d: {  	[tilespmem:s31], [sflag:$0x5] =	stream.indirect.gather [spmem:s3], $0x40, s30, s21, $0xb8;
	[tilespmem:$0x1FC00] =	vst v63  }
0x2e: {  	s25 =	simm.s32 $0xEF80;
	s26 =	simm.s32 $0x0  }
0x2f: {  	[tilespmem:s2], [sflag:$0x6] =	stream.indirect.gather [spmem:s3], $0x40, s0, s21, $0xb8;
	[tilespmem:$0x1FC00] =	vst v63  }
.LBB2_2:
0x30: {  	s28 =	smul.u32 $0x2493, s26;
	_ =	sdelay $0x1  }
0x31: {  	s29 =	sadd.s32 $0xDB72, s28  }
0x32: {  	s30 =	sadd.s32 $0x6, s26;
	s29 =	sshrl.u32 s29, $0x10  }
0x33: {  	s31 =	ssub.s32 s30, s29  }
0x34: {  	s31 =	sand.u32 $0xFFFE, s31  }
0x35: {  	s31 =	sshrl.u32 s31, $0x1  }
0x36: {  	s29 =	sadd.s32 s29, s31  }
0x37: {  	s29 =	sand.u32 $0xFFFC, s29  }
0x38: {  	s29 =	sshrl.u32 s29, $0x2  }
0x39: {  	s29 =	smul.u32 $0x7, s29;
	_ =	sdelay $0x1  }
0x3a: {  	s29 =	ssub.s32 s30, s29  }
0x3b: {  	p0 =	seq.s32 s26, $0x0;
	s29 =	sand.u32 $0xFFFF, s29  }
0x3c: {  	s30 =	sadd.s32 @!p0 $0x8, s29  }
0x3d: {  	p1 =	sgt.u32 @!p0 s26, $0x135;
	_ =	swait.ge @!p0 [sflag:s30], $0x1000  }
0x3e: {  	p1 =	por p0, !p1;
	[sflag:s30] =	ssyncset.done @!p0 $0x0  }
0x3f: {  	[sflag:s30] =	ssyncadd.s32 @!p0 $0xFFFFF000;
	s30 =	sshll.u32 @p1 s29, $0xC  }
0x40: {  	s28 =	sshrl.u32 s28, $0x10;
	s29 =	sadd.s32 @p1 $0x1, s29;
	s30 =	sadd.s32 @p1 $0x18C00, s30  }
0x41: {  	[tilespmem:s30], [sflag:s29] =	stream.indirect.gather @p1 [spmem:s3], $0x40, s25, s21, $0xb8;
	[tilespmem:$0x1FC00] =	vst v63  }
0x42: {  	s30 =	ssub.s32 s26, s28  }
0x43: {  	s29 =	sand.u32 $0xFFFE, s30  }
0x44: {  	s29 =	sshrl.u32 s29, $0x1  }
0x45: {  	s28 =	sadd.s32 s28, s29  }
0x46: {  	s28 =	sand.u32 $0xFFFC, s28  }
0x47: {  	s28 =	sshrl.u32 s28, $0x2  }
0x48: {  	s28 =	smul.u32 $0x7, s28;
	_ =	sdelay $0x1  }
0x49: {  	s28 =	ssub.s32 s26, s28  }
0x4a: {  	s26 =	sadd.s32 $0x1, s26;
	s28 =	sand.u32 $0xFFFF, s28  }
0x4b: {  	p0 =	sne.s32 s26, $0x13C;
	s29 =	sadd.s32 $0x1, s28  }
.Ltmp0:
0x4c: {  	_ =	swait.ge [sflag:s29], $0x1000;
	(pc) =	sbr.rel @p0 .LBB2_2-.Ltmp0, $4  }
0x4d: {  	s31 =	sshll.u32 s28, $0xC;
	[sflag:s29] =	ssyncset.done $0x0  }
0x4e: {  	s28 =	sadd.s32 $0x8, s28;
	s30 =	sadd.s32 $0x18C00, s31;
	[sflag:s29] =	ssyncadd.s32 $0xFFFFF000  }
0x4f: {  	[spmem:s1] =	stream.indirect.scatter.add.f32 [tilespmem:s30], [sflag:s28], $0x40, s24, s21, $0xb8;
	[tilespmem:$0x1FC00] =	vst v63  }
0x50: {  	s25 =	sadd.s32 $0x40, s25;
	s24 =	sadd.s32 $0x40, s24  }
0x51: {  	_ =	swait.ge [sflag:s20], $0x1000  }
0x52: {  	s23 =	sadd.s32 $0x1, s23;
	[sflag:s20] =	ssyncset.done $0x0  }
0x53: {  	p0 =	sne.s32 s23, s10;
	[sflag:s20] =	ssyncadd.s32 $0xFFFFF000  }
.Ltmp1:
0x54: {  	s24 =	sor.u32 $0x1C0F, s6;
	[bflag:$0x0] =	sbarrier.arrive $0xFFFF;
	(pc) =	sbr.rel @p0 .LBB2_1-.Ltmp1, $4  }
0x55: {  	[hbm:s12], [sflag:s24] =	dma.local [spmem:s13], $0xA00  }
0x56: {  	_ =	swait.ge [sflag:s22], $0xA00  }
0x57: {  	[sflag:s22] =	ssyncset.done $0x0  }
0x58: {  	[sflag:s22] =	ssyncadd.s32 $0xFFFFF600  }
0x59: {  	_ =	sfence.sel $0x180000  }
0x5a: {  	[bflag:$0x0] =	sbarrier.arrive $0xFFFF  }
0x5b: {  	_ =	strace $0x9000004A  }
0x5c: {  	s0 =	stileid.u32;
	[bflag:$0x2] =	sbarrier.arrive $0xFFFF  }
0x5d: {  	p0 =	sne.s32 s0, $0x0;
	s0 =	rddreg [dreg:$0x4]  }
0x5e: {  	s0 =	sadd.s32 @!p0 $0x100000, s0  }
0x5f: {  	[sflag:s0] =	ssyncadd.tile.s32 @!p0 $0x1;
	_ =	shalt  }
.Lfunc_end2:
_tile_overlayer_lowered:
.L_overlay_start_2:
0x60: {  	(tag) =	ssettag $0x2  }
0x61: {  	s0 =	rddreg [dreg:$0x0];
	s2 =	stileid.u32  }
0x62: {  	s1 =	rddreg [dreg:$0x1];
	p0 =	sne.s32 s2, $0x0  }
0x63: {  	s3 =	rddreg [dreg:$0x2];
	[bflag:$0x3] =	sbarrier.arrive $0xFFFF;
	s2 =	simm.s32 @!p0 $0x1C0F  }
0x64: {  	[timem:s3], [sflag:s2] =	dma.local @!p0 [hbm:s0], s1  }
0x65: {  	s0 =	simm.s32 @!p0 $0xF  }
0x66: {  	_ =	swait.ge @!p0 [sflag:s0], s1  }
0x67: {  	s1 =	ssub.s32 @!p0 $0x0, s1;
	[sflag:s0] =	ssyncset.done @!p0 $0x0  }
0x68: {  	[sflag:s0] =	ssyncadd.s32 @!p0 s1  }
0x69: {  	[bflag:$0x3] =	sbarrier.arrive $0xFFFF  }
0x6a: {  	_ =	shalt  }

</sc_bundles>
